<compile_context>
chip_gen: v7x
topology: tpu7x:2x2x1
jax: 0.10.2.dev20260603
libtpu: 0.0.44.dev20260713+nightly
codegen_flags: <defaults>
</compile_context>

<pallas_src>
import functools

import jax
import jax.numpy as jnp
from jax import lax
from jax.experimental import pallas as pl
from jax.experimental.pallas import tpu as pltpu
from jax.experimental.pallas import tpu_sc as plsc

_N1, _N2 = 4000, 1000
_D_IN, _D_HID, _D_OUT = 256, 512, 256

_NC, _NS = 2, 16
_NW = _NC * _NS
_K = 128
_G = 128


def _make_agg(R, D, CH):
    G = D // _G
    stripe = R // _NS
    mesh = plsc.VectorSubcoreMesh(core_axis_name="c", subcore_axis_name="s")

    @functools.partial(
        pl.kernel,
        mesh=mesh,
        out_type=jax.ShapeDtypeStruct((_NC, G, R, _G), jnp.float32),
        scratch_types=[
            pltpu.VMEM((2, _K), jnp.int32),
            pltpu.VMEM((_K,), jnp.int32),
            pltpu.VMEM((2, _K), jnp.int32),
            pltpu.VMEM((2, _K, _G), jnp.float32),
            pltpu.VMEM_SHARED((G, R, _G), jnp.float32),
            pltpu.SemaphoreType.DMA,
            pltpu.SemaphoreType.DMA,
            pltpu.SemaphoreType.DMA,
            pltpu.SemaphoreType.DMA,
        ],
    )
    def agg(feat_hbm, src_hbm, dst_hbm, zrow_hbm,
            out_hbm, didx, sidx, gidx, rows, acc, sem0, sem1, sem2, sem3):
        cid = lax.axis_index("c")
        sid = lax.axis_index("s")
        w = cid * _NS + sid
        row0 = sid * stripe
        semg = (sem0, sem1)
        sems = (sem2, sem3)
        for g in range(G):
            pltpu.sync_copy(zrow_hbm.at[pl.ds(0, stripe)],
                            acc.at[g, pl.ds(row0, stripe)])
        plsc.subcore_barrier()

        def load_chunk(c, cpar):
            base = (w * CH + c) * _K
            pltpu.sync_copy(src_hbm.at[pl.ds(base, _K)], sidx)
            pltpu.sync_copy(dst_hbm.at[pl.ds(base, _K)], didx.at[cpar])

        def start_gather(g, spar):
            for j in range(_K // 16):
                sl = pl.ds(j * 16, 16)
                gidx[spar, sl] = sidx[sl] * G + g
            pltpu.async_copy(feat_hbm.at[gidx.at[spar]], rows.at[spar],
                             semg[spar])

        def wait_dma(spar, sem):
            pltpu.make_async_copy(zrow_hbm.at[pl.ds(0, _K)], rows.at[spar],
                                  sem).wait()

        load_chunk(0, 0)
        start_gather(0, 0)

        def body(i, carry):
            for k in range(2 * G):
                cpar, g, spar = k // G, k % G, k % 2
                nk = k + 1
                if nk % G == 0:
                    load_chunk(2 * i + nk // G, (nk // G) % 2)
                if k == 0:
                    @pl.when(i > 0)
                    def _():
                        wait_dma(1 - spar, sems[1 - spar])
                else:
                    wait_dma(1 - spar, sems[1 - spar])
                start_gather(nk % G, 1 - spar)
                wait_dma(spar, semg[spar])
                pltpu.async_copy(rows.at[spar], acc.at[g].at[didx.at[cpar]],
                                 sems[spar], add=True)
            return carry

        lax.fori_loop(0, CH // 2, body, 0)
        wait_dma(1, sems[1])
        wait_dma(0, semg[0])
        plsc.subcore_barrier()
        for g in range(G):
            pltpu.sync_copy(acc.at[g, pl.ds(row0, stripe)],
                            out_hbm.at[cid, g, pl.ds(row0, stripe)])

    return agg


def _make_counts(R1, CH1, R2, CH2):
    s1, s2 = R1 // _NS, R2 // _NS
    mesh = plsc.VectorSubcoreMesh(core_axis_name="c", subcore_axis_name="s")

    @functools.partial(
        pl.kernel,
        mesh=mesh,
        out_type=(
            jax.ShapeDtypeStruct((_NC, R1, _G), jnp.float32),
            jax.ShapeDtypeStruct((_NC, R2, _G), jnp.float32),
        ),
        scratch_types=[
            pltpu.VMEM((2, _K), jnp.int32),
            pltpu.VMEM((_K, _G), jnp.float32),
            pltpu.VMEM_SHARED((R1, _G), jnp.float32),
            pltpu.VMEM_SHARED((R2, _G), jnp.float32),
            pltpu.SemaphoreType.DMA,
            pltpu.SemaphoreType.DMA,
        ],
    )
    def cntk(dst1_hbm, dst2_hbm, zrow_hbm, ones_hbm,
             cnt1_hbm, cnt2_hbm, didx, ones, acc1, acc2, sem0, sem1):
        cid = lax.axis_index("c")
        sid = lax.axis_index("s")
        w = cid * _NS + sid
        pltpu.sync_copy(zrow_hbm.at[pl.ds(0, s1)], acc1.at[pl.ds(sid * s1, s1)])
        pltpu.sync_copy(zrow_hbm.at[pl.ds(0, s2)], acc2.at[pl.ds(sid * s2, s2)])
        pltpu.sync_copy(ones_hbm, ones)
        plsc.subcore_barrier()

        sems = (sem0, sem1)

        def wait_scat(p):
            pltpu.make_async_copy(zrow_hbm.at[pl.ds(0, _K)], ones,
                                  sems[p]).wait()

        def body1(i, carry):
            for p in range(2):
                @pl.when(i > 0)
                def _():
                    wait_scat(p)
                c = 2 * i + p
                pltpu.sync_copy(dst1_hbm.at[pl.ds((w * CH1 + c) * _K, _K)],
                                didx.at[p])
                pltpu.async_copy(ones, acc1.at[didx.at[p]], sems[p], add=True)
            return carry

        def body2(i, carry):
            for p in range(2):
                wait_scat(p)
                c = 2 * i + p
                pltpu.sync_copy(dst2_hbm.at[pl.ds((w * CH2 + c) * _K, _K)],
                                didx.at[p])
                pltpu.async_copy(ones, acc2.at[didx.at[p]], sems[p], add=True)
            return carry

        lax.fori_loop(0, CH1 // 2, body1, 0)
        lax.fori_loop(0, CH2 // 2, body2, 0)
        for p in range(2):
            wait_scat(p)
        plsc.subcore_barrier()
        pltpu.sync_copy(acc1.at[pl.ds(sid * s1, s1)],
                        cnt1_hbm.at[cid, pl.ds(sid * s1, s1)])
        pltpu.sync_copy(acc2.at[pl.ds(sid * s2, s2)],
                        cnt2_hbm.at[cid, pl.ds(sid * s2, s2)])

    return cntk


def _mean_linear_relu(parts, cnts, W, b, W2, bm):
    G, R = parts.shape[1], parts.shape[2]
    Dout = W.shape[1]
    Dout2 = W2.shape[1]

    def spec(c, g):
        return pl.BlockSpec((1, 1, bm, _G), lambda i, c=c, g=g: (c, g, i, 0))

    def body(*refs):
        p_refs = refs[: _NC * G]
        c_refs = refs[_NC * G: _NC * G + _NC]
        w_ref, b_ref, w2_ref, o2_ref = refs[_NC * G + _NC:]
        cnt = sum(c[0, :, 0:1] for c in c_refs)
        inv = 1.0 / jnp.maximum(cnt, 1.0)
        acc = jnp.zeros((bm, Dout), jnp.float32)
        for g in range(G):
            p = p_refs[g][0, 0]
            for c in range(1, _NC):
                p = p + p_refs[c * G + g][0, 0]
            acc = acc + jnp.dot(p * inv, w_ref[pl.ds(g * _G, _G), :],
                                preferred_element_type=jnp.float32)
        h = jax.nn.relu(acc + b_ref[...])
        o2_ref[...] = jnp.dot(h, w2_ref[...],
                              preferred_element_type=jnp.float32)

    args = ([parts] * (_NC * G) + [cnts] * _NC
            + [W, b.reshape(1, Dout), W2])
    in_specs = ([spec(c, g) for c in range(_NC) for g in range(G)]
                + [pl.BlockSpec((1, bm, _G), lambda i, c=c: (c, i, 0))
                   for c in range(_NC)]
                + [pl.BlockSpec(W.shape, lambda i: (0, 0)),
                   pl.BlockSpec((1, Dout), lambda i: (0, 0)),
                   pl.BlockSpec(W2.shape, lambda i: (0, 0))])
    return pl.pallas_call(
        body,
        grid=(R // bm,),
        in_specs=in_specs,
        out_specs=pl.BlockSpec((bm, Dout2), lambda i: (i, 0)),
        out_shape=jax.ShapeDtypeStruct((R, Dout2), jnp.float32),
    )(*args)


def _mean_bias_relu(parts, cnts, b, bm):
    G, R = parts.shape[1], parts.shape[2]
    Dout = G * _G

    def spec(c, g):
        return pl.BlockSpec((1, 1, bm, _G), lambda i, c=c, g=g: (c, g, i, 0))

    def body(*refs):
        p_refs = refs[: _NC * G]
        c_refs = refs[_NC * G: _NC * G + _NC]
        b_ref, o_ref = refs[_NC * G + _NC:]
        cnt = sum(c[0, :, 0:1] for c in c_refs)
        inv = 1.0 / jnp.maximum(cnt, 1.0)
        cols = []
        for g in range(G):
            p = p_refs[g][0, 0]
            for c in range(1, _NC):
                p = p + p_refs[c * G + g][0, 0]
            cols.append(p * inv)
        o_ref[...] = jax.nn.relu(jnp.concatenate(cols, axis=1) + b_ref[...])

    args = [parts] * (_NC * G) + [cnts] * _NC + [b.reshape(1, Dout)]
    in_specs = ([spec(c, g) for c in range(_NC) for g in range(G)]
                + [pl.BlockSpec((1, bm, _G), lambda i, c=c: (c, i, 0))
                   for c in range(_NC)]
                + [pl.BlockSpec((1, Dout), lambda i: (0, 0))])
    return pl.pallas_call(
        body,
        grid=(R // bm,),
        in_specs=in_specs,
        out_specs=pl.BlockSpec((bm, Dout), lambda i: (i, 0)),
        out_shape=jax.ShapeDtypeStruct((R, Dout), jnp.float32),
    )(*args)


def _pad_edges(src, dst, e_pad, n_src, dummy_lo, dummy_hi):
    pad = e_pad + _K - src.shape[0]
    i = jnp.arange(pad, dtype=jnp.int32)
    s = jnp.concatenate([src.astype(jnp.int32), i % n_src])
    d = jnp.concatenate([dst.astype(jnp.int32),
                         dummy_lo + i % (dummy_hi - dummy_lo)])
    return s, d, e_pad // (_NW * _K)


def kernel(x, src0, dst0, src1, dst1, W1, b1, W2, b2):
    R1, R2 = 4096, 1024
    ones = jnp.ones((_K, _G), jnp.float32)
    zrow = jnp.zeros((R1 // _NS, _G), jnp.float32)

    s0, d0, ch0 = _pad_edges(src0, dst0, 65536, 10000, _N1, R1)
    s1, d1, ch1 = _pad_edges(src1, dst1, 16384, R1, _N2, R2)

    C1, C2 = _make_counts(R1, ch0, R2, ch1)(d0, d1, zrow, ones)

    P1 = _make_agg(R1, _D_IN, ch0)(x.reshape(-1, _G), s0, d0, zrow)
    y = _mean_linear_relu(P1, C1, W1, b1, W2, bm=256)

    P2 = _make_agg(R2, _D_OUT, ch1)(y.reshape(-1, _G), s1, d1, zrow)
    h2 = _mean_bias_relu(P2, C2, b2, bm=256)
    return h2[:_N2]

# --- scband reference (transcript-rebuilt; emitter-appended) ---
"""Pipeline reference for scband-stochastic-two-layer-gcn-31877247271293 (READ-ONLY COPY).

The authoritative reference and input builder live on the scoring server;
editing this copy changes nothing except your own understanding.
"""

import jax, jax.numpy as jnp
import numpy as np

N0, N1, N2 = 10000, 4000, 1000
E0, E1 = 64000, 16000
D_IN, D_HID, D_OUT = 256, 512, 256


def setup_inputs(seed: int = 0) -> dict:
    key = jax.random.key(seed)
    ks = jax.random.split(key, 10)
    x = jax.random.normal(ks[0], (N0, D_IN), dtype=jnp.float32)
    src0 = jax.random.randint(ks[1], (E0,), 0, N0, dtype=jnp.int64)
    dst0 = jax.random.randint(ks[2], (E0,), 0, N1, dtype=jnp.int64)
    src1 = jax.random.randint(ks[3], (E1,), 0, N1, dtype=jnp.int64)
    dst1 = jax.random.randint(ks[4], (E1,), 0, N2, dtype=jnp.int64)
    # Linear layer params (torch nn.Linear: y = x @ W.T + b); store as [in, out]
    W1 = jax.random.normal(ks[5], (D_IN, D_HID), dtype=jnp.float32) * (1.0 / np.sqrt(D_IN))
    b1 = jnp.zeros((D_HID,), dtype=jnp.float32)
    W2 = jax.random.normal(ks[6], (D_HID, D_OUT), dtype=jnp.float32) * (1.0 / np.sqrt(D_HID))
    b2 = jnp.zeros((D_OUT,), dtype=jnp.float32)
    return {"x": x, "src0": src0, "dst0": dst0, "src1": src1, "dst1": dst1,
            "W1": W1, "b1": b1, "W2": W2, "b2": b2}


def _gcn_conv(h_src, src, dst, num_dst, W, b):
    # copy_u('h','m') then mean('m','h_neigh'): gather src feats, mean-reduce by dst
    m = jnp.take(h_src, src, axis=0)  # [E, d]
    s = jax.ops.segment_sum(m, dst, num_segments=num_dst)  # [num_dst, d]
    cnt = jax.ops.segment_sum(jnp.ones((src.shape[0],), dtype=h_src.dtype), dst,
                              num_segments=num_dst)
    h_neigh = s / jnp.maximum(cnt, 1.0)[:, None]
    return h_neigh @ W + b


def reference(x, src0, dst0, src1, dst1, W1, b1, W2, b2):
    h = jax.nn.relu(_gcn_conv(x, src0, dst0, N1, W1, b1))
    h = jax.nn.relu(_gcn_conv(h, src1, dst1, N2, W2, b2))
    return h

if __name__ == "__main__":
    import jax
    _d = setup_inputs()
    print(jax.jit(kernel)(*tuple(_d.values())))

</pallas_src>

<mosaic_0001>
#map = affine_map<(d0, d1) -> (0, 0)>
#map1 = affine_map<(d0, d1) -> (0)>
#map2 = affine_map<(d0, d1) -> (0, 0, 0, 0)>
module attributes {stable_mosaic.version = 14 : i64} {
  func.func @agg(%arg0: i32, %arg1: i32, %arg2: memref<20000x128xf32, #tpu.memory_space<hbm>>, %arg3: memref<65664xi32, #tpu.memory_space<hbm>>, %arg4: memref<65664xi32, #tpu.memory_space<hbm>>, %arg5: memref<256x128xf32, #tpu.memory_space<hbm>>, %arg6: memref<2x2x4096x128xf32, #tpu.memory_space<hbm>>, %arg7: memref<2x128xi32, #tpu.memory_space<vmem>>, %arg8: memref<128xi32, #tpu.memory_space<vmem>>, %arg9: memref<2x128xi32, #tpu.memory_space<vmem>>, %arg10: memref<2x128x128xf32, #tpu.memory_space<vmem>>, %arg11: memref<2x4096x128xf32, #tpu.memory_space<vmem_shared>>, %arg12: memref<!tpu.dma_semaphore, #tpu.memory_space<semaphore_mem>>, %arg13: memref<!tpu.dma_semaphore, #tpu.memory_space<semaphore_mem>>, %arg14: memref<!tpu.dma_semaphore, #tpu.memory_space<semaphore_mem>>, %arg15: memref<!tpu.dma_semaphore, #tpu.memory_space<semaphore_mem>>) attributes {dimension_semantics = [#tpu.dimension_semantics<core_parallel>, #tpu.dimension_semantics<subcore_parallel>], iteration_bounds = array<i64: 2, 16>, scalar_prefetch = 0 : i64, scratch_operands = 9 : i64, tpu.core_type = #tpu.core_type<sc_vector_subcore>, window_params = [{transform_indices = #map}, {transform_indices = #map1}, {transform_indices = #map1}, {transform_indices = #map}, {transform_indices = #map2}]} {
    %mul3A = arith.constant 16 : i32
    %mul3A_0 = arith.muli %arg0, %mul3A : i32
    %add3A = arith.addi %mul3A_0, %arg1 : i32
    %mul3A_1 = arith.constant 256 : i32
    %mul3A_2 = arith.muli %arg1, %mul3A_1 : i32
    %run_scoped3A = arith.constant 0 : i32
    "tpu.region"() ({
      %run_scoped3A_179 = tpu.sem_alloc : memref<!tpu.dma_semaphore, #tpu.memory_space<semaphore_mem>>
      %dma_start3A_180 = arith.constant 0 : i32
      %dma_start3A_181 = tpu.memref_slice %arg11[%run_scoped3A, %mul3A_2, %dma_start3A_180] : memref<2x4096x128xf32, #tpu.memory_space<vmem_shared>> -> memref<1x256x128xf32, #tpu.memory_space<vmem_shared>>
      %dma_start3A_182 = tpu.memref_squeeze %dma_start3A_181 : memref<1x256x128xf32, #tpu.memory_space<vmem_shared>> -> memref<256x128xf32, #tpu.memory_space<vmem_shared>>
      %dma_start3A_183 = arith.constant 0 : i32
      %dma_start3A_184 = arith.constant 0 : i32
      %dma_start3A_185 = tpu.memref_slice %arg5[%dma_start3A_183, %dma_start3A_184] : memref<256x128xf32, #tpu.memory_space<hbm>> -> memref<256x128xf32, #tpu.memory_space<hbm>>
      tpu.enqueue_dma source(%dma_start3A_185 : memref<256x128xf32, #tpu.memory_space<hbm>>) target(%dma_start3A_182 : memref<256x128xf32, #tpu.memory_space<vmem_shared>>) target_semaphore(%run_scoped3A_179 : memref<!tpu.dma_semaphore, #tpu.memory_space<semaphore_mem>>)
      %dma_wait3A_186 = arith.constant 0 : i32
      %dma_wait3A_187 = tpu.memref_slice %arg11[%run_scoped3A, %mul3A_2, %dma_wait3A_186] : memref<2x4096x128xf32, #tpu.memory_space<vmem_shared>> -> memref<1x256x128xf32, #tpu.memory_space<vmem_shared>>
      %dma_wait3A_188 = tpu.memref_squeeze %dma_wait3A_187 : memref<1x256x128xf32, #tpu.memory_space<vmem_shared>> -> memref<256x128xf32, #tpu.memory_space<vmem_shared>>
      %dma_wait3A_189 = arith.constant 0 : i32
      %dma_wait3A_190 = arith.constant 0 : i32
      %dma_wait3A_191 = tpu.memref_slice %arg5[%dma_wait3A_189, %dma_wait3A_190] : memref<256x128xf32, #tpu.memory_space<hbm>> -> memref<256x128xf32, #tpu.memory_space<hbm>>
      tpu.wait_dma2 semaphore(%run_scoped3A_179 : memref<!tpu.dma_semaphore, #tpu.memory_space<semaphore_mem>>) src(%dma_wait3A_191 : memref<256x128xf32, #tpu.memory_space<hbm>>) dst(%dma_wait3A_188 : memref<256x128xf32, #tpu.memory_space<vmem_shared>>)
      tpu.yield
    }) : () -> ()
    %run_scoped3A_3 = arith.constant 1 : i32
    "tpu.region"() ({
      %run_scoped3A_179 = tpu.sem_alloc : memref<!tpu.dma_semaphore, #tpu.memory_space<semaphore_mem>>
      %dma_start3A_180 = arith.constant 0 : i32
      %dma_start3A_181 = tpu.memref_slice %arg11[%run_scoped3A_3, %mul3A_2, %dma_start3A_180] : memref<2x4096x128xf32, #tpu.memory_space<vmem_shared>> -> memref<1x256x128xf32, #tpu.memory_space<vmem_shared>>
      %dma_start3A_182 = tpu.memref_squeeze %dma_start3A_181 : memref<1x256x128xf32, #tpu.memory_space<vmem_shared>> -> memref<256x128xf32, #tpu.memory_space<vmem_shared>>
      %dma_start3A_183 = arith.constant 0 : i32
      %dma_start3A_184 = arith.constant 0 : i32
      %dma_start3A_185 = tpu.memref_slice %arg5[%dma_start3A_183, %dma_start3A_184] : memref<256x128xf32, #tpu.memory_space<hbm>> -> memref<256x128xf32, #tpu.memory_space<hbm>>
      tpu.enqueue_dma source(%dma_start3A_185 : memref<256x128xf32, #tpu.memory_space<hbm>>) target(%dma_start3A_182 : memref<256x128xf32, #tpu.memory_space<vmem_shared>>) target_semaphore(%run_scoped3A_179 : memref<!tpu.dma_semaphore, #tpu.memory_space<semaphore_mem>>)
      %dma_wait3A_186 = arith.constant 0 : i32
      %dma_wait3A_187 = tpu.memref_slice %arg11[%run_scoped3A_3, %mul3A_2, %dma_wait3A_186] : memref<2x4096x128xf32, #tpu.memory_space<vmem_shared>> -> memref<1x256x128xf32, #tpu.memory_space<vmem_shared>>
      %dma_wait3A_188 = tpu.memref_squeeze %dma_wait3A_187 : memref<1x256x128xf32, #tpu.memory_space<vmem_shared>> -> memref<256x128xf32, #tpu.memory_space<vmem_shared>>
      %dma_wait3A_189 = arith.constant 0 : i32
      %dma_wait3A_190 = arith.constant 0 : i32
      %dma_wait3A_191 = tpu.memref_slice %arg5[%dma_wait3A_189, %dma_wait3A_190] : memref<256x128xf32, #tpu.memory_space<hbm>> -> memref<256x128xf32, #tpu.memory_space<hbm>>
      tpu.wait_dma2 semaphore(%run_scoped3A_179 : memref<!tpu.dma_semaphore, #tpu.memory_space<semaphore_mem>>) src(%dma_wait3A_191 : memref<256x128xf32, #tpu.memory_space<hbm>>) dst(%dma_wait3A_188 : memref<256x128xf32, #tpu.memory_space<vmem_shared>>)
      tpu.yield
    }) : () -> ()
    %barrier3A = arith.constant 0 : index
    tpu.barrier barrier_id(%barrier3A)
    %mul3A_4 = arith.constant 16 : i32
    %mul3A_5 = arith.muli %add3A, %mul3A_4 : i32
    %add3A_6 = arith.constant 0 : i32
    %add3A_7 = arith.addi %mul3A_5, %add3A_6 : i32
    %mul3A_8 = arith.constant 128 : i32
    %mul3A_9 = arith.muli %add3A_7, %mul3A_8 : i32
    "tpu.region"() ({
      %run_scoped3A_179 = tpu.sem_alloc : memref<!tpu.dma_semaphore, #tpu.memory_space<semaphore_mem>>
      %dma_start3A_180 = tpu.memref_slice %arg3[%mul3A_9] : memref<65664xi32, #tpu.memory_space<hbm>> -> memref<128xi32, #tpu.memory_space<hbm>>
      %dma_start3A_181 = tpu.memref_slice %arg3[%mul3A_9] : memref<65664xi32, #tpu.memory_space<hbm>> -> memref<128xi32, #tpu.memory_space<hbm>>
      tpu.enqueue_dma source(%dma_start3A_181 : memref<128xi32, #tpu.memory_space<hbm>>) target(%arg8 : memref<128xi32, #tpu.memory_space<vmem>>) target_semaphore(%run_scoped3A_179 : memref<!tpu.dma_semaphore, #tpu.memory_space<semaphore_mem>>)
      %dma_wait3A_182 = tpu.memref_slice %arg3[%mul3A_9] : memref<65664xi32, #tpu.memory_space<hbm>> -> memref<128xi32, #tpu.memory_space<hbm>>
      %dma_wait3A_183 = tpu.memref_slice %arg3[%mul3A_9] : memref<65664xi32, #tpu.memory_space<hbm>> -> memref<128xi32, #tpu.memory_space<hbm>>
      tpu.wait_dma2 semaphore(%run_scoped3A_179 : memref<!tpu.dma_semaphore, #tpu.memory_space<semaphore_mem>>) src(%dma_wait3A_183 : memref<128xi32, #tpu.memory_space<hbm>>) dst(%arg8 : memref<128xi32, #tpu.memory_space<vmem>>)
      tpu.yield
    }) : () -> ()
    %run_scoped3A_10 = arith.constant 0 : i32
    "tpu.region"() ({
      %run_scoped3A_179 = tpu.sem_alloc : memref<!tpu.dma_semaphore, #tpu.memory_space<semaphore_mem>>
      %dma_start3A_180 = arith.constant 0 : i32
      %dma_start3A_181 = tpu.memref_slice %arg7[%run_scoped3A_10, %dma_start3A_180] : memref<2x128xi32, #tpu.memory_space<vmem>> -> memref<1x128xi32, #tpu.memory_space<vmem>>
      %dma_start3A_182 = tpu.memref_squeeze %dma_start3A_181 : memref<1x128xi32, #tpu.memory_space<vmem>> -> memref<128xi32, #tpu.memory_space<vmem>>
      %dma_start3A_183 = tpu.memref_slice %arg4[%mul3A_9] : memref<65664xi32, #tpu.memory_space<hbm>> -> memref<128xi32, #tpu.memory_space<hbm>>
      %dma_start3A_184 = arith.constant 0 : i32
      %dma_start3A_185 = tpu.memref_slice %arg7[%run_scoped3A_10, %dma_start3A_184] : memref<2x128xi32, #tpu.memory_space<vmem>> -> memref<1x128xi32, #tpu.memory_space<vmem>>
      %dma_start3A_186 = tpu.memref_squeeze %dma_start3A_185 : memref<1x128xi32, #tpu.memory_space<vmem>> -> memref<128xi32, #tpu.memory_space<vmem>>
      %dma_start3A_187 = tpu.memref_slice %arg4[%mul3A_9] : memref<65664xi32, #tpu.memory_space<hbm>> -> memref<128xi32, #tpu.memory_space<hbm>>
      tpu.enqueue_dma source(%dma_start3A_187 : memref<128xi32, #tpu.memory_space<hbm>>) target(%dma_start3A_186 : memref<128xi32, #tpu.memory_space<vmem>>) target_semaphore(%run_scoped3A_179 : memref<!tpu.dma_semaphore, #tpu.memory_space<semaphore_mem>>)
      %dma_wait3A_188 = arith.constant 0 : i32
      %dma_wait3A_189 = tpu.memref_slice %arg7[%run_scoped3A_10, %dma_wait3A_188] : memref<2x128xi32, #tpu.memory_space<vmem>> -> memref<1x128xi32, #tpu.memory_space<vmem>>
      %dma_wait3A_190 = tpu.memref_squeeze %dma_wait3A_189 : memref<1x128xi32, #tpu.memory_space<vmem>> -> memref<128xi32, #tpu.memory_space<vmem>>
      %dma_wait3A_191 = tpu.memref_slice %arg4[%mul3A_9] : memref<65664xi32, #tpu.memory_space<hbm>> -> memref<128xi32, #tpu.memory_space<hbm>>
      %dma_wait3A_192 = arith.constant 0 : i32
      %dma_wait3A_193 = tpu.memref_slice %arg7[%run_scoped3A_10, %dma_wait3A_192] : memref<2x128xi32, #tpu.memory_space<vmem>> -> memref<1x128xi32, #tpu.memory_space<vmem>>
      %dma_wait3A_194 = tpu.memref_squeeze %dma_wait3A_193 : memref<1x128xi32, #tpu.memory_space<vmem>> -> memref<128xi32, #tpu.memory_space<vmem>>
      %dma_wait3A_195 = tpu.memref_slice %arg4[%mul3A_9] : memref<65664xi32, #tpu.memory_space<hbm>> -> memref<128xi32, #tpu.memory_space<hbm>>
      tpu.wait_dma2 semaphore(%run_scoped3A_179 : memref<!tpu.dma_semaphore, #tpu.memory_space<semaphore_mem>>) src(%dma_wait3A_195 : memref<128xi32, #tpu.memory_space<hbm>>) dst(%dma_wait3A_194 : memref<128xi32, #tpu.memory_space<vmem>>)
      tpu.yield
    }) : () -> ()
    %get3A = arith.constant 0 : index
    %get3A_11 = tpu.vector_load %arg8[%get3A] {strides = array<i32>} : memref<128xi32, #tpu.memory_space<vmem>>, vector<16xi32>,
    %get3A_12 = vector.shape_cast %get3A_11 : vector<16xi32> to vector<16xi32>
    %mul3A_13 = arith.constant 2 : i32
    %mul3A_14 = vector.broadcast %mul3A_13 : i32 to vector<16xi32>
    %mul3A_15 = arith.muli %get3A_12, %mul3A_14 : vector<16xi32>
    %add3A_16 = arith.constant 0 : i32
    %add3A_17 = vector.broadcast %add3A_16 : i32 to vector<16xi32>
    %add3A_18 = arith.addi %mul3A_15, %add3A_17 : vector<16xi32>
    %swap3A = arith.constant 0 : i32
    %swap3A_19 = arith.index_cast %swap3A : i32 to index
    %swap3A_20 = arith.constant 0 : index
    %swap3A_21 = tpu.vector_load %arg9[%swap3A_19, %swap3A_20] {strides = array<i32>} : memref<2x128xi32, #tpu.memory_space<vmem>>, vector<1x16xi32>,
    %swap3A_22 = vector.shape_cast %swap3A_21 : vector<1x16xi32> to vector<16xi32>
    %swap3A_23 = vector.shape_cast %add3A_18 : vector<16xi32> to vector<1x16xi32>
    tpu.vector_store %arg9[%swap3A_19, %swap3A_20], %swap3A_23 {strides = array<i32>} : memref<2x128xi32, #tpu.memory_space<vmem>>, vector<1x16xi32>,
    %get3A_24 = arith.constant 16 : index
    %get3A_25 = tpu.vector_load %arg8[%get3A_24] {strides = array<i32>} : memref<128xi32, #tpu.memory_space<vmem>>, vector<16xi32>,
    %get3A_26 = vector.shape_cast %get3A_25 : vector<16xi32> to vector<16xi32>
    %mul3A_27 = arith.constant 2 : i32
    %mul3A_28 = vector.broadcast %mul3A_27 : i32 to vector<16xi32>
    %mul3A_29 = arith.muli %get3A_26, %mul3A_28 : vector<16xi32>
    %add3A_30 = arith.constant 0 : i32
    %add3A_31 = vector.broadcast %add3A_30 : i32 to vector<16xi32>
    %add3A_32 = arith.addi %mul3A_29, %add3A_31 : vector<16xi32>
    %swap3A_33 = arith.constant 0 : i32
    %swap3A_34 = arith.index_cast %swap3A_33 : i32 to index
    %swap3A_35 = arith.constant 16 : index
    %swap3A_36 = tpu.vector_load %arg9[%swap3A_34, %swap3A_35] {strides = array<i32>} : memref<2x128xi32, #tpu.memory_space<vmem>>, vector<1x16xi32>,
    %swap3A_37 = vector.shape_cast %swap3A_36 : vector<1x16xi32> to vector<16xi32>
    %swap3A_38 = vector.shape_cast %add3A_32 : vector<16xi32> to vector<1x16xi32>
    tpu.vector_store %arg9[%swap3A_34, %swap3A_35], %swap3A_38 {strides = array<i32>} : memref<2x128xi32, #tpu.memory_space<vmem>>, vector<1x16xi32>,
    %get3A_39 = arith.constant 32 : index
    %get3A_40 = tpu.vector_load %arg8[%get3A_39] {strides = array<i32>} : memref<128xi32, #tpu.memory_space<vmem>>, vector<16xi32>,
    %get3A_41 = vector.shape_cast %get3A_40 : vector<16xi32> to vector<16xi32>
    %mul3A_42 = arith.constant 2 : i32
    %mul3A_43 = vector.broadcast %mul3A_42 : i32 to vector<16xi32>
    %mul3A_44 = arith.muli %get3A_41, %mul3A_43 : vector<16xi32>
    %add3A_45 = arith.constant 0 : i32
    %add3A_46 = vector.broadcast %add3A_45 : i32 to vector<16xi32>
    %add3A_47 = arith.addi %mul3A_44, %add3A_46 : vector<16xi32>
    %swap3A_48 = arith.constant 0 : i32
    %swap3A_49 = arith.index_cast %swap3A_48 : i32 to index
    %swap3A_50 = arith.constant 32 : index
    %swap3A_51 = tpu.vector_load %arg9[%swap3A_49, %swap3A_50] {strides = array<i32>} : memref<2x128xi32, #tpu.memory_space<vmem>>, vector<1x16xi32>,
    %swap3A_52 = vector.shape_cast %swap3A_51 : vector<1x16xi32> to vector<16xi32>
    %swap3A_53 = vector.shape_cast %add3A_47 : vector<16xi32> to vector<1x16xi32>
    tpu.vector_store %arg9[%swap3A_49, %swap3A_50], %swap3A_53 {strides = array<i32>} : memref<2x128xi32, #tpu.memory_space<vmem>>, vector<1x16xi32>,
    %get3A_54 = arith.constant 48 : index
    %get3A_55 = tpu.vector_load %arg8[%get3A_54] {strides = array<i32>} : memref<128xi32, #tpu.memory_space<vmem>>, vector<16xi32>,
    %get3A_56 = vector.shape_cast %get3A_55 : vector<16xi32> to vector<16xi32>
    %mul3A_57 = arith.constant 2 : i32
    %mul3A_58 = vector.broadcast %mul3A_57 : i32 to vector<16xi32>
    %mul3A_59 = arith.muli %get3A_56, %mul3A_58 : vector<16xi32>
    %add3A_60 = arith.constant 0 : i32
    %add3A_61 = vector.broadcast %add3A_60 : i32 to vector<16xi32>
    %add3A_62 = arith.addi %mul3A_59, %add3A_61 : vector<16xi32>
    %swap3A_63 = arith.constant 0 : i32
    %swap3A_64 = arith.index_cast %swap3A_63 : i32 to index
    %swap3A_65 = arith.constant 48 : index
    %swap3A_66 = tpu.vector_load %arg9[%swap3A_64, %swap3A_65] {strides = array<i32>} : memref<2x128xi32, #tpu.memory_space<vmem>>, vector<1x16xi32>,
    %swap3A_67 = vector.shape_cast %swap3A_66 : vector<1x16xi32> to vector<16xi32>
    %swap3A_68 = vector.shape_cast %add3A_62 : vector<16xi32> to vector<1x16xi32>
    tpu.vector_store %arg9[%swap3A_64, %swap3A_65], %swap3A_68 {strides = array<i32>} : memref<2x128xi32, #tpu.memory_space<vmem>>, vector<1x16xi32>,
    %get3A_69 = arith.constant 64 : index
    %get3A_70 = tpu.vector_load %arg8[%get3A_69] {strides = array<i32>} : memref<128xi32, #tpu.memory_space<vmem>>, vector<16xi32>,
    %get3A_71 = vector.shape_cast %get3A_70 : vector<16xi32> to vector<16xi32>
    %mul3A_72 = arith.constant 2 : i32
    %mul3A_73 = vector.broadcast %mul3A_72 : i32 to vector<16xi32>
    %mul3A_74 = arith.muli %get3A_71, %mul3A_73 : vector<16xi32>
    %add3A_75 = arith.constant 0 : i32
    %add3A_76 = vector.broadcast %add3A_75 : i32 to vector<16xi32>
    %add3A_77 = arith.addi %mul3A_74, %add3A_76 : vector<16xi32>
    %swap3A_78 = arith.constant 0 : i32
    %swap3A_79 = arith.index_cast %swap3A_78 : i32 to index
    %swap3A_80 = arith.constant 64 : index
    %swap3A_81 = tpu.vector_load %arg9[%swap3A_79, %swap3A_80] {strides = array<i32>} : memref<2x128xi32, #tpu.memory_space<vmem>>, vector<1x16xi32>,
    %swap3A_82 = vector.shape_cast %swap3A_81 : vector<1x16xi32> to vector<16xi32>
    %swap3A_83 = vector.shape_cast %add3A_77 : vector<16xi32> to vector<1x16xi32>
    tpu.vector_store %arg9[%swap3A_79, %swap3A_80], %swap3A_83 {strides = array<i32>} : memref<2x128xi32, #tpu.memory_space<vmem>>, vector<1x16xi32>,
    %get3A_84 = arith.constant 80 : index
    %get3A_85 = tpu.vector_load %arg8[%get3A_84] {strides = array<i32>} : memref<128xi32, #tpu.memory_space<vmem>>, vector<16xi32>,
    %get3A_86 = vector.shape_cast %get3A_85 : vector<16xi32> to vector<16xi32>
    %mul3A_87 = arith.constant 2 : i32
    %mul3A_88 = vector.broadcast %mul3A_87 : i32 to vector<16xi32>
    %mul3A_89 = arith.muli %get3A_86, %mul3A_88 : vector<16xi32>
    %add3A_90 = arith.constant 0 : i32
    %add3A_91 = vector.broadcast %add3A_90 : i32 to vector<16xi32>
    %add3A_92 = arith.addi %mul3A_89, %add3A_91 : vector<16xi32>
    %swap3A_93 = arith.constant 0 : i32
    %swap3A_94 = arith.index_cast %swap3A_93 : i32 to index
    %swap3A_95 = arith.constant 80 : index
    %swap3A_96 = tpu.vector_load %arg9[%swap3A_94, %swap3A_95] {strides = array<i32>} : memref<2x128xi32, #tpu.memory_space<vmem>>, vector<1x16xi32>,
    %swap3A_97 = vector.shape_cast %swap3A_96 : vector<1x16xi32> to vector<16xi32>
    %swap3A_98 = vector.shape_cast %add3A_92 : vector<16xi32> to vector<1x16xi32>
    tpu.vector_store %arg9[%swap3A_94, %swap3A_95], %swap3A_98 {strides = array<i32>} : memref<2x128xi32, #tpu.memory_space<vmem>>, vector<1x16xi32>,
    %get3A_99 = arith.constant 96 : index
    %get3A_100 = tpu.vector_load %arg8[%get3A_99] {strides = array<i32>} : memref<128xi32, #tpu.memory_space<vmem>>, vector<16xi32>,
    %get3A_101 = vector.shape_cast %get3A_100 : vector<16xi32> to vector<16xi32>
    %mul3A_102 = arith.constant 2 : i32
    %mul3A_103 = vector.broadcast %mul3A_102 : i32 to vector<16xi32>
    %mul3A_104 = arith.muli %get3A_101, %mul3A_103 : vector<16xi32>
    %add3A_105 = arith.constant 0 : i32
    %add3A_106 = vector.broadcast %add3A_105 : i32 to vector<16xi32>
    %add3A_107 = arith.addi %mul3A_104, %add3A_106 : vector<16xi32>
    %swap3A_108 = arith.constant 0 : i32
    %swap3A_109 = arith.index_cast %swap3A_108 : i32 to index
    %swap3A_110 = arith.constant 96 : index
    %swap3A_111 = tpu.vector_load %arg9[%swap3A_109, %swap3A_110] {strides = array<i32>} : memref<2x128xi32, #tpu.memory_space<vmem>>, vector<1x16xi32>,
    %swap3A_112 = vector.shape_cast %swap3A_111 : vector<1x16xi32> to vector<16xi32>
    %swap3A_113 = vector.shape_cast %add3A_107 : vector<16xi32> to vector<1x16xi32>
    tpu.vector_store %arg9[%swap3A_109, %swap3A_110], %swap3A_113 {strides = array<i32>} : memref<2x128xi32, #tpu.memory_space<vmem>>, vector<1x16xi32>,
    %get3A_114 = arith.constant 112 : index
    %get3A_115 = tpu.vector_load %arg8[%get3A_114] {strides = array<i32>} : memref<128xi32, #tpu.memory_space<vmem>>, vector<16xi32>,
    %get3A_116 = vector.shape_cast %get3A_115 : vector<16xi32> to vector<16xi32>
    %mul3A_117 = arith.constant 2 : i32
    %mul3A_118 = vector.broadcast %mul3A_117 : i32 to vector<16xi32>
    %mul3A_119 = arith.muli %get3A_116, %mul3A_118 : vector<16xi32>
    %add3A_120 = arith.constant 0 : i32
    %add3A_121 = vector.broadcast %add3A_120 : i32 to vector<16xi32>
    %add3A_122 = arith.addi %mul3A_119, %add3A_121 : vector<16xi32>
    %swap3A_123 = arith.constant 0 : i32
    %swap3A_124 = arith.index_cast %swap3A_123 : i32 to index
    %swap3A_125 = arith.constant 112 : index
    %swap3A_126 = tpu.vector_load %arg9[%swap3A_124, %swap3A_125] {strides = array<i32>} : memref<2x128xi32, #tpu.memory_space<vmem>>, vector<1x16xi32>,
    %swap3A_127 = vector.shape_cast %swap3A_126 : vector<1x16xi32> to vector<16xi32>
    %swap3A_128 = vector.shape_cast %add3A_122 : vector<16xi32> to vector<1x16xi32>
    tpu.vector_store %arg9[%swap3A_124, %swap3A_125], %swap3A_128 {strides = array<i32>} : memref<2x128xi32, #tpu.memory_space<vmem>>, vector<1x16xi32>,
    %dma_start3A = arith.constant 0 : i32
    %dma_start3A_129 = arith.constant 0 : i32
    %dma_start3A_130 = arith.constant 0 : i32
    %dma_start3A_131 = arith.constant 0 : i32
    %dma_start3A_132 = tpu.memref_slice %arg10[%dma_start3A_129, %dma_start3A_130, %dma_start3A_131] : memref<2x128x128xf32, #tpu.memory_space<vmem>> -> memref<1x128x128xf32, #tpu.memory_space<vmem>>
    %dma_start3A_133 = tpu.memref_squeeze %dma_start3A_132 : memref<1x128x128xf32, #tpu.memory_space<vmem>> -> memref<128x128xf32, #tpu.memory_space<vmem>>
    %dma_start3A_134 = arith.constant 0 : i32
    %dma_start3A_135 = tpu.memref_slice %arg9[%dma_start3A, %dma_start3A_134] : memref<2x128xi32, #tpu.memory_space<vmem>> -> memref<1x128xi32, #tpu.memory_space<vmem>>
    %dma_start3A_136 = tpu.memref_squeeze %dma_start3A_135 : memref<1x128xi32, #tpu.memory_space<vmem>> -> memref<128xi32, #tpu.memory_space<vmem>>
    %dma_start3A_137 = arith.constant 0 : i32
    %dma_start3A_138 = arith.constant 0 : i32
    %dma_start3A_139 = tpu.memref_slice %arg2[%dma_start3A_137, %dma_start3A_138] : memref<20000x128xf32, #tpu.memory_space<hbm>> -> memref<20000x128xf32, #tpu.memory_space<hbm>>
    tpu.enqueue_indirect_dma source(%dma_start3A_139 : memref<20000x128xf32, #tpu.memory_space<hbm>>) target(%dma_start3A_133 : memref<128x128xf32, #tpu.memory_space<vmem>>) offsets(%dma_start3A_136 : memref<128xi32, #tpu.memory_space<vmem>>) semaphore(%arg12 : memref<!tpu.dma_semaphore, #tpu.memory_space<semaphore_mem>>)
    %scan3A = arith.constant 0 : i32
    %scan3A_140 = arith.constant 0 : i32
    %scan3A_141 = arith.constant 8 : i32
    %scan3A_142 = arith.addi %scan3A_140, %scan3A_141 : i32
    %scan3A_143 = arith.constant 1 : i32
    scf.for %scan3A_179 = %scan3A_140 to %scan3A_142 step %scan3A_143  : i32 {
      %gt3A = arith.constant 0 : i32
      %gt3A_180 = arith.cmpi sgt, %scan3A_179, %gt3A : i32
      %convert_element_type3A = arith.extui %gt3A_180 : i1 to i32
      %cond3A = arith.constant 0 : i32
      %cond3A_181 = arith.cmpi ne, %convert_element_type3A, %cond3A : i32
      scf.if %cond3A_181 {
        %dma_wait3A_903 = arith.constant 1 : i32
        %dma_wait3A_904 = arith.constant 0 : i32
        %dma_wait3A_905 = arith.constant 0 : i32
        %dma_wait3A_906 = tpu.memref_slice %arg10[%dma_wait3A_903, %dma_wait3A_904, %dma_wait3A_905] : memref<2x128x128xf32, #tpu.memory_space<vmem>> -> memref<1x128x128xf32, #tpu.memory_space<vmem>>
        %dma_wait3A_907 = tpu.memref_squeeze %dma_wait3A_906 : memref<1x128x128xf32, #tpu.memory_space<vmem>> -> memref<128x128xf32, #tpu.memory_space<vmem>>
        %dma_wait3A_908 = arith.constant 0 : i32
        %dma_wait3A_909 = arith.constant 0 : i32
        %dma_wait3A_910 = tpu.memref_slice %arg5[%dma_wait3A_908, %dma_wait3A_909] : memref<256x128xf32, #tpu.memory_space<hbm>> -> memref<128x128xf32, #tpu.memory_space<hbm>>
        %dma_wait3A_911 = arith.constant 0 : i32
        %dma_wait3A_912 = arith.constant 0 : i32
        %dma_wait3A_913 = tpu.memref_slice %arg10[%dma_wait3A_903, %dma_wait3A_911, %dma_wait3A_912] : memref<2x128x128xf32, #tpu.memory_space<vmem>> -> memref<1x128x128xf32, #tpu.memory_space<vmem>>
        %dma_wait3A_914 = tpu.memref_squeeze %dma_wait3A_913 : memref<1x128x128xf32, #tpu.memory_space<vmem>> -> memref<128x128xf32, #tpu.memory_space<vmem>>
        %dma_wait3A_915 = arith.constant 0 : i32
        %dma_wait3A_916 = arith.constant 0 : i32
        %dma_wait3A_917 = tpu.memref_slice %arg5[%dma_wait3A_915, %dma_wait3A_916] : memref<256x128xf32, #tpu.memory_space<hbm>> -> memref<128x128xf32, #tpu.memory_space<hbm>>
        tpu.wait_dma2 semaphore(%arg15 : memref<!tpu.dma_semaphore, #tpu.memory_space<semaphore_mem>>) src(%dma_wait3A_917 : memref<128x128xf32, #tpu.memory_space<hbm>>) dst(%dma_wait3A_914 : memref<128x128xf32, #tpu.memory_space<vmem>>)
      } else {
      }
      %get3A_182 = arith.constant 0 : index
      %get3A_183 = tpu.vector_load %arg8[%get3A_182] {strides = array<i32>} : memref<128xi32, #tpu.memory_space<vmem>>, vector<16xi32>,
      %get3A_184 = vector.shape_cast %get3A_183 : vector<16xi32> to vector<16xi32>
      %mul3A_185 = arith.constant 2 : i32
      %mul3A_186 = vector.broadcast %mul3A_185 : i32 to vector<16xi32>
      %mul3A_187 = arith.muli %get3A_184, %mul3A_186 : vector<16xi32>
      %add3A_188 = arith.constant 1 : i32
      %add3A_189 = vector.broadcast %add3A_188 : i32 to vector<16xi32>
      %add3A_190 = arith.addi %mul3A_187, %add3A_189 : vector<16xi32>
      %swap3A_191 = arith.constant 1 : i32
      %swap3A_192 = arith.index_cast %swap3A_191 : i32 to index
      %swap3A_193 = arith.constant 0 : index
      %swap3A_194 = tpu.vector_load %arg9[%swap3A_192, %swap3A_193] {strides = array<i32>} : memref<2x128xi32, #tpu.memory_space<vmem>>, vector<1x16xi32>,
      %swap3A_195 = vector.shape_cast %swap3A_194 : vector<1x16xi32> to vector<16xi32>
      %swap3A_196 = vector.shape_cast %add3A_190 : vector<16xi32> to vector<1x16xi32>
      tpu.vector_store %arg9[%swap3A_192, %swap3A_193], %swap3A_196 {strides = array<i32>} : memref<2x128xi32, #tpu.memory_space<vmem>>, vector<1x16xi32>,
      %get3A_197 = arith.constant 16 : index
      %get3A_198 = tpu.vector_load %arg8[%get3A_197] {strides = array<i32>} : memref<128xi32, #tpu.memory_space<vmem>>, vector<16xi32>,
      %get3A_199 = vector.shape_cast %get3A_198 : vector<16xi32> to vector<16xi32>
      %mul3A_200 = arith.constant 2 : i32
      %mul3A_201 = vector.broadcast %mul3A_200 : i32 to vector<16xi32>
      %mul3A_202 = arith.muli %get3A_199, %mul3A_201 : vector<16xi32>
      %add3A_203 = arith.constant 1 : i32
      %add3A_204 = vector.broadcast %add3A_203 : i32 to vector<16xi32>
      %add3A_205 = arith.addi %mul3A_202, %add3A_204 : vector<16xi32>
      %swap3A_206 = arith.constant 1 : i32
      %swap3A_207 = arith.index_cast %swap3A_206 : i32 to index
      %swap3A_208 = arith.constant 16 : index
      %swap3A_209 = tpu.vector_load %arg9[%swap3A_207, %swap3A_208] {strides = array<i32>} : memref<2x128xi32, #tpu.memory_space<vmem>>, vector<1x16xi32>,
      %swap3A_210 = vector.shape_cast %swap3A_209 : vector<1x16xi32> to vector<16xi32>
      %swap3A_211 = vector.shape_cast %add3A_205 : vector<16xi32> to vector<1x16xi32>
      tpu.vector_store %arg9[%swap3A_207, %swap3A_208], %swap3A_211 {strides = array<i32>} : memref<2x128xi32, #tpu.memory_space<vmem>>, vector<1x16xi32>,
      %get3A_212 = arith.constant 32 : index
      %get3A_213 = tpu.vector_load %arg8[%get3A_212] {strides = array<i32>} : memref<128xi32, #tpu.memory_space<vmem>>, vector<16xi32>,
      %get3A_214 = vector.shape_cast %get3A_213 : vector<16xi32> to vector<16xi32>
      %mul3A_215 = arith.constant 2 : i32
      %mul3A_216 = vector.broadcast %mul3A_215 : i32 to vector<16xi32>
      %mul3A_217 = arith.muli %get3A_214, %mul3A_216 : vector<16xi32>
      %add3A_218 = arith.constant 1 : i32
      %add3A_219 = vector.broadcast %add3A_218 : i32 to vector<16xi32>
      %add3A_220 = arith.addi %mul3A_217, %add3A_219 : vector<16xi32>
      %swap3A_221 = arith.constant 1 : i32
      %swap3A_222 = arith.index_cast %swap3A_221 : i32 to index
      %swap3A_223 = arith.constant 32 : index
      %swap3A_224 = tpu.vector_load %arg9[%swap3A_222, %swap3A_223] {strides = array<i32>} : memref<2x128xi32, #tpu.memory_space<vmem>>, vector<1x16xi32>,
      %swap3A_225 = vector.shape_cast %swap3A_224 : vector<1x16xi32> to vector<16xi32>
      %swap3A_226 = vector.shape_cast %add3A_220 : vector<16xi32> to vector<1x16xi32>
      tpu.vector_store %arg9[%swap3A_222, %swap3A_223], %swap3A_226 {strides = array<i32>} : memref<2x128xi32, #tpu.memory_space<vmem>>, vector<1x16xi32>,
      %get3A_227 = arith.constant 48 : index
      %get3A_228 = tpu.vector_load %arg8[%get3A_227] {strides = array<i32>} : memref<128xi32, #tpu.memory_space<vmem>>, vector<16xi32>,
      %get3A_229 = vector.shape_cast %get3A_228 : vector<16xi32> to vector<16xi32>
      %mul3A_230 = arith.constant 2 : i32
      %mul3A_231 = vector.broadcast %mul3A_230 : i32 to vector<16xi32>
      %mul3A_232 = arith.muli %get3A_229, %mul3A_231 : vector<16xi32>
      %add3A_233 = arith.constant 1 : i32
      %add3A_234 = vector.broadcast %add3A_233 : i32 to vector<16xi32>
      %add3A_235 = arith.addi %mul3A_232, %add3A_234 : vector<16xi32>
      %swap3A_236 = arith.constant 1 : i32
      %swap3A_237 = arith.index_cast %swap3A_236 : i32 to index
      %swap3A_238 = arith.constant 48 : index
      %swap3A_239 = tpu.vector_load %arg9[%swap3A_237, %swap3A_238] {strides = array<i32>} : memref<2x128xi32, #tpu.memory_space<vmem>>, vector<1x16xi32>,
      %swap3A_240 = vector.shape_cast %swap3A_239 : vector<1x16xi32> to vector<16xi32>
      %swap3A_241 = vector.shape_cast %add3A_235 : vector<16xi32> to vector<1x16xi32>
      tpu.vector_store %arg9[%swap3A_237, %swap3A_238], %swap3A_241 {strides = array<i32>} : memref<2x128xi32, #tpu.memory_space<vmem>>, vector<1x16xi32>,
      %get3A_242 = arith.constant 64 : index
      %get3A_243 = tpu.vector_load %arg8[%get3A_242] {strides = array<i32>} : memref<128xi32, #tpu.memory_space<vmem>>, vector<16xi32>,
      %get3A_244 = vector.shape_cast %get3A_243 : vector<16xi32> to vector<16xi32>
      %mul3A_245 = arith.constant 2 : i32
      %mul3A_246 = vector.broadcast %mul3A_245 : i32 to vector<16xi32>
      %mul3A_247 = arith.muli %get3A_244, %mul3A_246 : vector<16xi32>
      %add3A_248 = arith.constant 1 : i32
      %add3A_249 = vector.broadcast %add3A_248 : i32 to vector<16xi32>
      %add3A_250 = arith.addi %mul3A_247, %add3A_249 : vector<16xi32>
      %swap3A_251 = arith.constant 1 : i32
      %swap3A_252 = arith.index_cast %swap3A_251 : i32 to index
      %swap3A_253 = arith.constant 64 : index
      %swap3A_254 = tpu.vector_load %arg9[%swap3A_252, %swap3A_253] {strides = array<i32>} : memref<2x128xi32, #tpu.memory_space<vmem>>, vector<1x16xi32>,
      %swap3A_255 = vector.shape_cast %swap3A_254 : vector<1x16xi32> to vector<16xi32>
      %swap3A_256 = vector.shape_cast %add3A_250 : vector<16xi32> to vector<1x16xi32>
      tpu.vector_store %arg9[%swap3A_252, %swap3A_253], %swap3A_256 {strides = array<i32>} : memref<2x128xi32, #tpu.memory_space<vmem>>, vector<1x16xi32>,
      %get3A_257 = arith.constant 80 : index
      %get3A_258 = tpu.vector_load %arg8[%get3A_257] {strides = array<i32>} : memref<128xi32, #tpu.memory_space<vmem>>, vector<16xi32>,
      %get3A_259 = vector.shape_cast %get3A_258 : vector<16xi32> to vector<16xi32>
      %mul3A_260 = arith.constant 2 : i32
      %mul3A_261 = vector.broadcast %mul3A_260 : i32 to vector<16xi32>
      %mul3A_262 = arith.muli %get3A_259, %mul3A_261 : vector<16xi32>
      %add3A_263 = arith.constant 1 : i32
      %add3A_264 = vector.broadcast %add3A_263 : i32 to vector<16xi32>
      %add3A_265 = arith.addi %mul3A_262, %add3A_264 : vector<16xi32>
      %swap3A_266 = arith.constant 1 : i32
      %swap3A_267 = arith.index_cast %swap3A_266 : i32 to index
      %swap3A_268 = arith.constant 80 : index
      %swap3A_269 = tpu.vector_load %arg9[%swap3A_267, %swap3A_268] {strides = array<i32>} : memref<2x128xi32, #tpu.memory_space<vmem>>, vector<1x16xi32>,
      %swap3A_270 = vector.shape_cast %swap3A_269 : vector<1x16xi32> to vector<16xi32>
      %swap3A_271 = vector.shape_cast %add3A_265 : vector<16xi32> to vector<1x16xi32>
      tpu.vector_store %arg9[%swap3A_267, %swap3A_268], %swap3A_271 {strides = array<i32>} : memref<2x128xi32, #tpu.memory_space<vmem>>, vector<1x16xi32>,
      %get3A_272 = arith.constant 96 : index
      %get3A_273 = tpu.vector_load %arg8[%get3A_272] {strides = array<i32>} : memref<128xi32, #tpu.memory_space<vmem>>, vector<16xi32>,
      %get3A_274 = vector.shape_cast %get3A_273 : vector<16xi32> to vector<16xi32>
      %mul3A_275 = arith.constant 2 : i32
      %mul3A_276 = vector.broadcast %mul3A_275 : i32 to vector<16xi32>
      %mul3A_277 = arith.muli %get3A_274, %mul3A_276 : vector<16xi32>
      %add3A_278 = arith.constant 1 : i32
      %add3A_279 = vector.broadcast %add3A_278 : i32 to vector<16xi32>
      %add3A_280 = arith.addi %mul3A_277, %add3A_279 : vector<16xi32>
      %swap3A_281 = arith.constant 1 : i32
      %swap3A_282 = arith.index_cast %swap3A_281 : i32 to index
      %swap3A_283 = arith.constant 96 : index
      %swap3A_284 = tpu.vector_load %arg9[%swap3A_282, %swap3A_283] {strides = array<i32>} : memref<2x128xi32, #tpu.memory_space<vmem>>, vector<1x16xi32>,
      %swap3A_285 = vector.shape_cast %swap3A_284 : vector<1x16xi32> to vector<16xi32>
      %swap3A_286 = vector.shape_cast %add3A_280 : vector<16xi32> to vector<1x16xi32>
      tpu.vector_store %arg9[%swap3A_282, %swap3A_283], %swap3A_286 {strides = array<i32>} : memref<2x128xi32, #tpu.memory_space<vmem>>, vector<1x16xi32>,
      %get3A_287 = arith.constant 112 : index
      %get3A_288 = tpu.vector_load %arg8[%get3A_287] {strides = array<i32>} : memref<128xi32, #tpu.memory_space<vmem>>, vector<16xi32>,
      %get3A_289 = vector.shape_cast %get3A_288 : vector<16xi32> to vector<16xi32>
      %mul3A_290 = arith.constant 2 : i32
      %mul3A_291 = vector.broadcast %mul3A_290 : i32 to vector<16xi32>
      %mul3A_292 = arith.muli %get3A_289, %mul3A_291 : vector<16xi32>
      %add3A_293 = arith.constant 1 : i32
      %add3A_294 = vector.broadcast %add3A_293 : i32 to vector<16xi32>
      %add3A_295 = arith.addi %mul3A_292, %add3A_294 : vector<16xi32>
      %swap3A_296 = arith.constant 1 : i32
      %swap3A_297 = arith.index_cast %swap3A_296 : i32 to index
      %swap3A_298 = arith.constant 112 : index
      %swap3A_299 = tpu.vector_load %arg9[%swap3A_297, %swap3A_298] {strides = array<i32>} : memref<2x128xi32, #tpu.memory_space<vmem>>, vector<1x16xi32>,
      %swap3A_300 = vector.shape_cast %swap3A_299 : vector<1x16xi32> to vector<16xi32>
      %swap3A_301 = vector.shape_cast %add3A_295 : vector<16xi32> to vector<1x16xi32>
      tpu.vector_store %arg9[%swap3A_297, %swap3A_298], %swap3A_301 {strides = array<i32>} : memref<2x128xi32, #tpu.memory_space<vmem>>, vector<1x16xi32>,
      %dma_start3A_302 = arith.constant 1 : i32
      %dma_start3A_303 = arith.constant 1 : i32
      %dma_start3A_304 = arith.constant 0 : i32
      %dma_start3A_305 = arith.constant 0 : i32
      %dma_start3A_306 = tpu.memref_slice %arg10[%dma_start3A_303, %dma_start3A_304, %dma_start3A_305] : memref<2x128x128xf32, #tpu.memory_space<vmem>> -> memref<1x128x128xf32, #tpu.memory_space<vmem>>
      %dma_start3A_307 = tpu.memref_squeeze %dma_start3A_306 : memref<1x128x128xf32, #tpu.memory_space<vmem>> -> memref<128x128xf32, #tpu.memory_space<vmem>>
      %dma_start3A_308 = arith.constant 0 : i32
      %dma_start3A_309 = tpu.memref_slice %arg9[%dma_start3A_302, %dma_start3A_308] : memref<2x128xi32, #tpu.memory_space<vmem>> -> memref<1x128xi32, #tpu.memory_space<vmem>>
      %dma_start3A_310 = tpu.memref_squeeze %dma_start3A_309 : memref<1x128xi32, #tpu.memory_space<vmem>> -> memref<128xi32, #tpu.memory_space<vmem>>
      %dma_start3A_311 = arith.constant 0 : i32
      %dma_start3A_312 = arith.constant 0 : i32
      %dma_start3A_313 = tpu.memref_slice %arg2[%dma_start3A_311, %dma_start3A_312] : memref<20000x128xf32, #tpu.memory_space<hbm>> -> memref<20000x128xf32, #tpu.memory_space<hbm>>
      tpu.enqueue_indirect_dma source(%dma_start3A_313 : memref<20000x128xf32, #tpu.memory_space<hbm>>) target(%dma_start3A_307 : memref<128x128xf32, #tpu.memory_space<vmem>>) offsets(%dma_start3A_310 : memref<128xi32, #tpu.memory_space<vmem>>) semaphore(%arg13 : memref<!tpu.dma_semaphore, #tpu.memory_space<semaphore_mem>>)
      %dma_wait3A_314 = arith.constant 0 : i32
      %dma_wait3A_315 = arith.constant 0 : i32
      %dma_wait3A_316 = arith.constant 0 : i32
      %dma_wait3A_317 = tpu.memref_slice %arg10[%dma_wait3A_314, %dma_wait3A_315, %dma_wait3A_316] : memref<2x128x128xf32, #tpu.memory_space<vmem>> -> memref<1x128x128xf32, #tpu.memory_space<vmem>>
      %dma_wait3A_318 = tpu.memref_squeeze %dma_wait3A_317 : memref<1x128x128xf32, #tpu.memory_space<vmem>> -> memref<128x128xf32, #tpu.memory_space<vmem>>
      %dma_wait3A_319 = arith.constant 0 : i32
      %dma_wait3A_320 = arith.constant 0 : i32
      %dma_wait3A_321 = tpu.memref_slice %arg5[%dma_wait3A_319, %dma_wait3A_320] : memref<256x128xf32, #tpu.memory_space<hbm>> -> memref<128x128xf32, #tpu.memory_space<hbm>>
      %dma_wait3A_322 = arith.constant 0 : i32
      %dma_wait3A_323 = arith.constant 0 : i32
      %dma_wait3A_324 = tpu.memref_slice %arg10[%dma_wait3A_314, %dma_wait3A_322, %dma_wait3A_323] : memref<2x128x128xf32, #tpu.memory_space<vmem>> -> memref<1x128x128xf32, #tpu.memory_space<vmem>>
      %dma_wait3A_325 = tpu.memref_squeeze %dma_wait3A_324 : memref<1x128x128xf32, #tpu.memory_space<vmem>> -> memref<128x128xf32, #tpu.memory_space<vmem>>
      %dma_wait3A_326 = arith.constant 0 : i32
      %dma_wait3A_327 = arith.constant 0 : i32
      %dma_wait3A_328 = tpu.memref_slice %arg5[%dma_wait3A_326, %dma_wait3A_327] : memref<256x128xf32, #tpu.memory_space<hbm>> -> memref<128x128xf32, #tpu.memory_space<hbm>>
      tpu.wait_dma2 semaphore(%arg12 : memref<!tpu.dma_semaphore, #tpu.memory_space<semaphore_mem>>) src(%dma_wait3A_328 : memref<128x128xf32, #tpu.memory_space<hbm>>) dst(%dma_wait3A_325 : memref<128x128xf32, #tpu.memory_space<vmem>>)
      %dma_start3A_329 = arith.constant 0 : i32
      %dma_start3A_330 = arith.constant 0 : i32
      %dma_start3A_331 = arith.constant 0 : i32
      %dma_start3A_332 = arith.constant 0 : i32
      %dma_start3A_333 = arith.constant 0 : i32
      %dma_start3A_334 = tpu.memref_slice %arg10[%dma_start3A_329, %dma_start3A_332, %dma_start3A_333] : memref<2x128x128xf32, #tpu.memory_space<vmem>> -> memref<1x128x128xf32, #tpu.memory_space<vmem>>
      %dma_start3A_335 = tpu.memref_squeeze %dma_start3A_334 : memref<1x128x128xf32, #tpu.memory_space<vmem>> -> memref<128x128xf32, #tpu.memory_space<vmem>>
      %dma_start3A_336 = arith.constant 0 : i32
      %dma_start3A_337 = tpu.memref_slice %arg7[%dma_start3A_331, %dma_start3A_336] : memref<2x128xi32, #tpu.memory_space<vmem>> -> memref<1x128xi32, #tpu.memory_space<vmem>>
      %dma_start3A_338 = tpu.memref_squeeze %dma_start3A_337 : memref<1x128xi32, #tpu.memory_space<vmem>> -> memref<128xi32, #tpu.memory_space<vmem>>
      %dma_start3A_339 = arith.constant 0 : i32
      %dma_start3A_340 = arith.constant 0 : i32
      %dma_start3A_341 = tpu.memref_slice %arg11[%dma_start3A_330, %dma_start3A_339, %dma_start3A_340] : memref<2x4096x128xf32, #tpu.memory_space<vmem_shared>> -> memref<1x4096x128xf32, #tpu.memory_space<vmem_shared>>
      %dma_start3A_342 = tpu.memref_squeeze %dma_start3A_341 : memref<1x4096x128xf32, #tpu.memory_space<vmem_shared>> -> memref<4096x128xf32, #tpu.memory_space<vmem_shared>>
      %dma_start3A_343 = arith.constant 0 : i32
      %dma_start3A_344 = arith.constant 0 : i32
      %dma_start3A_345 = tpu.memref_slice %dma_start3A_342[%dma_start3A_343, %dma_start3A_344] : memref<4096x128xf32, #tpu.memory_space<vmem_shared>> -> memref<4096x128xf32, #tpu.memory_space<vmem_shared>>
      tpu.enqueue_indirect_dma source(%dma_start3A_335 : memref<128x128xf32, #tpu.memory_space<vmem>>) target(%dma_start3A_345 : memref<4096x128xf32, #tpu.memory_space<vmem_shared>>) offsets(%dma_start3A_338 : memref<128xi32, #tpu.memory_space<vmem>>) semaphore(%arg14 : memref<!tpu.dma_semaphore, #tpu.memory_space<semaphore_mem>>) {add = true}
      %mul3A_346 = arith.constant 2 : i32
      %mul3A_347 = arith.muli %mul3A_346, %scan3A_179 : i32
      %add3A_348 = arith.constant 1 : i32
      %add3A_349 = arith.addi %mul3A_347, %add3A_348 : i32
      %mul3A_350 = arith.constant 16 : i32
      %mul3A_351 = arith.muli %add3A, %mul3A_350 : i32
      %add3A_352 = arith.addi %mul3A_351, %add3A_349 : i32
      %mul3A_353 = arith.constant 128 : i32
      %mul3A_354 = arith.muli %add3A_352, %mul3A_353 : i32
      "tpu.region"() ({
        %run_scoped3A_903 = tpu.sem_alloc : memref<!tpu.dma_semaphore, #tpu.memory_space<semaphore_mem>>
        %dma_start3A_904 = tpu.memref_slice %arg3[%mul3A_354] : memref<65664xi32, #tpu.memory_space<hbm>> -> memref<128xi32, #tpu.memory_space<hbm>>
        %dma_start3A_905 = tpu.memref_slice %arg3[%mul3A_354] : memref<65664xi32, #tpu.memory_space<hbm>> -> memref<128xi32, #tpu.memory_space<hbm>>
        tpu.enqueue_dma source(%dma_start3A_905 : memref<128xi32, #tpu.memory_space<hbm>>) target(%arg8 : memref<128xi32, #tpu.memory_space<vmem>>) target_semaphore(%run_scoped3A_903 : memref<!tpu.dma_semaphore, #tpu.memory_space<semaphore_mem>>)
        %dma_wait3A_906 = tpu.memref_slice %arg3[%mul3A_354] : memref<65664xi32, #tpu.memory_space<hbm>> -> memref<128xi32, #tpu.memory_space<hbm>>
        %dma_wait3A_907 = tpu.memref_slice %arg3[%mul3A_354] : memref<65664xi32, #tpu.memory_space<hbm>> -> memref<128xi32, #tpu.memory_space<hbm>>
        tpu.wait_dma2 semaphore(%run_scoped3A_903 : memref<!tpu.dma_semaphore, #tpu.memory_space<semaphore_mem>>) src(%dma_wait3A_907 : memref<128xi32, #tpu.memory_space<hbm>>) dst(%arg8 : memref<128xi32, #tpu.memory_space<vmem>>)
        tpu.yield
      }) : () -> ()
      %run_scoped3A_355 = arith.constant 1 : i32
      "tpu.region"() ({
        %run_scoped3A_903 = tpu.sem_alloc : memref<!tpu.dma_semaphore, #tpu.memory_space<semaphore_mem>>
        %dma_start3A_904 = arith.constant 0 : i32
        %dma_start3A_905 = tpu.memref_slice %arg7[%run_scoped3A_355, %dma_start3A_904] : memref<2x128xi32, #tpu.memory_space<vmem>> -> memref<1x128xi32, #tpu.memory_space<vmem>>
        %dma_start3A_906 = tpu.memref_squeeze %dma_start3A_905 : memref<1x128xi32, #tpu.memory_space<vmem>> -> memref<128xi32, #tpu.memory_space<vmem>>
        %dma_start3A_907 = tpu.memref_slice %arg4[%mul3A_354] : memref<65664xi32, #tpu.memory_space<hbm>> -> memref<128xi32, #tpu.memory_space<hbm>>
        %dma_start3A_908 = arith.constant 0 : i32
        %dma_start3A_909 = tpu.memref_slice %arg7[%run_scoped3A_355, %dma_start3A_908] : memref<2x128xi32, #tpu.memory_space<vmem>> -> memref<1x128xi32, #tpu.memory_space<vmem>>
        %dma_start3A_910 = tpu.memref_squeeze %dma_start3A_909 : memref<1x128xi32, #tpu.memory_space<vmem>> -> memref<128xi32, #tpu.memory_space<vmem>>
        %dma_start3A_911 = tpu.memref_slice %arg4[%mul3A_354] : memref<65664xi32, #tpu.memory_space<hbm>> -> memref<128xi32, #tpu.memory_space<hbm>>
        tpu.enqueue_dma source(%dma_start3A_911 : memref<128xi32, #tpu.memory_space<hbm>>) target(%dma_start3A_910 : memref<128xi32, #tpu.memory_space<vmem>>) target_semaphore(%run_scoped3A_903 : memref<!tpu.dma_semaphore, #tpu.memory_space<semaphore_mem>>)
        %dma_wait3A_912 = arith.constant 0 : i32
        %dma_wait3A_913 = tpu.memref_slice %arg7[%run_scoped3A_355, %dma_wait3A_912] : memref<2x128xi32, #tpu.memory_space<vmem>> -> memref<1x128xi32, #tpu.memory_space<vmem>>
        %dma_wait3A_914 = tpu.memref_squeeze %dma_wait3A_913 : memref<1x128xi32, #tpu.memory_space<vmem>> -> memref<128xi32, #tpu.memory_space<vmem>>
        %dma_wait3A_915 = tpu.memref_slice %arg4[%mul3A_354] : memref<65664xi32, #tpu.memory_space<hbm>> -> memref<128xi32, #tpu.memory_space<hbm>>
        %dma_wait3A_916 = arith.constant 0 : i32
        %dma_wait3A_917 = tpu.memref_slice %arg7[%run_scoped3A_355, %dma_wait3A_916] : memref<2x128xi32, #tpu.memory_space<vmem>> -> memref<1x128xi32, #tpu.memory_space<vmem>>
        %dma_wait3A_918 = tpu.memref_squeeze %dma_wait3A_917 : memref<1x128xi32, #tpu.memory_space<vmem>> -> memref<128xi32, #tpu.memory_space<vmem>>
        %dma_wait3A_919 = tpu.memref_slice %arg4[%mul3A_354] : memref<65664xi32, #tpu.memory_space<hbm>> -> memref<128xi32, #tpu.memory_space<hbm>>
        tpu.wait_dma2 semaphore(%run_scoped3A_903 : memref<!tpu.dma_semaphore, #tpu.memory_space<semaphore_mem>>) src(%dma_wait3A_919 : memref<128xi32, #tpu.memory_space<hbm>>) dst(%dma_wait3A_918 : memref<128xi32, #tpu.memory_space<vmem>>)
        tpu.yield
      }) : () -> ()
      %dma_wait3A_356 = arith.constant 0 : i32
      %dma_wait3A_357 = arith.constant 0 : i32
      %dma_wait3A_358 = arith.constant 0 : i32
      %dma_wait3A_359 = tpu.memref_slice %arg10[%dma_wait3A_356, %dma_wait3A_357, %dma_wait3A_358] : memref<2x128x128xf32, #tpu.memory_space<vmem>> -> memref<1x128x128xf32, #tpu.memory_space<vmem>>
      %dma_wait3A_360 = tpu.memref_squeeze %dma_wait3A_359 : memref<1x128x128xf32, #tpu.memory_space<vmem>> -> memref<128x128xf32, #tpu.memory_space<vmem>>
      %dma_wait3A_361 = arith.constant 0 : i32
      %dma_wait3A_362 = arith.constant 0 : i32
      %dma_wait3A_363 = tpu.memref_slice %arg5[%dma_wait3A_361, %dma_wait3A_362] : memref<256x128xf32, #tpu.memory_space<hbm>> -> memref<128x128xf32, #tpu.memory_space<hbm>>
      %dma_wait3A_364 = arith.constant 0 : i32
      %dma_wait3A_365 = arith.constant 0 : i32
      %dma_wait3A_366 = tpu.memref_slice %arg10[%dma_wait3A_356, %dma_wait3A_364, %dma_wait3A_365] : memref<2x128x128xf32, #tpu.memory_space<vmem>> -> memref<1x128x128xf32, #tpu.memory_space<vmem>>
      %dma_wait3A_367 = tpu.memref_squeeze %dma_wait3A_366 : memref<1x128x128xf32, #tpu.memory_space<vmem>> -> memref<128x128xf32, #tpu.memory_space<vmem>>
      %dma_wait3A_368 = arith.constant 0 : i32
      %dma_wait3A_369 = arith.constant 0 : i32
      %dma_wait3A_370 = tpu.memref_slice %arg5[%dma_wait3A_368, %dma_wait3A_369] : memref<256x128xf32, #tpu.memory_space<hbm>> -> memref<128x128xf32, #tpu.memory_space<hbm>>
      tpu.wait_dma2 semaphore(%arg14 : memref<!tpu.dma_semaphore, #tpu.memory_space<semaphore_mem>>) src(%dma_wait3A_370 : memref<128x128xf32, #tpu.memory_space<hbm>>) dst(%dma_wait3A_367 : memref<128x128xf32, #tpu.memory_space<vmem>>)
      %get3A_371 = arith.constant 0 : index
      %get3A_372 = tpu.vector_load %arg8[%get3A_371] {strides = array<i32>} : memref<128xi32, #tpu.memory_space<vmem>>, vector<16xi32>,
      %get3A_373 = vector.shape_cast %get3A_372 : vector<16xi32> to vector<16xi32>
      %mul3A_374 = arith.constant 2 : i32
      %mul3A_375 = vector.broadcast %mul3A_374 : i32 to vector<16xi32>
      %mul3A_376 = arith.muli %get3A_373, %mul3A_375 : vector<16xi32>
      %add3A_377 = arith.constant 0 : i32
      %add3A_378 = vector.broadcast %add3A_377 : i32 to vector<16xi32>
      %add3A_379 = arith.addi %mul3A_376, %add3A_378 : vector<16xi32>
      %swap3A_380 = arith.constant 0 : i32
      %swap3A_381 = arith.index_cast %swap3A_380 : i32 to index
      %swap3A_382 = arith.constant 0 : index
      %swap3A_383 = tpu.vector_load %arg9[%swap3A_381, %swap3A_382] {strides = array<i32>} : memref<2x128xi32, #tpu.memory_space<vmem>>, vector<1x16xi32>,
      %swap3A_384 = vector.shape_cast %swap3A_383 : vector<1x16xi32> to vector<16xi32>
      %swap3A_385 = vector.shape_cast %add3A_379 : vector<16xi32> to vector<1x16xi32>
      tpu.vector_store %arg9[%swap3A_381, %swap3A_382], %swap3A_385 {strides = array<i32>} : memref<2x128xi32, #tpu.memory_space<vmem>>, vector<1x16xi32>,
      %get3A_386 = arith.constant 16 : index
      %get3A_387 = tpu.vector_load %arg8[%get3A_386] {strides = array<i32>} : memref<128xi32, #tpu.memory_space<vmem>>, vector<16xi32>,
      %get3A_388 = vector.shape_cast %get3A_387 : vector<16xi32> to vector<16xi32>
      %mul3A_389 = arith.constant 2 : i32
      %mul3A_390 = vector.broadcast %mul3A_389 : i32 to vector<16xi32>
      %mul3A_391 = arith.muli %get3A_388, %mul3A_390 : vector<16xi32>
      %add3A_392 = arith.constant 0 : i32
      %add3A_393 = vector.broadcast %add3A_392 : i32 to vector<16xi32>
      %add3A_394 = arith.addi %mul3A_391, %add3A_393 : vector<16xi32>
      %swap3A_395 = arith.constant 0 : i32
      %swap3A_396 = arith.index_cast %swap3A_395 : i32 to index
      %swap3A_397 = arith.constant 16 : index
      %swap3A_398 = tpu.vector_load %arg9[%swap3A_396, %swap3A_397] {strides = array<i32>} : memref<2x128xi32, #tpu.memory_space<vmem>>, vector<1x16xi32>,
      %swap3A_399 = vector.shape_cast %swap3A_398 : vector<1x16xi32> to vector<16xi32>
      %swap3A_400 = vector.shape_cast %add3A_394 : vector<16xi32> to vector<1x16xi32>
      tpu.vector_store %arg9[%swap3A_396, %swap3A_397], %swap3A_400 {strides = array<i32>} : memref<2x128xi32, #tpu.memory_space<vmem>>, vector<1x16xi32>,
      %get3A_401 = arith.constant 32 : index
      %get3A_402 = tpu.vector_load %arg8[%get3A_401] {strides = array<i32>} : memref<128xi32, #tpu.memory_space<vmem>>, vector<16xi32>,
      %get3A_403 = vector.shape_cast %get3A_402 : vector<16xi32> to vector<16xi32>
      %mul3A_404 = arith.constant 2 : i32
      %mul3A_405 = vector.broadcast %mul3A_404 : i32 to vector<16xi32>
      %mul3A_406 = arith.muli %get3A_403, %mul3A_405 : vector<16xi32>
      %add3A_407 = arith.constant 0 : i32
      %add3A_408 = vector.broadcast %add3A_407 : i32 to vector<16xi32>
      %add3A_409 = arith.addi %mul3A_406, %add3A_408 : vector<16xi32>
      %swap3A_410 = arith.constant 0 : i32
      %swap3A_411 = arith.index_cast %swap3A_410 : i32 to index
      %swap3A_412 = arith.constant 32 : index
      %swap3A_413 = tpu.vector_load %arg9[%swap3A_411, %swap3A_412] {strides = array<i32>} : memref<2x128xi32, #tpu.memory_space<vmem>>, vector<1x16xi32>,
      %swap3A_414 = vector.shape_cast %swap3A_413 : vector<1x16xi32> to vector<16xi32>
      %swap3A_415 = vector.shape_cast %add3A_409 : vector<16xi32> to vector<1x16xi32>
      tpu.vector_store %arg9[%swap3A_411, %swap3A_412], %swap3A_415 {strides = array<i32>} : memref<2x128xi32, #tpu.memory_space<vmem>>, vector<1x16xi32>,
      %get3A_416 = arith.constant 48 : index
      %get3A_417 = tpu.vector_load %arg8[%get3A_416] {strides = array<i32>} : memref<128xi32, #tpu.memory_space<vmem>>, vector<16xi32>,
      %get3A_418 = vector.shape_cast %get3A_417 : vector<16xi32> to vector<16xi32>
      %mul3A_419 = arith.constant 2 : i32
      %mul3A_420 = vector.broadcast %mul3A_419 : i32 to vector<16xi32>
      %mul3A_421 = arith.muli %get3A_418, %mul3A_420 : vector<16xi32>
      %add3A_422 = arith.constant 0 : i32
      %add3A_423 = vector.broadcast %add3A_422 : i32 to vector<16xi32>
      %add3A_424 = arith.addi %mul3A_421, %add3A_423 : vector<16xi32>
      %swap3A_425 = arith.constant 0 : i32
      %swap3A_426 = arith.index_cast %swap3A_425 : i32 to index
      %swap3A_427 = arith.constant 48 : index
      %swap3A_428 = tpu.vector_load %arg9[%swap3A_426, %swap3A_427] {strides = array<i32>} : memref<2x128xi32, #tpu.memory_space<vmem>>, vector<1x16xi32>,
      %swap3A_429 = vector.shape_cast %swap3A_428 : vector<1x16xi32> to vector<16xi32>
      %swap3A_430 = vector.shape_cast %add3A_424 : vector<16xi32> to vector<1x16xi32>
      tpu.vector_store %arg9[%swap3A_426, %swap3A_427], %swap3A_430 {strides = array<i32>} : memref<2x128xi32, #tpu.memory_space<vmem>>, vector<1x16xi32>,
      %get3A_431 = arith.constant 64 : index
      %get3A_432 = tpu.vector_load %arg8[%get3A_431] {strides = array<i32>} : memref<128xi32, #tpu.memory_space<vmem>>, vector<16xi32>,
      %get3A_433 = vector.shape_cast %get3A_432 : vector<16xi32> to vector<16xi32>
      %mul3A_434 = arith.constant 2 : i32
      %mul3A_435 = vector.broadcast %mul3A_434 : i32 to vector<16xi32>
      %mul3A_436 = arith.muli %get3A_433, %mul3A_435 : vector<16xi32>
      %add3A_437 = arith.constant 0 : i32
      %add3A_438 = vector.broadcast %add3A_437 : i32 to vector<16xi32>
      %add3A_439 = arith.addi %mul3A_436, %add3A_438 : vector<16xi32>
      %swap3A_440 = arith.constant 0 : i32
      %swap3A_441 = arith.index_cast %swap3A_440 : i32 to index
      %swap3A_442 = arith.constant 64 : index
      %swap3A_443 = tpu.vector_load %arg9[%swap3A_441, %swap3A_442] {strides = array<i32>} : memref<2x128xi32, #tpu.memory_space<vmem>>, vector<1x16xi32>,
      %swap3A_444 = vector.shape_cast %swap3A_443 : vector<1x16xi32> to vector<16xi32>
      %swap3A_445 = vector.shape_cast %add3A_439 : vector<16xi32> to vector<1x16xi32>
      tpu.vector_store %arg9[%swap3A_441, %swap3A_442], %swap3A_445 {strides = array<i32>} : memref<2x128xi32, #tpu.memory_space<vmem>>, vector<1x16xi32>,
      %get3A_446 = arith.constant 80 : index
      %get3A_447 = tpu.vector_load %arg8[%get3A_446] {strides = array<i32>} : memref<128xi32, #tpu.memory_space<vmem>>, vector<16xi32>,
      %get3A_448 = vector.shape_cast %get3A_447 : vector<16xi32> to vector<16xi32>
      %mul3A_449 = arith.constant 2 : i32
      %mul3A_450 = vector.broadcast %mul3A_449 : i32 to vector<16xi32>
      %mul3A_451 = arith.muli %get3A_448, %mul3A_450 : vector<16xi32>
      %add3A_452 = arith.constant 0 : i32
      %add3A_453 = vector.broadcast %add3A_452 : i32 to vector<16xi32>
      %add3A_454 = arith.addi %mul3A_451, %add3A_453 : vector<16xi32>
      %swap3A_455 = arith.constant 0 : i32
      %swap3A_456 = arith.index_cast %swap3A_455 : i32 to index
      %swap3A_457 = arith.constant 80 : index
      %swap3A_458 = tpu.vector_load %arg9[%swap3A_456, %swap3A_457] {strides = array<i32>} : memref<2x128xi32, #tpu.memory_space<vmem>>, vector<1x16xi32>,
      %swap3A_459 = vector.shape_cast %swap3A_458 : vector<1x16xi32> to vector<16xi32>
      %swap3A_460 = vector.shape_cast %add3A_454 : vector<16xi32> to vector<1x16xi32>
      tpu.vector_store %arg9[%swap3A_456, %swap3A_457], %swap3A_460 {strides = array<i32>} : memref<2x128xi32, #tpu.memory_space<vmem>>, vector<1x16xi32>,
      %get3A_461 = arith.constant 96 : index
      %get3A_462 = tpu.vector_load %arg8[%get3A_461] {strides = array<i32>} : memref<128xi32, #tpu.memory_space<vmem>>, vector<16xi32>,
      %get3A_463 = vector.shape_cast %get3A_462 : vector<16xi32> to vector<16xi32>
      %mul3A_464 = arith.constant 2 : i32
      %mul3A_465 = vector.broadcast %mul3A_464 : i32 to vector<16xi32>
      %mul3A_466 = arith.muli %get3A_463, %mul3A_465 : vector<16xi32>
      %add3A_467 = arith.constant 0 : i32
      %add3A_468 = vector.broadcast %add3A_467 : i32 to vector<16xi32>
      %add3A_469 = arith.addi %mul3A_466, %add3A_468 : vector<16xi32>
      %swap3A_470 = arith.constant 0 : i32
      %swap3A_471 = arith.index_cast %swap3A_470 : i32 to index
      %swap3A_472 = arith.constant 96 : index
      %swap3A_473 = tpu.vector_load %arg9[%swap3A_471, %swap3A_472] {strides = array<i32>} : memref<2x128xi32, #tpu.memory_space<vmem>>, vector<1x16xi32>,
      %swap3A_474 = vector.shape_cast %swap3A_473 : vector<1x16xi32> to vector<16xi32>
      %swap3A_475 = vector.shape_cast %add3A_469 : vector<16xi32> to vector<1x16xi32>
      tpu.vector_store %arg9[%swap3A_471, %swap3A_472], %swap3A_475 {strides = array<i32>} : memref<2x128xi32, #tpu.memory_space<vmem>>, vector<1x16xi32>,
      %get3A_476 = arith.constant 112 : index
      %get3A_477 = tpu.vector_load %arg8[%get3A_476] {strides = array<i32>} : memref<128xi32, #tpu.memory_space<vmem>>, vector<16xi32>,
      %get3A_478 = vector.shape_cast %get3A_477 : vector<16xi32> to vector<16xi32>
      %mul3A_479 = arith.constant 2 : i32
      %mul3A_480 = vector.broadcast %mul3A_479 : i32 to vector<16xi32>
      %mul3A_481 = arith.muli %get3A_478, %mul3A_480 : vector<16xi32>
      %add3A_482 = arith.constant 0 : i32
      %add3A_483 = vector.broadcast %add3A_482 : i32 to vector<16xi32>
      %add3A_484 = arith.addi %mul3A_481, %add3A_483 : vector<16xi32>
      %swap3A_485 = arith.constant 0 : i32
      %swap3A_486 = arith.index_cast %swap3A_485 : i32 to index
      %swap3A_487 = arith.constant 112 : index
      %swap3A_488 = tpu.vector_load %arg9[%swap3A_486, %swap3A_487] {strides = array<i32>} : memref<2x128xi32, #tpu.memory_space<vmem>>, vector<1x16xi32>,
      %swap3A_489 = vector.shape_cast %swap3A_488 : vector<1x16xi32> to vector<16xi32>
      %swap3A_490 = vector.shape_cast %add3A_484 : vector<16xi32> to vector<1x16xi32>
      tpu.vector_store %arg9[%swap3A_486, %swap3A_487], %swap3A_490 {strides = array<i32>} : memref<2x128xi32, #tpu.memory_space<vmem>>, vector<1x16xi32>,
      %dma_start3A_491 = arith.constant 0 : i32
      %dma_start3A_492 = arith.constant 0 : i32
      %dma_start3A_493 = arith.constant 0 : i32
      %dma_start3A_494 = arith.constant 0 : i32
      %dma_start3A_495 = tpu.memref_slice %arg10[%dma_start3A_492, %dma_start3A_493, %dma_start3A_494] : memref<2x128x128xf32, #tpu.memory_space<vmem>> -> memref<1x128x128xf32, #tpu.memory_space<vmem>>
      %dma_start3A_496 = tpu.memref_squeeze %dma_start3A_495 : memref<1x128x128xf32, #tpu.memory_space<vmem>> -> memref<128x128xf32, #tpu.memory_space<vmem>>
      %dma_start3A_497 = arith.constant 0 : i32
      %dma_start3A_498 = tpu.memref_slice %arg9[%dma_start3A_491, %dma_start3A_497] : memref<2x128xi32, #tpu.memory_space<vmem>> -> memref<1x128xi32, #tpu.memory_space<vmem>>
      %dma_start3A_499 = tpu.memref_squeeze %dma_start3A_498 : memref<1x128xi32, #tpu.memory_space<vmem>> -> memref<128xi32, #tpu.memory_space<vmem>>
      %dma_start3A_500 = arith.constant 0 : i32
      %dma_start3A_501 = arith.constant 0 : i32
      %dma_start3A_502 = tpu.memref_slice %arg2[%dma_start3A_500, %dma_start3A_501] : memref<20000x128xf32, #tpu.memory_space<hbm>> -> memref<20000x128xf32, #tpu.memory_space<hbm>>
      tpu.enqueue_indirect_dma source(%dma_start3A_502 : memref<20000x128xf32, #tpu.memory_space<hbm>>) target(%dma_start3A_496 : memref<128x128xf32, #tpu.memory_space<vmem>>) offsets(%dma_start3A_499 : memref<128xi32, #tpu.memory_space<vmem>>) semaphore(%arg12 : memref<!tpu.dma_semaphore, #tpu.memory_space<semaphore_mem>>)
      %dma_wait3A_503 = arith.constant 1 : i32
      %dma_wait3A_504 = arith.constant 0 : i32
      %dma_wait3A_505 = arith.constant 0 : i32
      %dma_wait3A_506 = tpu.memref_slice %arg10[%dma_wait3A_503, %dma_wait3A_504, %dma_wait3A_505] : memref<2x128x128xf32, #tpu.memory_space<vmem>> -> memref<1x128x128xf32, #tpu.memory_space<vmem>>
      %dma_wait3A_507 = tpu.memref_squeeze %dma_wait3A_506 : memref<1x128x128xf32, #tpu.memory_space<vmem>> -> memref<128x128xf32, #tpu.memory_space<vmem>>
      %dma_wait3A_508 = arith.constant 0 : i32
      %dma_wait3A_509 = arith.constant 0 : i32
      %dma_wait3A_510 = tpu.memref_slice %arg5[%dma_wait3A_508, %dma_wait3A_509] : memref<256x128xf32, #tpu.memory_space<hbm>> -> memref<128x128xf32, #tpu.memory_space<hbm>>
      %dma_wait3A_511 = arith.constant 0 : i32
      %dma_wait3A_512 = arith.constant 0 : i32
      %dma_wait3A_513 = tpu.memref_slice %arg10[%dma_wait3A_503, %dma_wait3A_511, %dma_wait3A_512] : memref<2x128x128xf32, #tpu.memory_space<vmem>> -> memref<1x128x128xf32, #tpu.memory_space<vmem>>
      %dma_wait3A_514 = tpu.memref_squeeze %dma_wait3A_513 : memref<1x128x128xf32, #tpu.memory_space<vmem>> -> memref<128x128xf32, #tpu.memory_space<vmem>>
      %dma_wait3A_515 = arith.constant 0 : i32
      %dma_wait3A_516 = arith.constant 0 : i32
      %dma_wait3A_517 = tpu.memref_slice %arg5[%dma_wait3A_515, %dma_wait3A_516] : memref<256x128xf32, #tpu.memory_space<hbm>> -> memref<128x128xf32, #tpu.memory_space<hbm>>
      tpu.wait_dma2 semaphore(%arg13 : memref<!tpu.dma_semaphore, #tpu.memory_space<semaphore_mem>>) src(%dma_wait3A_517 : memref<128x128xf32, #tpu.memory_space<hbm>>) dst(%dma_wait3A_514 : memref<128x128xf32, #tpu.memory_space<vmem>>)
      %dma_start3A_518 = arith.constant 1 : i32
      %dma_start3A_519 = arith.constant 1 : i32
      %dma_start3A_520 = arith.constant 0 : i32
      %dma_start3A_521 = arith.constant 0 : i32
      %dma_start3A_522 = arith.constant 0 : i32
      %dma_start3A_523 = tpu.memref_slice %arg10[%dma_start3A_518, %dma_start3A_521, %dma_start3A_522] : memref<2x128x128xf32, #tpu.memory_space<vmem>> -> memref<1x128x128xf32, #tpu.memory_space<vmem>>
      %dma_start3A_524 = tpu.memref_squeeze %dma_start3A_523 : memref<1x128x128xf32, #tpu.memory_space<vmem>> -> memref<128x128xf32, #tpu.memory_space<vmem>>
      %dma_start3A_525 = arith.constant 0 : i32
      %dma_start3A_526 = tpu.memref_slice %arg7[%dma_start3A_520, %dma_start3A_525] : memref<2x128xi32, #tpu.memory_space<vmem>> -> memref<1x128xi32, #tpu.memory_space<vmem>>
      %dma_start3A_527 = tpu.memref_squeeze %dma_start3A_526 : memref<1x128xi32, #tpu.memory_space<vmem>> -> memref<128xi32, #tpu.memory_space<vmem>>
      %dma_start3A_528 = arith.constant 0 : i32
      %dma_start3A_529 = arith.constant 0 : i32
      %dma_start3A_530 = tpu.memref_slice %arg11[%dma_start3A_519, %dma_start3A_528, %dma_start3A_529] : memref<2x4096x128xf32, #tpu.memory_space<vmem_shared>> -> memref<1x4096x128xf32, #tpu.memory_space<vmem_shared>>
      %dma_start3A_531 = tpu.memref_squeeze %dma_start3A_530 : memref<1x4096x128xf32, #tpu.memory_space<vmem_shared>> -> memref<4096x128xf32, #tpu.memory_space<vmem_shared>>
      %dma_start3A_532 = arith.constant 0 : i32
      %dma_start3A_533 = arith.constant 0 : i32
      %dma_start3A_534 = tpu.memref_slice %dma_start3A_531[%dma_start3A_532, %dma_start3A_533] : memref<4096x128xf32, #tpu.memory_space<vmem_shared>> -> memref<4096x128xf32, #tpu.memory_space<vmem_shared>>
      tpu.enqueue_indirect_dma source(%dma_start3A_524 : memref<128x128xf32, #tpu.memory_space<vmem>>) target(%dma_start3A_534 : memref<4096x128xf32, #tpu.memory_space<vmem_shared>>) offsets(%dma_start3A_527 : memref<128xi32, #tpu.memory_space<vmem>>) semaphore(%arg15 : memref<!tpu.dma_semaphore, #tpu.memory_space<semaphore_mem>>) {add = true}
      %dma_wait3A_535 = arith.constant 1 : i32
      %dma_wait3A_536 = arith.constant 0 : i32
      %dma_wait3A_537 = arith.constant 0 : i32
      %dma_wait3A_538 = tpu.memref_slice %arg10[%dma_wait3A_535, %dma_wait3A_536, %dma_wait3A_537] : memref<2x128x128xf32, #tpu.memory_space<vmem>> -> memref<1x128x128xf32, #tpu.memory_space<vmem>>
      %dma_wait3A_539 = tpu.memref_squeeze %dma_wait3A_538 : memref<1x128x128xf32, #tpu.memory_space<vmem>> -> memref<128x128xf32, #tpu.memory_space<vmem>>
      %dma_wait3A_540 = arith.constant 0 : i32
      %dma_wait3A_541 = arith.constant 0 : i32
      %dma_wait3A_542 = tpu.memref_slice %arg5[%dma_wait3A_540, %dma_wait3A_541] : memref<256x128xf32, #tpu.memory_space<hbm>> -> memref<128x128xf32, #tpu.memory_space<hbm>>
      %dma_wait3A_543 = arith.constant 0 : i32
      %dma_wait3A_544 = arith.constant 0 : i32
      %dma_wait3A_545 = tpu.memref_slice %arg10[%dma_wait3A_535, %dma_wait3A_543, %dma_wait3A_544] : memref<2x128x128xf32, #tpu.memory_space<vmem>> -> memref<1x128x128xf32, #tpu.memory_space<vmem>>
      %dma_wait3A_546 = tpu.memref_squeeze %dma_wait3A_545 : memref<1x128x128xf32, #tpu.memory_space<vmem>> -> memref<128x128xf32, #tpu.memory_space<vmem>>
      %dma_wait3A_547 = arith.constant 0 : i32
      %dma_wait3A_548 = arith.constant 0 : i32
      %dma_wait3A_549 = tpu.memref_slice %arg5[%dma_wait3A_547, %dma_wait3A_548] : memref<256x128xf32, #tpu.memory_space<hbm>> -> memref<128x128xf32, #tpu.memory_space<hbm>>
      tpu.wait_dma2 semaphore(%arg15 : memref<!tpu.dma_semaphore, #tpu.memory_space<semaphore_mem>>) src(%dma_wait3A_549 : memref<128x128xf32, #tpu.memory_space<hbm>>) dst(%dma_wait3A_546 : memref<128x128xf32, #tpu.memory_space<vmem>>)
      %get3A_550 = arith.constant 0 : index
      %get3A_551 = tpu.vector_load %arg8[%get3A_550] {strides = array<i32>} : memref<128xi32, #tpu.memory_space<vmem>>, vector<16xi32>,
      %get3A_552 = vector.shape_cast %get3A_551 : vector<16xi32> to vector<16xi32>
      %mul3A_553 = arith.constant 2 : i32
      %mul3A_554 = vector.broadcast %mul3A_553 : i32 to vector<16xi32>
      %mul3A_555 = arith.muli %get3A_552, %mul3A_554 : vector<16xi32>
      %add3A_556 = arith.constant 1 : i32
      %add3A_557 = vector.broadcast %add3A_556 : i32 to vector<16xi32>
      %add3A_558 = arith.addi %mul3A_555, %add3A_557 : vector<16xi32>
      %swap3A_559 = arith.constant 1 : i32
      %swap3A_560 = arith.index_cast %swap3A_559 : i32 to index
      %swap3A_561 = arith.constant 0 : index
      %swap3A_562 = tpu.vector_load %arg9[%swap3A_560, %swap3A_561] {strides = array<i32>} : memref<2x128xi32, #tpu.memory_space<vmem>>, vector<1x16xi32>,
      %swap3A_563 = vector.shape_cast %swap3A_562 : vector<1x16xi32> to vector<16xi32>
      %swap3A_564 = vector.shape_cast %add3A_558 : vector<16xi32> to vector<1x16xi32>
      tpu.vector_store %arg9[%swap3A_560, %swap3A_561], %swap3A_564 {strides = array<i32>} : memref<2x128xi32, #tpu.memory_space<vmem>>, vector<1x16xi32>,
      %get3A_565 = arith.constant 16 : index
      %get3A_566 = tpu.vector_load %arg8[%get3A_565] {strides = array<i32>} : memref<128xi32, #tpu.memory_space<vmem>>, vector<16xi32>,
      %get3A_567 = vector.shape_cast %get3A_566 : vector<16xi32> to vector<16xi32>
      %mul3A_568 = arith.constant 2 : i32
      %mul3A_569 = vector.broadcast %mul3A_568 : i32 to vector<16xi32>
      %mul3A_570 = arith.muli %get3A_567, %mul3A_569 : vector<16xi32>
      %add3A_571 = arith.constant 1 : i32
      %add3A_572 = vector.broadcast %add3A_571 : i32 to vector<16xi32>
      %add3A_573 = arith.addi %mul3A_570, %add3A_572 : vector<16xi32>
      %swap3A_574 = arith.constant 1 : i32
      %swap3A_575 = arith.index_cast %swap3A_574 : i32 to index
      %swap3A_576 = arith.constant 16 : index
      %swap3A_577 = tpu.vector_load %arg9[%swap3A_575, %swap3A_576] {strides = array<i32>} : memref<2x128xi32, #tpu.memory_space<vmem>>, vector<1x16xi32>,
      %swap3A_578 = vector.shape_cast %swap3A_577 : vector<1x16xi32> to vector<16xi32>
      %swap3A_579 = vector.shape_cast %add3A_573 : vector<16xi32> to vector<1x16xi32>
      tpu.vector_store %arg9[%swap3A_575, %swap3A_576], %swap3A_579 {strides = array<i32>} : memref<2x128xi32, #tpu.memory_space<vmem>>, vector<1x16xi32>,
      %get3A_580 = arith.constant 32 : index
      %get3A_581 = tpu.vector_load %arg8[%get3A_580] {strides = array<i32>} : memref<128xi32, #tpu.memory_space<vmem>>, vector<16xi32>,
      %get3A_582 = vector.shape_cast %get3A_581 : vector<16xi32> to vector<16xi32>
      %mul3A_583 = arith.constant 2 : i32
      %mul3A_584 = vector.broadcast %mul3A_583 : i32 to vector<16xi32>
      %mul3A_585 = arith.muli %get3A_582, %mul3A_584 : vector<16xi32>
      %add3A_586 = arith.constant 1 : i32
      %add3A_587 = vector.broadcast %add3A_586 : i32 to vector<16xi32>
      %add3A_588 = arith.addi %mul3A_585, %add3A_587 : vector<16xi32>
      %swap3A_589 = arith.constant 1 : i32
      %swap3A_590 = arith.index_cast %swap3A_589 : i32 to index
      %swap3A_591 = arith.constant 32 : index
      %swap3A_592 = tpu.vector_load %arg9[%swap3A_590, %swap3A_591] {strides = array<i32>} : memref<2x128xi32, #tpu.memory_space<vmem>>, vector<1x16xi32>,
      %swap3A_593 = vector.shape_cast %swap3A_592 : vector<1x16xi32> to vector<16xi32>
      %swap3A_594 = vector.shape_cast %add3A_588 : vector<16xi32> to vector<1x16xi32>
      tpu.vector_store %arg9[%swap3A_590, %swap3A_591], %swap3A_594 {strides = array<i32>} : memref<2x128xi32, #tpu.memory_space<vmem>>, vector<1x16xi32>,
      %get3A_595 = arith.constant 48 : index
      %get3A_596 = tpu.vector_load %arg8[%get3A_595] {strides = array<i32>} : memref<128xi32, #tpu.memory_space<vmem>>, vector<16xi32>,
      %get3A_597 = vector.shape_cast %get3A_596 : vector<16xi32> to vector<16xi32>
      %mul3A_598 = arith.constant 2 : i32
      %mul3A_599 = vector.broadcast %mul3A_598 : i32 to vector<16xi32>
      %mul3A_600 = arith.muli %get3A_597, %mul3A_599 : vector<16xi32>
      %add3A_601 = arith.constant 1 : i32
      %add3A_602 = vector.broadcast %add3A_601 : i32 to vector<16xi32>
      %add3A_603 = arith.addi %mul3A_600, %add3A_602 : vector<16xi32>
      %swap3A_604 = arith.constant 1 : i32
      %swap3A_605 = arith.index_cast %swap3A_604 : i32 to index
      %swap3A_606 = arith.constant 48 : index
      %swap3A_607 = tpu.vector_load %arg9[%swap3A_605, %swap3A_606] {strides = array<i32>} : memref<2x128xi32, #tpu.memory_space<vmem>>, vector<1x16xi32>,
      %swap3A_608 = vector.shape_cast %swap3A_607 : vector<1x16xi32> to vector<16xi32>
      %swap3A_609 = vector.shape_cast %add3A_603 : vector<16xi32> to vector<1x16xi32>
      tpu.vector_store %arg9[%swap3A_605, %swap3A_606], %swap3A_609 {strides = array<i32>} : memref<2x128xi32, #tpu.memory_space<vmem>>, vector<1x16xi32>,
      %get3A_610 = arith.constant 64 : index
      %get3A_611 = tpu.vector_load %arg8[%get3A_610] {strides = array<i32>} : memref<128xi32, #tpu.memory_space<vmem>>, vector<16xi32>,
      %get3A_612 = vector.shape_cast %get3A_611 : vector<16xi32> to vector<16xi32>
      %mul3A_613 = arith.constant 2 : i32
      %mul3A_614 = vector.broadcast %mul3A_613 : i32 to vector<16xi32>
      %mul3A_615 = arith.muli %get3A_612, %mul3A_614 : vector<16xi32>
      %add3A_616 = arith.constant 1 : i32
      %add3A_617 = vector.broadcast %add3A_616 : i32 to vector<16xi32>
      %add3A_618 = arith.addi %mul3A_615, %add3A_617 : vector<16xi32>
      %swap3A_619 = arith.constant 1 : i32
      %swap3A_620 = arith.index_cast %swap3A_619 : i32 to index
      %swap3A_621 = arith.constant 64 : index
      %swap3A_622 = tpu.vector_load %arg9[%swap3A_620, %swap3A_621] {strides = array<i32>} : memref<2x128xi32, #tpu.memory_space<vmem>>, vector<1x16xi32>,
      %swap3A_623 = vector.shape_cast %swap3A_622 : vector<1x16xi32> to vector<16xi32>
      %swap3A_624 = vector.shape_cast %add3A_618 : vector<16xi32> to vector<1x16xi32>
      tpu.vector_store %arg9[%swap3A_620, %swap3A_621], %swap3A_624 {strides = array<i32>} : memref<2x128xi32, #tpu.memory_space<vmem>>, vector<1x16xi32>,
      %get3A_625 = arith.constant 80 : index
      %get3A_626 = tpu.vector_load %arg8[%get3A_625] {strides = array<i32>} : memref<128xi32, #tpu.memory_space<vmem>>, vector<16xi32>,
      %get3A_627 = vector.shape_cast %get3A_626 : vector<16xi32> to vector<16xi32>
      %mul3A_628 = arith.constant 2 : i32
      %mul3A_629 = vector.broadcast %mul3A_628 : i32 to vector<16xi32>
      %mul3A_630 = arith.muli %get3A_627, %mul3A_629 : vector<16xi32>
      %add3A_631 = arith.constant 1 : i32
      %add3A_632 = vector.broadcast %add3A_631 : i32 to vector<16xi32>
      %add3A_633 = arith.addi %mul3A_630, %add3A_632 : vector<16xi32>
      %swap3A_634 = arith.constant 1 : i32
      %swap3A_635 = arith.index_cast %swap3A_634 : i32 to index
      %swap3A_636 = arith.constant 80 : index
      %swap3A_637 = tpu.vector_load %arg9[%swap3A_635, %swap3A_636] {strides = array<i32>} : memref<2x128xi32, #tpu.memory_space<vmem>>, vector<1x16xi32>,
      %swap3A_638 = vector.shape_cast %swap3A_637 : vector<1x16xi32> to vector<16xi32>
      %swap3A_639 = vector.shape_cast %add3A_633 : vector<16xi32> to vector<1x16xi32>
      tpu.vector_store %arg9[%swap3A_635, %swap3A_636], %swap3A_639 {strides = array<i32>} : memref<2x128xi32, #tpu.memory_space<vmem>>, vector<1x16xi32>,
      %get3A_640 = arith.constant 96 : index
      %get3A_641 = tpu.vector_load %arg8[%get3A_640] {strides = array<i32>} : memref<128xi32, #tpu.memory_space<vmem>>, vector<16xi32>,
      %get3A_642 = vector.shape_cast %get3A_641 : vector<16xi32> to vector<16xi32>
      %mul3A_643 = arith.constant 2 : i32
      %mul3A_644 = vector.broadcast %mul3A_643 : i32 to vector<16xi32>
      %mul3A_645 = arith.muli %get3A_642, %mul3A_644 : vector<16xi32>
      %add3A_646 = arith.constant 1 : i32
      %add3A_647 = vector.broadcast %add3A_646 : i32 to vector<16xi32>
      %add3A_648 = arith.addi %mul3A_645, %add3A_647 : vector<16xi32>
      %swap3A_649 = arith.constant 1 : i32
      %swap3A_650 = arith.index_cast %swap3A_649 : i32 to index
      %swap3A_651 = arith.constant 96 : index
      %swap3A_652 = tpu.vector_load %arg9[%swap3A_650, %swap3A_651] {strides = array<i32>} : memref<2x128xi32, #tpu.memory_space<vmem>>, vector<1x16xi32>,
      %swap3A_653 = vector.shape_cast %swap3A_652 : vector<1x16xi32> to vector<16xi32>
      %swap3A_654 = vector.shape_cast %add3A_648 : vector<16xi32> to vector<1x16xi32>
      tpu.vector_store %arg9[%swap3A_650, %swap3A_651], %swap3A_654 {strides = array<i32>} : memref<2x128xi32, #tpu.memory_space<vmem>>, vector<1x16xi32>,
      %get3A_655 = arith.constant 112 : index
      %get3A_656 = tpu.vector_load %arg8[%get3A_655] {strides = array<i32>} : memref<128xi32, #tpu.memory_space<vmem>>, vector<16xi32>,
      %get3A_657 = vector.shape_cast %get3A_656 : vector<16xi32> to vector<16xi32>
      %mul3A_658 = arith.constant 2 : i32
      %mul3A_659 = vector.broadcast %mul3A_658 : i32 to vector<16xi32>
      %mul3A_660 = arith.muli %get3A_657, %mul3A_659 : vector<16xi32>
      %add3A_661 = arith.constant 1 : i32
      %add3A_662 = vector.broadcast %add3A_661 : i32 to vector<16xi32>
      %add3A_663 = arith.addi %mul3A_660, %add3A_662 : vector<16xi32>
      %swap3A_664 = arith.constant 1 : i32
      %swap3A_665 = arith.index_cast %swap3A_664 : i32 to index
      %swap3A_666 = arith.constant 112 : index
      %swap3A_667 = tpu.vector_load %arg9[%swap3A_665, %swap3A_666] {strides = array<i32>} : memref<2x128xi32, #tpu.memory_space<vmem>>, vector<1x16xi32>,
      %swap3A_668 = vector.shape_cast %swap3A_667 : vector<1x16xi32> to vector<16xi32>
      %swap3A_669 = vector.shape_cast %add3A_663 : vector<16xi32> to vector<1x16xi32>
      tpu.vector_store %arg9[%swap3A_665, %swap3A_666], %swap3A_669 {strides = array<i32>} : memref<2x128xi32, #tpu.memory_space<vmem>>, vector<1x16xi32>,
      %dma_start3A_670 = arith.constant 1 : i32
      %dma_start3A_671 = arith.constant 1 : i32
      %dma_start3A_672 = arith.constant 0 : i32
      %dma_start3A_673 = arith.constant 0 : i32
      %dma_start3A_674 = tpu.memref_slice %arg10[%dma_start3A_671, %dma_start3A_672, %dma_start3A_673] : memref<2x128x128xf32, #tpu.memory_space<vmem>> -> memref<1x128x128xf32, #tpu.memory_space<vmem>>
      %dma_start3A_675 = tpu.memref_squeeze %dma_start3A_674 : memref<1x128x128xf32, #tpu.memory_space<vmem>> -> memref<128x128xf32, #tpu.memory_space<vmem>>
      %dma_start3A_676 = arith.constant 0 : i32
      %dma_start3A_677 = tpu.memref_slice %arg9[%dma_start3A_670, %dma_start3A_676] : memref<2x128xi32, #tpu.memory_space<vmem>> -> memref<1x128xi32, #tpu.memory_space<vmem>>
      %dma_start3A_678 = tpu.memref_squeeze %dma_start3A_677 : memref<1x128xi32, #tpu.memory_space<vmem>> -> memref<128xi32, #tpu.memory_space<vmem>>
      %dma_start3A_679 = arith.constant 0 : i32
      %dma_start3A_680 = arith.constant 0 : i32
      %dma_start3A_681 = tpu.memref_slice %arg2[%dma_start3A_679, %dma_start3A_680] : memref<20000x128xf32, #tpu.memory_space<hbm>> -> memref<20000x128xf32, #tpu.memory_space<hbm>>
      tpu.enqueue_indirect_dma source(%dma_start3A_681 : memref<20000x128xf32, #tpu.memory_space<hbm>>) target(%dma_start3A_675 : memref<128x128xf32, #tpu.memory_space<vmem>>) offsets(%dma_start3A_678 : memref<128xi32, #tpu.memory_space<vmem>>) semaphore(%arg13 : memref<!tpu.dma_semaphore, #tpu.memory_space<semaphore_mem>>)
      %dma_wait3A_682 = arith.constant 0 : i32
      %dma_wait3A_683 = arith.constant 0 : i32
      %dma_wait3A_684 = arith.constant 0 : i32
      %dma_wait3A_685 = tpu.memref_slice %arg10[%dma_wait3A_682, %dma_wait3A_683, %dma_wait3A_684] : memref<2x128x128xf32, #tpu.memory_space<vmem>> -> memref<1x128x128xf32, #tpu.memory_space<vmem>>
      %dma_wait3A_686 = tpu.memref_squeeze %dma_wait3A_685 : memref<1x128x128xf32, #tpu.memory_space<vmem>> -> memref<128x128xf32, #tpu.memory_space<vmem>>
      %dma_wait3A_687 = arith.constant 0 : i32
      %dma_wait3A_688 = arith.constant 0 : i32
      %dma_wait3A_689 = tpu.memref_slice %arg5[%dma_wait3A_687, %dma_wait3A_688] : memref<256x128xf32, #tpu.memory_space<hbm>> -> memref<128x128xf32, #tpu.memory_space<hbm>>
      %dma_wait3A_690 = arith.constant 0 : i32
      %dma_wait3A_691 = arith.constant 0 : i32
      %dma_wait3A_692 = tpu.memref_slice %arg10[%dma_wait3A_682, %dma_wait3A_690, %dma_wait3A_691] : memref<2x128x128xf32, #tpu.memory_space<vmem>> -> memref<1x128x128xf32, #tpu.memory_space<vmem>>
      %dma_wait3A_693 = tpu.memref_squeeze %dma_wait3A_692 : memref<1x128x128xf32, #tpu.memory_space<vmem>> -> memref<128x128xf32, #tpu.memory_space<vmem>>
      %dma_wait3A_694 = arith.constant 0 : i32
      %dma_wait3A_695 = arith.constant 0 : i32
      %dma_wait3A_696 = tpu.memref_slice %arg5[%dma_wait3A_694, %dma_wait3A_695] : memref<256x128xf32, #tpu.memory_space<hbm>> -> memref<128x128xf32, #tpu.memory_space<hbm>>
      tpu.wait_dma2 semaphore(%arg12 : memref<!tpu.dma_semaphore, #tpu.memory_space<semaphore_mem>>) src(%dma_wait3A_696 : memref<128x128xf32, #tpu.memory_space<hbm>>) dst(%dma_wait3A_693 : memref<128x128xf32, #tpu.memory_space<vmem>>)
      %dma_start3A_697 = arith.constant 0 : i32
      %dma_start3A_698 = arith.constant 0 : i32
      %dma_start3A_699 = arith.constant 1 : i32
      %dma_start3A_700 = arith.constant 0 : i32
      %dma_start3A_701 = arith.constant 0 : i32
      %dma_start3A_702 = tpu.memref_slice %arg10[%dma_start3A_697, %dma_start3A_700, %dma_start3A_701] : memref<2x128x128xf32, #tpu.memory_space<vmem>> -> memref<1x128x128xf32, #tpu.memory_space<vmem>>
      %dma_start3A_703 = tpu.memref_squeeze %dma_start3A_702 : memref<1x128x128xf32, #tpu.memory_space<vmem>> -> memref<128x128xf32, #tpu.memory_space<vmem>>
      %dma_start3A_704 = arith.constant 0 : i32
      %dma_start3A_705 = tpu.memref_slice %arg7[%dma_start3A_699, %dma_start3A_704] : memref<2x128xi32, #tpu.memory_space<vmem>> -> memref<1x128xi32, #tpu.memory_space<vmem>>
      %dma_start3A_706 = tpu.memref_squeeze %dma_start3A_705 : memref<1x128xi32, #tpu.memory_space<vmem>> -> memref<128xi32, #tpu.memory_space<vmem>>
      %dma_start3A_707 = arith.constant 0 : i32
      %dma_start3A_708 = arith.constant 0 : i32
      %dma_start3A_709 = tpu.memref_slice %arg11[%dma_start3A_698, %dma_start3A_707, %dma_start3A_708] : memref<2x4096x128xf32, #tpu.memory_space<vmem_shared>> -> memref<1x4096x128xf32, #tpu.memory_space<vmem_shared>>
      %dma_start3A_710 = tpu.memref_squeeze %dma_start3A_709 : memref<1x4096x128xf32, #tpu.memory_space<vmem_shared>> -> memref<4096x128xf32, #tpu.memory_space<vmem_shared>>
      %dma_start3A_711 = arith.constant 0 : i32
      %dma_start3A_712 = arith.constant 0 : i32
      %dma_start3A_713 = tpu.memref_slice %dma_start3A_710[%dma_start3A_711, %dma_start3A_712] : memref<4096x128xf32, #tpu.memory_space<vmem_shared>> -> memref<4096x128xf32, #tpu.memory_space<vmem_shared>>
      tpu.enqueue_indirect_dma source(%dma_start3A_703 : memref<128x128xf32, #tpu.memory_space<vmem>>) target(%dma_start3A_713 : memref<4096x128xf32, #tpu.memory_space<vmem_shared>>) offsets(%dma_start3A_706 : memref<128xi32, #tpu.memory_space<vmem>>) semaphore(%arg14 : memref<!tpu.dma_semaphore, #tpu.memory_space<semaphore_mem>>) {add = true}
      %mul3A_714 = arith.constant 2 : i32
      %mul3A_715 = arith.muli %mul3A_714, %scan3A_179 : i32
      %add3A_716 = arith.constant 2 : i32
      %add3A_717 = arith.addi %mul3A_715, %add3A_716 : i32
      %mul3A_718 = arith.constant 16 : i32
      %mul3A_719 = arith.muli %add3A, %mul3A_718 : i32
      %add3A_720 = arith.addi %mul3A_719, %add3A_717 : i32
      %mul3A_721 = arith.constant 128 : i32
      %mul3A_722 = arith.muli %add3A_720, %mul3A_721 : i32
      "tpu.region"() ({
        %run_scoped3A_903 = tpu.sem_alloc : memref<!tpu.dma_semaphore, #tpu.memory_space<semaphore_mem>>
        %dma_start3A_904 = tpu.memref_slice %arg3[%mul3A_722] : memref<65664xi32, #tpu.memory_space<hbm>> -> memref<128xi32, #tpu.memory_space<hbm>>
        %dma_start3A_905 = tpu.memref_slice %arg3[%mul3A_722] : memref<65664xi32, #tpu.memory_space<hbm>> -> memref<128xi32, #tpu.memory_space<hbm>>
        tpu.enqueue_dma source(%dma_start3A_905 : memref<128xi32, #tpu.memory_space<hbm>>) target(%arg8 : memref<128xi32, #tpu.memory_space<vmem>>) target_semaphore(%run_scoped3A_903 : memref<!tpu.dma_semaphore, #tpu.memory_space<semaphore_mem>>)
        %dma_wait3A_906 = tpu.memref_slice %arg3[%mul3A_722] : memref<65664xi32, #tpu.memory_space<hbm>> -> memref<128xi32, #tpu.memory_space<hbm>>
        %dma_wait3A_907 = tpu.memref_slice %arg3[%mul3A_722] : memref<65664xi32, #tpu.memory_space<hbm>> -> memref<128xi32, #tpu.memory_space<hbm>>
        tpu.wait_dma2 semaphore(%run_scoped3A_903 : memref<!tpu.dma_semaphore, #tpu.memory_space<semaphore_mem>>) src(%dma_wait3A_907 : memref<128xi32, #tpu.memory_space<hbm>>) dst(%arg8 : memref<128xi32, #tpu.memory_space<vmem>>)
        tpu.yield
      }) : () -> ()
      %run_scoped3A_723 = arith.constant 0 : i32
      "tpu.region"() ({
        %run_scoped3A_903 = tpu.sem_alloc : memref<!tpu.dma_semaphore, #tpu.memory_space<semaphore_mem>>
        %dma_start3A_904 = arith.constant 0 : i32
        %dma_start3A_905 = tpu.memref_slice %arg7[%run_scoped3A_723, %dma_start3A_904] : memref<2x128xi32, #tpu.memory_space<vmem>> -> memref<1x128xi32, #tpu.memory_space<vmem>>
        %dma_start3A_906 = tpu.memref_squeeze %dma_start3A_905 : memref<1x128xi32, #tpu.memory_space<vmem>> -> memref<128xi32, #tpu.memory_space<vmem>>
        %dma_start3A_907 = tpu.memref_slice %arg4[%mul3A_722] : memref<65664xi32, #tpu.memory_space<hbm>> -> memref<128xi32, #tpu.memory_space<hbm>>
        %dma_start3A_908 = arith.constant 0 : i32
        %dma_start3A_909 = tpu.memref_slice %arg7[%run_scoped3A_723, %dma_start3A_908] : memref<2x128xi32, #tpu.memory_space<vmem>> -> memref<1x128xi32, #tpu.memory_space<vmem>>
        %dma_start3A_910 = tpu.memref_squeeze %dma_start3A_909 : memref<1x128xi32, #tpu.memory_space<vmem>> -> memref<128xi32, #tpu.memory_space<vmem>>
        %dma_start3A_911 = tpu.memref_slice %arg4[%mul3A_722] : memref<65664xi32, #tpu.memory_space<hbm>> -> memref<128xi32, #tpu.memory_space<hbm>>
        tpu.enqueue_dma source(%dma_start3A_911 : memref<128xi32, #tpu.memory_space<hbm>>) target(%dma_start3A_910 : memref<128xi32, #tpu.memory_space<vmem>>) target_semaphore(%run_scoped3A_903 : memref<!tpu.dma_semaphore, #tpu.memory_space<semaphore_mem>>)
        %dma_wait3A_912 = arith.constant 0 : i32
        %dma_wait3A_913 = tpu.memref_slice %arg7[%run_scoped3A_723, %dma_wait3A_912] : memref<2x128xi32, #tpu.memory_space<vmem>> -> memref<1x128xi32, #tpu.memory_space<vmem>>
        %dma_wait3A_914 = tpu.memref_squeeze %dma_wait3A_913 : memref<1x128xi32, #tpu.memory_space<vmem>> -> memref<128xi32, #tpu.memory_space<vmem>>
        %dma_wait3A_915 = tpu.memref_slice %arg4[%mul3A_722] : memref<65664xi32, #tpu.memory_space<hbm>> -> memref<128xi32, #tpu.memory_space<hbm>>
        %dma_wait3A_916 = arith.constant 0 : i32
        %dma_wait3A_917 = tpu.memref_slice %arg7[%run_scoped3A_723, %dma_wait3A_916] : memref<2x128xi32, #tpu.memory_space<vmem>> -> memref<1x128xi32, #tpu.memory_space<vmem>>
        %dma_wait3A_918 = tpu.memref_squeeze %dma_wait3A_917 : memref<1x128xi32, #tpu.memory_space<vmem>> -> memref<128xi32, #tpu.memory_space<vmem>>
        %dma_wait3A_919 = tpu.memref_slice %arg4[%mul3A_722] : memref<65664xi32, #tpu.memory_space<hbm>> -> memref<128xi32, #tpu.memory_space<hbm>>
        tpu.wait_dma2 semaphore(%run_scoped3A_903 : memref<!tpu.dma_semaphore, #tpu.memory_space<semaphore_mem>>) src(%dma_wait3A_919 : memref<128xi32, #tpu.memory_space<hbm>>) dst(%dma_wait3A_918 : memref<128xi32, #tpu.memory_space<vmem>>)
        tpu.yield
      }) : () -> ()
      %dma_wait3A_724 = arith.constant 0 : i32
      %dma_wait3A_725 = arith.constant 0 : i32
      %dma_wait3A_726 = arith.constant 0 : i32
      %dma_wait3A_727 = tpu.memref_slice %arg10[%dma_wait3A_724, %dma_wait3A_725, %dma_wait3A_726] : memref<2x128x128xf32, #tpu.memory_space<vmem>> -> memref<1x128x128xf32, #tpu.memory_space<vmem>>
      %dma_wait3A_728 = tpu.memref_squeeze %dma_wait3A_727 : memref<1x128x128xf32, #tpu.memory_space<vmem>> -> memref<128x128xf32, #tpu.memory_space<vmem>>
      %dma_wait3A_729 = arith.constant 0 : i32
      %dma_wait3A_730 = arith.constant 0 : i32
      %dma_wait3A_731 = tpu.memref_slice %arg5[%dma_wait3A_729, %dma_wait3A_730] : memref<256x128xf32, #tpu.memory_space<hbm>> -> memref<128x128xf32, #tpu.memory_space<hbm>>
      %dma_wait3A_732 = arith.constant 0 : i32
      %dma_wait3A_733 = arith.constant 0 : i32
      %dma_wait3A_734 = tpu.memref_slice %arg10[%dma_wait3A_724, %dma_wait3A_732, %dma_wait3A_733] : memref<2x128x128xf32, #tpu.memory_space<vmem>> -> memref<1x128x128xf32, #tpu.memory_space<vmem>>
      %dma_wait3A_735 = tpu.memref_squeeze %dma_wait3A_734 : memref<1x128x128xf32, #tpu.memory_space<vmem>> -> memref<128x128xf32, #tpu.memory_space<vmem>>
      %dma_wait3A_736 = arith.constant 0 : i32
      %dma_wait3A_737 = arith.constant 0 : i32
      %dma_wait3A_738 = tpu.memref_slice %arg5[%dma_wait3A_736, %dma_wait3A_737] : memref<256x128xf32, #tpu.memory_space<hbm>> -> memref<128x128xf32, #tpu.memory_space<hbm>>
      tpu.wait_dma2 semaphore(%arg14 : memref<!tpu.dma_semaphore, #tpu.memory_space<semaphore_mem>>) src(%dma_wait3A_738 : memref<128x128xf32, #tpu.memory_space<hbm>>) dst(%dma_wait3A_735 : memref<128x128xf32, #tpu.memory_space<vmem>>)
      %get3A_739 = arith.constant 0 : index
      %get3A_740 = tpu.vector_load %arg8[%get3A_739] {strides = array<i32>} : memref<128xi32, #tpu.memory_space<vmem>>, vector<16xi32>,
      %get3A_741 = vector.shape_cast %get3A_740 : vector<16xi32> to vector<16xi32>
      %mul3A_742 = arith.constant 2 : i32
      %mul3A_743 = vector.broadcast %mul3A_742 : i32 to vector<16xi32>
      %mul3A_744 = arith.muli %get3A_741, %mul3A_743 : vector<16xi32>
      %add3A_745 = arith.constant 0 : i32
      %add3A_746 = vector.broadcast %add3A_745 : i32 to vector<16xi32>
      %add3A_747 = arith.addi %mul3A_744, %add3A_746 : vector<16xi32>
      %swap3A_748 = arith.constant 0 : i32
      %swap3A_749 = arith.index_cast %swap3A_748 : i32 to index
      %swap3A_750 = arith.constant 0 : index
      %swap3A_751 = tpu.vector_load %arg9[%swap3A_749, %swap3A_750] {strides = array<i32>} : memref<2x128xi32, #tpu.memory_space<vmem>>, vector<1x16xi32>,
      %swap3A_752 = vector.shape_cast %swap3A_751 : vector<1x16xi32> to vector<16xi32>
      %swap3A_753 = vector.shape_cast %add3A_747 : vector<16xi32> to vector<1x16xi32>
      tpu.vector_store %arg9[%swap3A_749, %swap3A_750], %swap3A_753 {strides = array<i32>} : memref<2x128xi32, #tpu.memory_space<vmem>>, vector<1x16xi32>,
      %get3A_754 = arith.constant 16 : index
      %get3A_755 = tpu.vector_load %arg8[%get3A_754] {strides = array<i32>} : memref<128xi32, #tpu.memory_space<vmem>>, vector<16xi32>,
      %get3A_756 = vector.shape_cast %get3A_755 : vector<16xi32> to vector<16xi32>
      %mul3A_757 = arith.constant 2 : i32
      %mul3A_758 = vector.broadcast %mul3A_757 : i32 to vector<16xi32>
      %mul3A_759 = arith.muli %get3A_756, %mul3A_758 : vector<16xi32>
      %add3A_760 = arith.constant 0 : i32
      %add3A_761 = vector.broadcast %add3A_760 : i32 to vector<16xi32>
      %add3A_762 = arith.addi %mul3A_759, %add3A_761 : vector<16xi32>
      %swap3A_763 = arith.constant 0 : i32
      %swap3A_764 = arith.index_cast %swap3A_763 : i32 to index
      %swap3A_765 = arith.constant 16 : index
      %swap3A_766 = tpu.vector_load %arg9[%swap3A_764, %swap3A_765] {strides = array<i32>} : memref<2x128xi32, #tpu.memory_space<vmem>>, vector<1x16xi32>,
      %swap3A_767 = vector.shape_cast %swap3A_766 : vector<1x16xi32> to vector<16xi32>
      %swap3A_768 = vector.shape_cast %add3A_762 : vector<16xi32> to vector<1x16xi32>
      tpu.vector_store %arg9[%swap3A_764, %swap3A_765], %swap3A_768 {strides = array<i32>} : memref<2x128xi32, #tpu.memory_space<vmem>>, vector<1x16xi32>,
      %get3A_769 = arith.constant 32 : index
      %get3A_770 = tpu.vector_load %arg8[%get3A_769] {strides = array<i32>} : memref<128xi32, #tpu.memory_space<vmem>>, vector<16xi32>,
      %get3A_771 = vector.shape_cast %get3A_770 : vector<16xi32> to vector<16xi32>
      %mul3A_772 = arith.constant 2 : i32
      %mul3A_773 = vector.broadcast %mul3A_772 : i32 to vector<16xi32>
      %mul3A_774 = arith.muli %get3A_771, %mul3A_773 : vector<16xi32>
      %add3A_775 = arith.constant 0 : i32
      %add3A_776 = vector.broadcast %add3A_775 : i32 to vector<16xi32>
      %add3A_777 = arith.addi %mul3A_774, %add3A_776 : vector<16xi32>
      %swap3A_778 = arith.constant 0 : i32
      %swap3A_779 = arith.index_cast %swap3A_778 : i32 to index
      %swap3A_780 = arith.constant 32 : index
      %swap3A_781 = tpu.vector_load %arg9[%swap3A_779, %swap3A_780] {strides = array<i32>} : memref<2x128xi32, #tpu.memory_space<vmem>>, vector<1x16xi32>,
      %swap3A_782 = vector.shape_cast %swap3A_781 : vector<1x16xi32> to vector<16xi32>
      %swap3A_783 = vector.shape_cast %add3A_777 : vector<16xi32> to vector<1x16xi32>
      tpu.vector_store %arg9[%swap3A_779, %swap3A_780], %swap3A_783 {strides = array<i32>} : memref<2x128xi32, #tpu.memory_space<vmem>>, vector<1x16xi32>,
      %get3A_784 = arith.constant 48 : index
      %get3A_785 = tpu.vector_load %arg8[%get3A_784] {strides = array<i32>} : memref<128xi32, #tpu.memory_space<vmem>>, vector<16xi32>,
      %get3A_786 = vector.shape_cast %get3A_785 : vector<16xi32> to vector<16xi32>
      %mul3A_787 = arith.constant 2 : i32
      %mul3A_788 = vector.broadcast %mul3A_787 : i32 to vector<16xi32>
      %mul3A_789 = arith.muli %get3A_786, %mul3A_788 : vector<16xi32>
      %add3A_790 = arith.constant 0 : i32
      %add3A_791 = vector.broadcast %add3A_790 : i32 to vector<16xi32>
      %add3A_792 = arith.addi %mul3A_789, %add3A_791 : vector<16xi32>
      %swap3A_793 = arith.constant 0 : i32
      %swap3A_794 = arith.index_cast %swap3A_793 : i32 to index
      %swap3A_795 = arith.constant 48 : index
      %swap3A_796 = tpu.vector_load %arg9[%swap3A_794, %swap3A_795] {strides = array<i32>} : memref<2x128xi32, #tpu.memory_space<vmem>>, vector<1x16xi32>,
      %swap3A_797 = vector.shape_cast %swap3A_796 : vector<1x16xi32> to vector<16xi32>
      %swap3A_798 = vector.shape_cast %add3A_792 : vector<16xi32> to vector<1x16xi32>
      tpu.vector_store %arg9[%swap3A_794, %swap3A_795], %swap3A_798 {strides = array<i32>} : memref<2x128xi32, #tpu.memory_space<vmem>>, vector<1x16xi32>,
      %get3A_799 = arith.constant 64 : index
      %get3A_800 = tpu.vector_load %arg8[%get3A_799] {strides = array<i32>} : memref<128xi32, #tpu.memory_space<vmem>>, vector<16xi32>,
      %get3A_801 = vector.shape_cast %get3A_800 : vector<16xi32> to vector<16xi32>
      %mul3A_802 = arith.constant 2 : i32
      %mul3A_803 = vector.broadcast %mul3A_802 : i32 to vector<16xi32>
      %mul3A_804 = arith.muli %get3A_801, %mul3A_803 : vector<16xi32>
      %add3A_805 = arith.constant 0 : i32
      %add3A_806 = vector.broadcast %add3A_805 : i32 to vector<16xi32>
      %add3A_807 = arith.addi %mul3A_804, %add3A_806 : vector<16xi32>
      %swap3A_808 = arith.constant 0 : i32
      %swap3A_809 = arith.index_cast %swap3A_808 : i32 to index
      %swap3A_810 = arith.constant 64 : index
      %swap3A_811 = tpu.vector_load %arg9[%swap3A_809, %swap3A_810] {strides = array<i32>} : memref<2x128xi32, #tpu.memory_space<vmem>>, vector<1x16xi32>,
      %swap3A_812 = vector.shape_cast %swap3A_811 : vector<1x16xi32> to vector<16xi32>
      %swap3A_813 = vector.shape_cast %add3A_807 : vector<16xi32> to vector<1x16xi32>
      tpu.vector_store %arg9[%swap3A_809, %swap3A_810], %swap3A_813 {strides = array<i32>} : memref<2x128xi32, #tpu.memory_space<vmem>>, vector<1x16xi32>,
      %get3A_814 = arith.constant 80 : index
      %get3A_815 = tpu.vector_load %arg8[%get3A_814] {strides = array<i32>} : memref<128xi32, #tpu.memory_space<vmem>>, vector<16xi32>,
      %get3A_816 = vector.shape_cast %get3A_815 : vector<16xi32> to vector<16xi32>
      %mul3A_817 = arith.constant 2 : i32
      %mul3A_818 = vector.broadcast %mul3A_817 : i32 to vector<16xi32>
      %mul3A_819 = arith.muli %get3A_816, %mul3A_818 : vector<16xi32>
      %add3A_820 = arith.constant 0 : i32
      %add3A_821 = vector.broadcast %add3A_820 : i32 to vector<16xi32>
      %add3A_822 = arith.addi %mul3A_819, %add3A_821 : vector<16xi32>
      %swap3A_823 = arith.constant 0 : i32
      %swap3A_824 = arith.index_cast %swap3A_823 : i32 to index
      %swap3A_825 = arith.constant 80 : index
      %swap3A_826 = tpu.vector_load %arg9[%swap3A_824, %swap3A_825] {strides = array<i32>} : memref<2x128xi32, #tpu.memory_space<vmem>>, vector<1x16xi32>,
      %swap3A_827 = vector.shape_cast %swap3A_826 : vector<1x16xi32> to vector<16xi32>
      %swap3A_828 = vector.shape_cast %add3A_822 : vector<16xi32> to vector<1x16xi32>
      tpu.vector_store %arg9[%swap3A_824, %swap3A_825], %swap3A_828 {strides = array<i32>} : memref<2x128xi32, #tpu.memory_space<vmem>>, vector<1x16xi32>,
      %get3A_829 = arith.constant 96 : index
      %get3A_830 = tpu.vector_load %arg8[%get3A_829] {strides = array<i32>} : memref<128xi32, #tpu.memory_space<vmem>>, vector<16xi32>,
      %get3A_831 = vector.shape_cast %get3A_830 : vector<16xi32> to vector<16xi32>
      %mul3A_832 = arith.constant 2 : i32
      %mul3A_833 = vector.broadcast %mul3A_832 : i32 to vector<16xi32>
      %mul3A_834 = arith.muli %get3A_831, %mul3A_833 : vector<16xi32>
      %add3A_835 = arith.constant 0 : i32
      %add3A_836 = vector.broadcast %add3A_835 : i32 to vector<16xi32>
      %add3A_837 = arith.addi %mul3A_834, %add3A_836 : vector<16xi32>
      %swap3A_838 = arith.constant 0 : i32
      %swap3A_839 = arith.index_cast %swap3A_838 : i32 to index
      %swap3A_840 = arith.constant 96 : index
      %swap3A_841 = tpu.vector_load %arg9[%swap3A_839, %swap3A_840] {strides = array<i32>} : memref<2x128xi32, #tpu.memory_space<vmem>>, vector<1x16xi32>,
      %swap3A_842 = vector.shape_cast %swap3A_841 : vector<1x16xi32> to vector<16xi32>
      %swap3A_843 = vector.shape_cast %add3A_837 : vector<16xi32> to vector<1x16xi32>
      tpu.vector_store %arg9[%swap3A_839, %swap3A_840], %swap3A_843 {strides = array<i32>} : memref<2x128xi32, #tpu.memory_space<vmem>>, vector<1x16xi32>,
      %get3A_844 = arith.constant 112 : index
      %get3A_845 = tpu.vector_load %arg8[%get3A_844] {strides = array<i32>} : memref<128xi32, #tpu.memory_space<vmem>>, vector<16xi32>,
      %get3A_846 = vector.shape_cast %get3A_845 : vector<16xi32> to vector<16xi32>
      %mul3A_847 = arith.constant 2 : i32
      %mul3A_848 = vector.broadcast %mul3A_847 : i32 to vector<16xi32>
      %mul3A_849 = arith.muli %get3A_846, %mul3A_848 : vector<16xi32>
      %add3A_850 = arith.constant 0 : i32
      %add3A_851 = vector.broadcast %add3A_850 : i32 to vector<16xi32>
      %add3A_852 = arith.addi %mul3A_849, %add3A_851 : vector<16xi32>
      %swap3A_853 = arith.constant 0 : i32
      %swap3A_854 = arith.index_cast %swap3A_853 : i32 to index
      %swap3A_855 = arith.constant 112 : index
      %swap3A_856 = tpu.vector_load %arg9[%swap3A_854, %swap3A_855] {strides = array<i32>} : memref<2x128xi32, #tpu.memory_space<vmem>>, vector<1x16xi32>,
      %swap3A_857 = vector.shape_cast %swap3A_856 : vector<1x16xi32> to vector<16xi32>
      %swap3A_858 = vector.shape_cast %add3A_852 : vector<16xi32> to vector<1x16xi32>
      tpu.vector_store %arg9[%swap3A_854, %swap3A_855], %swap3A_858 {strides = array<i32>} : memref<2x128xi32, #tpu.memory_space<vmem>>, vector<1x16xi32>,
      %dma_start3A_859 = arith.constant 0 : i32
      %dma_start3A_860 = arith.constant 0 : i32
      %dma_start3A_861 = arith.constant 0 : i32
      %dma_start3A_862 = arith.constant 0 : i32
      %dma_start3A_863 = tpu.memref_slice %arg10[%dma_start3A_860, %dma_start3A_861, %dma_start3A_862] : memref<2x128x128xf32, #tpu.memory_space<vmem>> -> memref<1x128x128xf32, #tpu.memory_space<vmem>>
      %dma_start3A_864 = tpu.memref_squeeze %dma_start3A_863 : memref<1x128x128xf32, #tpu.memory_space<vmem>> -> memref<128x128xf32, #tpu.memory_space<vmem>>
      %dma_start3A_865 = arith.constant 0 : i32
      %dma_start3A_866 = tpu.memref_slice %arg9[%dma_start3A_859, %dma_start3A_865] : memref<2x128xi32, #tpu.memory_space<vmem>> -> memref<1x128xi32, #tpu.memory_space<vmem>>
      %dma_start3A_867 = tpu.memref_squeeze %dma_start3A_866 : memref<1x128xi32, #tpu.memory_space<vmem>> -> memref<128xi32, #tpu.memory_space<vmem>>
      %dma_start3A_868 = arith.constant 0 : i32
      %dma_start3A_869 = arith.constant 0 : i32
      %dma_start3A_870 = tpu.memref_slice %arg2[%dma_start3A_868, %dma_start3A_869] : memref<20000x128xf32, #tpu.memory_space<hbm>> -> memref<20000x128xf32, #tpu.memory_space<hbm>>
      tpu.enqueue_indirect_dma source(%dma_start3A_870 : memref<20000x128xf32, #tpu.memory_space<hbm>>) target(%dma_start3A_864 : memref<128x128xf32, #tpu.memory_space<vmem>>) offsets(%dma_start3A_867 : memref<128xi32, #tpu.memory_space<vmem>>) semaphore(%arg12 : memref<!tpu.dma_semaphore, #tpu.memory_space<semaphore_mem>>)
      %dma_wait3A_871 = arith.constant 1 : i32
      %dma_wait3A_872 = arith.constant 0 : i32
      %dma_wait3A_873 = arith.constant 0 : i32
      %dma_wait3A_874 = tpu.memref_slice %arg10[%dma_wait3A_871, %dma_wait3A_872, %dma_wait3A_873] : memref<2x128x128xf32, #tpu.memory_space<vmem>> -> memref<1x128x128xf32, #tpu.memory_space<vmem>>
      %dma_wait3A_875 = tpu.memref_squeeze %dma_wait3A_874 : memref<1x128x128xf32, #tpu.memory_space<vmem>> -> memref<128x128xf32, #tpu.memory_space<vmem>>
      %dma_wait3A_876 = arith.constant 0 : i32
      %dma_wait3A_877 = arith.constant 0 : i32
      %dma_wait3A_878 = tpu.memref_slice %arg5[%dma_wait3A_876, %dma_wait3A_877] : memref<256x128xf32, #tpu.memory_space<hbm>> -> memref<128x128xf32, #tpu.memory_space<hbm>>
      %dma_wait3A_879 = arith.constant 0 : i32
      %dma_wait3A_880 = arith.constant 0 : i32
      %dma_wait3A_881 = tpu.memref_slice %arg10[%dma_wait3A_871, %dma_wait3A_879, %dma_wait3A_880] : memref<2x128x128xf32, #tpu.memory_space<vmem>> -> memref<1x128x128xf32, #tpu.memory_space<vmem>>
      %dma_wait3A_882 = tpu.memref_squeeze %dma_wait3A_881 : memref<1x128x128xf32, #tpu.memory_space<vmem>> -> memref<128x128xf32, #tpu.memory_space<vmem>>
      %dma_wait3A_883 = arith.constant 0 : i32
      %dma_wait3A_884 = arith.constant 0 : i32
      %dma_wait3A_885 = tpu.memref_slice %arg5[%dma_wait3A_883, %dma_wait3A_884] : memref<256x128xf32, #tpu.memory_space<hbm>> -> memref<128x128xf32, #tpu.memory_space<hbm>>
      tpu.wait_dma2 semaphore(%arg13 : memref<!tpu.dma_semaphore, #tpu.memory_space<semaphore_mem>>) src(%dma_wait3A_885 : memref<128x128xf32, #tpu.memory_space<hbm>>) dst(%dma_wait3A_882 : memref<128x128xf32, #tpu.memory_space<vmem>>)
      %dma_start3A_886 = arith.constant 1 : i32
      %dma_start3A_887 = arith.constant 1 : i32
      %dma_start3A_888 = arith.constant 1 : i32
      %dma_start3A_889 = arith.constant 0 : i32
      %dma_start3A_890 = arith.constant 0 : i32
      %dma_start3A_891 = tpu.memref_slice %arg10[%dma_start3A_886, %dma_start3A_889, %dma_start3A_890] : memref<2x128x128xf32, #tpu.memory_space<vmem>> -> memref<1x128x128xf32, #tpu.memory_space<vmem>>
      %dma_start3A_892 = tpu.memref_squeeze %dma_start3A_891 : memref<1x128x128xf32, #tpu.memory_space<vmem>> -> memref<128x128xf32, #tpu.memory_space<vmem>>
      %dma_start3A_893 = arith.constant 0 : i32
      %dma_start3A_894 = tpu.memref_slice %arg7[%dma_start3A_888, %dma_start3A_893] : memref<2x128xi32, #tpu.memory_space<vmem>> -> memref<1x128xi32, #tpu.memory_space<vmem>>
      %dma_start3A_895 = tpu.memref_squeeze %dma_start3A_894 : memref<1x128xi32, #tpu.memory_space<vmem>> -> memref<128xi32, #tpu.memory_space<vmem>>
      %dma_start3A_896 = arith.constant 0 : i32
      %dma_start3A_897 = arith.constant 0 : i32
      %dma_start3A_898 = tpu.memref_slice %arg11[%dma_start3A_887, %dma_start3A_896, %dma_start3A_897] : memref<2x4096x128xf32, #tpu.memory_space<vmem_shared>> -> memref<1x4096x128xf32, #tpu.memory_space<vmem_shared>>
      %dma_start3A_899 = tpu.memref_squeeze %dma_start3A_898 : memref<1x4096x128xf32, #tpu.memory_space<vmem_shared>> -> memref<4096x128xf32, #tpu.memory_space<vmem_shared>>
      %dma_start3A_900 = arith.constant 0 : i32
      %dma_start3A_901 = arith.constant 0 : i32
      %dma_start3A_902 = tpu.memref_slice %dma_start3A_899[%dma_start3A_900, %dma_start3A_901] : memref<4096x128xf32, #tpu.memory_space<vmem_shared>> -> memref<4096x128xf32, #tpu.memory_space<vmem_shared>>
      tpu.enqueue_indirect_dma source(%dma_start3A_892 : memref<128x128xf32, #tpu.memory_space<vmem>>) target(%dma_start3A_902 : memref<4096x128xf32, #tpu.memory_space<vmem_shared>>) offsets(%dma_start3A_895 : memref<128xi32, #tpu.memory_space<vmem>>) semaphore(%arg15 : memref<!tpu.dma_semaphore, #tpu.memory_space<semaphore_mem>>) {add = true}
    }
    %scan3A_144 = arith.constant 8 : i32
    %dma_wait3A = arith.constant 1 : i32
    %dma_wait3A_145 = arith.constant 0 : i32
    %dma_wait3A_146 = arith.constant 0 : i32
    %dma_wait3A_147 = tpu.memref_slice %arg10[%dma_wait3A, %dma_wait3A_145, %dma_wait3A_146] : memref<2x128x128xf32, #tpu.memory_space<vmem>> -> memref<1x128x128xf32, #tpu.memory_space<vmem>>
    %dma_wait3A_148 = tpu.memref_squeeze %dma_wait3A_147 : memref<1x128x128xf32, #tpu.memory_space<vmem>> -> memref<128x128xf32, #tpu.memory_space<vmem>>
    %dma_wait3A_149 = arith.constant 0 : i32
    %dma_wait3A_150 = arith.constant 0 : i32
    %dma_wait3A_151 = tpu.memref_slice %arg5[%dma_wait3A_149, %dma_wait3A_150] : memref<256x128xf32, #tpu.memory_space<hbm>> -> memref<128x128xf32, #tpu.memory_space<hbm>>
    %dma_wait3A_152 = arith.constant 0 : i32
    %dma_wait3A_153 = arith.constant 0 : i32
    %dma_wait3A_154 = tpu.memref_slice %arg10[%dma_wait3A, %dma_wait3A_152, %dma_wait3A_153] : memref<2x128x128xf32, #tpu.memory_space<vmem>> -> memref<1x128x128xf32, #tpu.memory_space<vmem>>
    %dma_wait3A_155 = tpu.memref_squeeze %dma_wait3A_154 : memref<1x128x128xf32, #tpu.memory_space<vmem>> -> memref<128x128xf32, #tpu.memory_space<vmem>>
    %dma_wait3A_156 = arith.constant 0 : i32
    %dma_wait3A_157 = arith.constant 0 : i32
    %dma_wait3A_158 = tpu.memref_slice %arg5[%dma_wait3A_156, %dma_wait3A_157] : memref<256x128xf32, #tpu.memory_space<hbm>> -> memref<128x128xf32, #tpu.memory_space<hbm>>
    tpu.wait_dma2 semaphore(%arg15 : memref<!tpu.dma_semaphore, #tpu.memory_space<semaphore_mem>>) src(%dma_wait3A_158 : memref<128x128xf32, #tpu.memory_space<hbm>>) dst(%dma_wait3A_155 : memref<128x128xf32, #tpu.memory_space<vmem>>)
    %dma_wait3A_159 = arith.constant 0 : i32
    %dma_wait3A_160 = arith.constant 0 : i32
    %dma_wait3A_161 = arith.constant 0 : i32
    %dma_wait3A_162 = tpu.memref_slice %arg10[%dma_wait3A_159, %dma_wait3A_160, %dma_wait3A_161] : memref<2x128x128xf32, #tpu.memory_space<vmem>> -> memref<1x128x128xf32, #tpu.memory_space<vmem>>
    %dma_wait3A_163 = tpu.memref_squeeze %dma_wait3A_162 : memref<1x128x128xf32, #tpu.memory_space<vmem>> -> memref<128x128xf32, #tpu.memory_space<vmem>>
    %dma_wait3A_164 = arith.constant 0 : i32
    %dma_wait3A_165 = arith.constant 0 : i32
    %dma_wait3A_166 = tpu.memref_slice %arg5[%dma_wait3A_164, %dma_wait3A_165] : memref<256x128xf32, #tpu.memory_space<hbm>> -> memref<128x128xf32, #tpu.memory_space<hbm>>
    %dma_wait3A_167 = arith.constant 0 : i32
    %dma_wait3A_168 = arith.constant 0 : i32
    %dma_wait3A_169 = tpu.memref_slice %arg10[%dma_wait3A_159, %dma_wait3A_167, %dma_wait3A_168] : memref<2x128x128xf32, #tpu.memory_space<vmem>> -> memref<1x128x128xf32, #tpu.memory_space<vmem>>
    %dma_wait3A_170 = tpu.memref_squeeze %dma_wait3A_169 : memref<1x128x128xf32, #tpu.memory_space<vmem>> -> memref<128x128xf32, #tpu.memory_space<vmem>>
    %dma_wait3A_171 = arith.constant 0 : i32
    %dma_wait3A_172 = arith.constant 0 : i32
    %dma_wait3A_173 = tpu.memref_slice %arg5[%dma_wait3A_171, %dma_wait3A_172] : memref<256x128xf32, #tpu.memory_space<hbm>> -> memref<128x128xf32, #tpu.memory_space<hbm>>
    tpu.wait_dma2 semaphore(%arg12 : memref<!tpu.dma_semaphore, #tpu.memory_space<semaphore_mem>>) src(%dma_wait3A_173 : memref<128x128xf32, #tpu.memory_space<hbm>>) dst(%dma_wait3A_170 : memref<128x128xf32, #tpu.memory_space<vmem>>)
    %barrier3A_174 = arith.constant 0 : index
    tpu.barrier barrier_id(%barrier3A_174)
    %run_scoped3A_175 = arith.constant 0 : i32
    %run_scoped3A_176 = arith.constant 0 : i32
    "tpu.region"() ({
      %run_scoped3A_179 = tpu.sem_alloc : memref<!tpu.dma_semaphore, #tpu.memory_space<semaphore_mem>>
      %dma_start3A_180 = arith.constant 0 : i32
      %dma_start3A_181 = tpu.memref_slice %arg6[%arg0, %run_scoped3A_176, %mul3A_2, %dma_start3A_180] : memref<2x2x4096x128xf32, #tpu.memory_space<hbm>> -> memref<1x1x256x128xf32, #tpu.memory_space<hbm>>
      %dma_start3A_182 = tpu.memref_squeeze %dma_start3A_181 : memref<1x1x256x128xf32, #tpu.memory_space<hbm>> -> memref<256x128xf32, #tpu.memory_space<hbm>>
      %dma_start3A_183 = arith.constant 0 : i32
      %dma_start3A_184 = tpu.memref_slice %arg11[%run_scoped3A_175, %mul3A_2, %dma_start3A_183] : memref<2x4096x128xf32, #tpu.memory_space<vmem_shared>> -> memref<1x256x128xf32, #tpu.memory_space<vmem_shared>>
      %dma_start3A_185 = tpu.memref_squeeze %dma_start3A_184 : memref<1x256x128xf32, #tpu.memory_space<vmem_shared>> -> memref<256x128xf32, #tpu.memory_space<vmem_shared>>
      tpu.enqueue_dma source(%dma_start3A_185 : memref<256x128xf32, #tpu.memory_space<vmem_shared>>) target(%dma_start3A_182 : memref<256x128xf32, #tpu.memory_space<hbm>>) target_semaphore(%run_scoped3A_179 : memref<!tpu.dma_semaphore, #tpu.memory_space<semaphore_mem>>)
      %dma_wait3A_186 = arith.constant 0 : i32
      %dma_wait3A_187 = tpu.memref_slice %arg6[%arg0, %run_scoped3A_176, %mul3A_2, %dma_wait3A_186] : memref<2x2x4096x128xf32, #tpu.memory_space<hbm>> -> memref<1x1x256x128xf32, #tpu.memory_space<hbm>>
      %dma_wait3A_188 = tpu.memref_squeeze %dma_wait3A_187 : memref<1x1x256x128xf32, #tpu.memory_space<hbm>> -> memref<256x128xf32, #tpu.memory_space<hbm>>
      %dma_wait3A_189 = arith.constant 0 : i32
      %dma_wait3A_190 = tpu.memref_slice %arg11[%run_scoped3A_175, %mul3A_2, %dma_wait3A_189] : memref<2x4096x128xf32, #tpu.memory_space<vmem_shared>> -> memref<1x256x128xf32, #tpu.memory_space<vmem_shared>>
      %dma_wait3A_191 = tpu.memref_squeeze %dma_wait3A_190 : memref<1x256x128xf32, #tpu.memory_space<vmem_shared>> -> memref<256x128xf32, #tpu.memory_space<vmem_shared>>
      tpu.wait_dma2 semaphore(%run_scoped3A_179 : memref<!tpu.dma_semaphore, #tpu.memory_space<semaphore_mem>>) src(%dma_wait3A_191 : memref<256x128xf32, #tpu.memory_space<vmem_shared>>) dst(%dma_wait3A_188 : memref<256x128xf32, #tpu.memory_space<hbm>>)
      tpu.yield
    }) : () -> ()
    %run_scoped3A_177 = arith.constant 1 : i32
    %run_scoped3A_178 = arith.constant 1 : i32
    "tpu.region"() ({
      %run_scoped3A_179 = tpu.sem_alloc : memref<!tpu.dma_semaphore, #tpu.memory_space<semaphore_mem>>
      %dma_start3A_180 = arith.constant 0 : i32
      %dma_start3A_181 = tpu.memref_slice %arg6[%arg0, %run_scoped3A_178, %mul3A_2, %dma_start3A_180] : memref<2x2x4096x128xf32, #tpu.memory_space<hbm>> -> memref<1x1x256x128xf32, #tpu.memory_space<hbm>>
      %dma_start3A_182 = tpu.memref_squeeze %dma_start3A_181 : memref<1x1x256x128xf32, #tpu.memory_space<hbm>> -> memref<256x128xf32, #tpu.memory_space<hbm>>
      %dma_start3A_183 = arith.constant 0 : i32
      %dma_start3A_184 = tpu.memref_slice %arg11[%run_scoped3A_177, %mul3A_2, %dma_start3A_183] : memref<2x4096x128xf32, #tpu.memory_space<vmem_shared>> -> memref<1x256x128xf32, #tpu.memory_space<vmem_shared>>
      %dma_start3A_185 = tpu.memref_squeeze %dma_start3A_184 : memref<1x256x128xf32, #tpu.memory_space<vmem_shared>> -> memref<256x128xf32, #tpu.memory_space<vmem_shared>>
      tpu.enqueue_dma source(%dma_start3A_185 : memref<256x128xf32, #tpu.memory_space<vmem_shared>>) target(%dma_start3A_182 : memref<256x128xf32, #tpu.memory_space<hbm>>) target_semaphore(%run_scoped3A_179 : memref<!tpu.dma_semaphore, #tpu.memory_space<semaphore_mem>>)
      %dma_wait3A_186 = arith.constant 0 : i32
      %dma_wait3A_187 = tpu.memref_slice %arg6[%arg0, %run_scoped3A_178, %mul3A_2, %dma_wait3A_186] : memref<2x2x4096x128xf32, #tpu.memory_space<hbm>> -> memref<1x1x256x128xf32, #tpu.memory_space<hbm>>
      %dma_wait3A_188 = tpu.memref_squeeze %dma_wait3A_187 : memref<1x1x256x128xf32, #tpu.memory_space<hbm>> -> memref<256x128xf32, #tpu.memory_space<hbm>>
      %dma_wait3A_189 = arith.constant 0 : i32
      %dma_wait3A_190 = tpu.memref_slice %arg11[%run_scoped3A_177, %mul3A_2, %dma_wait3A_189] : memref<2x4096x128xf32, #tpu.memory_space<vmem_shared>> -> memref<1x256x128xf32, #tpu.memory_space<vmem_shared>>
      %dma_wait3A_191 = tpu.memref_squeeze %dma_wait3A_190 : memref<1x256x128xf32, #tpu.memory_space<vmem_shared>> -> memref<256x128xf32, #tpu.memory_space<vmem_shared>>
      tpu.wait_dma2 semaphore(%run_scoped3A_179 : memref<!tpu.dma_semaphore, #tpu.memory_space<semaphore_mem>>) src(%dma_wait3A_191 : memref<256x128xf32, #tpu.memory_space<vmem_shared>>) dst(%dma_wait3A_188 : memref<256x128xf32, #tpu.memory_space<hbm>>)
      tpu.yield
    }) : () -> ()
    return
  }
}

#map = affine_map<(d0, d1) -> (0, 0)>
#map1 = affine_map<(d0, d1) -> (0)>
#map2 = affine_map<(d0, d1) -> (0, 0, 0, 0)>
module attributes {stable_mosaic.version = 14 : i64} {
  func.func @agg(%arg0: i32, %arg1: i32, %arg2: memref<8192x128xf32, #tpu.memory_space<hbm>>, %arg3: memref<16512xi32, #tpu.memory_space<hbm>>, %arg4: memref<16512xi32, #tpu.memory_space<hbm>>, %arg5: memref<256x128xf32, #tpu.memory_space<hbm>>, %arg6: memref<2x2x1024x128xf32, #tpu.memory_space<hbm>>, %arg7: memref<2x128xi32, #tpu.memory_space<vmem>>, %arg8: memref<128xi32, #tpu.memory_space<vmem>>, %arg9: memref<2x128xi32, #tpu.memory_space<vmem>>, %arg10: memref<2x128x128xf32, #tpu.memory_space<vmem>>, %arg11: memref<2x1024x128xf32, #tpu.memory_space<vmem_shared>>, %arg12: memref<!tpu.dma_semaphore, #tpu.memory_space<semaphore_mem>>, %arg13: memref<!tpu.dma_semaphore, #tpu.memory_space<semaphore_mem>>, %arg14: memref<!tpu.dma_semaphore, #tpu.memory_space<semaphore_mem>>, %arg15: memref<!tpu.dma_semaphore, #tpu.memory_space<semaphore_mem>>) attributes {dimension_semantics = [#tpu.dimension_semantics<core_parallel>, #tpu.dimension_semantics<subcore_parallel>], iteration_bounds = array<i64: 2, 16>, scalar_prefetch = 0 : i64, scratch_operands = 9 : i64, tpu.core_type = #tpu.core_type<sc_vector_subcore>, window_params = [{transform_indices = #map}, {transform_indices = #map1}, {transform_indices = #map1}, {transform_indices = #map}, {transform_indices = #map2}]} {
    %mul3A = arith.constant 16 : i32
    %mul3A_0 = arith.muli %arg0, %mul3A : i32
    %add3A = arith.addi %mul3A_0, %arg1 : i32
    %mul3A_1 = arith.constant 64 : i32
    %mul3A_2 = arith.muli %arg1, %mul3A_1 : i32
    %run_scoped3A = arith.constant 0 : i32
    "tpu.region"() ({
      %run_scoped3A_179 = tpu.sem_alloc : memref<!tpu.dma_semaphore, #tpu.memory_space<semaphore_mem>>
      %dma_start3A_180 = arith.constant 0 : i32
      %dma_start3A_181 = tpu.memref_slice %arg11[%run_scoped3A, %mul3A_2, %dma_start3A_180] : memref<2x1024x128xf32, #tpu.memory_space<vmem_shared>> -> memref<1x64x128xf32, #tpu.memory_space<vmem_shared>>
      %dma_start3A_182 = tpu.memref_squeeze %dma_start3A_181 : memref<1x64x128xf32, #tpu.memory_space<vmem_shared>> -> memref<64x128xf32, #tpu.memory_space<vmem_shared>>
      %dma_start3A_183 = arith.constant 0 : i32
      %dma_start3A_184 = arith.constant 0 : i32
      %dma_start3A_185 = tpu.memref_slice %arg5[%dma_start3A_183, %dma_start3A_184] : memref<256x128xf32, #tpu.memory_space<hbm>> -> memref<64x128xf32, #tpu.memory_space<hbm>>
      tpu.enqueue_dma source(%dma_start3A_185 : memref<64x128xf32, #tpu.memory_space<hbm>>) target(%dma_start3A_182 : memref<64x128xf32, #tpu.memory_space<vmem_shared>>) target_semaphore(%run_scoped3A_179 : memref<!tpu.dma_semaphore, #tpu.memory_space<semaphore_mem>>)
      %dma_wait3A_186 = arith.constant 0 : i32
      %dma_wait3A_187 = tpu.memref_slice %arg11[%run_scoped3A, %mul3A_2, %dma_wait3A_186] : memref<2x1024x128xf32, #tpu.memory_space<vmem_shared>> -> memref<1x64x128xf32, #tpu.memory_space<vmem_shared>>
      %dma_wait3A_188 = tpu.memref_squeeze %dma_wait3A_187 : memref<1x64x128xf32, #tpu.memory_space<vmem_shared>> -> memref<64x128xf32, #tpu.memory_space<vmem_shared>>
      %dma_wait3A_189 = arith.constant 0 : i32
      %dma_wait3A_190 = arith.constant 0 : i32
      %dma_wait3A_191 = tpu.memref_slice %arg5[%dma_wait3A_189, %dma_wait3A_190] : memref<256x128xf32, #tpu.memory_space<hbm>> -> memref<64x128xf32, #tpu.memory_space<hbm>>
      tpu.wait_dma2 semaphore(%run_scoped3A_179 : memref<!tpu.dma_semaphore, #tpu.memory_space<semaphore_mem>>) src(%dma_wait3A_191 : memref<64x128xf32, #tpu.memory_space<hbm>>) dst(%dma_wait3A_188 : memref<64x128xf32, #tpu.memory_space<vmem_shared>>)
      tpu.yield
    }) : () -> ()
    %run_scoped3A_3 = arith.constant 1 : i32
    "tpu.region"() ({
      %run_scoped3A_179 = tpu.sem_alloc : memref<!tpu.dma_semaphore, #tpu.memory_space<semaphore_mem>>
      %dma_start3A_180 = arith.constant 0 : i32
      %dma_start3A_181 = tpu.memref_slice %arg11[%run_scoped3A_3, %mul3A_2, %dma_start3A_180] : memref<2x1024x128xf32, #tpu.memory_space<vmem_shared>> -> memref<1x64x128xf32, #tpu.memory_space<vmem_shared>>
      %dma_start3A_182 = tpu.memref_squeeze %dma_start3A_181 : memref<1x64x128xf32, #tpu.memory_space<vmem_shared>> -> memref<64x128xf32, #tpu.memory_space<vmem_shared>>
      %dma_start3A_183 = arith.constant 0 : i32
      %dma_start3A_184 = arith.constant 0 : i32
      %dma_start3A_185 = tpu.memref_slice %arg5[%dma_start3A_183, %dma_start3A_184] : memref<256x128xf32, #tpu.memory_space<hbm>> -> memref<64x128xf32, #tpu.memory_space<hbm>>
      tpu.enqueue_dma source(%dma_start3A_185 : memref<64x128xf32, #tpu.memory_space<hbm>>) target(%dma_start3A_182 : memref<64x128xf32, #tpu.memory_space<vmem_shared>>) target_semaphore(%run_scoped3A_179 : memref<!tpu.dma_semaphore, #tpu.memory_space<semaphore_mem>>)
      %dma_wait3A_186 = arith.constant 0 : i32
      %dma_wait3A_187 = tpu.memref_slice %arg11[%run_scoped3A_3, %mul3A_2, %dma_wait3A_186] : memref<2x1024x128xf32, #tpu.memory_space<vmem_shared>> -> memref<1x64x128xf32, #tpu.memory_space<vmem_shared>>
      %dma_wait3A_188 = tpu.memref_squeeze %dma_wait3A_187 : memref<1x64x128xf32, #tpu.memory_space<vmem_shared>> -> memref<64x128xf32, #tpu.memory_space<vmem_shared>>
      %dma_wait3A_189 = arith.constant 0 : i32
      %dma_wait3A_190 = arith.constant 0 : i32
      %dma_wait3A_191 = tpu.memref_slice %arg5[%dma_wait3A_189, %dma_wait3A_190] : memref<256x128xf32, #tpu.memory_space<hbm>> -> memref<64x128xf32, #tpu.memory_space<hbm>>
      tpu.wait_dma2 semaphore(%run_scoped3A_179 : memref<!tpu.dma_semaphore, #tpu.memory_space<semaphore_mem>>) src(%dma_wait3A_191 : memref<64x128xf32, #tpu.memory_space<hbm>>) dst(%dma_wait3A_188 : memref<64x128xf32, #tpu.memory_space<vmem_shared>>)
      tpu.yield
    }) : () -> ()
    %barrier3A = arith.constant 0 : index
    tpu.barrier barrier_id(%barrier3A)
    %mul3A_4 = arith.constant 4 : i32
    %mul3A_5 = arith.muli %add3A, %mul3A_4 : i32
    %add3A_6 = arith.constant 0 : i32
    %add3A_7 = arith.addi %mul3A_5, %add3A_6 : i32
    %mul3A_8 = arith.constant 128 : i32
    %mul3A_9 = arith.muli %add3A_7, %mul3A_8 : i32
    "tpu.region"() ({
      %run_scoped3A_179 = tpu.sem_alloc : memref<!tpu.dma_semaphore, #tpu.memory_space<semaphore_mem>>
      %dma_start3A_180 = tpu.memref_slice %arg3[%mul3A_9] : memref<16512xi32, #tpu.memory_space<hbm>> -> memref<128xi32, #tpu.memory_space<hbm>>
      %dma_start3A_181 = tpu.memref_slice %arg3[%mul3A_9] : memref<16512xi32, #tpu.memory_space<hbm>> -> memref<128xi32, #tpu.memory_space<hbm>>
      tpu.enqueue_dma source(%dma_start3A_181 : memref<128xi32, #tpu.memory_space<hbm>>) target(%arg8 : memref<128xi32, #tpu.memory_space<vmem>>) target_semaphore(%run_scoped3A_179 : memref<!tpu.dma_semaphore, #tpu.memory_space<semaphore_mem>>)
      %dma_wait3A_182 = tpu.memref_slice %arg3[%mul3A_9] : memref<16512xi32, #tpu.memory_space<hbm>> -> memref<128xi32, #tpu.memory_space<hbm>>
      %dma_wait3A_183 = tpu.memref_slice %arg3[%mul3A_9] : memref<16512xi32, #tpu.memory_space<hbm>> -> memref<128xi32, #tpu.memory_space<hbm>>
      tpu.wait_dma2 semaphore(%run_scoped3A_179 : memref<!tpu.dma_semaphore, #tpu.memory_space<semaphore_mem>>) src(%dma_wait3A_183 : memref<128xi32, #tpu.memory_space<hbm>>) dst(%arg8 : memref<128xi32, #tpu.memory_space<vmem>>)
      tpu.yield
    }) : () -> ()
    %run_scoped3A_10 = arith.constant 0 : i32
    "tpu.region"() ({
      %run_scoped3A_179 = tpu.sem_alloc : memref<!tpu.dma_semaphore, #tpu.memory_space<semaphore_mem>>
      %dma_start3A_180 = arith.constant 0 : i32
      %dma_start3A_181 = tpu.memref_slice %arg7[%run_scoped3A_10, %dma_start3A_180] : memref<2x128xi32, #tpu.memory_space<vmem>> -> memref<1x128xi32, #tpu.memory_space<vmem>>
      %dma_start3A_182 = tpu.memref_squeeze %dma_start3A_181 : memref<1x128xi32, #tpu.memory_space<vmem>> -> memref<128xi32, #tpu.memory_space<vmem>>
      %dma_start3A_183 = tpu.memref_slice %arg4[%mul3A_9] : memref<16512xi32, #tpu.memory_space<hbm>> -> memref<128xi32, #tpu.memory_space<hbm>>
      %dma_start3A_184 = arith.constant 0 : i32
      %dma_start3A_185 = tpu.memref_slice %arg7[%run_scoped3A_10, %dma_start3A_184] : memref<2x128xi32, #tpu.memory_space<vmem>> -> memref<1x128xi32, #tpu.memory_space<vmem>>
      %dma_start3A_186 = tpu.memref_squeeze %dma_start3A_185 : memref<1x128xi32, #tpu.memory_space<vmem>> -> memref<128xi32, #tpu.memory_space<vmem>>
      %dma_start3A_187 = tpu.memref_slice %arg4[%mul3A_9] : memref<16512xi32, #tpu.memory_space<hbm>> -> memref<128xi32, #tpu.memory_space<hbm>>
      tpu.enqueue_dma source(%dma_start3A_187 : memref<128xi32, #tpu.memory_space<hbm>>) target(%dma_start3A_186 : memref<128xi32, #tpu.memory_space<vmem>>) target_semaphore(%run_scoped3A_179 : memref<!tpu.dma_semaphore, #tpu.memory_space<semaphore_mem>>)
      %dma_wait3A_188 = arith.constant 0 : i32
      %dma_wait3A_189 = tpu.memref_slice %arg7[%run_scoped3A_10, %dma_wait3A_188] : memref<2x128xi32, #tpu.memory_space<vmem>> -> memref<1x128xi32, #tpu.memory_space<vmem>>
      %dma_wait3A_190 = tpu.memref_squeeze %dma_wait3A_189 : memref<1x128xi32, #tpu.memory_space<vmem>> -> memref<128xi32, #tpu.memory_space<vmem>>
      %dma_wait3A_191 = tpu.memref_slice %arg4[%mul3A_9] : memref<16512xi32, #tpu.memory_space<hbm>> -> memref<128xi32, #tpu.memory_space<hbm>>
      %dma_wait3A_192 = arith.constant 0 : i32
      %dma_wait3A_193 = tpu.memref_slice %arg7[%run_scoped3A_10, %dma_wait3A_192] : memref<2x128xi32, #tpu.memory_space<vmem>> -> memref<1x128xi32, #tpu.memory_space<vmem>>
      %dma_wait3A_194 = tpu.memref_squeeze %dma_wait3A_193 : memref<1x128xi32, #tpu.memory_space<vmem>> -> memref<128xi32, #tpu.memory_space<vmem>>
      %dma_wait3A_195 = tpu.memref_slice %arg4[%mul3A_9] : memref<16512xi32, #tpu.memory_space<hbm>> -> memref<128xi32, #tpu.memory_space<hbm>>
      tpu.wait_dma2 semaphore(%run_scoped3A_179 : memref<!tpu.dma_semaphore, #tpu.memory_space<semaphore_mem>>) src(%dma_wait3A_195 : memref<128xi32, #tpu.memory_space<hbm>>) dst(%dma_wait3A_194 : memref<128xi32, #tpu.memory_space<vmem>>)
      tpu.yield
    }) : () -> ()
    %get3A = arith.constant 0 : index
    %get3A_11 = tpu.vector_load %arg8[%get3A] {strides = array<i32>} : memref<128xi32, #tpu.memory_space<vmem>>, vector<16xi32>,
    %get3A_12 = vector.shape_cast %get3A_11 : vector<16xi32> to vector<16xi32>
    %mul3A_13 = arith.constant 2 : i32
    %mul3A_14 = vector.broadcast %mul3A_13 : i32 to vector<16xi32>
    %mul3A_15 = arith.muli %get3A_12, %mul3A_14 : vector<16xi32>
    %add3A_16 = arith.constant 0 : i32
    %add3A_17 = vector.broadcast %add3A_16 : i32 to vector<16xi32>
    %add3A_18 = arith.addi %mul3A_15, %add3A_17 : vector<16xi32>
    %swap3A = arith.constant 0 : i32
    %swap3A_19 = arith.index_cast %swap3A : i32 to index
    %swap3A_20 = arith.constant 0 : index
    %swap3A_21 = tpu.vector_load %arg9[%swap3A_19, %swap3A_20] {strides = array<i32>} : memref<2x128xi32, #tpu.memory_space<vmem>>, vector<1x16xi32>,
    %swap3A_22 = vector.shape_cast %swap3A_21 : vector<1x16xi32> to vector<16xi32>
    %swap3A_23 = vector.shape_cast %add3A_18 : vector<16xi32> to vector<1x16xi32>
    tpu.vector_store %arg9[%swap3A_19, %swap3A_20], %swap3A_23 {strides = array<i32>} : memref<2x128xi32, #tpu.memory_space<vmem>>, vector<1x16xi32>,
    %get3A_24 = arith.constant 16 : index
    %get3A_25 = tpu.vector_load %arg8[%get3A_24] {strides = array<i32>} : memref<128xi32, #tpu.memory_space<vmem>>, vector<16xi32>,
    %get3A_26 = vector.shape_cast %get3A_25 : vector<16xi32> to vector<16xi32>
    %mul3A_27 = arith.constant 2 : i32
    %mul3A_28 = vector.broadcast %mul3A_27 : i32 to vector<16xi32>
    %mul3A_29 = arith.muli %get3A_26, %mul3A_28 : vector<16xi32>
    %add3A_30 = arith.constant 0 : i32
    %add3A_31 = vector.broadcast %add3A_30 : i32 to vector<16xi32>
    %add3A_32 = arith.addi %mul3A_29, %add3A_31 : vector<16xi32>
    %swap3A_33 = arith.constant 0 : i32
    %swap3A_34 = arith.index_cast %swap3A_33 : i32 to index
    %swap3A_35 = arith.constant 16 : index
    %swap3A_36 = tpu.vector_load %arg9[%swap3A_34, %swap3A_35] {strides = array<i32>} : memref<2x128xi32, #tpu.memory_space<vmem>>, vector<1x16xi32>,
    %swap3A_37 = vector.shape_cast %swap3A_36 : vector<1x16xi32> to vector<16xi32>
    %swap3A_38 = vector.shape_cast %add3A_32 : vector<16xi32> to vector<1x16xi32>
    tpu.vector_store %arg9[%swap3A_34, %swap3A_35], %swap3A_38 {strides = array<i32>} : memref<2x128xi32, #tpu.memory_space<vmem>>, vector<1x16xi32>,
    %get3A_39 = arith.constant 32 : index
    %get3A_40 = tpu.vector_load %arg8[%get3A_39] {strides = array<i32>} : memref<128xi32, #tpu.memory_space<vmem>>, vector<16xi32>,
    %get3A_41 = vector.shape_cast %get3A_40 : vector<16xi32> to vector<16xi32>
    %mul3A_42 = arith.constant 2 : i32
    %mul3A_43 = vector.broadcast %mul3A_42 : i32 to vector<16xi32>
    %mul3A_44 = arith.muli %get3A_41, %mul3A_43 : vector<16xi32>
    %add3A_45 = arith.constant 0 : i32
    %add3A_46 = vector.broadcast %add3A_45 : i32 to vector<16xi32>
    %add3A_47 = arith.addi %mul3A_44, %add3A_46 : vector<16xi32>
    %swap3A_48 = arith.constant 0 : i32
    %swap3A_49 = arith.index_cast %swap3A_48 : i32 to index
    %swap3A_50 = arith.constant 32 : index
    %swap3A_51 = tpu.vector_load %arg9[%swap3A_49, %swap3A_50] {strides = array<i32>} : memref<2x128xi32, #tpu.memory_space<vmem>>, vector<1x16xi32>,
    %swap3A_52 = vector.shape_cast %swap3A_51 : vector<1x16xi32> to vector<16xi32>
    %swap3A_53 = vector.shape_cast %add3A_47 : vector<16xi32> to vector<1x16xi32>
    tpu.vector_store %arg9[%swap3A_49, %swap3A_50], %swap3A_53 {strides = array<i32>} : memref<2x128xi32, #tpu.memory_space<vmem>>, vector<1x16xi32>,
    %get3A_54 = arith.constant 48 : index
    %get3A_55 = tpu.vector_load %arg8[%get3A_54] {strides = array<i32>} : memref<128xi32, #tpu.memory_space<vmem>>, vector<16xi32>,
    %get3A_56 = vector.shape_cast %get3A_55 : vector<16xi32> to vector<16xi32>
    %mul3A_57 = arith.constant 2 : i32
    %mul3A_58 = vector.broadcast %mul3A_57 : i32 to vector<16xi32>
    %mul3A_59 = arith.muli %get3A_56, %mul3A_58 : vector<16xi32>
    %add3A_60 = arith.constant 0 : i32
    %add3A_61 = vector.broadcast %add3A_60 : i32 to vector<16xi32>
    %add3A_62 = arith.addi %mul3A_59, %add3A_61 : vector<16xi32>
    %swap3A_63 = arith.constant 0 : i32
    %swap3A_64 = arith.index_cast %swap3A_63 : i32 to index
    %swap3A_65 = arith.constant 48 : index
    %swap3A_66 = tpu.vector_load %arg9[%swap3A_64, %swap3A_65] {strides = array<i32>} : memref<2x128xi32, #tpu.memory_space<vmem>>, vector<1x16xi32>,
    %swap3A_67 = vector.shape_cast %swap3A_66 : vector<1x16xi32> to vector<16xi32>
    %swap3A_68 = vector.shape_cast %add3A_62 : vector<16xi32> to vector<1x16xi32>
    tpu.vector_store %arg9[%swap3A_64, %swap3A_65], %swap3A_68 {strides = array<i32>} : memref<2x128xi32, #tpu.memory_space<vmem>>, vector<1x16xi32>,
    %get3A_69 = arith.constant 64 : index
    %get3A_70 = tpu.vector_load %arg8[%get3A_69] {strides = array<i32>} : memref<128xi32, #tpu.memory_space<vmem>>, vector<16xi32>,
    %get3A_71 = vector.shape_cast %get3A_70 : vector<16xi32> to vector<16xi32>
    %mul3A_72 = arith.constant 2 : i32
    %mul3A_73 = vector.broadcast %mul3A_72 : i32 to vector<16xi32>
    %mul3A_74 = arith.muli %get3A_71, %mul3A_73 : vector<16xi32>
    %add3A_75 = arith.constant 0 : i32
    %add3A_76 = vector.broadcast %add3A_75 : i32 to vector<16xi32>
    %add3A_77 = arith.addi %mul3A_74, %add3A_76 : vector<16xi32>
    %swap3A_78 = arith.constant 0 : i32
    %swap3A_79 = arith.index_cast %swap3A_78 : i32 to index
    %swap3A_80 = arith.constant 64 : index
    %swap3A_81 = tpu.vector_load %arg9[%swap3A_79, %swap3A_80] {strides = array<i32>} : memref<2x128xi32, #tpu.memory_space<vmem>>, vector<1x16xi32>,
    %swap3A_82 = vector.shape_cast %swap3A_81 : vector<1x16xi32> to vector<16xi32>
    %swap3A_83 = vector.shape_cast %add3A_77 : vector<16xi32> to vector<1x16xi32>
    tpu.vector_store %arg9[%swap3A_79, %swap3A_80], %swap3A_83 {strides = array<i32>} : memref<2x128xi32, #tpu.memory_space<vmem>>, vector<1x16xi32>,
    %get3A_84 = arith.constant 80 : index
    %get3A_85 = tpu.vector_load %arg8[%get3A_84] {strides = array<i32>} : memref<128xi32, #tpu.memory_space<vmem>>, vector<16xi32>,
    %get3A_86 = vector.shape_cast %get3A_85 : vector<16xi32> to vector<16xi32>
    %mul3A_87 = arith.constant 2 : i32
    %mul3A_88 = vector.broadcast %mul3A_87 : i32 to vector<16xi32>
    %mul3A_89 = arith.muli %get3A_86, %mul3A_88 : vector<16xi32>
    %add3A_90 = arith.constant 0 : i32
    %add3A_91 = vector.broadcast %add3A_90 : i32 to vector<16xi32>
    %add3A_92 = arith.addi %mul3A_89, %add3A_91 : vector<16xi32>
    %swap3A_93 = arith.constant 0 : i32
    %swap3A_94 = arith.index_cast %swap3A_93 : i32 to index
    %swap3A_95 = arith.constant 80 : index
    %swap3A_96 = tpu.vector_load %arg9[%swap3A_94, %swap3A_95] {strides = array<i32>} : memref<2x128xi32, #tpu.memory_space<vmem>>, vector<1x16xi32>,
    %swap3A_97 = vector.shape_cast %swap3A_96 : vector<1x16xi32> to vector<16xi32>
    %swap3A_98 = vector.shape_cast %add3A_92 : vector<16xi32> to vector<1x16xi32>
    tpu.vector_store %arg9[%swap3A_94, %swap3A_95], %swap3A_98 {strides = array<i32>} : memref<2x128xi32, #tpu.memory_space<vmem>>, vector<1x16xi32>,
    %get3A_99 = arith.constant 96 : index
    %get3A_100 = tpu.vector_load %arg8[%get3A_99] {strides = array<i32>} : memref<128xi32, #tpu.memory_space<vmem>>, vector<16xi32>,
    %get3A_101 = vector.shape_cast %get3A_100 : vector<16xi32> to vector<16xi32>
    %mul3A_102 = arith.constant 2 : i32
    %mul3A_103 = vector.broadcast %mul3A_102 : i32 to vector<16xi32>
    %mul3A_104 = arith.muli %get3A_101, %mul3A_103 : vector<16xi32>
    %add3A_105 = arith.constant 0 : i32
    %add3A_106 = vector.broadcast %add3A_105 : i32 to vector<16xi32>
    %add3A_107 = arith.addi %mul3A_104, %add3A_106 : vector<16xi32>
    %swap3A_108 = arith.constant 0 : i32
    %swap3A_109 = arith.index_cast %swap3A_108 : i32 to index
    %swap3A_110 = arith.constant 96 : index
    %swap3A_111 = tpu.vector_load %arg9[%swap3A_109, %swap3A_110] {strides = array<i32>} : memref<2x128xi32, #tpu.memory_space<vmem>>, vector<1x16xi32>,
    %swap3A_112 = vector.shape_cast %swap3A_111 : vector<1x16xi32> to vector<16xi32>
    %swap3A_113 = vector.shape_cast %add3A_107 : vector<16xi32> to vector<1x16xi32>
    tpu.vector_store %arg9[%swap3A_109, %swap3A_110], %swap3A_113 {strides = array<i32>} : memref<2x128xi32, #tpu.memory_space<vmem>>, vector<1x16xi32>,
    %get3A_114 = arith.constant 112 : index
    %get3A_115 = tpu.vector_load %arg8[%get3A_114] {strides = array<i32>} : memref<128xi32, #tpu.memory_space<vmem>>, vector<16xi32>,
    %get3A_116 = vector.shape_cast %get3A_115 : vector<16xi32> to vector<16xi32>
    %mul3A_117 = arith.constant 2 : i32
    %mul3A_118 = vector.broadcast %mul3A_117 : i32 to vector<16xi32>
    %mul3A_119 = arith.muli %get3A_116, %mul3A_118 : vector<16xi32>
    %add3A_120 = arith.constant 0 : i32
    %add3A_121 = vector.broadcast %add3A_120 : i32 to vector<16xi32>
    %add3A_122 = arith.addi %mul3A_119, %add3A_121 : vector<16xi32>
    %swap3A_123 = arith.constant 0 : i32
    %swap3A_124 = arith.index_cast %swap3A_123 : i32 to index
    %swap3A_125 = arith.constant 112 : index
    %swap3A_126 = tpu.vector_load %arg9[%swap3A_124, %swap3A_125] {strides = array<i32>} : memref<2x128xi32, #tpu.memory_space<vmem>>, vector<1x16xi32>,
    %swap3A_127 = vector.shape_cast %swap3A_126 : vector<1x16xi32> to vector<16xi32>
    %swap3A_128 = vector.shape_cast %add3A_122 : vector<16xi32> to vector<1x16xi32>
    tpu.vector_store %arg9[%swap3A_124, %swap3A_125], %swap3A_128 {strides = array<i32>} : memref<2x128xi32, #tpu.memory_space<vmem>>, vector<1x16xi32>,
    %dma_start3A = arith.constant 0 : i32
    %dma_start3A_129 = arith.constant 0 : i32
    %dma_start3A_130 = arith.constant 0 : i32
    %dma_start3A_131 = arith.constant 0 : i32
    %dma_start3A_132 = tpu.memref_slice %arg10[%dma_start3A_129, %dma_start3A_130, %dma_start3A_131] : memref<2x128x128xf32, #tpu.memory_space<vmem>> -> memref<1x128x128xf32, #tpu.memory_space<vmem>>
    %dma_start3A_133 = tpu.memref_squeeze %dma_start3A_132 : memref<1x128x128xf32, #tpu.memory_space<vmem>> -> memref<128x128xf32, #tpu.memory_space<vmem>>
    %dma_start3A_134 = arith.constant 0 : i32
    %dma_start3A_135 = tpu.memref_slice %arg9[%dma_start3A, %dma_start3A_134] : memref<2x128xi32, #tpu.memory_space<vmem>> -> memref<1x128xi32, #tpu.memory_space<vmem>>
    %dma_start3A_136 = tpu.memref_squeeze %dma_start3A_135 : memref<1x128xi32, #tpu.memory_space<vmem>> -> memref<128xi32, #tpu.memory_space<vmem>>
    %dma_start3A_137 = arith.constant 0 : i32
    %dma_start3A_138 = arith.constant 0 : i32
    %dma_start3A_139 = tpu.memref_slice %arg2[%dma_start3A_137, %dma_start3A_138] : memref<8192x128xf32, #tpu.memory_space<hbm>> -> memref<8192x128xf32, #tpu.memory_space<hbm>>
    tpu.enqueue_indirect_dma source(%dma_start3A_139 : memref<8192x128xf32, #tpu.memory_space<hbm>>) target(%dma_start3A_133 : memref<128x128xf32, #tpu.memory_space<vmem>>) offsets(%dma_start3A_136 : memref<128xi32, #tpu.memory_space<vmem>>) semaphore(%arg12 : memref<!tpu.dma_semaphore, #tpu.memory_space<semaphore_mem>>)
    %scan3A = arith.constant 0 : i32
    %scan3A_140 = arith.constant 0 : i32
    %scan3A_141 = arith.constant 2 : i32
    %scan3A_142 = arith.addi %scan3A_140, %scan3A_141 : i32
    %scan3A_143 = arith.constant 1 : i32
    scf.for %scan3A_179 = %scan3A_140 to %scan3A_142 step %scan3A_143  : i32 {
      %gt3A = arith.constant 0 : i32
      %gt3A_180 = arith.cmpi sgt, %scan3A_179, %gt3A : i32
      %convert_element_type3A = arith.extui %gt3A_180 : i1 to i32
      %cond3A = arith.constant 0 : i32
      %cond3A_181 = arith.cmpi ne, %convert_element_type3A, %cond3A : i32
      scf.if %cond3A_181 {
        %dma_wait3A_903 = arith.constant 1 : i32
        %dma_wait3A_904 = arith.constant 0 : i32
        %dma_wait3A_905 = arith.constant 0 : i32
        %dma_wait3A_906 = tpu.memref_slice %arg10[%dma_wait3A_903, %dma_wait3A_904, %dma_wait3A_905] : memref<2x128x128xf32, #tpu.memory_space<vmem>> -> memref<1x128x128xf32, #tpu.memory_space<vmem>>
        %dma_wait3A_907 = tpu.memref_squeeze %dma_wait3A_906 : memref<1x128x128xf32, #tpu.memory_space<vmem>> -> memref<128x128xf32, #tpu.memory_space<vmem>>
        %dma_wait3A_908 = arith.constant 0 : i32
        %dma_wait3A_909 = arith.constant 0 : i32
        %dma_wait3A_910 = tpu.memref_slice %arg5[%dma_wait3A_908, %dma_wait3A_909] : memref<256x128xf32, #tpu.memory_space<hbm>> -> memref<128x128xf32, #tpu.memory_space<hbm>>
        %dma_wait3A_911 = arith.constant 0 : i32
        %dma_wait3A_912 = arith.constant 0 : i32
        %dma_wait3A_913 = tpu.memref_slice %arg10[%dma_wait3A_903, %dma_wait3A_911, %dma_wait3A_912] : memref<2x128x128xf32, #tpu.memory_space<vmem>> -> memref<1x128x128xf32, #tpu.memory_space<vmem>>
        %dma_wait3A_914 = tpu.memref_squeeze %dma_wait3A_913 : memref<1x128x128xf32, #tpu.memory_space<vmem>> -> memref<128x128xf32, #tpu.memory_space<vmem>>
        %dma_wait3A_915 = arith.constant 0 : i32
        %dma_wait3A_916 = arith.constant 0 : i32
        %dma_wait3A_917 = tpu.memref_slice %arg5[%dma_wait3A_915, %dma_wait3A_916] : memref<256x128xf32, #tpu.memory_space<hbm>> -> memref<128x128xf32, #tpu.memory_space<hbm>>
        tpu.wait_dma2 semaphore(%arg15 : memref<!tpu.dma_semaphore, #tpu.memory_space<semaphore_mem>>) src(%dma_wait3A_917 : memref<128x128xf32, #tpu.memory_space<hbm>>) dst(%dma_wait3A_914 : memref<128x128xf32, #tpu.memory_space<vmem>>)
      } else {
      }
      %get3A_182 = arith.constant 0 : index
      %get3A_183 = tpu.vector_load %arg8[%get3A_182] {strides = array<i32>} : memref<128xi32, #tpu.memory_space<vmem>>, vector<16xi32>,
      %get3A_184 = vector.shape_cast %get3A_183 : vector<16xi32> to vector<16xi32>
      %mul3A_185 = arith.constant 2 : i32
      %mul3A_186 = vector.broadcast %mul3A_185 : i32 to vector<16xi32>
      %mul3A_187 = arith.muli %get3A_184, %mul3A_186 : vector<16xi32>
      %add3A_188 = arith.constant 1 : i32
      %add3A_189 = vector.broadcast %add3A_188 : i32 to vector<16xi32>
      %add3A_190 = arith.addi %mul3A_187, %add3A_189 : vector<16xi32>
      %swap3A_191 = arith.constant 1 : i32
      %swap3A_192 = arith.index_cast %swap3A_191 : i32 to index
      %swap3A_193 = arith.constant 0 : index
      %swap3A_194 = tpu.vector_load %arg9[%swap3A_192, %swap3A_193] {strides = array<i32>} : memref<2x128xi32, #tpu.memory_space<vmem>>, vector<1x16xi32>,
      %swap3A_195 = vector.shape_cast %swap3A_194 : vector<1x16xi32> to vector<16xi32>
      %swap3A_196 = vector.shape_cast %add3A_190 : vector<16xi32> to vector<1x16xi32>
      tpu.vector_store %arg9[%swap3A_192, %swap3A_193], %swap3A_196 {strides = array<i32>} : memref<2x128xi32, #tpu.memory_space<vmem>>, vector<1x16xi32>,
      %get3A_197 = arith.constant 16 : index
      %get3A_198 = tpu.vector_load %arg8[%get3A_197] {strides = array<i32>} : memref<128xi32, #tpu.memory_space<vmem>>, vector<16xi32>,
      %get3A_199 = vector.shape_cast %get3A_198 : vector<16xi32> to vector<16xi32>
      %mul3A_200 = arith.constant 2 : i32
      %mul3A_201 = vector.broadcast %mul3A_200 : i32 to vector<16xi32>
      %mul3A_202 = arith.muli %get3A_199, %mul3A_201 : vector<16xi32>
      %add3A_203 = arith.constant 1 : i32
      %add3A_204 = vector.broadcast %add3A_203 : i32 to vector<16xi32>
      %add3A_205 = arith.addi %mul3A_202, %add3A_204 : vector<16xi32>
      %swap3A_206 = arith.constant 1 : i32
      %swap3A_207 = arith.index_cast %swap3A_206 : i32 to index
      %swap3A_208 = arith.constant 16 : index
      %swap3A_209 = tpu.vector_load %arg9[%swap3A_207, %swap3A_208] {strides = array<i32>} : memref<2x128xi32, #tpu.memory_space<vmem>>, vector<1x16xi32>,
      %swap3A_210 = vector.shape_cast %swap3A_209 : vector<1x16xi32> to vector<16xi32>
      %swap3A_211 = vector.shape_cast %add3A_205 : vector<16xi32> to vector<1x16xi32>
      tpu.vector_store %arg9[%swap3A_207, %swap3A_208], %swap3A_211 {strides = array<i32>} : memref<2x128xi32, #tpu.memory_space<vmem>>, vector<1x16xi32>,
      %get3A_212 = arith.constant 32 : index
      %get3A_213 = tpu.vector_load %arg8[%get3A_212] {strides = array<i32>} : memref<128xi32, #tpu.memory_space<vmem>>, vector<16xi32>,
      %get3A_214 = vector.shape_cast %get3A_213 : vector<16xi32> to vector<16xi32>
      %mul3A_215 = arith.constant 2 : i32
      %mul3A_216 = vector.broadcast %mul3A_215 : i32 to vector<16xi32>
      %mul3A_217 = arith.muli %get3A_214, %mul3A_216 : vector<16xi32>
      %add3A_218 = arith.constant 1 : i32
      %add3A_219 = vector.broadcast %add3A_218 : i32 to vector<16xi32>
      %add3A_220 = arith.addi %mul3A_217, %add3A_219 : vector<16xi32>
      %swap3A_221 = arith.constant 1 : i32
      %swap3A_222 = arith.index_cast %swap3A_221 : i32 to index
      %swap3A_223 = arith.constant 32 : index
      %swap3A_224 = tpu.vector_load %arg9[%swap3A_222, %swap3A_223] {strides = array<i32>} : memref<2x128xi32, #tpu.memory_space<vmem>>, vector<1x16xi32>,
      %swap3A_225 = vector.shape_cast %swap3A_224 : vector<1x16xi32> to vector<16xi32>
      %swap3A_226 = vector.shape_cast %add3A_220 : vector<16xi32> to vector<1x16xi32>
      tpu.vector_store %arg9[%swap3A_222, %swap3A_223], %swap3A_226 {strides = array<i32>} : memref<2x128xi32, #tpu.memory_space<vmem>>, vector<1x16xi32>,
      %get3A_227 = arith.constant 48 : index
      %get3A_228 = tpu.vector_load %arg8[%get3A_227] {strides = array<i32>} : memref<128xi32, #tpu.memory_space<vmem>>, vector<16xi32>,
      %get3A_229 = vector.shape_cast %get3A_228 : vector<16xi32> to vector<16xi32>
      %mul3A_230 = arith.constant 2 : i32
      %mul3A_231 = vector.broadcast %mul3A_230 : i32 to vector<16xi32>
      %mul3A_232 = arith.muli %get3A_229, %mul3A_231 : vector<16xi32>
      %add3A_233 = arith.constant 1 : i32
      %add3A_234 = vector.broadcast %add3A_233 : i32 to vector<16xi32>
      %add3A_235 = arith.addi %mul3A_232, %add3A_234 : vector<16xi32>
      %swap3A_236 = arith.constant 1 : i32
      %swap3A_237 = arith.index_cast %swap3A_236 : i32 to index
      %swap3A_238 = arith.constant 48 : index
      %swap3A_239 = tpu.vector_load %arg9[%swap3A_237, %swap3A_238] {strides = array<i32>} : memref<2x128xi32, #tpu.memory_space<vmem>>, vector<1x16xi32>,
      %swap3A_240 = vector.shape_cast %swap3A_239 : vector<1x16xi32> to vector<16xi32>
      %swap3A_241 = vector.shape_cast %add3A_235 : vector<16xi32> to vector<1x16xi32>
      tpu.vector_store %arg9[%swap3A_237, %swap3A_238], %swap3A_241 {strides = array<i32>} : memref<2x128xi32, #tpu.memory_space<vmem>>, vector<1x16xi32>,
      %get3A_242 = arith.constant 64 : index
      %get3A_243 = tpu.vector_load %arg8[%get3A_242] {strides = array<i32>} : memref<128xi32, #tpu.memory_space<vmem>>, vector<16xi32>,
      %get3A_244 = vector.shape_cast %get3A_243 : vector<16xi32> to vector<16xi32>
      %mul3A_245 = arith.constant 2 : i32
      %mul3A_246 = vector.broadcast %mul3A_245 : i32 to vector<16xi32>
      %mul3A_247 = arith.muli %get3A_244, %mul3A_246 : vector<16xi32>
      %add3A_248 = arith.constant 1 : i32
      %add3A_249 = vector.broadcast %add3A_248 : i32 to vector<16xi32>
      %add3A_250 = arith.addi %mul3A_247, %add3A_249 : vector<16xi32>
      %swap3A_251 = arith.constant 1 : i32
      %swap3A_252 = arith.index_cast %swap3A_251 : i32 to index
      %swap3A_253 = arith.constant 64 : index
      %swap3A_254 = tpu.vector_load %arg9[%swap3A_252, %swap3A_253] {strides = array<i32>} : memref<2x128xi32, #tpu.memory_space<vmem>>, vector<1x16xi32>,
      %swap3A_255 = vector.shape_cast %swap3A_254 : vector<1x16xi32> to vector<16xi32>
      %swap3A_256 = vector.shape_cast %add3A_250 : vector<16xi32> to vector<1x16xi32>
      tpu.vector_store %arg9[%swap3A_252, %swap3A_253], %swap3A_256 {strides = array<i32>} : memref<2x128xi32, #tpu.memory_space<vmem>>, vector<1x16xi32>,
      %get3A_257 = arith.constant 80 : index
      %get3A_258 = tpu.vector_load %arg8[%get3A_257] {strides = array<i32>} : memref<128xi32, #tpu.memory_space<vmem>>, vector<16xi32>,
      %get3A_259 = vector.shape_cast %get3A_258 : vector<16xi32> to vector<16xi32>
      %mul3A_260 = arith.constant 2 : i32
      %mul3A_261 = vector.broadcast %mul3A_260 : i32 to vector<16xi32>
      %mul3A_262 = arith.muli %get3A_259, %mul3A_261 : vector<16xi32>
      %add3A_263 = arith.constant 1 : i32
      %add3A_264 = vector.broadcast %add3A_263 : i32 to vector<16xi32>
      %add3A_265 = arith.addi %mul3A_262, %add3A_264 : vector<16xi32>
      %swap3A_266 = arith.constant 1 : i32
      %swap3A_267 = arith.index_cast %swap3A_266 : i32 to index
      %swap3A_268 = arith.constant 80 : index
      %swap3A_269 = tpu.vector_load %arg9[%swap3A_267, %swap3A_268] {strides = array<i32>} : memref<2x128xi32, #tpu.memory_space<vmem>>, vector<1x16xi32>,
      %swap3A_270 = vector.shape_cast %swap3A_269 : vector<1x16xi32> to vector<16xi32>
      %swap3A_271 = vector.shape_cast %add3A_265 : vector<16xi32> to vector<1x16xi32>
      tpu.vector_store %arg9[%swap3A_267, %swap3A_268], %swap3A_271 {strides = array<i32>} : memref<2x128xi32, #tpu.memory_space<vmem>>, vector<1x16xi32>,
      %get3A_272 = arith.constant 96 : index
      %get3A_273 = tpu.vector_load %arg8[%get3A_272] {strides = array<i32>} : memref<128xi32, #tpu.memory_space<vmem>>, vector<16xi32>,
      %get3A_274 = vector.shape_cast %get3A_273 : vector<16xi32> to vector<16xi32>
      %mul3A_275 = arith.constant 2 : i32
      %mul3A_276 = vector.broadcast %mul3A_275 : i32 to vector<16xi32>
      %mul3A_277 = arith.muli %get3A_274, %mul3A_276 : vector<16xi32>
      %add3A_278 = arith.constant 1 : i32
      %add3A_279 = vector.broadcast %add3A_278 : i32 to vector<16xi32>
      %add3A_280 = arith.addi %mul3A_277, %add3A_279 : vector<16xi32>
      %swap3A_281 = arith.constant 1 : i32
      %swap3A_282 = arith.index_cast %swap3A_281 : i32 to index
      %swap3A_283 = arith.constant 96 : index
      %swap3A_284 = tpu.vector_load %arg9[%swap3A_282, %swap3A_283] {strides = array<i32>} : memref<2x128xi32, #tpu.memory_space<vmem>>, vector<1x16xi32>,
      %swap3A_285 = vector.shape_cast %swap3A_284 : vector<1x16xi32> to vector<16xi32>
      %swap3A_286 = vector.shape_cast %add3A_280 : vector<16xi32> to vector<1x16xi32>
      tpu.vector_store %arg9[%swap3A_282, %swap3A_283], %swap3A_286 {strides = array<i32>} : memref<2x128xi32, #tpu.memory_space<vmem>>, vector<1x16xi32>,
      %get3A_287 = arith.constant 112 : index
      %get3A_288 = tpu.vector_load %arg8[%get3A_287] {strides = array<i32>} : memref<128xi32, #tpu.memory_space<vmem>>, vector<16xi32>,
      %get3A_289 = vector.shape_cast %get3A_288 : vector<16xi32> to vector<16xi32>
      %mul3A_290 = arith.constant 2 : i32
      %mul3A_291 = vector.broadcast %mul3A_290 : i32 to vector<16xi32>
      %mul3A_292 = arith.muli %get3A_289, %mul3A_291 : vector<16xi32>
      %add3A_293 = arith.constant 1 : i32
      %add3A_294 = vector.broadcast %add3A_293 : i32 to vector<16xi32>
      %add3A_295 = arith.addi %mul3A_292, %add3A_294 : vector<16xi32>
      %swap3A_296 = arith.constant 1 : i32
      %swap3A_297 = arith.index_cast %swap3A_296 : i32 to index
      %swap3A_298 = arith.constant 112 : index
      %swap3A_299 = tpu.vector_load %arg9[%swap3A_297, %swap3A_298] {strides = array<i32>} : memref<2x128xi32, #tpu.memory_space<vmem>>, vector<1x16xi32>,
      %swap3A_300 = vector.shape_cast %swap3A_299 : vector<1x16xi32> to vector<16xi32>
      %swap3A_301 = vector.shape_cast %add3A_295 : vector<16xi32> to vector<1x16xi32>
      tpu.vector_store %arg9[%swap3A_297, %swap3A_298], %swap3A_301 {strides = array<i32>} : memref<2x128xi32, #tpu.memory_space<vmem>>, vector<1x16xi32>,
      %dma_start3A_302 = arith.constant 1 : i32
      %dma_start3A_303 = arith.constant 1 : i32
      %dma_start3A_304 = arith.constant 0 : i32
      %dma_start3A_305 = arith.constant 0 : i32
      %dma_start3A_306 = tpu.memref_slice %arg10[%dma_start3A_303, %dma_start3A_304, %dma_start3A_305] : memref<2x128x128xf32, #tpu.memory_space<vmem>> -> memref<1x128x128xf32, #tpu.memory_space<vmem>>
      %dma_start3A_307 = tpu.memref_squeeze %dma_start3A_306 : memref<1x128x128xf32, #tpu.memory_space<vmem>> -> memref<128x128xf32, #tpu.memory_space<vmem>>
      %dma_start3A_308 = arith.constant 0 : i32
      %dma_start3A_309 = tpu.memref_slice %arg9[%dma_start3A_302, %dma_start3A_308] : memref<2x128xi32, #tpu.memory_space<vmem>> -> memref<1x128xi32, #tpu.memory_space<vmem>>
      %dma_start3A_310 = tpu.memref_squeeze %dma_start3A_309 : memref<1x128xi32, #tpu.memory_space<vmem>> -> memref<128xi32, #tpu.memory_space<vmem>>
      %dma_start3A_311 = arith.constant 0 : i32
      %dma_start3A_312 = arith.constant 0 : i32
      %dma_start3A_313 = tpu.memref_slice %arg2[%dma_start3A_311, %dma_start3A_312] : memref<8192x128xf32, #tpu.memory_space<hbm>> -> memref<8192x128xf32, #tpu.memory_space<hbm>>
      tpu.enqueue_indirect_dma source(%dma_start3A_313 : memref<8192x128xf32, #tpu.memory_space<hbm>>) target(%dma_start3A_307 : memref<128x128xf32, #tpu.memory_space<vmem>>) offsets(%dma_start3A_310 : memref<128xi32, #tpu.memory_space<vmem>>) semaphore(%arg13 : memref<!tpu.dma_semaphore, #tpu.memory_space<semaphore_mem>>)
      %dma_wait3A_314 = arith.constant 0 : i32
      %dma_wait3A_315 = arith.constant 0 : i32
      %dma_wait3A_316 = arith.constant 0 : i32
      %dma_wait3A_317 = tpu.memref_slice %arg10[%dma_wait3A_314, %dma_wait3A_315, %dma_wait3A_316] : memref<2x128x128xf32, #tpu.memory_space<vmem>> -> memref<1x128x128xf32, #tpu.memory_space<vmem>>
      %dma_wait3A_318 = tpu.memref_squeeze %dma_wait3A_317 : memref<1x128x128xf32, #tpu.memory_space<vmem>> -> memref<128x128xf32, #tpu.memory_space<vmem>>
      %dma_wait3A_319 = arith.constant 0 : i32
      %dma_wait3A_320 = arith.constant 0 : i32
      %dma_wait3A_321 = tpu.memref_slice %arg5[%dma_wait3A_319, %dma_wait3A_320] : memref<256x128xf32, #tpu.memory_space<hbm>> -> memref<128x128xf32, #tpu.memory_space<hbm>>
      %dma_wait3A_322 = arith.constant 0 : i32
      %dma_wait3A_323 = arith.constant 0 : i32
      %dma_wait3A_324 = tpu.memref_slice %arg10[%dma_wait3A_314, %dma_wait3A_322, %dma_wait3A_323] : memref<2x128x128xf32, #tpu.memory_space<vmem>> -> memref<1x128x128xf32, #tpu.memory_space<vmem>>
      %dma_wait3A_325 = tpu.memref_squeeze %dma_wait3A_324 : memref<1x128x128xf32, #tpu.memory_space<vmem>> -> memref<128x128xf32, #tpu.memory_space<vmem>>
      %dma_wait3A_326 = arith.constant 0 : i32
      %dma_wait3A_327 = arith.constant 0 : i32
      %dma_wait3A_328 = tpu.memref_slice %arg5[%dma_wait3A_326, %dma_wait3A_327] : memref<256x128xf32, #tpu.memory_space<hbm>> -> memref<128x128xf32, #tpu.memory_space<hbm>>
      tpu.wait_dma2 semaphore(%arg12 : memref<!tpu.dma_semaphore, #tpu.memory_space<semaphore_mem>>) src(%dma_wait3A_328 : memref<128x128xf32, #tpu.memory_space<hbm>>) dst(%dma_wait3A_325 : memref<128x128xf32, #tpu.memory_space<vmem>>)
      %dma_start3A_329 = arith.constant 0 : i32
      %dma_start3A_330 = arith.constant 0 : i32
      %dma_start3A_331 = arith.constant 0 : i32
      %dma_start3A_332 = arith.constant 0 : i32
      %dma_start3A_333 = arith.constant 0 : i32
      %dma_start3A_334 = tpu.memref_slice %arg10[%dma_start3A_329, %dma_start3A_332, %dma_start3A_333] : memref<2x128x128xf32, #tpu.memory_space<vmem>> -> memref<1x128x128xf32, #tpu.memory_space<vmem>>
      %dma_start3A_335 = tpu.memref_squeeze %dma_start3A_334 : memref<1x128x128xf32, #tpu.memory_space<vmem>> -> memref<128x128xf32, #tpu.memory_space<vmem>>
      %dma_start3A_336 = arith.constant 0 : i32
      %dma_start3A_337 = tpu.memref_slice %arg7[%dma_start3A_331, %dma_start3A_336] : memref<2x128xi32, #tpu.memory_space<vmem>> -> memref<1x128xi32, #tpu.memory_space<vmem>>
      %dma_start3A_338 = tpu.memref_squeeze %dma_start3A_337 : memref<1x128xi32, #tpu.memory_space<vmem>> -> memref<128xi32, #tpu.memory_space<vmem>>
      %dma_start3A_339 = arith.constant 0 : i32
      %dma_start3A_340 = arith.constant 0 : i32
      %dma_start3A_341 = tpu.memref_slice %arg11[%dma_start3A_330, %dma_start3A_339, %dma_start3A_340] : memref<2x1024x128xf32, #tpu.memory_space<vmem_shared>> -> memref<1x1024x128xf32, #tpu.memory_space<vmem_shared>>
      %dma_start3A_342 = tpu.memref_squeeze %dma_start3A_341 : memref<1x1024x128xf32, #tpu.memory_space<vmem_shared>> -> memref<1024x128xf32, #tpu.memory_space<vmem_shared>>
      %dma_start3A_343 = arith.constant 0 : i32
      %dma_start3A_344 = arith.constant 0 : i32
      %dma_start3A_345 = tpu.memref_slice %dma_start3A_342[%dma_start3A_343, %dma_start3A_344] : memref<1024x128xf32, #tpu.memory_space<vmem_shared>> -> memref<1024x128xf32, #tpu.memory_space<vmem_shared>>
      tpu.enqueue_indirect_dma source(%dma_start3A_335 : memref<128x128xf32, #tpu.memory_space<vmem>>) target(%dma_start3A_345 : memref<1024x128xf32, #tpu.memory_space<vmem_shared>>) offsets(%dma_start3A_338 : memref<128xi32, #tpu.memory_space<vmem>>) semaphore(%arg14 : memref<!tpu.dma_semaphore, #tpu.memory_space<semaphore_mem>>) {add = true}
      %mul3A_346 = arith.constant 2 : i32
      %mul3A_347 = arith.muli %mul3A_346, %scan3A_179 : i32
      %add3A_348 = arith.constant 1 : i32
      %add3A_349 = arith.addi %mul3A_347, %add3A_348 : i32
      %mul3A_350 = arith.constant 4 : i32
      %mul3A_351 = arith.muli %add3A, %mul3A_350 : i32
      %add3A_352 = arith.addi %mul3A_351, %add3A_349 : i32
      %mul3A_353 = arith.constant 128 : i32
      %mul3A_354 = arith.muli %add3A_352, %mul3A_353 : i32
      "tpu.region"() ({
        %run_scoped3A_903 = tpu.sem_alloc : memref<!tpu.dma_semaphore, #tpu.memory_space<semaphore_mem>>
        %dma_start3A_904 = tpu.memref_slice %arg3[%mul3A_354] : memref<16512xi32, #tpu.memory_space<hbm>> -> memref<128xi32, #tpu.memory_space<hbm>>
        %dma_start3A_905 = tpu.memref_slice %arg3[%mul3A_354] : memref<16512xi32, #tpu.memory_space<hbm>> -> memref<128xi32, #tpu.memory_space<hbm>>
        tpu.enqueue_dma source(%dma_start3A_905 : memref<128xi32, #tpu.memory_space<hbm>>) target(%arg8 : memref<128xi32, #tpu.memory_space<vmem>>) target_semaphore(%run_scoped3A_903 : memref<!tpu.dma_semaphore, #tpu.memory_space<semaphore_mem>>)
        %dma_wait3A_906 = tpu.memref_slice %arg3[%mul3A_354] : memref<16512xi32, #tpu.memory_space<hbm>> -> memref<128xi32, #tpu.memory_space<hbm>>
        %dma_wait3A_907 = tpu.memref_slice %arg3[%mul3A_354] : memref<16512xi32, #tpu.memory_space<hbm>> -> memref<128xi32, #tpu.memory_space<hbm>>
        tpu.wait_dma2 semaphore(%run_scoped3A_903 : memref<!tpu.dma_semaphore, #tpu.memory_space<semaphore_mem>>) src(%dma_wait3A_907 : memref<128xi32, #tpu.memory_space<hbm>>) dst(%arg8 : memref<128xi32, #tpu.memory_space<vmem>>)
        tpu.yield
      }) : () -> ()
      %run_scoped3A_355 = arith.constant 1 : i32
      "tpu.region"() ({
        %run_scoped3A_903 = tpu.sem_alloc : memref<!tpu.dma_semaphore, #tpu.memory_space<semaphore_mem>>
        %dma_start3A_904 = arith.constant 0 : i32
        %dma_start3A_905 = tpu.memref_slice %arg7[%run_scoped3A_355, %dma_start3A_904] : memref<2x128xi32, #tpu.memory_space<vmem>> -> memref<1x128xi32, #tpu.memory_space<vmem>>
        %dma_start3A_906 = tpu.memref_squeeze %dma_start3A_905 : memref<1x128xi32, #tpu.memory_space<vmem>> -> memref<128xi32, #tpu.memory_space<vmem>>
        %dma_start3A_907 = tpu.memref_slice %arg4[%mul3A_354] : memref<16512xi32, #tpu.memory_space<hbm>> -> memref<128xi32, #tpu.memory_space<hbm>>
        %dma_start3A_908 = arith.constant 0 : i32
        %dma_start3A_909 = tpu.memref_slice %arg7[%run_scoped3A_355, %dma_start3A_908] : memref<2x128xi32, #tpu.memory_space<vmem>> -> memref<1x128xi32, #tpu.memory_space<vmem>>
        %dma_start3A_910 = tpu.memref_squeeze %dma_start3A_909 : memref<1x128xi32, #tpu.memory_space<vmem>> -> memref<128xi32, #tpu.memory_space<vmem>>
        %dma_start3A_911 = tpu.memref_slice %arg4[%mul3A_354] : memref<16512xi32, #tpu.memory_space<hbm>> -> memref<128xi32, #tpu.memory_space<hbm>>
        tpu.enqueue_dma source(%dma_start3A_911 : memref<128xi32, #tpu.memory_space<hbm>>) target(%dma_start3A_910 : memref<128xi32, #tpu.memory_space<vmem>>) target_semaphore(%run_scoped3A_903 : memref<!tpu.dma_semaphore, #tpu.memory_space<semaphore_mem>>)
        %dma_wait3A_912 = arith.constant 0 : i32
        %dma_wait3A_913 = tpu.memref_slice %arg7[%run_scoped3A_355, %dma_wait3A_912] : memref<2x128xi32, #tpu.memory_space<vmem>> -> memref<1x128xi32, #tpu.memory_space<vmem>>
        %dma_wait3A_914 = tpu.memref_squeeze %dma_wait3A_913 : memref<1x128xi32, #tpu.memory_space<vmem>> -> memref<128xi32, #tpu.memory_space<vmem>>
        %dma_wait3A_915 = tpu.memref_slice %arg4[%mul3A_354] : memref<16512xi32, #tpu.memory_space<hbm>> -> memref<128xi32, #tpu.memory_space<hbm>>
        %dma_wait3A_916 = arith.constant 0 : i32
        %dma_wait3A_917 = tpu.memref_slice %arg7[%run_scoped3A_355, %dma_wait3A_916] : memref<2x128xi32, #tpu.memory_space<vmem>> -> memref<1x128xi32, #tpu.memory_space<vmem>>
        %dma_wait3A_918 = tpu.memref_squeeze %dma_wait3A_917 : memref<1x128xi32, #tpu.memory_space<vmem>> -> memref<128xi32, #tpu.memory_space<vmem>>
        %dma_wait3A_919 = tpu.memref_slice %arg4[%mul3A_354] : memref<16512xi32, #tpu.memory_space<hbm>> -> memref<128xi32, #tpu.memory_space<hbm>>
        tpu.wait_dma2 semaphore(%run_scoped3A_903 : memref<!tpu.dma_semaphore, #tpu.memory_space<semaphore_mem>>) src(%dma_wait3A_919 : memref<128xi32, #tpu.memory_space<hbm>>) dst(%dma_wait3A_918 : memref<128xi32, #tpu.memory_space<vmem>>)
        tpu.yield
      }) : () -> ()
      %dma_wait3A_356 = arith.constant 0 : i32
      %dma_wait3A_357 = arith.constant 0 : i32
      %dma_wait3A_358 = arith.constant 0 : i32
      %dma_wait3A_359 = tpu.memref_slice %arg10[%dma_wait3A_356, %dma_wait3A_357, %dma_wait3A_358] : memref<2x128x128xf32, #tpu.memory_space<vmem>> -> memref<1x128x128xf32, #tpu.memory_space<vmem>>
      %dma_wait3A_360 = tpu.memref_squeeze %dma_wait3A_359 : memref<1x128x128xf32, #tpu.memory_space<vmem>> -> memref<128x128xf32, #tpu.memory_space<vmem>>
      %dma_wait3A_361 = arith.constant 0 : i32
      %dma_wait3A_362 = arith.constant 0 : i32
      %dma_wait3A_363 = tpu.memref_slice %arg5[%dma_wait3A_361, %dma_wait3A_362] : memref<256x128xf32, #tpu.memory_space<hbm>> -> memref<128x128xf32, #tpu.memory_space<hbm>>
      %dma_wait3A_364 = arith.constant 0 : i32
      %dma_wait3A_365 = arith.constant 0 : i32
      %dma_wait3A_366 = tpu.memref_slice %arg10[%dma_wait3A_356, %dma_wait3A_364, %dma_wait3A_365] : memref<2x128x128xf32, #tpu.memory_space<vmem>> -> memref<1x128x128xf32, #tpu.memory_space<vmem>>
      %dma_wait3A_367 = tpu.memref_squeeze %dma_wait3A_366 : memref<1x128x128xf32, #tpu.memory_space<vmem>> -> memref<128x128xf32, #tpu.memory_space<vmem>>
      %dma_wait3A_368 = arith.constant 0 : i32
      %dma_wait3A_369 = arith.constant 0 : i32
      %dma_wait3A_370 = tpu.memref_slice %arg5[%dma_wait3A_368, %dma_wait3A_369] : memref<256x128xf32, #tpu.memory_space<hbm>> -> memref<128x128xf32, #tpu.memory_space<hbm>>
      tpu.wait_dma2 semaphore(%arg14 : memref<!tpu.dma_semaphore, #tpu.memory_space<semaphore_mem>>) src(%dma_wait3A_370 : memref<128x128xf32, #tpu.memory_space<hbm>>) dst(%dma_wait3A_367 : memref<128x128xf32, #tpu.memory_space<vmem>>)
      %get3A_371 = arith.constant 0 : index
      %get3A_372 = tpu.vector_load %arg8[%get3A_371] {strides = array<i32>} : memref<128xi32, #tpu.memory_space<vmem>>, vector<16xi32>,
      %get3A_373 = vector.shape_cast %get3A_372 : vector<16xi32> to vector<16xi32>
      %mul3A_374 = arith.constant 2 : i32
      %mul3A_375 = vector.broadcast %mul3A_374 : i32 to vector<16xi32>
      %mul3A_376 = arith.muli %get3A_373, %mul3A_375 : vector<16xi32>
      %add3A_377 = arith.constant 0 : i32
      %add3A_378 = vector.broadcast %add3A_377 : i32 to vector<16xi32>
      %add3A_379 = arith.addi %mul3A_376, %add3A_378 : vector<16xi32>
      %swap3A_380 = arith.constant 0 : i32
      %swap3A_381 = arith.index_cast %swap3A_380 : i32 to index
      %swap3A_382 = arith.constant 0 : index
      %swap3A_383 = tpu.vector_load %arg9[%swap3A_381, %swap3A_382] {strides = array<i32>} : memref<2x128xi32, #tpu.memory_space<vmem>>, vector<1x16xi32>,
      %swap3A_384 = vector.shape_cast %swap3A_383 : vector<1x16xi32> to vector<16xi32>
      %swap3A_385 = vector.shape_cast %add3A_379 : vector<16xi32> to vector<1x16xi32>
      tpu.vector_store %arg9[%swap3A_381, %swap3A_382], %swap3A_385 {strides = array<i32>} : memref<2x128xi32, #tpu.memory_space<vmem>>, vector<1x16xi32>,
      %get3A_386 = arith.constant 16 : index
      %get3A_387 = tpu.vector_load %arg8[%get3A_386] {strides = array<i32>} : memref<128xi32, #tpu.memory_space<vmem>>, vector<16xi32>,
      %get3A_388 = vector.shape_cast %get3A_387 : vector<16xi32> to vector<16xi32>
      %mul3A_389 = arith.constant 2 : i32
      %mul3A_390 = vector.broadcast %mul3A_389 : i32 to vector<16xi32>
      %mul3A_391 = arith.muli %get3A_388, %mul3A_390 : vector<16xi32>
      %add3A_392 = arith.constant 0 : i32
      %add3A_393 = vector.broadcast %add3A_392 : i32 to vector<16xi32>
      %add3A_394 = arith.addi %mul3A_391, %add3A_393 : vector<16xi32>
      %swap3A_395 = arith.constant 0 : i32
      %swap3A_396 = arith.index_cast %swap3A_395 : i32 to index
      %swap3A_397 = arith.constant 16 : index
      %swap3A_398 = tpu.vector_load %arg9[%swap3A_396, %swap3A_397] {strides = array<i32>} : memref<2x128xi32, #tpu.memory_space<vmem>>, vector<1x16xi32>,
      %swap3A_399 = vector.shape_cast %swap3A_398 : vector<1x16xi32> to vector<16xi32>
      %swap3A_400 = vector.shape_cast %add3A_394 : vector<16xi32> to vector<1x16xi32>
      tpu.vector_store %arg9[%swap3A_396, %swap3A_397], %swap3A_400 {strides = array<i32>} : memref<2x128xi32, #tpu.memory_space<vmem>>, vector<1x16xi32>,
      %get3A_401 = arith.constant 32 : index
      %get3A_402 = tpu.vector_load %arg8[%get3A_401] {strides = array<i32>} : memref<128xi32, #tpu.memory_space<vmem>>, vector<16xi32>,
      %get3A_403 = vector.shape_cast %get3A_402 : vector<16xi32> to vector<16xi32>
      %mul3A_404 = arith.constant 2 : i32
      %mul3A_405 = vector.broadcast %mul3A_404 : i32 to vector<16xi32>
      %mul3A_406 = arith.muli %get3A_403, %mul3A_405 : vector<16xi32>
      %add3A_407 = arith.constant 0 : i32
      %add3A_408 = vector.broadcast %add3A_407 : i32 to vector<16xi32>
      %add3A_409 = arith.addi %mul3A_406, %add3A_408 : vector<16xi32>
      %swap3A_410 = arith.constant 0 : i32
      %swap3A_411 = arith.index_cast %swap3A_410 : i32 to index
      %swap3A_412 = arith.constant 32 : index
      %swap3A_413 = tpu.vector_load %arg9[%swap3A_411, %swap3A_412] {strides = array<i32>} : memref<2x128xi32, #tpu.memory_space<vmem>>, vector<1x16xi32>,
      %swap3A_414 = vector.shape_cast %swap3A_413 : vector<1x16xi32> to vector<16xi32>
      %swap3A_415 = vector.shape_cast %add3A_409 : vector<16xi32> to vector<1x16xi32>
      tpu.vector_store %arg9[%swap3A_411, %swap3A_412], %swap3A_415 {strides = array<i32>} : memref<2x128xi32, #tpu.memory_space<vmem>>, vector<1x16xi32>,
      %get3A_416 = arith.constant 48 : index
      %get3A_417 = tpu.vector_load %arg8[%get3A_416] {strides = array<i32>} : memref<128xi32, #tpu.memory_space<vmem>>, vector<16xi32>,
      %get3A_418 = vector.shape_cast %get3A_417 : vector<16xi32> to vector<16xi32>
      %mul3A_419 = arith.constant 2 : i32
      %mul3A_420 = vector.broadcast %mul3A_419 : i32 to vector<16xi32>
      %mul3A_421 = arith.muli %get3A_418, %mul3A_420 : vector<16xi32>
      %add3A_422 = arith.constant 0 : i32
      %add3A_423 = vector.broadcast %add3A_422 : i32 to vector<16xi32>
      %add3A_424 = arith.addi %mul3A_421, %add3A_423 : vector<16xi32>
      %swap3A_425 = arith.constant 0 : i32
      %swap3A_426 = arith.index_cast %swap3A_425 : i32 to index
      %swap3A_427 = arith.constant 48 : index
      %swap3A_428 = tpu.vector_load %arg9[%swap3A_426, %swap3A_427] {strides = array<i32>} : memref<2x128xi32, #tpu.memory_space<vmem>>, vector<1x16xi32>,
      %swap3A_429 = vector.shape_cast %swap3A_428 : vector<1x16xi32> to vector<16xi32>
      %swap3A_430 = vector.shape_cast %add3A_424 : vector<16xi32> to vector<1x16xi32>
      tpu.vector_store %arg9[%swap3A_426, %swap3A_427], %swap3A_430 {strides = array<i32>} : memref<2x128xi32, #tpu.memory_space<vmem>>, vector<1x16xi32>,
      %get3A_431 = arith.constant 64 : index
      %get3A_432 = tpu.vector_load %arg8[%get3A_431] {strides = array<i32>} : memref<128xi32, #tpu.memory_space<vmem>>, vector<16xi32>,
      %get3A_433 = vector.shape_cast %get3A_432 : vector<16xi32> to vector<16xi32>
      %mul3A_434 = arith.constant 2 : i32
      %mul3A_435 = vector.broadcast %mul3A_434 : i32 to vector<16xi32>
      %mul3A_436 = arith.muli %get3A_433, %mul3A_435 : vector<16xi32>
      %add3A_437 = arith.constant 0 : i32
      %add3A_438 = vector.broadcast %add3A_437 : i32 to vector<16xi32>
      %add3A_439 = arith.addi %mul3A_436, %add3A_438 : vector<16xi32>
      %swap3A_440 = arith.constant 0 : i32
      %swap3A_441 = arith.index_cast %swap3A_440 : i32 to index
      %swap3A_442 = arith.constant 64 : index
      %swap3A_443 = tpu.vector_load %arg9[%swap3A_441, %swap3A_442] {strides = array<i32>} : memref<2x128xi32, #tpu.memory_space<vmem>>, vector<1x16xi32>,
      %swap3A_444 = vector.shape_cast %swap3A_443 : vector<1x16xi32> to vector<16xi32>
      %swap3A_445 = vector.shape_cast %add3A_439 : vector<16xi32> to vector<1x16xi32>
      tpu.vector_store %arg9[%swap3A_441, %swap3A_442], %swap3A_445 {strides = array<i32>} : memref<2x128xi32, #tpu.memory_space<vmem>>, vector<1x16xi32>,
      %get3A_446 = arith.constant 80 : index
      %get3A_447 = tpu.vector_load %arg8[%get3A_446] {strides = array<i32>} : memref<128xi32, #tpu.memory_space<vmem>>, vector<16xi32>,
      %get3A_448 = vector.shape_cast %get3A_447 : vector<16xi32> to vector<16xi32>
      %mul3A_449 = arith.constant 2 : i32
      %mul3A_450 = vector.broadcast %mul3A_449 : i32 to vector<16xi32>
      %mul3A_451 = arith.muli %get3A_448, %mul3A_450 : vector<16xi32>
      %add3A_452 = arith.constant 0 : i32
      %add3A_453 = vector.broadcast %add3A_452 : i32 to vector<16xi32>
      %add3A_454 = arith.addi %mul3A_451, %add3A_453 : vector<16xi32>
      %swap3A_455 = arith.constant 0 : i32
      %swap3A_456 = arith.index_cast %swap3A_455 : i32 to index
      %swap3A_457 = arith.constant 80 : index
      %swap3A_458 = tpu.vector_load %arg9[%swap3A_456, %swap3A_457] {strides = array<i32>} : memref<2x128xi32, #tpu.memory_space<vmem>>, vector<1x16xi32>,
      %swap3A_459 = vector.shape_cast %swap3A_458 : vector<1x16xi32> to vector<16xi32>
      %swap3A_460 = vector.shape_cast %add3A_454 : vector<16xi32> to vector<1x16xi32>
      tpu.vector_store %arg9[%swap3A_456, %swap3A_457], %swap3A_460 {strides = array<i32>} : memref<2x128xi32, #tpu.memory_space<vmem>>, vector<1x16xi32>,
      %get3A_461 = arith.constant 96 : index
      %get3A_462 = tpu.vector_load %arg8[%get3A_461] {strides = array<i32>} : memref<128xi32, #tpu.memory_space<vmem>>, vector<16xi32>,
      %get3A_463 = vector.shape_cast %get3A_462 : vector<16xi32> to vector<16xi32>
      %mul3A_464 = arith.constant 2 : i32
      %mul3A_465 = vector.broadcast %mul3A_464 : i32 to vector<16xi32>
      %mul3A_466 = arith.muli %get3A_463, %mul3A_465 : vector<16xi32>
      %add3A_467 = arith.constant 0 : i32
      %add3A_468 = vector.broadcast %add3A_467 : i32 to vector<16xi32>
      %add3A_469 = arith.addi %mul3A_466, %add3A_468 : vector<16xi32>
      %swap3A_470 = arith.constant 0 : i32
      %swap3A_471 = arith.index_cast %swap3A_470 : i32 to index
      %swap3A_472 = arith.constant 96 : index
      %swap3A_473 = tpu.vector_load %arg9[%swap3A_471, %swap3A_472] {strides = array<i32>} : memref<2x128xi32, #tpu.memory_space<vmem>>, vector<1x16xi32>,
      %swap3A_474 = vector.shape_cast %swap3A_473 : vector<1x16xi32> to vector<16xi32>
      %swap3A_475 = vector.shape_cast %add3A_469 : vector<16xi32> to vector<1x16xi32>
      tpu.vector_store %arg9[%swap3A_471, %swap3A_472], %swap3A_475 {strides = array<i32>} : memref<2x128xi32, #tpu.memory_space<vmem>>, vector<1x16xi32>,
      %get3A_476 = arith.constant 112 : index
      %get3A_477 = tpu.vector_load %arg8[%get3A_476] {strides = array<i32>} : memref<128xi32, #tpu.memory_space<vmem>>, vector<16xi32>,
      %get3A_478 = vector.shape_cast %get3A_477 : vector<16xi32> to vector<16xi32>
      %mul3A_479 = arith.constant 2 : i32
      %mul3A_480 = vector.broadcast %mul3A_479 : i32 to vector<16xi32>
      %mul3A_481 = arith.muli %get3A_478, %mul3A_480 : vector<16xi32>
      %add3A_482 = arith.constant 0 : i32
      %add3A_483 = vector.broadcast %add3A_482 : i32 to vector<16xi32>
      %add3A_484 = arith.addi %mul3A_481, %add3A_483 : vector<16xi32>
      %swap3A_485 = arith.constant 0 : i32
      %swap3A_486 = arith.index_cast %swap3A_485 : i32 to index
      %swap3A_487 = arith.constant 112 : index
      %swap3A_488 = tpu.vector_load %arg9[%swap3A_486, %swap3A_487] {strides = array<i32>} : memref<2x128xi32, #tpu.memory_space<vmem>>, vector<1x16xi32>,
      %swap3A_489 = vector.shape_cast %swap3A_488 : vector<1x16xi32> to vector<16xi32>
      %swap3A_490 = vector.shape_cast %add3A_484 : vector<16xi32> to vector<1x16xi32>
      tpu.vector_store %arg9[%swap3A_486, %swap3A_487], %swap3A_490 {strides = array<i32>} : memref<2x128xi32, #tpu.memory_space<vmem>>, vector<1x16xi32>,
      %dma_start3A_491 = arith.constant 0 : i32
      %dma_start3A_492 = arith.constant 0 : i32
      %dma_start3A_493 = arith.constant 0 : i32
      %dma_start3A_494 = arith.constant 0 : i32
      %dma_start3A_495 = tpu.memref_slice %arg10[%dma_start3A_492, %dma_start3A_493, %dma_start3A_494] : memref<2x128x128xf32, #tpu.memory_space<vmem>> -> memref<1x128x128xf32, #tpu.memory_space<vmem>>
      %dma_start3A_496 = tpu.memref_squeeze %dma_start3A_495 : memref<1x128x128xf32, #tpu.memory_space<vmem>> -> memref<128x128xf32, #tpu.memory_space<vmem>>
      %dma_start3A_497 = arith.constant 0 : i32
      %dma_start3A_498 = tpu.memref_slice %arg9[%dma_start3A_491, %dma_start3A_497] : memref<2x128xi32, #tpu.memory_space<vmem>> -> memref<1x128xi32, #tpu.memory_space<vmem>>
      %dma_start3A_499 = tpu.memref_squeeze %dma_start3A_498 : memref<1x128xi32, #tpu.memory_space<vmem>> -> memref<128xi32, #tpu.memory_space<vmem>>
      %dma_start3A_500 = arith.constant 0 : i32
      %dma_start3A_501 = arith.constant 0 : i32
      %dma_start3A_502 = tpu.memref_slice %arg2[%dma_start3A_500, %dma_start3A_501] : memref<8192x128xf32, #tpu.memory_space<hbm>> -> memref<8192x128xf32, #tpu.memory_space<hbm>>
      tpu.enqueue_indirect_dma source(%dma_start3A_502 : memref<8192x128xf32, #tpu.memory_space<hbm>>) target(%dma_start3A_496 : memref<128x128xf32, #tpu.memory_space<vmem>>) offsets(%dma_start3A_499 : memref<128xi32, #tpu.memory_space<vmem>>) semaphore(%arg12 : memref<!tpu.dma_semaphore, #tpu.memory_space<semaphore_mem>>)
      %dma_wait3A_503 = arith.constant 1 : i32
      %dma_wait3A_504 = arith.constant 0 : i32
      %dma_wait3A_505 = arith.constant 0 : i32
      %dma_wait3A_506 = tpu.memref_slice %arg10[%dma_wait3A_503, %dma_wait3A_504, %dma_wait3A_505] : memref<2x128x128xf32, #tpu.memory_space<vmem>> -> memref<1x128x128xf32, #tpu.memory_space<vmem>>
      %dma_wait3A_507 = tpu.memref_squeeze %dma_wait3A_506 : memref<1x128x128xf32, #tpu.memory_space<vmem>> -> memref<128x128xf32, #tpu.memory_space<vmem>>
      %dma_wait3A_508 = arith.constant 0 : i32
      %dma_wait3A_509 = arith.constant 0 : i32
      %dma_wait3A_510 = tpu.memref_slice %arg5[%dma_wait3A_508, %dma_wait3A_509] : memref<256x128xf32, #tpu.memory_space<hbm>> -> memref<128x128xf32, #tpu.memory_space<hbm>>
      %dma_wait3A_511 = arith.constant 0 : i32
      %dma_wait3A_512 = arith.constant 0 : i32
      %dma_wait3A_513 = tpu.memref_slice %arg10[%dma_wait3A_503, %dma_wait3A_511, %dma_wait3A_512] : memref<2x128x128xf32, #tpu.memory_space<vmem>> -> memref<1x128x128xf32, #tpu.memory_space<vmem>>
      %dma_wait3A_514 = tpu.memref_squeeze %dma_wait3A_513 : memref<1x128x128xf32, #tpu.memory_space<vmem>> -> memref<128x128xf32, #tpu.memory_space<vmem>>
      %dma_wait3A_515 = arith.constant 0 : i32
      %dma_wait3A_516 = arith.constant 0 : i32
      %dma_wait3A_517 = tpu.memref_slice %arg5[%dma_wait3A_515, %dma_wait3A_516] : memref<256x128xf32, #tpu.memory_space<hbm>> -> memref<128x128xf32, #tpu.memory_space<hbm>>
      tpu.wait_dma2 semaphore(%arg13 : memref<!tpu.dma_semaphore, #tpu.memory_space<semaphore_mem>>) src(%dma_wait3A_517 : memref<128x128xf32, #tpu.memory_space<hbm>>) dst(%dma_wait3A_514 : memref<128x128xf32, #tpu.memory_space<vmem>>)
      %dma_start3A_518 = arith.constant 1 : i32
      %dma_start3A_519 = arith.constant 1 : i32
      %dma_start3A_520 = arith.constant 0 : i32
      %dma_start3A_521 = arith.constant 0 : i32
      %dma_start3A_522 = arith.constant 0 : i32
      %dma_start3A_523 = tpu.memref_slice %arg10[%dma_start3A_518, %dma_start3A_521, %dma_start3A_522] : memref<2x128x128xf32, #tpu.memory_space<vmem>> -> memref<1x128x128xf32, #tpu.memory_space<vmem>>
      %dma_start3A_524 = tpu.memref_squeeze %dma_start3A_523 : memref<1x128x128xf32, #tpu.memory_space<vmem>> -> memref<128x128xf32, #tpu.memory_space<vmem>>
      %dma_start3A_525 = arith.constant 0 : i32
      %dma_start3A_526 = tpu.memref_slice %arg7[%dma_start3A_520, %dma_start3A_525] : memref<2x128xi32, #tpu.memory_space<vmem>> -> memref<1x128xi32, #tpu.memory_space<vmem>>
      %dma_start3A_527 = tpu.memref_squeeze %dma_start3A_526 : memref<1x128xi32, #tpu.memory_space<vmem>> -> memref<128xi32, #tpu.memory_space<vmem>>
      %dma_start3A_528 = arith.constant 0 : i32
      %dma_start3A_529 = arith.constant 0 : i32
      %dma_start3A_530 = tpu.memref_slice %arg11[%dma_start3A_519, %dma_start3A_528, %dma_start3A_529] : memref<2x1024x128xf32, #tpu.memory_space<vmem_shared>> -> memref<1x1024x128xf32, #tpu.memory_space<vmem_shared>>
      %dma_start3A_531 = tpu.memref_squeeze %dma_start3A_530 : memref<1x1024x128xf32, #tpu.memory_space<vmem_shared>> -> memref<1024x128xf32, #tpu.memory_space<vmem_shared>>
      %dma_start3A_532 = arith.constant 0 : i32
      %dma_start3A_533 = arith.constant 0 : i32
      %dma_start3A_534 = tpu.memref_slice %dma_start3A_531[%dma_start3A_532, %dma_start3A_533] : memref<1024x128xf32, #tpu.memory_space<vmem_shared>> -> memref<1024x128xf32, #tpu.memory_space<vmem_shared>>
      tpu.enqueue_indirect_dma source(%dma_start3A_524 : memref<128x128xf32, #tpu.memory_space<vmem>>) target(%dma_start3A_534 : memref<1024x128xf32, #tpu.memory_space<vmem_shared>>) offsets(%dma_start3A_527 : memref<128xi32, #tpu.memory_space<vmem>>) semaphore(%arg15 : memref<!tpu.dma_semaphore, #tpu.memory_space<semaphore_mem>>) {add = true}
      %dma_wait3A_535 = arith.constant 1 : i32
      %dma_wait3A_536 = arith.constant 0 : i32
      %dma_wait3A_537 = arith.constant 0 : i32
      %dma_wait3A_538 = tpu.memref_slice %arg10[%dma_wait3A_535, %dma_wait3A_536, %dma_wait3A_537] : memref<2x128x128xf32, #tpu.memory_space<vmem>> -> memref<1x128x128xf32, #tpu.memory_space<vmem>>
      %dma_wait3A_539 = tpu.memref_squeeze %dma_wait3A_538 : memref<1x128x128xf32, #tpu.memory_space<vmem>> -> memref<128x128xf32, #tpu.memory_space<vmem>>
      %dma_wait3A_540 = arith.constant 0 : i32
      %dma_wait3A_541 = arith.constant 0 : i32
      %dma_wait3A_542 = tpu.memref_slice %arg5[%dma_wait3A_540, %dma_wait3A_541] : memref<256x128xf32, #tpu.memory_space<hbm>> -> memref<128x128xf32, #tpu.memory_space<hbm>>
      %dma_wait3A_543 = arith.constant 0 : i32
      %dma_wait3A_544 = arith.constant 0 : i32
      %dma_wait3A_545 = tpu.memref_slice %arg10[%dma_wait3A_535, %dma_wait3A_543, %dma_wait3A_544] : memref<2x128x128xf32, #tpu.memory_space<vmem>> -> memref<1x128x128xf32, #tpu.memory_space<vmem>>
      %dma_wait3A_546 = tpu.memref_squeeze %dma_wait3A_545 : memref<1x128x128xf32, #tpu.memory_space<vmem>> -> memref<128x128xf32, #tpu.memory_space<vmem>>
      %dma_wait3A_547 = arith.constant 0 : i32
      %dma_wait3A_548 = arith.constant 0 : i32
      %dma_wait3A_549 = tpu.memref_slice %arg5[%dma_wait3A_547, %dma_wait3A_548] : memref<256x128xf32, #tpu.memory_space<hbm>> -> memref<128x128xf32, #tpu.memory_space<hbm>>
      tpu.wait_dma2 semaphore(%arg15 : memref<!tpu.dma_semaphore, #tpu.memory_space<semaphore_mem>>) src(%dma_wait3A_549 : memref<128x128xf32, #tpu.memory_space<hbm>>) dst(%dma_wait3A_546 : memref<128x128xf32, #tpu.memory_space<vmem>>)
      %get3A_550 = arith.constant 0 : index
      %get3A_551 = tpu.vector_load %arg8[%get3A_550] {strides = array<i32>} : memref<128xi32, #tpu.memory_space<vmem>>, vector<16xi32>,
      %get3A_552 = vector.shape_cast %get3A_551 : vector<16xi32> to vector<16xi32>
      %mul3A_553 = arith.constant 2 : i32
      %mul3A_554 = vector.broadcast %mul3A_553 : i32 to vector<16xi32>
      %mul3A_555 = arith.muli %get3A_552, %mul3A_554 : vector<16xi32>
      %add3A_556 = arith.constant 1 : i32
      %add3A_557 = vector.broadcast %add3A_556 : i32 to vector<16xi32>
      %add3A_558 = arith.addi %mul3A_555, %add3A_557 : vector<16xi32>
      %swap3A_559 = arith.constant 1 : i32
      %swap3A_560 = arith.index_cast %swap3A_559 : i32 to index
      %swap3A_561 = arith.constant 0 : index
      %swap3A_562 = tpu.vector_load %arg9[%swap3A_560, %swap3A_561] {strides = array<i32>} : memref<2x128xi32, #tpu.memory_space<vmem>>, vector<1x16xi32>,
      %swap3A_563 = vector.shape_cast %swap3A_562 : vector<1x16xi32> to vector<16xi32>
      %swap3A_564 = vector.shape_cast %add3A_558 : vector<16xi32> to vector<1x16xi32>
      tpu.vector_store %arg9[%swap3A_560, %swap3A_561], %swap3A_564 {strides = array<i32>} : memref<2x128xi32, #tpu.memory_space<vmem>>, vector<1x16xi32>,
      %get3A_565 = arith.constant 16 : index
      %get3A_566 = tpu.vector_load %arg8[%get3A_565] {strides = array<i32>} : memref<128xi32, #tpu.memory_space<vmem>>, vector<16xi32>,
      %get3A_567 = vector.shape_cast %get3A_566 : vector<16xi32> to vector<16xi32>
      %mul3A_568 = arith.constant 2 : i32
      %mul3A_569 = vector.broadcast %mul3A_568 : i32 to vector<16xi32>
      %mul3A_570 = arith.muli %get3A_567, %mul3A_569 : vector<16xi32>
      %add3A_571 = arith.constant 1 : i32
      %add3A_572 = vector.broadcast %add3A_571 : i32 to vector<16xi32>
      %add3A_573 = arith.addi %mul3A_570, %add3A_572 : vector<16xi32>
      %swap3A_574 = arith.constant 1 : i32
      %swap3A_575 = arith.index_cast %swap3A_574 : i32 to index
      %swap3A_576 = arith.constant 16 : index
      %swap3A_577 = tpu.vector_load %arg9[%swap3A_575, %swap3A_576] {strides = array<i32>} : memref<2x128xi32, #tpu.memory_space<vmem>>, vector<1x16xi32>,
      %swap3A_578 = vector.shape_cast %swap3A_577 : vector<1x16xi32> to vector<16xi32>
      %swap3A_579 = vector.shape_cast %add3A_573 : vector<16xi32> to vector<1x16xi32>
      tpu.vector_store %arg9[%swap3A_575, %swap3A_576], %swap3A_579 {strides = array<i32>} : memref<2x128xi32, #tpu.memory_space<vmem>>, vector<1x16xi32>,
      %get3A_580 = arith.constant 32 : index
      %get3A_581 = tpu.vector_load %arg8[%get3A_580] {strides = array<i32>} : memref<128xi32, #tpu.memory_space<vmem>>, vector<16xi32>,
      %get3A_582 = vector.shape_cast %get3A_581 : vector<16xi32> to vector<16xi32>
      %mul3A_583 = arith.constant 2 : i32
      %mul3A_584 = vector.broadcast %mul3A_583 : i32 to vector<16xi32>
      %mul3A_585 = arith.muli %get3A_582, %mul3A_584 : vector<16xi32>
      %add3A_586 = arith.constant 1 : i32
      %add3A_587 = vector.broadcast %add3A_586 : i32 to vector<16xi32>
      %add3A_588 = arith.addi %mul3A_585, %add3A_587 : vector<16xi32>
      %swap3A_589 = arith.constant 1 : i32
      %swap3A_590 = arith.index_cast %swap3A_589 : i32 to index
      %swap3A_591 = arith.constant 32 : index
      %swap3A_592 = tpu.vector_load %arg9[%swap3A_590, %swap3A_591] {strides = array<i32>} : memref<2x128xi32, #tpu.memory_space<vmem>>, vector<1x16xi32>,
      %swap3A_593 = vector.shape_cast %swap3A_592 : vector<1x16xi32> to vector<16xi32>
      %swap3A_594 = vector.shape_cast %add3A_588 : vector<16xi32> to vector<1x16xi32>
      tpu.vector_store %arg9[%swap3A_590, %swap3A_591], %swap3A_594 {strides = array<i32>} : memref<2x128xi32, #tpu.memory_space<vmem>>, vector<1x16xi32>,
      %get3A_595 = arith.constant 48 : index
      %get3A_596 = tpu.vector_load %arg8[%get3A_595] {strides = array<i32>} : memref<128xi32, #tpu.memory_space<vmem>>, vector<16xi32>,
      %get3A_597 = vector.shape_cast %get3A_596 : vector<16xi32> to vector<16xi32>
      %mul3A_598 = arith.constant 2 : i32
      %mul3A_599 = vector.broadcast %mul3A_598 : i32 to vector<16xi32>
      %mul3A_600 = arith.muli %get3A_597, %mul3A_599 : vector<16xi32>
      %add3A_601 = arith.constant 1 : i32
      %add3A_602 = vector.broadcast %add3A_601 : i32 to vector<16xi32>
      %add3A_603 = arith.addi %mul3A_600, %add3A_602 : vector<16xi32>
      %swap3A_604 = arith.constant 1 : i32
      %swap3A_605 = arith.index_cast %swap3A_604 : i32 to index
      %swap3A_606 = arith.constant 48 : index
      %swap3A_607 = tpu.vector_load %arg9[%swap3A_605, %swap3A_606] {strides = array<i32>} : memref<2x128xi32, #tpu.memory_space<vmem>>, vector<1x16xi32>,
      %swap3A_608 = vector.shape_cast %swap3A_607 : vector<1x16xi32> to vector<16xi32>
      %swap3A_609 = vector.shape_cast %add3A_603 : vector<16xi32> to vector<1x16xi32>
      tpu.vector_store %arg9[%swap3A_605, %swap3A_606], %swap3A_609 {strides = array<i32>} : memref<2x128xi32, #tpu.memory_space<vmem>>, vector<1x16xi32>,
      %get3A_610 = arith.constant 64 : index
      %get3A_611 = tpu.vector_load %arg8[%get3A_610] {strides = array<i32>} : memref<128xi32, #tpu.memory_space<vmem>>, vector<16xi32>,
      %get3A_612 = vector.shape_cast %get3A_611 : vector<16xi32> to vector<16xi32>
      %mul3A_613 = arith.constant 2 : i32
      %mul3A_614 = vector.broadcast %mul3A_613 : i32 to vector<16xi32>
      %mul3A_615 = arith.muli %get3A_612, %mul3A_614 : vector<16xi32>
      %add3A_616 = arith.constant 1 : i32
      %add3A_617 = vector.broadcast %add3A_616 : i32 to vector<16xi32>
      %add3A_618 = arith.addi %mul3A_615, %add3A_617 : vector<16xi32>
      %swap3A_619 = arith.constant 1 : i32
      %swap3A_620 = arith.index_cast %swap3A_619 : i32 to index
      %swap3A_621 = arith.constant 64 : index
      %swap3A_622 = tpu.vector_load %arg9[%swap3A_620, %swap3A_621] {strides = array<i32>} : memref<2x128xi32, #tpu.memory_space<vmem>>, vector<1x16xi32>,
      %swap3A_623 = vector.shape_cast %swap3A_622 : vector<1x16xi32> to vector<16xi32>
      %swap3A_624 = vector.shape_cast %add3A_618 : vector<16xi32> to vector<1x16xi32>
      tpu.vector_store %arg9[%swap3A_620, %swap3A_621], %swap3A_624 {strides = array<i32>} : memref<2x128xi32, #tpu.memory_space<vmem>>, vector<1x16xi32>,
      %get3A_625 = arith.constant 80 : index
      %get3A_626 = tpu.vector_load %arg8[%get3A_625] {strides = array<i32>} : memref<128xi32, #tpu.memory_space<vmem>>, vector<16xi32>,
      %get3A_627 = vector.shape_cast %get3A_626 : vector<16xi32> to vector<16xi32>
      %mul3A_628 = arith.constant 2 : i32
      %mul3A_629 = vector.broadcast %mul3A_628 : i32 to vector<16xi32>
      %mul3A_630 = arith.muli %get3A_627, %mul3A_629 : vector<16xi32>
      %add3A_631 = arith.constant 1 : i32
      %add3A_632 = vector.broadcast %add3A_631 : i32 to vector<16xi32>
      %add3A_633 = arith.addi %mul3A_630, %add3A_632 : vector<16xi32>
      %swap3A_634 = arith.constant 1 : i32
      %swap3A_635 = arith.index_cast %swap3A_634 : i32 to index
      %swap3A_636 = arith.constant 80 : index
      %swap3A_637 = tpu.vector_load %arg9[%swap3A_635, %swap3A_636] {strides = array<i32>} : memref<2x128xi32, #tpu.memory_space<vmem>>, vector<1x16xi32>,
      %swap3A_638 = vector.shape_cast %swap3A_637 : vector<1x16xi32> to vector<16xi32>
      %swap3A_639 = vector.shape_cast %add3A_633 : vector<16xi32> to vector<1x16xi32>
      tpu.vector_store %arg9[%swap3A_635, %swap3A_636], %swap3A_639 {strides = array<i32>} : memref<2x128xi32, #tpu.memory_space<vmem>>, vector<1x16xi32>,
      %get3A_640 = arith.constant 96 : index
      %get3A_641 = tpu.vector_load %arg8[%get3A_640] {strides = array<i32>} : memref<128xi32, #tpu.memory_space<vmem>>, vector<16xi32>,
      %get3A_642 = vector.shape_cast %get3A_641 : vector<16xi32> to vector<16xi32>
      %mul3A_643 = arith.constant 2 : i32
      %mul3A_644 = vector.broadcast %mul3A_643 : i32 to vector<16xi32>
      %mul3A_645 = arith.muli %get3A_642, %mul3A_644 : vector<16xi32>
      %add3A_646 = arith.constant 1 : i32
      %add3A_647 = vector.broadcast %add3A_646 : i32 to vector<16xi32>
      %add3A_648 = arith.addi %mul3A_645, %add3A_647 : vector<16xi32>
      %swap3A_649 = arith.constant 1 : i32
      %swap3A_650 = arith.index_cast %swap3A_649 : i32 to index
      %swap3A_651 = arith.constant 96 : index
      %swap3A_652 = tpu.vector_load %arg9[%swap3A_650, %swap3A_651] {strides = array<i32>} : memref<2x128xi32, #tpu.memory_space<vmem>>, vector<1x16xi32>,
      %swap3A_653 = vector.shape_cast %swap3A_652 : vector<1x16xi32> to vector<16xi32>
      %swap3A_654 = vector.shape_cast %add3A_648 : vector<16xi32> to vector<1x16xi32>
      tpu.vector_store %arg9[%swap3A_650, %swap3A_651], %swap3A_654 {strides = array<i32>} : memref<2x128xi32, #tpu.memory_space<vmem>>, vector<1x16xi32>,
      %get3A_655 = arith.constant 112 : index
      %get3A_656 = tpu.vector_load %arg8[%get3A_655] {strides = array<i32>} : memref<128xi32, #tpu.memory_space<vmem>>, vector<16xi32>,
      %get3A_657 = vector.shape_cast %get3A_656 : vector<16xi32> to vector<16xi32>
      %mul3A_658 = arith.constant 2 : i32
      %mul3A_659 = vector.broadcast %mul3A_658 : i32 to vector<16xi32>
      %mul3A_660 = arith.muli %get3A_657, %mul3A_659 : vector<16xi32>
      %add3A_661 = arith.constant 1 : i32
      %add3A_662 = vector.broadcast %add3A_661 : i32 to vector<16xi32>
      %add3A_663 = arith.addi %mul3A_660, %add3A_662 : vector<16xi32>
      %swap3A_664 = arith.constant 1 : i32
      %swap3A_665 = arith.index_cast %swap3A_664 : i32 to index
      %swap3A_666 = arith.constant 112 : index
      %swap3A_667 = tpu.vector_load %arg9[%swap3A_665, %swap3A_666] {strides = array<i32>} : memref<2x128xi32, #tpu.memory_space<vmem>>, vector<1x16xi32>,
      %swap3A_668 = vector.shape_cast %swap3A_667 : vector<1x16xi32> to vector<16xi32>
      %swap3A_669 = vector.shape_cast %add3A_663 : vector<16xi32> to vector<1x16xi32>
      tpu.vector_store %arg9[%swap3A_665, %swap3A_666], %swap3A_669 {strides = array<i32>} : memref<2x128xi32, #tpu.memory_space<vmem>>, vector<1x16xi32>,
      %dma_start3A_670 = arith.constant 1 : i32
      %dma_start3A_671 = arith.constant 1 : i32
      %dma_start3A_672 = arith.constant 0 : i32
      %dma_start3A_673 = arith.constant 0 : i32
      %dma_start3A_674 = tpu.memref_slice %arg10[%dma_start3A_671, %dma_start3A_672, %dma_start3A_673] : memref<2x128x128xf32, #tpu.memory_space<vmem>> -> memref<1x128x128xf32, #tpu.memory_space<vmem>>
      %dma_start3A_675 = tpu.memref_squeeze %dma_start3A_674 : memref<1x128x128xf32, #tpu.memory_space<vmem>> -> memref<128x128xf32, #tpu.memory_space<vmem>>
      %dma_start3A_676 = arith.constant 0 : i32
      %dma_start3A_677 = tpu.memref_slice %arg9[%dma_start3A_670, %dma_start3A_676] : memref<2x128xi32, #tpu.memory_space<vmem>> -> memref<1x128xi32, #tpu.memory_space<vmem>>
      %dma_start3A_678 = tpu.memref_squeeze %dma_start3A_677 : memref<1x128xi32, #tpu.memory_space<vmem>> -> memref<128xi32, #tpu.memory_space<vmem>>
      %dma_start3A_679 = arith.constant 0 : i32
      %dma_start3A_680 = arith.constant 0 : i32
      %dma_start3A_681 = tpu.memref_slice %arg2[%dma_start3A_679, %dma_start3A_680] : memref<8192x128xf32, #tpu.memory_space<hbm>> -> memref<8192x128xf32, #tpu.memory_space<hbm>>
      tpu.enqueue_indirect_dma source(%dma_start3A_681 : memref<8192x128xf32, #tpu.memory_space<hbm>>) target(%dma_start3A_675 : memref<128x128xf32, #tpu.memory_space<vmem>>) offsets(%dma_start3A_678 : memref<128xi32, #tpu.memory_space<vmem>>) semaphore(%arg13 : memref<!tpu.dma_semaphore, #tpu.memory_space<semaphore_mem>>)
      %dma_wait3A_682 = arith.constant 0 : i32
      %dma_wait3A_683 = arith.constant 0 : i32
      %dma_wait3A_684 = arith.constant 0 : i32
      %dma_wait3A_685 = tpu.memref_slice %arg10[%dma_wait3A_682, %dma_wait3A_683, %dma_wait3A_684] : memref<2x128x128xf32, #tpu.memory_space<vmem>> -> memref<1x128x128xf32, #tpu.memory_space<vmem>>
      %dma_wait3A_686 = tpu.memref_squeeze %dma_wait3A_685 : memref<1x128x128xf32, #tpu.memory_space<vmem>> -> memref<128x128xf32, #tpu.memory_space<vmem>>
      %dma_wait3A_687 = arith.constant 0 : i32
      %dma_wait3A_688 = arith.constant 0 : i32
      %dma_wait3A_689 = tpu.memref_slice %arg5[%dma_wait3A_687, %dma_wait3A_688] : memref<256x128xf32, #tpu.memory_space<hbm>> -> memref<128x128xf32, #tpu.memory_space<hbm>>
      %dma_wait3A_690 = arith.constant 0 : i32
      %dma_wait3A_691 = arith.constant 0 : i32
      %dma_wait3A_692 = tpu.memref_slice %arg10[%dma_wait3A_682, %dma_wait3A_690, %dma_wait3A_691] : memref<2x128x128xf32, #tpu.memory_space<vmem>> -> memref<1x128x128xf32, #tpu.memory_space<vmem>>
      %dma_wait3A_693 = tpu.memref_squeeze %dma_wait3A_692 : memref<1x128x128xf32, #tpu.memory_space<vmem>> -> memref<128x128xf32, #tpu.memory_space<vmem>>
      %dma_wait3A_694 = arith.constant 0 : i32
      %dma_wait3A_695 = arith.constant 0 : i32
      %dma_wait3A_696 = tpu.memref_slice %arg5[%dma_wait3A_694, %dma_wait3A_695] : memref<256x128xf32, #tpu.memory_space<hbm>> -> memref<128x128xf32, #tpu.memory_space<hbm>>
      tpu.wait_dma2 semaphore(%arg12 : memref<!tpu.dma_semaphore, #tpu.memory_space<semaphore_mem>>) src(%dma_wait3A_696 : memref<128x128xf32, #tpu.memory_space<hbm>>) dst(%dma_wait3A_693 : memref<128x128xf32, #tpu.memory_space<vmem>>)
      %dma_start3A_697 = arith.constant 0 : i32
      %dma_start3A_698 = arith.constant 0 : i32
      %dma_start3A_699 = arith.constant 1 : i32
      %dma_start3A_700 = arith.constant 0 : i32
      %dma_start3A_701 = arith.constant 0 : i32
      %dma_start3A_702 = tpu.memref_slice %arg10[%dma_start3A_697, %dma_start3A_700, %dma_start3A_701] : memref<2x128x128xf32, #tpu.memory_space<vmem>> -> memref<1x128x128xf32, #tpu.memory_space<vmem>>
      %dma_start3A_703 = tpu.memref_squeeze %dma_start3A_702 : memref<1x128x128xf32, #tpu.memory_space<vmem>> -> memref<128x128xf32, #tpu.memory_space<vmem>>
      %dma_start3A_704 = arith.constant 0 : i32
      %dma_start3A_705 = tpu.memref_slice %arg7[%dma_start3A_699, %dma_start3A_704] : memref<2x128xi32, #tpu.memory_space<vmem>> -> memref<1x128xi32, #tpu.memory_space<vmem>>
      %dma_start3A_706 = tpu.memref_squeeze %dma_start3A_705 : memref<1x128xi32, #tpu.memory_space<vmem>> -> memref<128xi32, #tpu.memory_space<vmem>>
      %dma_start3A_707 = arith.constant 0 : i32
      %dma_start3A_708 = arith.constant 0 : i32
      %dma_start3A_709 = tpu.memref_slice %arg11[%dma_start3A_698, %dma_start3A_707, %dma_start3A_708] : memref<2x1024x128xf32, #tpu.memory_space<vmem_shared>> -> memref<1x1024x128xf32, #tpu.memory_space<vmem_shared>>
      %dma_start3A_710 = tpu.memref_squeeze %dma_start3A_709 : memref<1x1024x128xf32, #tpu.memory_space<vmem_shared>> -> memref<1024x128xf32, #tpu.memory_space<vmem_shared>>
      %dma_start3A_711 = arith.constant 0 : i32
      %dma_start3A_712 = arith.constant 0 : i32
      %dma_start3A_713 = tpu.memref_slice %dma_start3A_710[%dma_start3A_711, %dma_start3A_712] : memref<1024x128xf32, #tpu.memory_space<vmem_shared>> -> memref<1024x128xf32, #tpu.memory_space<vmem_shared>>
      tpu.enqueue_indirect_dma source(%dma_start3A_703 : memref<128x128xf32, #tpu.memory_space<vmem>>) target(%dma_start3A_713 : memref<1024x128xf32, #tpu.memory_space<vmem_shared>>) offsets(%dma_start3A_706 : memref<128xi32, #tpu.memory_space<vmem>>) semaphore(%arg14 : memref<!tpu.dma_semaphore, #tpu.memory_space<semaphore_mem>>) {add = true}
      %mul3A_714 = arith.constant 2 : i32
      %mul3A_715 = arith.muli %mul3A_714, %scan3A_179 : i32
      %add3A_716 = arith.constant 2 : i32
      %add3A_717 = arith.addi %mul3A_715, %add3A_716 : i32
      %mul3A_718 = arith.constant 4 : i32
      %mul3A_719 = arith.muli %add3A, %mul3A_718 : i32
      %add3A_720 = arith.addi %mul3A_719, %add3A_717 : i32
      %mul3A_721 = arith.constant 128 : i32
      %mul3A_722 = arith.muli %add3A_720, %mul3A_721 : i32
      "tpu.region"() ({
        %run_scoped3A_903 = tpu.sem_alloc : memref<!tpu.dma_semaphore, #tpu.memory_space<semaphore_mem>>
        %dma_start3A_904 = tpu.memref_slice %arg3[%mul3A_722] : memref<16512xi32, #tpu.memory_space<hbm>> -> memref<128xi32, #tpu.memory_space<hbm>>
        %dma_start3A_905 = tpu.memref_slice %arg3[%mul3A_722] : memref<16512xi32, #tpu.memory_space<hbm>> -> memref<128xi32, #tpu.memory_space<hbm>>
        tpu.enqueue_dma source(%dma_start3A_905 : memref<128xi32, #tpu.memory_space<hbm>>) target(%arg8 : memref<128xi32, #tpu.memory_space<vmem>>) target_semaphore(%run_scoped3A_903 : memref<!tpu.dma_semaphore, #tpu.memory_space<semaphore_mem>>)
        %dma_wait3A_906 = tpu.memref_slice %arg3[%mul3A_722] : memref<16512xi32, #tpu.memory_space<hbm>> -> memref<128xi32, #tpu.memory_space<hbm>>
        %dma_wait3A_907 = tpu.memref_slice %arg3[%mul3A_722] : memref<16512xi32, #tpu.memory_space<hbm>> -> memref<128xi32, #tpu.memory_space<hbm>>
        tpu.wait_dma2 semaphore(%run_scoped3A_903 : memref<!tpu.dma_semaphore, #tpu.memory_space<semaphore_mem>>) src(%dma_wait3A_907 : memref<128xi32, #tpu.memory_space<hbm>>) dst(%arg8 : memref<128xi32, #tpu.memory_space<vmem>>)
        tpu.yield
      }) : () -> ()
      %run_scoped3A_723 = arith.constant 0 : i32
      "tpu.region"() ({
        %run_scoped3A_903 = tpu.sem_alloc : memref<!tpu.dma_semaphore, #tpu.memory_space<semaphore_mem>>
        %dma_start3A_904 = arith.constant 0 : i32
        %dma_start3A_905 = tpu.memref_slice %arg7[%run_scoped3A_723, %dma_start3A_904] : memref<2x128xi32, #tpu.memory_space<vmem>> -> memref<1x128xi32, #tpu.memory_space<vmem>>
        %dma_start3A_906 = tpu.memref_squeeze %dma_start3A_905 : memref<1x128xi32, #tpu.memory_space<vmem>> -> memref<128xi32, #tpu.memory_space<vmem>>
        %dma_start3A_907 = tpu.memref_slice %arg4[%mul3A_722] : memref<16512xi32, #tpu.memory_space<hbm>> -> memref<128xi32, #tpu.memory_space<hbm>>
        %dma_start3A_908 = arith.constant 0 : i32
        %dma_start3A_909 = tpu.memref_slice %arg7[%run_scoped3A_723, %dma_start3A_908] : memref<2x128xi32, #tpu.memory_space<vmem>> -> memref<1x128xi32, #tpu.memory_space<vmem>>
        %dma_start3A_910 = tpu.memref_squeeze %dma_start3A_909 : memref<1x128xi32, #tpu.memory_space<vmem>> -> memref<128xi32, #tpu.memory_space<vmem>>
        %dma_start3A_911 = tpu.memref_slice %arg4[%mul3A_722] : memref<16512xi32, #tpu.memory_space<hbm>> -> memref<128xi32, #tpu.memory_space<hbm>>
        tpu.enqueue_dma source(%dma_start3A_911 : memref<128xi32, #tpu.memory_space<hbm>>) target(%dma_start3A_910 : memref<128xi32, #tpu.memory_space<vmem>>) target_semaphore(%run_scoped3A_903 : memref<!tpu.dma_semaphore, #tpu.memory_space<semaphore_mem>>)
        %dma_wait3A_912 = arith.constant 0 : i32
        %dma_wait3A_913 = tpu.memref_slice %arg7[%run_scoped3A_723, %dma_wait3A_912] : memref<2x128xi32, #tpu.memory_space<vmem>> -> memref<1x128xi32, #tpu.memory_space<vmem>>
        %dma_wait3A_914 = tpu.memref_squeeze %dma_wait3A_913 : memref<1x128xi32, #tpu.memory_space<vmem>> -> memref<128xi32, #tpu.memory_space<vmem>>
        %dma_wait3A_915 = tpu.memref_slice %arg4[%mul3A_722] : memref<16512xi32, #tpu.memory_space<hbm>> -> memref<128xi32, #tpu.memory_space<hbm>>
        %dma_wait3A_916 = arith.constant 0 : i32
        %dma_wait3A_917 = tpu.memref_slice %arg7[%run_scoped3A_723, %dma_wait3A_916] : memref<2x128xi32, #tpu.memory_space<vmem>> -> memref<1x128xi32, #tpu.memory_space<vmem>>
        %dma_wait3A_918 = tpu.memref_squeeze %dma_wait3A_917 : memref<1x128xi32, #tpu.memory_space<vmem>> -> memref<128xi32, #tpu.memory_space<vmem>>
        %dma_wait3A_919 = tpu.memref_slice %arg4[%mul3A_722] : memref<16512xi32, #tpu.memory_space<hbm>> -> memref<128xi32, #tpu.memory_space<hbm>>
        tpu.wait_dma2 semaphore(%run_scoped3A_903 : memref<!tpu.dma_semaphore, #tpu.memory_space<semaphore_mem>>) src(%dma_wait3A_919 : memref<128xi32, #tpu.memory_space<hbm>>) dst(%dma_wait3A_918 : memref<128xi32, #tpu.memory_space<vmem>>)
        tpu.yield
      }) : () -> ()
      %dma_wait3A_724 = arith.constant 0 : i32
      %dma_wait3A_725 = arith.constant 0 : i32
      %dma_wait3A_726 = arith.constant 0 : i32
      %dma_wait3A_727 = tpu.memref_slice %arg10[%dma_wait3A_724, %dma_wait3A_725, %dma_wait3A_726] : memref<2x128x128xf32, #tpu.memory_space<vmem>> -> memref<1x128x128xf32, #tpu.memory_space<vmem>>
      %dma_wait3A_728 = tpu.memref_squeeze %dma_wait3A_727 : memref<1x128x128xf32, #tpu.memory_space<vmem>> -> memref<128x128xf32, #tpu.memory_space<vmem>>
      %dma_wait3A_729 = arith.constant 0 : i32
      %dma_wait3A_730 = arith.constant 0 : i32
      %dma_wait3A_731 = tpu.memref_slice %arg5[%dma_wait3A_729, %dma_wait3A_730] : memref<256x128xf32, #tpu.memory_space<hbm>> -> memref<128x128xf32, #tpu.memory_space<hbm>>
      %dma_wait3A_732 = arith.constant 0 : i32
      %dma_wait3A_733 = arith.constant 0 : i32
      %dma_wait3A_734 = tpu.memref_slice %arg10[%dma_wait3A_724, %dma_wait3A_732, %dma_wait3A_733] : memref<2x128x128xf32, #tpu.memory_space<vmem>> -> memref<1x128x128xf32, #tpu.memory_space<vmem>>
      %dma_wait3A_735 = tpu.memref_squeeze %dma_wait3A_734 : memref<1x128x128xf32, #tpu.memory_space<vmem>> -> memref<128x128xf32, #tpu.memory_space<vmem>>
      %dma_wait3A_736 = arith.constant 0 : i32
      %dma_wait3A_737 = arith.constant 0 : i32
      %dma_wait3A_738 = tpu.memref_slice %arg5[%dma_wait3A_736, %dma_wait3A_737] : memref<256x128xf32, #tpu.memory_space<hbm>> -> memref<128x128xf32, #tpu.memory_space<hbm>>
      tpu.wait_dma2 semaphore(%arg14 : memref<!tpu.dma_semaphore, #tpu.memory_space<semaphore_mem>>) src(%dma_wait3A_738 : memref<128x128xf32, #tpu.memory_space<hbm>>) dst(%dma_wait3A_735 : memref<128x128xf32, #tpu.memory_space<vmem>>)
      %get3A_739 = arith.constant 0 : index
      %get3A_740 = tpu.vector_load %arg8[%get3A_739] {strides = array<i32>} : memref<128xi32, #tpu.memory_space<vmem>>, vector<16xi32>,
      %get3A_741 = vector.shape_cast %get3A_740 : vector<16xi32> to vector<16xi32>
      %mul3A_742 = arith.constant 2 : i32
      %mul3A_743 = vector.broadcast %mul3A_742 : i32 to vector<16xi32>
      %mul3A_744 = arith.muli %get3A_741, %mul3A_743 : vector<16xi32>
      %add3A_745 = arith.constant 0 : i32
      %add3A_746 = vector.broadcast %add3A_745 : i32 to vector<16xi32>
      %add3A_747 = arith.addi %mul3A_744, %add3A_746 : vector<16xi32>
      %swap3A_748 = arith.constant 0 : i32
      %swap3A_749 = arith.index_cast %swap3A_748 : i32 to index
      %swap3A_750 = arith.constant 0 : index
      %swap3A_751 = tpu.vector_load %arg9[%swap3A_749, %swap3A_750] {strides = array<i32>} : memref<2x128xi32, #tpu.memory_space<vmem>>, vector<1x16xi32>,
      %swap3A_752 = vector.shape_cast %swap3A_751 : vector<1x16xi32> to vector<16xi32>
      %swap3A_753 = vector.shape_cast %add3A_747 : vector<16xi32> to vector<1x16xi32>
      tpu.vector_store %arg9[%swap3A_749, %swap3A_750], %swap3A_753 {strides = array<i32>} : memref<2x128xi32, #tpu.memory_space<vmem>>, vector<1x16xi32>,
      %get3A_754 = arith.constant 16 : index
      %get3A_755 = tpu.vector_load %arg8[%get3A_754] {strides = array<i32>} : memref<128xi32, #tpu.memory_space<vmem>>, vector<16xi32>,
      %get3A_756 = vector.shape_cast %get3A_755 : vector<16xi32> to vector<16xi32>
      %mul3A_757 = arith.constant 2 : i32
      %mul3A_758 = vector.broadcast %mul3A_757 : i32 to vector<16xi32>
      %mul3A_759 = arith.muli %get3A_756, %mul3A_758 : vector<16xi32>
      %add3A_760 = arith.constant 0 : i32
      %add3A_761 = vector.broadcast %add3A_760 : i32 to vector<16xi32>
      %add3A_762 = arith.addi %mul3A_759, %add3A_761 : vector<16xi32>
      %swap3A_763 = arith.constant 0 : i32
      %swap3A_764 = arith.index_cast %swap3A_763 : i32 to index
      %swap3A_765 = arith.constant 16 : index
      %swap3A_766 = tpu.vector_load %arg9[%swap3A_764, %swap3A_765] {strides = array<i32>} : memref<2x128xi32, #tpu.memory_space<vmem>>, vector<1x16xi32>,
      %swap3A_767 = vector.shape_cast %swap3A_766 : vector<1x16xi32> to vector<16xi32>
      %swap3A_768 = vector.shape_cast %add3A_762 : vector<16xi32> to vector<1x16xi32>
      tpu.vector_store %arg9[%swap3A_764, %swap3A_765], %swap3A_768 {strides = array<i32>} : memref<2x128xi32, #tpu.memory_space<vmem>>, vector<1x16xi32>,
      %get3A_769 = arith.constant 32 : index
      %get3A_770 = tpu.vector_load %arg8[%get3A_769] {strides = array<i32>} : memref<128xi32, #tpu.memory_space<vmem>>, vector<16xi32>,
      %get3A_771 = vector.shape_cast %get3A_770 : vector<16xi32> to vector<16xi32>
      %mul3A_772 = arith.constant 2 : i32
      %mul3A_773 = vector.broadcast %mul3A_772 : i32 to vector<16xi32>
      %mul3A_774 = arith.muli %get3A_771, %mul3A_773 : vector<16xi32>
      %add3A_775 = arith.constant 0 : i32
      %add3A_776 = vector.broadcast %add3A_775 : i32 to vector<16xi32>
      %add3A_777 = arith.addi %mul3A_774, %add3A_776 : vector<16xi32>
      %swap3A_778 = arith.constant 0 : i32
      %swap3A_779 = arith.index_cast %swap3A_778 : i32 to index
      %swap3A_780 = arith.constant 32 : index
      %swap3A_781 = tpu.vector_load %arg9[%swap3A_779, %swap3A_780] {strides = array<i32>} : memref<2x128xi32, #tpu.memory_space<vmem>>, vector<1x16xi32>,
      %swap3A_782 = vector.shape_cast %swap3A_781 : vector<1x16xi32> to vector<16xi32>
      %swap3A_783 = vector.shape_cast %add3A_777 : vector<16xi32> to vector<1x16xi32>
      tpu.vector_store %arg9[%swap3A_779, %swap3A_780], %swap3A_783 {strides = array<i32>} : memref<2x128xi32, #tpu.memory_space<vmem>>, vector<1x16xi32>,
      %get3A_784 = arith.constant 48 : index
      %get3A_785 = tpu.vector_load %arg8[%get3A_784] {strides = array<i32>} : memref<128xi32, #tpu.memory_space<vmem>>, vector<16xi32>,
      %get3A_786 = vector.shape_cast %get3A_785 : vector<16xi32> to vector<16xi32>
      %mul3A_787 = arith.constant 2 : i32
      %mul3A_788 = vector.broadcast %mul3A_787 : i32 to vector<16xi32>
      %mul3A_789 = arith.muli %get3A_786, %mul3A_788 : vector<16xi32>
      %add3A_790 = arith.constant 0 : i32
      %add3A_791 = vector.broadcast %add3A_790 : i32 to vector<16xi32>
      %add3A_792 = arith.addi %mul3A_789, %add3A_791 : vector<16xi32>
      %swap3A_793 = arith.constant 0 : i32
      %swap3A_794 = arith.index_cast %swap3A_793 : i32 to index
      %swap3A_795 = arith.constant 48 : index
      %swap3A_796 = tpu.vector_load %arg9[%swap3A_794, %swap3A_795] {strides = array<i32>} : memref<2x128xi32, #tpu.memory_space<vmem>>, vector<1x16xi32>,
      %swap3A_797 = vector.shape_cast %swap3A_796 : vector<1x16xi32> to vector<16xi32>
      %swap3A_798 = vector.shape_cast %add3A_792 : vector<16xi32> to vector<1x16xi32>
      tpu.vector_store %arg9[%swap3A_794, %swap3A_795], %swap3A_798 {strides = array<i32>} : memref<2x128xi32, #tpu.memory_space<vmem>>, vector<1x16xi32>,
      %get3A_799 = arith.constant 64 : index
      %get3A_800 = tpu.vector_load %arg8[%get3A_799] {strides = array<i32>} : memref<128xi32, #tpu.memory_space<vmem>>, vector<16xi32>,
      %get3A_801 = vector.shape_cast %get3A_800 : vector<16xi32> to vector<16xi32>
      %mul3A_802 = arith.constant 2 : i32
      %mul3A_803 = vector.broadcast %mul3A_802 : i32 to vector<16xi32>
      %mul3A_804 = arith.muli %get3A_801, %mul3A_803 : vector<16xi32>
      %add3A_805 = arith.constant 0 : i32
      %add3A_806 = vector.broadcast %add3A_805 : i32 to vector<16xi32>
      %add3A_807 = arith.addi %mul3A_804, %add3A_806 : vector<16xi32>
      %swap3A_808 = arith.constant 0 : i32
      %swap3A_809 = arith.index_cast %swap3A_808 : i32 to index
      %swap3A_810 = arith.constant 64 : index
      %swap3A_811 = tpu.vector_load %arg9[%swap3A_809, %swap3A_810] {strides = array<i32>} : memref<2x128xi32, #tpu.memory_space<vmem>>, vector<1x16xi32>,
      %swap3A_812 = vector.shape_cast %swap3A_811 : vector<1x16xi32> to vector<16xi32>
      %swap3A_813 = vector.shape_cast %add3A_807 : vector<16xi32> to vector<1x16xi32>
      tpu.vector_store %arg9[%swap3A_809, %swap3A_810], %swap3A_813 {strides = array<i32>} : memref<2x128xi32, #tpu.memory_space<vmem>>, vector<1x16xi32>,
      %get3A_814 = arith.constant 80 : index
      %get3A_815 = tpu.vector_load %arg8[%get3A_814] {strides = array<i32>} : memref<128xi32, #tpu.memory_space<vmem>>, vector<16xi32>,
      %get3A_816 = vector.shape_cast %get3A_815 : vector<16xi32> to vector<16xi32>
      %mul3A_817 = arith.constant 2 : i32
      %mul3A_818 = vector.broadcast %mul3A_817 : i32 to vector<16xi32>
      %mul3A_819 = arith.muli %get3A_816, %mul3A_818 : vector<16xi32>
      %add3A_820 = arith.constant 0 : i32
      %add3A_821 = vector.broadcast %add3A_820 : i32 to vector<16xi32>
      %add3A_822 = arith.addi %mul3A_819, %add3A_821 : vector<16xi32>
      %swap3A_823 = arith.constant 0 : i32
      %swap3A_824 = arith.index_cast %swap3A_823 : i32 to index
      %swap3A_825 = arith.constant 80 : index
      %swap3A_826 = tpu.vector_load %arg9[%swap3A_824, %swap3A_825] {strides = array<i32>} : memref<2x128xi32, #tpu.memory_space<vmem>>, vector<1x16xi32>,
      %swap3A_827 = vector.shape_cast %swap3A_826 : vector<1x16xi32> to vector<16xi32>
      %swap3A_828 = vector.shape_cast %add3A_822 : vector<16xi32> to vector<1x16xi32>
      tpu.vector_store %arg9[%swap3A_824, %swap3A_825], %swap3A_828 {strides = array<i32>} : memref<2x128xi32, #tpu.memory_space<vmem>>, vector<1x16xi32>,
      %get3A_829 = arith.constant 96 : index
      %get3A_830 = tpu.vector_load %arg8[%get3A_829] {strides = array<i32>} : memref<128xi32, #tpu.memory_space<vmem>>, vector<16xi32>,
      %get3A_831 = vector.shape_cast %get3A_830 : vector<16xi32> to vector<16xi32>
      %mul3A_832 = arith.constant 2 : i32
      %mul3A_833 = vector.broadcast %mul3A_832 : i32 to vector<16xi32>
      %mul3A_834 = arith.muli %get3A_831, %mul3A_833 : vector<16xi32>
      %add3A_835 = arith.constant 0 : i32
      %add3A_836 = vector.broadcast %add3A_835 : i32 to vector<16xi32>
      %add3A_837 = arith.addi %mul3A_834, %add3A_836 : vector<16xi32>
      %swap3A_838 = arith.constant 0 : i32
      %swap3A_839 = arith.index_cast %swap3A_838 : i32 to index
      %swap3A_840 = arith.constant 96 : index
      %swap3A_841 = tpu.vector_load %arg9[%swap3A_839, %swap3A_840] {strides = array<i32>} : memref<2x128xi32, #tpu.memory_space<vmem>>, vector<1x16xi32>,
      %swap3A_842 = vector.shape_cast %swap3A_841 : vector<1x16xi32> to vector<16xi32>
      %swap3A_843 = vector.shape_cast %add3A_837 : vector<16xi32> to vector<1x16xi32>
      tpu.vector_store %arg9[%swap3A_839, %swap3A_840], %swap3A_843 {strides = array<i32>} : memref<2x128xi32, #tpu.memory_space<vmem>>, vector<1x16xi32>,
      %get3A_844 = arith.constant 112 : index
      %get3A_845 = tpu.vector_load %arg8[%get3A_844] {strides = array<i32>} : memref<128xi32, #tpu.memory_space<vmem>>, vector<16xi32>,
      %get3A_846 = vector.shape_cast %get3A_845 : vector<16xi32> to vector<16xi32>
      %mul3A_847 = arith.constant 2 : i32
      %mul3A_848 = vector.broadcast %mul3A_847 : i32 to vector<16xi32>
      %mul3A_849 = arith.muli %get3A_846, %mul3A_848 : vector<16xi32>
      %add3A_850 = arith.constant 0 : i32
      %add3A_851 = vector.broadcast %add3A_850 : i32 to vector<16xi32>
      %add3A_852 = arith.addi %mul3A_849, %add3A_851 : vector<16xi32>
      %swap3A_853 = arith.constant 0 : i32
      %swap3A_854 = arith.index_cast %swap3A_853 : i32 to index
      %swap3A_855 = arith.constant 112 : index
      %swap3A_856 = tpu.vector_load %arg9[%swap3A_854, %swap3A_855] {strides = array<i32>} : memref<2x128xi32, #tpu.memory_space<vmem>>, vector<1x16xi32>,
      %swap3A_857 = vector.shape_cast %swap3A_856 : vector<1x16xi32> to vector<16xi32>
      %swap3A_858 = vector.shape_cast %add3A_852 : vector<16xi32> to vector<1x16xi32>
      tpu.vector_store %arg9[%swap3A_854, %swap3A_855], %swap3A_858 {strides = array<i32>} : memref<2x128xi32, #tpu.memory_space<vmem>>, vector<1x16xi32>,
      %dma_start3A_859 = arith.constant 0 : i32
      %dma_start3A_860 = arith.constant 0 : i32
      %dma_start3A_861 = arith.constant 0 : i32
      %dma_start3A_862 = arith.constant 0 : i32
      %dma_start3A_863 = tpu.memref_slice %arg10[%dma_start3A_860, %dma_start3A_861, %dma_start3A_862] : memref<2x128x128xf32, #tpu.memory_space<vmem>> -> memref<1x128x128xf32, #tpu.memory_space<vmem>>
      %dma_start3A_864 = tpu.memref_squeeze %dma_start3A_863 : memref<1x128x128xf32, #tpu.memory_space<vmem>> -> memref<128x128xf32, #tpu.memory_space<vmem>>
      %dma_start3A_865 = arith.constant 0 : i32
      %dma_start3A_866 = tpu.memref_slice %arg9[%dma_start3A_859, %dma_start3A_865] : memref<2x128xi32, #tpu.memory_space<vmem>> -> memref<1x128xi32, #tpu.memory_space<vmem>>
      %dma_start3A_867 = tpu.memref_squeeze %dma_start3A_866 : memref<1x128xi32, #tpu.memory_space<vmem>> -> memref<128xi32, #tpu.memory_space<vmem>>
      %dma_start3A_868 = arith.constant 0 : i32
      %dma_start3A_869 = arith.constant 0 : i32
      %dma_start3A_870 = tpu.memref_slice %arg2[%dma_start3A_868, %dma_start3A_869] : memref<8192x128xf32, #tpu.memory_space<hbm>> -> memref<8192x128xf32, #tpu.memory_space<hbm>>
      tpu.enqueue_indirect_dma source(%dma_start3A_870 : memref<8192x128xf32, #tpu.memory_space<hbm>>) target(%dma_start3A_864 : memref<128x128xf32, #tpu.memory_space<vmem>>) offsets(%dma_start3A_867 : memref<128xi32, #tpu.memory_space<vmem>>) semaphore(%arg12 : memref<!tpu.dma_semaphore, #tpu.memory_space<semaphore_mem>>)
      %dma_wait3A_871 = arith.constant 1 : i32
      %dma_wait3A_872 = arith.constant 0 : i32
      %dma_wait3A_873 = arith.constant 0 : i32
      %dma_wait3A_874 = tpu.memref_slice %arg10[%dma_wait3A_871, %dma_wait3A_872, %dma_wait3A_873] : memref<2x128x128xf32, #tpu.memory_space<vmem>> -> memref<1x128x128xf32, #tpu.memory_space<vmem>>
      %dma_wait3A_875 = tpu.memref_squeeze %dma_wait3A_874 : memref<1x128x128xf32, #tpu.memory_space<vmem>> -> memref<128x128xf32, #tpu.memory_space<vmem>>
      %dma_wait3A_876 = arith.constant 0 : i32
      %dma_wait3A_877 = arith.constant 0 : i32
      %dma_wait3A_878 = tpu.memref_slice %arg5[%dma_wait3A_876, %dma_wait3A_877] : memref<256x128xf32, #tpu.memory_space<hbm>> -> memref<128x128xf32, #tpu.memory_space<hbm>>
      %dma_wait3A_879 = arith.constant 0 : i32
      %dma_wait3A_880 = arith.constant 0 : i32
      %dma_wait3A_881 = tpu.memref_slice %arg10[%dma_wait3A_871, %dma_wait3A_879, %dma_wait3A_880] : memref<2x128x128xf32, #tpu.memory_space<vmem>> -> memref<1x128x128xf32, #tpu.memory_space<vmem>>
      %dma_wait3A_882 = tpu.memref_squeeze %dma_wait3A_881 : memref<1x128x128xf32, #tpu.memory_space<vmem>> -> memref<128x128xf32, #tpu.memory_space<vmem>>
      %dma_wait3A_883 = arith.constant 0 : i32
      %dma_wait3A_884 = arith.constant 0 : i32
      %dma_wait3A_885 = tpu.memref_slice %arg5[%dma_wait3A_883, %dma_wait3A_884] : memref<256x128xf32, #tpu.memory_space<hbm>> -> memref<128x128xf32, #tpu.memory_space<hbm>>
      tpu.wait_dma2 semaphore(%arg13 : memref<!tpu.dma_semaphore, #tpu.memory_space<semaphore_mem>>) src(%dma_wait3A_885 : memref<128x128xf32, #tpu.memory_space<hbm>>) dst(%dma_wait3A_882 : memref<128x128xf32, #tpu.memory_space<vmem>>)
      %dma_start3A_886 = arith.constant 1 : i32
      %dma_start3A_887 = arith.constant 1 : i32
      %dma_start3A_888 = arith.constant 1 : i32
      %dma_start3A_889 = arith.constant 0 : i32
      %dma_start3A_890 = arith.constant 0 : i32
      %dma_start3A_891 = tpu.memref_slice %arg10[%dma_start3A_886, %dma_start3A_889, %dma_start3A_890] : memref<2x128x128xf32, #tpu.memory_space<vmem>> -> memref<1x128x128xf32, #tpu.memory_space<vmem>>
      %dma_start3A_892 = tpu.memref_squeeze %dma_start3A_891 : memref<1x128x128xf32, #tpu.memory_space<vmem>> -> memref<128x128xf32, #tpu.memory_space<vmem>>
      %dma_start3A_893 = arith.constant 0 : i32
      %dma_start3A_894 = tpu.memref_slice %arg7[%dma_start3A_888, %dma_start3A_893] : memref<2x128xi32, #tpu.memory_space<vmem>> -> memref<1x128xi32, #tpu.memory_space<vmem>>
      %dma_start3A_895 = tpu.memref_squeeze %dma_start3A_894 : memref<1x128xi32, #tpu.memory_space<vmem>> -> memref<128xi32, #tpu.memory_space<vmem>>
      %dma_start3A_896 = arith.constant 0 : i32
      %dma_start3A_897 = arith.constant 0 : i32
      %dma_start3A_898 = tpu.memref_slice %arg11[%dma_start3A_887, %dma_start3A_896, %dma_start3A_897] : memref<2x1024x128xf32, #tpu.memory_space<vmem_shared>> -> memref<1x1024x128xf32, #tpu.memory_space<vmem_shared>>
      %dma_start3A_899 = tpu.memref_squeeze %dma_start3A_898 : memref<1x1024x128xf32, #tpu.memory_space<vmem_shared>> -> memref<1024x128xf32, #tpu.memory_space<vmem_shared>>
      %dma_start3A_900 = arith.constant 0 : i32
      %dma_start3A_901 = arith.constant 0 : i32
      %dma_start3A_902 = tpu.memref_slice %dma_start3A_899[%dma_start3A_900, %dma_start3A_901] : memref<1024x128xf32, #tpu.memory_space<vmem_shared>> -> memref<1024x128xf32, #tpu.memory_space<vmem_shared>>
      tpu.enqueue_indirect_dma source(%dma_start3A_892 : memref<128x128xf32, #tpu.memory_space<vmem>>) target(%dma_start3A_902 : memref<1024x128xf32, #tpu.memory_space<vmem_shared>>) offsets(%dma_start3A_895 : memref<128xi32, #tpu.memory_space<vmem>>) semaphore(%arg15 : memref<!tpu.dma_semaphore, #tpu.memory_space<semaphore_mem>>) {add = true}
    }
    %scan3A_144 = arith.constant 2 : i32
    %dma_wait3A = arith.constant 1 : i32
    %dma_wait3A_145 = arith.constant 0 : i32
    %dma_wait3A_146 = arith.constant 0 : i32
    %dma_wait3A_147 = tpu.memref_slice %arg10[%dma_wait3A, %dma_wait3A_145, %dma_wait3A_146] : memref<2x128x128xf32, #tpu.memory_space<vmem>> -> memref<1x128x128xf32, #tpu.memory_space<vmem>>
    %dma_wait3A_148 = tpu.memref_squeeze %dma_wait3A_147 : memref<1x128x128xf32, #tpu.memory_space<vmem>> -> memref<128x128xf32, #tpu.memory_space<vmem>>
    %dma_wait3A_149 = arith.constant 0 : i32
    %dma_wait3A_150 = arith.constant 0 : i32
    %dma_wait3A_151 = tpu.memref_slice %arg5[%dma_wait3A_149, %dma_wait3A_150] : memref<256x128xf32, #tpu.memory_space<hbm>> -> memref<128x128xf32, #tpu.memory_space<hbm>>
    %dma_wait3A_152 = arith.constant 0 : i32
    %dma_wait3A_153 = arith.constant 0 : i32
    %dma_wait3A_154 = tpu.memref_slice %arg10[%dma_wait3A, %dma_wait3A_152, %dma_wait3A_153] : memref<2x128x128xf32, #tpu.memory_space<vmem>> -> memref<1x128x128xf32, #tpu.memory_space<vmem>>
    %dma_wait3A_155 = tpu.memref_squeeze %dma_wait3A_154 : memref<1x128x128xf32, #tpu.memory_space<vmem>> -> memref<128x128xf32, #tpu.memory_space<vmem>>
    %dma_wait3A_156 = arith.constant 0 : i32
    %dma_wait3A_157 = arith.constant 0 : i32
    %dma_wait3A_158 = tpu.memref_slice %arg5[%dma_wait3A_156, %dma_wait3A_157] : memref<256x128xf32, #tpu.memory_space<hbm>> -> memref<128x128xf32, #tpu.memory_space<hbm>>
    tpu.wait_dma2 semaphore(%arg15 : memref<!tpu.dma_semaphore, #tpu.memory_space<semaphore_mem>>) src(%dma_wait3A_158 : memref<128x128xf32, #tpu.memory_space<hbm>>) dst(%dma_wait3A_155 : memref<128x128xf32, #tpu.memory_space<vmem>>)
    %dma_wait3A_159 = arith.constant 0 : i32
    %dma_wait3A_160 = arith.constant 0 : i32
    %dma_wait3A_161 = arith.constant 0 : i32
    %dma_wait3A_162 = tpu.memref_slice %arg10[%dma_wait3A_159, %dma_wait3A_160, %dma_wait3A_161] : memref<2x128x128xf32, #tpu.memory_space<vmem>> -> memref<1x128x128xf32, #tpu.memory_space<vmem>>
    %dma_wait3A_163 = tpu.memref_squeeze %dma_wait3A_162 : memref<1x128x128xf32, #tpu.memory_space<vmem>> -> memref<128x128xf32, #tpu.memory_space<vmem>>
    %dma_wait3A_164 = arith.constant 0 : i32
    %dma_wait3A_165 = arith.constant 0 : i32
    %dma_wait3A_166 = tpu.memref_slice %arg5[%dma_wait3A_164, %dma_wait3A_165] : memref<256x128xf32, #tpu.memory_space<hbm>> -> memref<128x128xf32, #tpu.memory_space<hbm>>
    %dma_wait3A_167 = arith.constant 0 : i32
    %dma_wait3A_168 = arith.constant 0 : i32
    %dma_wait3A_169 = tpu.memref_slice %arg10[%dma_wait3A_159, %dma_wait3A_167, %dma_wait3A_168] : memref<2x128x128xf32, #tpu.memory_space<vmem>> -> memref<1x128x128xf32, #tpu.memory_space<vmem>>
    %dma_wait3A_170 = tpu.memref_squeeze %dma_wait3A_169 : memref<1x128x128xf32, #tpu.memory_space<vmem>> -> memref<128x128xf32, #tpu.memory_space<vmem>>
    %dma_wait3A_171 = arith.constant 0 : i32
    %dma_wait3A_172 = arith.constant 0 : i32
    %dma_wait3A_173 = tpu.memref_slice %arg5[%dma_wait3A_171, %dma_wait3A_172] : memref<256x128xf32, #tpu.memory_space<hbm>> -> memref<128x128xf32, #tpu.memory_space<hbm>>
    tpu.wait_dma2 semaphore(%arg12 : memref<!tpu.dma_semaphore, #tpu.memory_space<semaphore_mem>>) src(%dma_wait3A_173 : memref<128x128xf32, #tpu.memory_space<hbm>>) dst(%dma_wait3A_170 : memref<128x128xf32, #tpu.memory_space<vmem>>)
    %barrier3A_174 = arith.constant 0 : index
    tpu.barrier barrier_id(%barrier3A_174)
    %run_scoped3A_175 = arith.constant 0 : i32
    %run_scoped3A_176 = arith.constant 0 : i32
    "tpu.region"() ({
      %run_scoped3A_179 = tpu.sem_alloc : memref<!tpu.dma_semaphore, #tpu.memory_space<semaphore_mem>>
      %dma_start3A_180 = arith.constant 0 : i32
      %dma_start3A_181 = tpu.memref_slice %arg6[%arg0, %run_scoped3A_176, %mul3A_2, %dma_start3A_180] : memref<2x2x1024x128xf32, #tpu.memory_space<hbm>> -> memref<1x1x64x128xf32, #tpu.memory_space<hbm>>
      %dma_start3A_182 = tpu.memref_squeeze %dma_start3A_181 : memref<1x1x64x128xf32, #tpu.memory_space<hbm>> -> memref<64x128xf32, #tpu.memory_space<hbm>>
      %dma_start3A_183 = arith.constant 0 : i32
      %dma_start3A_184 = tpu.memref_slice %arg11[%run_scoped3A_175, %mul3A_2, %dma_start3A_183] : memref<2x1024x128xf32, #tpu.memory_space<vmem_shared>> -> memref<1x64x128xf32, #tpu.memory_space<vmem_shared>>
      %dma_start3A_185 = tpu.memref_squeeze %dma_start3A_184 : memref<1x64x128xf32, #tpu.memory_space<vmem_shared>> -> memref<64x128xf32, #tpu.memory_space<vmem_shared>>
      tpu.enqueue_dma source(%dma_start3A_185 : memref<64x128xf32, #tpu.memory_space<vmem_shared>>) target(%dma_start3A_182 : memref<64x128xf32, #tpu.memory_space<hbm>>) target_semaphore(%run_scoped3A_179 : memref<!tpu.dma_semaphore, #tpu.memory_space<semaphore_mem>>)
      %dma_wait3A_186 = arith.constant 0 : i32
      %dma_wait3A_187 = tpu.memref_slice %arg6[%arg0, %run_scoped3A_176, %mul3A_2, %dma_wait3A_186] : memref<2x2x1024x128xf32, #tpu.memory_space<hbm>> -> memref<1x1x64x128xf32, #tpu.memory_space<hbm>>
      %dma_wait3A_188 = tpu.memref_squeeze %dma_wait3A_187 : memref<1x1x64x128xf32, #tpu.memory_space<hbm>> -> memref<64x128xf32, #tpu.memory_space<hbm>>
      %dma_wait3A_189 = arith.constant 0 : i32
      %dma_wait3A_190 = tpu.memref_slice %arg11[%run_scoped3A_175, %mul3A_2, %dma_wait3A_189] : memref<2x1024x128xf32, #tpu.memory_space<vmem_shared>> -> memref<1x64x128xf32, #tpu.memory_space<vmem_shared>>
      %dma_wait3A_191 = tpu.memref_squeeze %dma_wait3A_190 : memref<1x64x128xf32, #tpu.memory_space<vmem_shared>> -> memref<64x128xf32, #tpu.memory_space<vmem_shared>>
      tpu.wait_dma2 semaphore(%run_scoped3A_179 : memref<!tpu.dma_semaphore, #tpu.memory_space<semaphore_mem>>) src(%dma_wait3A_191 : memref<64x128xf32, #tpu.memory_space<vmem_shared>>) dst(%dma_wait3A_188 : memref<64x128xf32, #tpu.memory_space<hbm>>)
      tpu.yield
    }) : () -> ()
    %run_scoped3A_177 = arith.constant 1 : i32
    %run_scoped3A_178 = arith.constant 1 : i32
    "tpu.region"() ({
      %run_scoped3A_179 = tpu.sem_alloc : memref<!tpu.dma_semaphore, #tpu.memory_space<semaphore_mem>>
      %dma_start3A_180 = arith.constant 0 : i32
      %dma_start3A_181 = tpu.memref_slice %arg6[%arg0, %run_scoped3A_178, %mul3A_2, %dma_start3A_180] : memref<2x2x1024x128xf32, #tpu.memory_space<hbm>> -> memref<1x1x64x128xf32, #tpu.memory_space<hbm>>
      %dma_start3A_182 = tpu.memref_squeeze %dma_start3A_181 : memref<1x1x64x128xf32, #tpu.memory_space<hbm>> -> memref<64x128xf32, #tpu.memory_space<hbm>>
      %dma_start3A_183 = arith.constant 0 : i32
      %dma_start3A_184 = tpu.memref_slice %arg11[%run_scoped3A_177, %mul3A_2, %dma_start3A_183] : memref<2x1024x128xf32, #tpu.memory_space<vmem_shared>> -> memref<1x64x128xf32, #tpu.memory_space<vmem_shared>>
      %dma_start3A_185 = tpu.memref_squeeze %dma_start3A_184 : memref<1x64x128xf32, #tpu.memory_space<vmem_shared>> -> memref<64x128xf32, #tpu.memory_space<vmem_shared>>
      tpu.enqueue_dma source(%dma_start3A_185 : memref<64x128xf32, #tpu.memory_space<vmem_shared>>) target(%dma_start3A_182 : memref<64x128xf32, #tpu.memory_space<hbm>>) target_semaphore(%run_scoped3A_179 : memref<!tpu.dma_semaphore, #tpu.memory_space<semaphore_mem>>)
      %dma_wait3A_186 = arith.constant 0 : i32
      %dma_wait3A_187 = tpu.memref_slice %arg6[%arg0, %run_scoped3A_178, %mul3A_2, %dma_wait3A_186] : memref<2x2x1024x128xf32, #tpu.memory_space<hbm>> -> memref<1x1x64x128xf32, #tpu.memory_space<hbm>>
      %dma_wait3A_188 = tpu.memref_squeeze %dma_wait3A_187 : memref<1x1x64x128xf32, #tpu.memory_space<hbm>> -> memref<64x128xf32, #tpu.memory_space<hbm>>
      %dma_wait3A_189 = arith.constant 0 : i32
      %dma_wait3A_190 = tpu.memref_slice %arg11[%run_scoped3A_177, %mul3A_2, %dma_wait3A_189] : memref<2x1024x128xf32, #tpu.memory_space<vmem_shared>> -> memref<1x64x128xf32, #tpu.memory_space<vmem_shared>>
      %dma_wait3A_191 = tpu.memref_squeeze %dma_wait3A_190 : memref<1x64x128xf32, #tpu.memory_space<vmem_shared>> -> memref<64x128xf32, #tpu.memory_space<vmem_shared>>
      tpu.wait_dma2 semaphore(%run_scoped3A_179 : memref<!tpu.dma_semaphore, #tpu.memory_space<semaphore_mem>>) src(%dma_wait3A_191 : memref<64x128xf32, #tpu.memory_space<vmem_shared>>) dst(%dma_wait3A_188 : memref<64x128xf32, #tpu.memory_space<hbm>>)
      tpu.yield
    }) : () -> ()
    return
  }
}

#map = affine_map<(d0, d1) -> (0)>
#map1 = affine_map<(d0, d1) -> (0, 0)>
#map2 = affine_map<(d0, d1) -> (0, 0, 0)>
module attributes {stable_mosaic.version = 14 : i64} {
  func.func @cntk(%arg0: i32, %arg1: i32, %arg2: memref<65664xi32, #tpu.memory_space<hbm>>, %arg3: memref<16512xi32, #tpu.memory_space<hbm>>, %arg4: memref<256x128xf32, #tpu.memory_space<hbm>>, %arg5: memref<128x128xf32, #tpu.memory_space<hbm>>, %arg6: memref<2x4096x128xf32, #tpu.memory_space<hbm>>, %arg7: memref<2x1024x128xf32, #tpu.memory_space<hbm>>, %arg8: memref<2x128xi32, #tpu.memory_space<vmem>>, %arg9: memref<128x128xf32, #tpu.memory_space<vmem>>, %arg10: memref<4096x128xf32, #tpu.memory_space<vmem_shared>>, %arg11: memref<1024x128xf32, #tpu.memory_space<vmem_shared>>, %arg12: memref<!tpu.dma_semaphore, #tpu.memory_space<semaphore_mem>>, %arg13: memref<!tpu.dma_semaphore, #tpu.memory_space<semaphore_mem>>) attributes {dimension_semantics = [#tpu.dimension_semantics<core_parallel>, #tpu.dimension_semantics<subcore_parallel>], iteration_bounds = array<i64: 2, 16>, scalar_prefetch = 0 : i64, scratch_operands = 6 : i64, tpu.core_type = #tpu.core_type<sc_vector_subcore>, window_params = [{transform_indices = #map}, {transform_indices = #map}, {transform_indices = #map1}, {transform_indices = #map1}, {transform_indices = #map2}, {transform_indices = #map2}]} {
    %mul3A = arith.constant 16 : i32
    %mul3A_0 = arith.muli %arg0, %mul3A : i32
    %add3A = arith.addi %mul3A_0, %arg1 : i32
    %mul3A_1 = arith.constant 256 : i32
    %mul3A_2 = arith.muli %arg1, %mul3A_1 : i32
    "tpu.region"() ({
      %run_scoped3A = tpu.sem_alloc : memref<!tpu.dma_semaphore, #tpu.memory_space<semaphore_mem>>
      %dma_start3A = arith.constant 0 : i32
      %dma_start3A_36 = tpu.memref_slice %arg10[%mul3A_2, %dma_start3A] : memref<4096x128xf32, #tpu.memory_space<vmem_shared>> -> memref<256x128xf32, #tpu.memory_space<vmem_shared>>
      %dma_start3A_37 = arith.constant 0 : i32
      %dma_start3A_38 = arith.constant 0 : i32
      %dma_start3A_39 = tpu.memref_slice %arg4[%dma_start3A_37, %dma_start3A_38] : memref<256x128xf32, #tpu.memory_space<hbm>> -> memref<256x128xf32, #tpu.memory_space<hbm>>
      tpu.enqueue_dma source(%dma_start3A_39 : memref<256x128xf32, #tpu.memory_space<hbm>>) target(%dma_start3A_36 : memref<256x128xf32, #tpu.memory_space<vmem_shared>>) target_semaphore(%run_scoped3A : memref<!tpu.dma_semaphore, #tpu.memory_space<semaphore_mem>>)
      %dma_wait3A_40 = arith.constant 0 : i32
      %dma_wait3A_41 = tpu.memref_slice %arg10[%mul3A_2, %dma_wait3A_40] : memref<4096x128xf32, #tpu.memory_space<vmem_shared>> -> memref<256x128xf32, #tpu.memory_space<vmem_shared>>
      %dma_wait3A_42 = arith.constant 0 : i32
      %dma_wait3A_43 = arith.constant 0 : i32
      %dma_wait3A_44 = tpu.memref_slice %arg4[%dma_wait3A_42, %dma_wait3A_43] : memref<256x128xf32, #tpu.memory_space<hbm>> -> memref<256x128xf32, #tpu.memory_space<hbm>>
      tpu.wait_dma2 semaphore(%run_scoped3A : memref<!tpu.dma_semaphore, #tpu.memory_space<semaphore_mem>>) src(%dma_wait3A_44 : memref<256x128xf32, #tpu.memory_space<hbm>>) dst(%dma_wait3A_41 : memref<256x128xf32, #tpu.memory_space<vmem_shared>>)
      tpu.yield
    }) : () -> ()
    %mul3A_3 = arith.constant 64 : i32
    %mul3A_4 = arith.muli %arg1, %mul3A_3 : i32
    "tpu.region"() ({
      %run_scoped3A = tpu.sem_alloc : memref<!tpu.dma_semaphore, #tpu.memory_space<semaphore_mem>>
      %dma_start3A = arith.constant 0 : i32
      %dma_start3A_36 = tpu.memref_slice %arg11[%mul3A_4, %dma_start3A] : memref<1024x128xf32, #tpu.memory_space<vmem_shared>> -> memref<64x128xf32, #tpu.memory_space<vmem_shared>>
      %dma_start3A_37 = arith.constant 0 : i32
      %dma_start3A_38 = arith.constant 0 : i32
      %dma_start3A_39 = tpu.memref_slice %arg4[%dma_start3A_37, %dma_start3A_38] : memref<256x128xf32, #tpu.memory_space<hbm>> -> memref<64x128xf32, #tpu.memory_space<hbm>>
      tpu.enqueue_dma source(%dma_start3A_39 : memref<64x128xf32, #tpu.memory_space<hbm>>) target(%dma_start3A_36 : memref<64x128xf32, #tpu.memory_space<vmem_shared>>) target_semaphore(%run_scoped3A : memref<!tpu.dma_semaphore, #tpu.memory_space<semaphore_mem>>)
      %dma_wait3A_40 = arith.constant 0 : i32
      %dma_wait3A_41 = tpu.memref_slice %arg11[%mul3A_4, %dma_wait3A_40] : memref<1024x128xf32, #tpu.memory_space<vmem_shared>> -> memref<64x128xf32, #tpu.memory_space<vmem_shared>>
      %dma_wait3A_42 = arith.constant 0 : i32
      %dma_wait3A_43 = arith.constant 0 : i32
      %dma_wait3A_44 = tpu.memref_slice %arg4[%dma_wait3A_42, %dma_wait3A_43] : memref<256x128xf32, #tpu.memory_space<hbm>> -> memref<64x128xf32, #tpu.memory_space<hbm>>
      tpu.wait_dma2 semaphore(%run_scoped3A : memref<!tpu.dma_semaphore, #tpu.memory_space<semaphore_mem>>) src(%dma_wait3A_44 : memref<64x128xf32, #tpu.memory_space<hbm>>) dst(%dma_wait3A_41 : memref<64x128xf32, #tpu.memory_space<vmem_shared>>)
      tpu.yield
    }) : () -> ()
    "tpu.region"() ({
      %run_scoped3A = tpu.sem_alloc : memref<!tpu.dma_semaphore, #tpu.memory_space<semaphore_mem>>
      tpu.enqueue_dma source(%arg5 : memref<128x128xf32, #tpu.memory_space<hbm>>) target(%arg9 : memref<128x128xf32, #tpu.memory_space<vmem>>) target_semaphore(%run_scoped3A : memref<!tpu.dma_semaphore, #tpu.memory_space<semaphore_mem>>)
      tpu.wait_dma2 semaphore(%run_scoped3A : memref<!tpu.dma_semaphore, #tpu.memory_space<semaphore_mem>>) src(%arg5 : memref<128x128xf32, #tpu.memory_space<hbm>>) dst(%arg9 : memref<128x128xf32, #tpu.memory_space<vmem>>)
      tpu.yield
    }) : () -> ()
    %barrier3A = arith.constant 0 : index
    tpu.barrier barrier_id(%barrier3A)
    %scan3A = arith.constant 0 : i32
    %scan3A_5 = arith.constant 0 : i32
    %scan3A_6 = arith.constant 8 : i32
    %scan3A_7 = arith.addi %scan3A_5, %scan3A_6 : i32
    %scan3A_8 = arith.constant 1 : i32
    scf.for %scan3A_36 = %scan3A_5 to %scan3A_7 step %scan3A_8  : i32 {
      %gt3A = arith.constant 0 : i32
      %gt3A_37 = arith.cmpi sgt, %scan3A_36, %gt3A : i32
      %convert_element_type3A = arith.extui %gt3A_37 : i1 to i32
      %cond3A = arith.constant 0 : i32
      %cond3A_38 = arith.cmpi ne, %convert_element_type3A, %cond3A : i32
      scf.if %cond3A_38 {
        %dma_wait3A_76 = arith.constant 0 : i32
        %dma_wait3A_77 = arith.constant 0 : i32
        %dma_wait3A_78 = tpu.memref_slice %arg4[%dma_wait3A_76, %dma_wait3A_77] : memref<256x128xf32, #tpu.memory_space<hbm>> -> memref<128x128xf32, #tpu.memory_space<hbm>>
        %dma_wait3A_79 = arith.constant 0 : i32
        %dma_wait3A_80 = arith.constant 0 : i32
        %dma_wait3A_81 = tpu.memref_slice %arg4[%dma_wait3A_79, %dma_wait3A_80] : memref<256x128xf32, #tpu.memory_space<hbm>> -> memref<128x128xf32, #tpu.memory_space<hbm>>
        tpu.wait_dma2 semaphore(%arg12 : memref<!tpu.dma_semaphore, #tpu.memory_space<semaphore_mem>>) src(%dma_wait3A_81 : memref<128x128xf32, #tpu.memory_space<hbm>>) dst(%arg9 : memref<128x128xf32, #tpu.memory_space<vmem>>)
      } else {
      }
      %mul3A_39 = arith.constant 2 : i32
      %mul3A_40 = arith.muli %mul3A_39, %scan3A_36 : i32
      %add3A_41 = arith.constant 0 : i32
      %add3A_42 = arith.addi %mul3A_40, %add3A_41 : i32
      %mul3A_43 = arith.constant 16 : i32
      %mul3A_44 = arith.muli %add3A, %mul3A_43 : i32
      %add3A_45 = arith.addi %mul3A_44, %add3A_42 : i32
      %mul3A_46 = arith.constant 128 : i32
      %mul3A_47 = arith.muli %add3A_45, %mul3A_46 : i32
      %run_scoped3A = arith.constant 0 : i32
      "tpu.region"() ({
        %run_scoped3A_76 = tpu.sem_alloc : memref<!tpu.dma_semaphore, #tpu.memory_space<semaphore_mem>>
        %dma_start3A_77 = arith.constant 0 : i32
        %dma_start3A_78 = tpu.memref_slice %arg8[%run_scoped3A, %dma_start3A_77] : memref<2x128xi32, #tpu.memory_space<vmem>> -> memref<1x128xi32, #tpu.memory_space<vmem>>
        %dma_start3A_79 = tpu.memref_squeeze %dma_start3A_78 : memref<1x128xi32, #tpu.memory_space<vmem>> -> memref<128xi32, #tpu.memory_space<vmem>>
        %dma_start3A_80 = tpu.memref_slice %arg2[%mul3A_47] : memref<65664xi32, #tpu.memory_space<hbm>> -> memref<128xi32, #tpu.memory_space<hbm>>
        %dma_start3A_81 = arith.constant 0 : i32
        %dma_start3A_82 = tpu.memref_slice %arg8[%run_scoped3A, %dma_start3A_81] : memref<2x128xi32, #tpu.memory_space<vmem>> -> memref<1x128xi32, #tpu.memory_space<vmem>>
        %dma_start3A_83 = tpu.memref_squeeze %dma_start3A_82 : memref<1x128xi32, #tpu.memory_space<vmem>> -> memref<128xi32, #tpu.memory_space<vmem>>
        %dma_start3A_84 = tpu.memref_slice %arg2[%mul3A_47] : memref<65664xi32, #tpu.memory_space<hbm>> -> memref<128xi32, #tpu.memory_space<hbm>>
        tpu.enqueue_dma source(%dma_start3A_84 : memref<128xi32, #tpu.memory_space<hbm>>) target(%dma_start3A_83 : memref<128xi32, #tpu.memory_space<vmem>>) target_semaphore(%run_scoped3A_76 : memref<!tpu.dma_semaphore, #tpu.memory_space<semaphore_mem>>)
        %dma_wait3A_85 = arith.constant 0 : i32
        %dma_wait3A_86 = tpu.memref_slice %arg8[%run_scoped3A, %dma_wait3A_85] : memref<2x128xi32, #tpu.memory_space<vmem>> -> memref<1x128xi32, #tpu.memory_space<vmem>>
        %dma_wait3A_87 = tpu.memref_squeeze %dma_wait3A_86 : memref<1x128xi32, #tpu.memory_space<vmem>> -> memref<128xi32, #tpu.memory_space<vmem>>
        %dma_wait3A_88 = tpu.memref_slice %arg2[%mul3A_47] : memref<65664xi32, #tpu.memory_space<hbm>> -> memref<128xi32, #tpu.memory_space<hbm>>
        %dma_wait3A_89 = arith.constant 0 : i32
        %dma_wait3A_90 = tpu.memref_slice %arg8[%run_scoped3A, %dma_wait3A_89] : memref<2x128xi32, #tpu.memory_space<vmem>> -> memref<1x128xi32, #tpu.memory_space<vmem>>
        %dma_wait3A_91 = tpu.memref_squeeze %dma_wait3A_90 : memref<1x128xi32, #tpu.memory_space<vmem>> -> memref<128xi32, #tpu.memory_space<vmem>>
        %dma_wait3A_92 = tpu.memref_slice %arg2[%mul3A_47] : memref<65664xi32, #tpu.memory_space<hbm>> -> memref<128xi32, #tpu.memory_space<hbm>>
        tpu.wait_dma2 semaphore(%run_scoped3A_76 : memref<!tpu.dma_semaphore, #tpu.memory_space<semaphore_mem>>) src(%dma_wait3A_92 : memref<128xi32, #tpu.memory_space<hbm>>) dst(%dma_wait3A_91 : memref<128xi32, #tpu.memory_space<vmem>>)
        tpu.yield
      }) : () -> ()
      %dma_start3A = arith.constant 0 : i32
      %dma_start3A_48 = arith.constant 0 : i32
      %dma_start3A_49 = tpu.memref_slice %arg8[%dma_start3A, %dma_start3A_48] : memref<2x128xi32, #tpu.memory_space<vmem>> -> memref<1x128xi32, #tpu.memory_space<vmem>>
      %dma_start3A_50 = tpu.memref_squeeze %dma_start3A_49 : memref<1x128xi32, #tpu.memory_space<vmem>> -> memref<128xi32, #tpu.memory_space<vmem>>
      %dma_start3A_51 = arith.constant 0 : i32
      %dma_start3A_52 = arith.constant 0 : i32
      %dma_start3A_53 = tpu.memref_slice %arg10[%dma_start3A_51, %dma_start3A_52] : memref<4096x128xf32, #tpu.memory_space<vmem_shared>> -> memref<4096x128xf32, #tpu.memory_space<vmem_shared>>
      tpu.enqueue_indirect_dma source(%arg9 : memref<128x128xf32, #tpu.memory_space<vmem>>) target(%dma_start3A_53 : memref<4096x128xf32, #tpu.memory_space<vmem_shared>>) offsets(%dma_start3A_50 : memref<128xi32, #tpu.memory_space<vmem>>) semaphore(%arg12 : memref<!tpu.dma_semaphore, #tpu.memory_space<semaphore_mem>>) {add = true}
      %gt3A_54 = arith.constant 0 : i32
      %gt3A_55 = arith.cmpi sgt, %scan3A_36, %gt3A_54 : i32
      %convert_element_type3A_56 = arith.extui %gt3A_55 : i1 to i32
      %cond3A_57 = arith.constant 0 : i32
      %cond3A_58 = arith.cmpi ne, %convert_element_type3A_56, %cond3A_57 : i32
      scf.if %cond3A_58 {
        %dma_wait3A_76 = arith.constant 0 : i32
        %dma_wait3A_77 = arith.constant 0 : i32
        %dma_wait3A_78 = tpu.memref_slice %arg4[%dma_wait3A_76, %dma_wait3A_77] : memref<256x128xf32, #tpu.memory_space<hbm>> -> memref<128x128xf32, #tpu.memory_space<hbm>>
        %dma_wait3A_79 = arith.constant 0 : i32
        %dma_wait3A_80 = arith.constant 0 : i32
        %dma_wait3A_81 = tpu.memref_slice %arg4[%dma_wait3A_79, %dma_wait3A_80] : memref<256x128xf32, #tpu.memory_space<hbm>> -> memref<128x128xf32, #tpu.memory_space<hbm>>
        tpu.wait_dma2 semaphore(%arg13 : memref<!tpu.dma_semaphore, #tpu.memory_space<semaphore_mem>>) src(%dma_wait3A_81 : memref<128x128xf32, #tpu.memory_space<hbm>>) dst(%arg9 : memref<128x128xf32, #tpu.memory_space<vmem>>)
      } else {
      }
      %mul3A_59 = arith.constant 2 : i32
      %mul3A_60 = arith.muli %mul3A_59, %scan3A_36 : i32
      %add3A_61 = arith.constant 1 : i32
      %add3A_62 = arith.addi %mul3A_60, %add3A_61 : i32
      %mul3A_63 = arith.constant 16 : i32
      %mul3A_64 = arith.muli %add3A, %mul3A_63 : i32
      %add3A_65 = arith.addi %mul3A_64, %add3A_62 : i32
      %mul3A_66 = arith.constant 128 : i32
      %mul3A_67 = arith.muli %add3A_65, %mul3A_66 : i32
      %run_scoped3A_68 = arith.constant 1 : i32
      "tpu.region"() ({
        %run_scoped3A_76 = tpu.sem_alloc : memref<!tpu.dma_semaphore, #tpu.memory_space<semaphore_mem>>
        %dma_start3A_77 = arith.constant 0 : i32
        %dma_start3A_78 = tpu.memref_slice %arg8[%run_scoped3A_68, %dma_start3A_77] : memref<2x128xi32, #tpu.memory_space<vmem>> -> memref<1x128xi32, #tpu.memory_space<vmem>>
        %dma_start3A_79 = tpu.memref_squeeze %dma_start3A_78 : memref<1x128xi32, #tpu.memory_space<vmem>> -> memref<128xi32, #tpu.memory_space<vmem>>
        %dma_start3A_80 = tpu.memref_slice %arg2[%mul3A_67] : memref<65664xi32, #tpu.memory_space<hbm>> -> memref<128xi32, #tpu.memory_space<hbm>>
        %dma_start3A_81 = arith.constant 0 : i32
        %dma_start3A_82 = tpu.memref_slice %arg8[%run_scoped3A_68, %dma_start3A_81] : memref<2x128xi32, #tpu.memory_space<vmem>> -> memref<1x128xi32, #tpu.memory_space<vmem>>
        %dma_start3A_83 = tpu.memref_squeeze %dma_start3A_82 : memref<1x128xi32, #tpu.memory_space<vmem>> -> memref<128xi32, #tpu.memory_space<vmem>>
        %dma_start3A_84 = tpu.memref_slice %arg2[%mul3A_67] : memref<65664xi32, #tpu.memory_space<hbm>> -> memref<128xi32, #tpu.memory_space<hbm>>
        tpu.enqueue_dma source(%dma_start3A_84 : memref<128xi32, #tpu.memory_space<hbm>>) target(%dma_start3A_83 : memref<128xi32, #tpu.memory_space<vmem>>) target_semaphore(%run_scoped3A_76 : memref<!tpu.dma_semaphore, #tpu.memory_space<semaphore_mem>>)
        %dma_wait3A_85 = arith.constant 0 : i32
        %dma_wait3A_86 = tpu.memref_slice %arg8[%run_scoped3A_68, %dma_wait3A_85] : memref<2x128xi32, #tpu.memory_space<vmem>> -> memref<1x128xi32, #tpu.memory_space<vmem>>
        %dma_wait3A_87 = tpu.memref_squeeze %dma_wait3A_86 : memref<1x128xi32, #tpu.memory_space<vmem>> -> memref<128xi32, #tpu.memory_space<vmem>>
        %dma_wait3A_88 = tpu.memref_slice %arg2[%mul3A_67] : memref<65664xi32, #tpu.memory_space<hbm>> -> memref<128xi32, #tpu.memory_space<hbm>>
        %dma_wait3A_89 = arith.constant 0 : i32
        %dma_wait3A_90 = tpu.memref_slice %arg8[%run_scoped3A_68, %dma_wait3A_89] : memref<2x128xi32, #tpu.memory_space<vmem>> -> memref<1x128xi32, #tpu.memory_space<vmem>>
        %dma_wait3A_91 = tpu.memref_squeeze %dma_wait3A_90 : memref<1x128xi32, #tpu.memory_space<vmem>> -> memref<128xi32, #tpu.memory_space<vmem>>
        %dma_wait3A_92 = tpu.memref_slice %arg2[%mul3A_67] : memref<65664xi32, #tpu.memory_space<hbm>> -> memref<128xi32, #tpu.memory_space<hbm>>
        tpu.wait_dma2 semaphore(%run_scoped3A_76 : memref<!tpu.dma_semaphore, #tpu.memory_space<semaphore_mem>>) src(%dma_wait3A_92 : memref<128xi32, #tpu.memory_space<hbm>>) dst(%dma_wait3A_91 : memref<128xi32, #tpu.memory_space<vmem>>)
        tpu.yield
      }) : () -> ()
      %dma_start3A_69 = arith.constant 1 : i32
      %dma_start3A_70 = arith.constant 0 : i32
      %dma_start3A_71 = tpu.memref_slice %arg8[%dma_start3A_69, %dma_start3A_70] : memref<2x128xi32, #tpu.memory_space<vmem>> -> memref<1x128xi32, #tpu.memory_space<vmem>>
      %dma_start3A_72 = tpu.memref_squeeze %dma_start3A_71 : memref<1x128xi32, #tpu.memory_space<vmem>> -> memref<128xi32, #tpu.memory_space<vmem>>
      %dma_start3A_73 = arith.constant 0 : i32
      %dma_start3A_74 = arith.constant 0 : i32
      %dma_start3A_75 = tpu.memref_slice %arg10[%dma_start3A_73, %dma_start3A_74] : memref<4096x128xf32, #tpu.memory_space<vmem_shared>> -> memref<4096x128xf32, #tpu.memory_space<vmem_shared>>
      tpu.enqueue_indirect_dma source(%arg9 : memref<128x128xf32, #tpu.memory_space<vmem>>) target(%dma_start3A_75 : memref<4096x128xf32, #tpu.memory_space<vmem_shared>>) offsets(%dma_start3A_72 : memref<128xi32, #tpu.memory_space<vmem>>) semaphore(%arg13 : memref<!tpu.dma_semaphore, #tpu.memory_space<semaphore_mem>>) {add = true}
    }
    %scan3A_9 = arith.constant 8 : i32
    %scan3A_10 = arith.constant 0 : i32
    %scan3A_11 = arith.constant 0 : i32
    %scan3A_12 = arith.constant 2 : i32
    %scan3A_13 = arith.addi %scan3A_11, %scan3A_12 : i32
    %scan3A_14 = arith.constant 1 : i32
    scf.for %scan3A_36 = %scan3A_11 to %scan3A_13 step %scan3A_14  : i32 {
      %dma_wait3A_37 = arith.constant 0 : i32
      %dma_wait3A_38 = arith.constant 0 : i32
      %dma_wait3A_39 = tpu.memref_slice %arg4[%dma_wait3A_37, %dma_wait3A_38] : memref<256x128xf32, #tpu.memory_space<hbm>> -> memref<128x128xf32, #tpu.memory_space<hbm>>
      %dma_wait3A_40 = arith.constant 0 : i32
      %dma_wait3A_41 = arith.constant 0 : i32
      %dma_wait3A_42 = tpu.memref_slice %arg4[%dma_wait3A_40, %dma_wait3A_41] : memref<256x128xf32, #tpu.memory_space<hbm>> -> memref<128x128xf32, #tpu.memory_space<hbm>>
      tpu.wait_dma2 semaphore(%arg12 : memref<!tpu.dma_semaphore, #tpu.memory_space<semaphore_mem>>) src(%dma_wait3A_42 : memref<128x128xf32, #tpu.memory_space<hbm>>) dst(%arg9 : memref<128x128xf32, #tpu.memory_space<vmem>>)
      %mul3A_43 = arith.constant 2 : i32
      %mul3A_44 = arith.muli %mul3A_43, %scan3A_36 : i32
      %add3A_45 = arith.constant 0 : i32
      %add3A_46 = arith.addi %mul3A_44, %add3A_45 : i32
      %mul3A_47 = arith.constant 4 : i32
      %mul3A_48 = arith.muli %add3A, %mul3A_47 : i32
      %add3A_49 = arith.addi %mul3A_48, %add3A_46 : i32
      %mul3A_50 = arith.constant 128 : i32
      %mul3A_51 = arith.muli %add3A_49, %mul3A_50 : i32
      %run_scoped3A = arith.constant 0 : i32
      "tpu.region"() ({
        %run_scoped3A_81 = tpu.sem_alloc : memref<!tpu.dma_semaphore, #tpu.memory_space<semaphore_mem>>
        %dma_start3A_82 = arith.constant 0 : i32
        %dma_start3A_83 = tpu.memref_slice %arg8[%run_scoped3A, %dma_start3A_82] : memref<2x128xi32, #tpu.memory_space<vmem>> -> memref<1x128xi32, #tpu.memory_space<vmem>>
        %dma_start3A_84 = tpu.memref_squeeze %dma_start3A_83 : memref<1x128xi32, #tpu.memory_space<vmem>> -> memref<128xi32, #tpu.memory_space<vmem>>
        %dma_start3A_85 = tpu.memref_slice %arg3[%mul3A_51] : memref<16512xi32, #tpu.memory_space<hbm>> -> memref<128xi32, #tpu.memory_space<hbm>>
        %dma_start3A_86 = arith.constant 0 : i32
        %dma_start3A_87 = tpu.memref_slice %arg8[%run_scoped3A, %dma_start3A_86] : memref<2x128xi32, #tpu.memory_space<vmem>> -> memref<1x128xi32, #tpu.memory_space<vmem>>
        %dma_start3A_88 = tpu.memref_squeeze %dma_start3A_87 : memref<1x128xi32, #tpu.memory_space<vmem>> -> memref<128xi32, #tpu.memory_space<vmem>>
        %dma_start3A_89 = tpu.memref_slice %arg3[%mul3A_51] : memref<16512xi32, #tpu.memory_space<hbm>> -> memref<128xi32, #tpu.memory_space<hbm>>
        tpu.enqueue_dma source(%dma_start3A_89 : memref<128xi32, #tpu.memory_space<hbm>>) target(%dma_start3A_88 : memref<128xi32, #tpu.memory_space<vmem>>) target_semaphore(%run_scoped3A_81 : memref<!tpu.dma_semaphore, #tpu.memory_space<semaphore_mem>>)
        %dma_wait3A_90 = arith.constant 0 : i32
        %dma_wait3A_91 = tpu.memref_slice %arg8[%run_scoped3A, %dma_wait3A_90] : memref<2x128xi32, #tpu.memory_space<vmem>> -> memref<1x128xi32, #tpu.memory_space<vmem>>
        %dma_wait3A_92 = tpu.memref_squeeze %dma_wait3A_91 : memref<1x128xi32, #tpu.memory_space<vmem>> -> memref<128xi32, #tpu.memory_space<vmem>>
        %dma_wait3A_93 = tpu.memref_slice %arg3[%mul3A_51] : memref<16512xi32, #tpu.memory_space<hbm>> -> memref<128xi32, #tpu.memory_space<hbm>>
        %dma_wait3A_94 = arith.constant 0 : i32
        %dma_wait3A_95 = tpu.memref_slice %arg8[%run_scoped3A, %dma_wait3A_94] : memref<2x128xi32, #tpu.memory_space<vmem>> -> memref<1x128xi32, #tpu.memory_space<vmem>>
        %dma_wait3A_96 = tpu.memref_squeeze %dma_wait3A_95 : memref<1x128xi32, #tpu.memory_space<vmem>> -> memref<128xi32, #tpu.memory_space<vmem>>
        %dma_wait3A_97 = tpu.memref_slice %arg3[%mul3A_51] : memref<16512xi32, #tpu.memory_space<hbm>> -> memref<128xi32, #tpu.memory_space<hbm>>
        tpu.wait_dma2 semaphore(%run_scoped3A_81 : memref<!tpu.dma_semaphore, #tpu.memory_space<semaphore_mem>>) src(%dma_wait3A_97 : memref<128xi32, #tpu.memory_space<hbm>>) dst(%dma_wait3A_96 : memref<128xi32, #tpu.memory_space<vmem>>)
        tpu.yield
      }) : () -> ()
      %dma_start3A = arith.constant 0 : i32
      %dma_start3A_52 = arith.constant 0 : i32
      %dma_start3A_53 = tpu.memref_slice %arg8[%dma_start3A, %dma_start3A_52] : memref<2x128xi32, #tpu.memory_space<vmem>> -> memref<1x128xi32, #tpu.memory_space<vmem>>
      %dma_start3A_54 = tpu.memref_squeeze %dma_start3A_53 : memref<1x128xi32, #tpu.memory_space<vmem>> -> memref<128xi32, #tpu.memory_space<vmem>>
      %dma_start3A_55 = arith.constant 0 : i32
      %dma_start3A_56 = arith.constant 0 : i32
      %dma_start3A_57 = tpu.memref_slice %arg11[%dma_start3A_55, %dma_start3A_56] : memref<1024x128xf32, #tpu.memory_space<vmem_shared>> -> memref<1024x128xf32, #tpu.memory_space<vmem_shared>>
      tpu.enqueue_indirect_dma source(%arg9 : memref<128x128xf32, #tpu.memory_space<vmem>>) target(%dma_start3A_57 : memref<1024x128xf32, #tpu.memory_space<vmem_shared>>) offsets(%dma_start3A_54 : memref<128xi32, #tpu.memory_space<vmem>>) semaphore(%arg12 : memref<!tpu.dma_semaphore, #tpu.memory_space<semaphore_mem>>) {add = true}
      %dma_wait3A_58 = arith.constant 0 : i32
      %dma_wait3A_59 = arith.constant 0 : i32
      %dma_wait3A_60 = tpu.memref_slice %arg4[%dma_wait3A_58, %dma_wait3A_59] : memref<256x128xf32, #tpu.memory_space<hbm>> -> memref<128x128xf32, #tpu.memory_space<hbm>>
      %dma_wait3A_61 = arith.constant 0 : i32
      %dma_wait3A_62 = arith.constant 0 : i32
      %dma_wait3A_63 = tpu.memref_slice %arg4[%dma_wait3A_61, %dma_wait3A_62] : memref<256x128xf32, #tpu.memory_space<hbm>> -> memref<128x128xf32, #tpu.memory_space<hbm>>
      tpu.wait_dma2 semaphore(%arg13 : memref<!tpu.dma_semaphore, #tpu.memory_space<semaphore_mem>>) src(%dma_wait3A_63 : memref<128x128xf32, #tpu.memory_space<hbm>>) dst(%arg9 : memref<128x128xf32, #tpu.memory_space<vmem>>)
      %mul3A_64 = arith.constant 2 : i32
      %mul3A_65 = arith.muli %mul3A_64, %scan3A_36 : i32
      %add3A_66 = arith.constant 1 : i32
      %add3A_67 = arith.addi %mul3A_65, %add3A_66 : i32
      %mul3A_68 = arith.constant 4 : i32
      %mul3A_69 = arith.muli %add3A, %mul3A_68 : i32
      %add3A_70 = arith.addi %mul3A_69, %add3A_67 : i32
      %mul3A_71 = arith.constant 128 : i32
      %mul3A_72 = arith.muli %add3A_70, %mul3A_71 : i32
      %run_scoped3A_73 = arith.constant 1 : i32
      "tpu.region"() ({
        %run_scoped3A_81 = tpu.sem_alloc : memref<!tpu.dma_semaphore, #tpu.memory_space<semaphore_mem>>
        %dma_start3A_82 = arith.constant 0 : i32
        %dma_start3A_83 = tpu.memref_slice %arg8[%run_scoped3A_73, %dma_start3A_82] : memref<2x128xi32, #tpu.memory_space<vmem>> -> memref<1x128xi32, #tpu.memory_space<vmem>>
        %dma_start3A_84 = tpu.memref_squeeze %dma_start3A_83 : memref<1x128xi32, #tpu.memory_space<vmem>> -> memref<128xi32, #tpu.memory_space<vmem>>
        %dma_start3A_85 = tpu.memref_slice %arg3[%mul3A_72] : memref<16512xi32, #tpu.memory_space<hbm>> -> memref<128xi32, #tpu.memory_space<hbm>>
        %dma_start3A_86 = arith.constant 0 : i32
        %dma_start3A_87 = tpu.memref_slice %arg8[%run_scoped3A_73, %dma_start3A_86] : memref<2x128xi32, #tpu.memory_space<vmem>> -> memref<1x128xi32, #tpu.memory_space<vmem>>
        %dma_start3A_88 = tpu.memref_squeeze %dma_start3A_87 : memref<1x128xi32, #tpu.memory_space<vmem>> -> memref<128xi32, #tpu.memory_space<vmem>>
        %dma_start3A_89 = tpu.memref_slice %arg3[%mul3A_72] : memref<16512xi32, #tpu.memory_space<hbm>> -> memref<128xi32, #tpu.memory_space<hbm>>
        tpu.enqueue_dma source(%dma_start3A_89 : memref<128xi32, #tpu.memory_space<hbm>>) target(%dma_start3A_88 : memref<128xi32, #tpu.memory_space<vmem>>) target_semaphore(%run_scoped3A_81 : memref<!tpu.dma_semaphore, #tpu.memory_space<semaphore_mem>>)
        %dma_wait3A_90 = arith.constant 0 : i32
        %dma_wait3A_91 = tpu.memref_slice %arg8[%run_scoped3A_73, %dma_wait3A_90] : memref<2x128xi32, #tpu.memory_space<vmem>> -> memref<1x128xi32, #tpu.memory_space<vmem>>
        %dma_wait3A_92 = tpu.memref_squeeze %dma_wait3A_91 : memref<1x128xi32, #tpu.memory_space<vmem>> -> memref<128xi32, #tpu.memory_space<vmem>>
        %dma_wait3A_93 = tpu.memref_slice %arg3[%mul3A_72] : memref<16512xi32, #tpu.memory_space<hbm>> -> memref<128xi32, #tpu.memory_space<hbm>>
        %dma_wait3A_94 = arith.constant 0 : i32
        %dma_wait3A_95 = tpu.memref_slice %arg8[%run_scoped3A_73, %dma_wait3A_94] : memref<2x128xi32, #tpu.memory_space<vmem>> -> memref<1x128xi32, #tpu.memory_space<vmem>>
        %dma_wait3A_96 = tpu.memref_squeeze %dma_wait3A_95 : memref<1x128xi32, #tpu.memory_space<vmem>> -> memref<128xi32, #tpu.memory_space<vmem>>
        %dma_wait3A_97 = tpu.memref_slice %arg3[%mul3A_72] : memref<16512xi32, #tpu.memory_space<hbm>> -> memref<128xi32, #tpu.memory_space<hbm>>
        tpu.wait_dma2 semaphore(%run_scoped3A_81 : memref<!tpu.dma_semaphore, #tpu.memory_space<semaphore_mem>>) src(%dma_wait3A_97 : memref<128xi32, #tpu.memory_space<hbm>>) dst(%dma_wait3A_96 : memref<128xi32, #tpu.memory_space<vmem>>)
        tpu.yield
      }) : () -> ()
      %dma_start3A_74 = arith.constant 1 : i32
      %dma_start3A_75 = arith.constant 0 : i32
      %dma_start3A_76 = tpu.memref_slice %arg8[%dma_start3A_74, %dma_start3A_75] : memref<2x128xi32, #tpu.memory_space<vmem>> -> memref<1x128xi32, #tpu.memory_space<vmem>>
      %dma_start3A_77 = tpu.memref_squeeze %dma_start3A_76 : memref<1x128xi32, #tpu.memory_space<vmem>> -> memref<128xi32, #tpu.memory_space<vmem>>
      %dma_start3A_78 = arith.constant 0 : i32
      %dma_start3A_79 = arith.constant 0 : i32
      %dma_start3A_80 = tpu.memref_slice %arg11[%dma_start3A_78, %dma_start3A_79] : memref<1024x128xf32, #tpu.memory_space<vmem_shared>> -> memref<1024x128xf32, #tpu.memory_space<vmem_shared>>
      tpu.enqueue_indirect_dma source(%arg9 : memref<128x128xf32, #tpu.memory_space<vmem>>) target(%dma_start3A_80 : memref<1024x128xf32, #tpu.memory_space<vmem_shared>>) offsets(%dma_start3A_77 : memref<128xi32, #tpu.memory_space<vmem>>) semaphore(%arg13 : memref<!tpu.dma_semaphore, #tpu.memory_space<semaphore_mem>>) {add = true}
    }
    %scan3A_15 = arith.constant 2 : i32
    %dma_wait3A = arith.constant 0 : i32
    %dma_wait3A_16 = arith.constant 0 : i32
    %dma_wait3A_17 = tpu.memref_slice %arg4[%dma_wait3A, %dma_wait3A_16] : memref<256x128xf32, #tpu.memory_space<hbm>> -> memref<128x128xf32, #tpu.memory_space<hbm>>
    %dma_wait3A_18 = arith.constant 0 : i32
    %dma_wait3A_19 = arith.constant 0 : i32
    %dma_wait3A_20 = tpu.memref_slice %arg4[%dma_wait3A_18, %dma_wait3A_19] : memref<256x128xf32, #tpu.memory_space<hbm>> -> memref<128x128xf32, #tpu.memory_space<hbm>>
    tpu.wait_dma2 semaphore(%arg12 : memref<!tpu.dma_semaphore, #tpu.memory_space<semaphore_mem>>) src(%dma_wait3A_20 : memref<128x128xf32, #tpu.memory_space<hbm>>) dst(%arg9 : memref<128x128xf32, #tpu.memory_space<vmem>>)
    %dma_wait3A_21 = arith.constant 0 : i32
    %dma_wait3A_22 = arith.constant 0 : i32
    %dma_wait3A_23 = tpu.memref_slice %arg4[%dma_wait3A_21, %dma_wait3A_22] : memref<256x128xf32, #tpu.memory_space<hbm>> -> memref<128x128xf32, #tpu.memory_space<hbm>>
    %dma_wait3A_24 = arith.constant 0 : i32
    %dma_wait3A_25 = arith.constant 0 : i32
    %dma_wait3A_26 = tpu.memref_slice %arg4[%dma_wait3A_24, %dma_wait3A_25] : memref<256x128xf32, #tpu.memory_space<hbm>> -> memref<128x128xf32, #tpu.memory_space<hbm>>
    tpu.wait_dma2 semaphore(%arg13 : memref<!tpu.dma_semaphore, #tpu.memory_space<semaphore_mem>>) src(%dma_wait3A_26 : memref<128x128xf32, #tpu.memory_space<hbm>>) dst(%arg9 : memref<128x128xf32, #tpu.memory_space<vmem>>)
    %barrier3A_27 = arith.constant 0 : index
    tpu.barrier barrier_id(%barrier3A_27)
    %mul3A_28 = arith.constant 256 : i32
    %mul3A_29 = arith.muli %arg1, %mul3A_28 : i32
    %mul3A_30 = arith.constant 256 : i32
    %mul3A_31 = arith.muli %arg1, %mul3A_30 : i32
    "tpu.region"() ({
      %run_scoped3A = tpu.sem_alloc : memref<!tpu.dma_semaphore, #tpu.memory_space<semaphore_mem>>
      %dma_start3A = arith.constant 0 : i32
      %dma_start3A_36 = tpu.memref_slice %arg6[%arg0, %mul3A_31, %dma_start3A] : memref<2x4096x128xf32, #tpu.memory_space<hbm>> -> memref<1x256x128xf32, #tpu.memory_space<hbm>>
      %dma_start3A_37 = tpu.memref_squeeze %dma_start3A_36 : memref<1x256x128xf32, #tpu.memory_space<hbm>> -> memref<256x128xf32, #tpu.memory_space<hbm>>
      %dma_start3A_38 = arith.constant 0 : i32
      %dma_start3A_39 = tpu.memref_slice %arg10[%mul3A_29, %dma_start3A_38] : memref<4096x128xf32, #tpu.memory_space<vmem_shared>> -> memref<256x128xf32, #tpu.memory_space<vmem_shared>>
      tpu.enqueue_dma source(%dma_start3A_39 : memref<256x128xf32, #tpu.memory_space<vmem_shared>>) target(%dma_start3A_37 : memref<256x128xf32, #tpu.memory_space<hbm>>) target_semaphore(%run_scoped3A : memref<!tpu.dma_semaphore, #tpu.memory_space<semaphore_mem>>)
      %dma_wait3A_40 = arith.constant 0 : i32
      %dma_wait3A_41 = tpu.memref_slice %arg6[%arg0, %mul3A_31, %dma_wait3A_40] : memref<2x4096x128xf32, #tpu.memory_space<hbm>> -> memref<1x256x128xf32, #tpu.memory_space<hbm>>
      %dma_wait3A_42 = tpu.memref_squeeze %dma_wait3A_41 : memref<1x256x128xf32, #tpu.memory_space<hbm>> -> memref<256x128xf32, #tpu.memory_space<hbm>>
      %dma_wait3A_43 = arith.constant 0 : i32
      %dma_wait3A_44 = tpu.memref_slice %arg10[%mul3A_29, %dma_wait3A_43] : memref<4096x128xf32, #tpu.memory_space<vmem_shared>> -> memref<256x128xf32, #tpu.memory_space<vmem_shared>>
      tpu.wait_dma2 semaphore(%run_scoped3A : memref<!tpu.dma_semaphore, #tpu.memory_space<semaphore_mem>>) src(%dma_wait3A_44 : memref<256x128xf32, #tpu.memory_space<vmem_shared>>) dst(%dma_wait3A_42 : memref<256x128xf32, #tpu.memory_space<hbm>>)
      tpu.yield
    }) : () -> ()
    %mul3A_32 = arith.constant 64 : i32
    %mul3A_33 = arith.muli %arg1, %mul3A_32 : i32
    %mul3A_34 = arith.constant 64 : i32
    %mul3A_35 = arith.muli %arg1, %mul3A_34 : i32
    "tpu.region"() ({
      %run_scoped3A = tpu.sem_alloc : memref<!tpu.dma_semaphore, #tpu.memory_space<semaphore_mem>>
      %dma_start3A = arith.constant 0 : i32
      %dma_start3A_36 = tpu.memref_slice %arg7[%arg0, %mul3A_35, %dma_start3A] : memref<2x1024x128xf32, #tpu.memory_space<hbm>> -> memref<1x64x128xf32, #tpu.memory_space<hbm>>
      %dma_start3A_37 = tpu.memref_squeeze %dma_start3A_36 : memref<1x64x128xf32, #tpu.memory_space<hbm>> -> memref<64x128xf32, #tpu.memory_space<hbm>>
      %dma_start3A_38 = arith.constant 0 : i32
      %dma_start3A_39 = tpu.memref_slice %arg11[%mul3A_33, %dma_start3A_38] : memref<1024x128xf32, #tpu.memory_space<vmem_shared>> -> memref<64x128xf32, #tpu.memory_space<vmem_shared>>
      tpu.enqueue_dma source(%dma_start3A_39 : memref<64x128xf32, #tpu.memory_space<vmem_shared>>) target(%dma_start3A_37 : memref<64x128xf32, #tpu.memory_space<hbm>>) target_semaphore(%run_scoped3A : memref<!tpu.dma_semaphore, #tpu.memory_space<semaphore_mem>>)
      %dma_wait3A_40 = arith.constant 0 : i32
      %dma_wait3A_41 = tpu.memref_slice %arg7[%arg0, %mul3A_35, %dma_wait3A_40] : memref<2x1024x128xf32, #tpu.memory_space<hbm>> -> memref<1x64x128xf32, #tpu.memory_space<hbm>>
      %dma_wait3A_42 = tpu.memref_squeeze %dma_wait3A_41 : memref<1x64x128xf32, #tpu.memory_space<hbm>> -> memref<64x128xf32, #tpu.memory_space<hbm>>
      %dma_wait3A_43 = arith.constant 0 : i32
      %dma_wait3A_44 = tpu.memref_slice %arg11[%mul3A_33, %dma_wait3A_43] : memref<1024x128xf32, #tpu.memory_space<vmem_shared>> -> memref<64x128xf32, #tpu.memory_space<vmem_shared>>
      tpu.wait_dma2 semaphore(%run_scoped3A : memref<!tpu.dma_semaphore, #tpu.memory_space<semaphore_mem>>) src(%dma_wait3A_44 : memref<64x128xf32, #tpu.memory_space<vmem_shared>>) dst(%dma_wait3A_42 : memref<64x128xf32, #tpu.memory_space<hbm>>)
      tpu.yield
    }) : () -> ()
    return
  }
}

module attributes {stable_mosaic.version = 14 : i64} {
  func.func @body(%arg0: i32, %arg1: memref<1x1x256x128xf32, #tpu.memory_space<vmem>>, %arg2: memref<1x1x256x128xf32, #tpu.memory_space<vmem>>, %arg3: memref<1x1x256x128xf32, #tpu.memory_space<vmem>>, %arg4: memref<1x1x256x128xf32, #tpu.memory_space<vmem>>, %arg5: memref<1x256x128xf32, #tpu.memory_space<vmem>>, %arg6: memref<1x256x128xf32, #tpu.memory_space<vmem>>, %arg7: memref<256x512xf32, #tpu.memory_space<vmem>>, %arg8: memref<1x512xf32, #tpu.memory_space<vmem>>, %arg9: memref<512x256xf32, #tpu.memory_space<vmem>>, %arg10: memref<256x256xf32, #tpu.memory_space<vmem>>) attributes {dimension_semantics = [#tpu.dimension_semantics<arbitrary>], iteration_bounds = array<i64: 16>, scalar_prefetch = 0 : i64, scratch_operands = 0 : i64, tpu.core_type = #tpu.core_type<tc>, window_params = [{transform_indices = @transform_0, window_bounds = array<i64: 1, 1, 256, 128>}, {transform_indices = @transform_1, window_bounds = array<i64: 1, 1, 256, 128>}, {transform_indices = @transform_2, window_bounds = array<i64: 1, 1, 256, 128>}, {transform_indices = @transform_3, window_bounds = array<i64: 1, 1, 256, 128>}, {transform_indices = @transform_4, window_bounds = array<i64: 1, 256, 128>}, {transform_indices = @transform_5, window_bounds = array<i64: 1, 256, 128>}, {pipeline_mode = #tpu.pipeline_mode<synchronous>, transform_indices = @transform_6, window_bounds = array<i64: 256, 512>}, {pipeline_mode = #tpu.pipeline_mode<synchronous>, transform_indices = @transform_7, window_bounds = array<i64: 1, 512>}, {pipeline_mode = #tpu.pipeline_mode<synchronous>, transform_indices = @transform_8, window_bounds = array<i64: 512, 256>}, {transform_indices = @transform_9, window_bounds = array<i64: 256, 256>}]} {
    %get3A = arith.constant 0 : index
    %get3A_0 = arith.constant 0 : index
    %get3A_1 = arith.constant 0 : index
    %get3A_2 = vector.load %arg5[%get3A, %get3A_0, %get3A_1] : memref<1x256x128xf32, #tpu.memory_space<vmem>>, vector<1x256x1xf32>
    %get3A_3 = vector.shape_cast %get3A_2 : vector<1x256x1xf32> to vector<256x1xf32>
    %add3A = arith.constant 0.000000e+00 : f32
    %add3A_4 = vector.broadcast %add3A : f32 to vector<256x1xf32>
    %add3A_5 = arith.addf %add3A_4, %get3A_3 : vector<256x1xf32>
    %get3A_6 = arith.constant 0 : index
    %get3A_7 = arith.constant 0 : index
    %get3A_8 = arith.constant 0 : index
    %get3A_9 = vector.load %arg6[%get3A_6, %get3A_7, %get3A_8] : memref<1x256x128xf32, #tpu.memory_space<vmem>>, vector<1x256x1xf32>
    %get3A_10 = vector.shape_cast %get3A_9 : vector<1x256x1xf32> to vector<256x1xf32>
    %add3A_11 = arith.addf %add3A_5, %get3A_10 : vector<256x1xf32>
    %max3A = arith.constant 1.000000e+00 : f32
    %max3A_12 = vector.broadcast %max3A : f32 to vector<256x1xf32>
    %max3A_13 = arith.maximumf %add3A_11, %max3A_12 : vector<256x1xf32>
    %div3A = arith.constant 1.000000e+00 : f32
    %div3A_14 = vector.broadcast %div3A : f32 to vector<256x1xf32>
    %div3A_15 = arith.divf %div3A_14, %max3A_13 : vector<256x1xf32>
    %broadcast_in_dim3A = arith.constant 0.000000e+00 : f32
    %broadcast_in_dim3A_16 = vector.broadcast %broadcast_in_dim3A : f32 to vector<256x512xf32>
    %get3A_17 = arith.constant 0 : index
    %get3A_18 = arith.constant 0 : index
    %get3A_19 = arith.constant 0 : index
    %get3A_20 = arith.constant 0 : index
    %get3A_21 = vector.load %arg1[%get3A_17, %get3A_18, %get3A_19, %get3A_20] : memref<1x1x256x128xf32, #tpu.memory_space<vmem>>, vector<1x1x256x128xf32>
    %get3A_22 = vector.shape_cast %get3A_21 : vector<1x1x256x128xf32> to vector<256x128xf32>
    %get3A_23 = arith.constant 0 : index
    %get3A_24 = arith.constant 0 : index
    %get3A_25 = arith.constant 0 : index
    %get3A_26 = arith.constant 0 : index
    %get3A_27 = vector.load %arg3[%get3A_23, %get3A_24, %get3A_25, %get3A_26] : memref<1x1x256x128xf32, #tpu.memory_space<vmem>>, vector<1x1x256x128xf32>
    %get3A_28 = vector.shape_cast %get3A_27 : vector<1x1x256x128xf32> to vector<256x128xf32>
    %add3A_29 = arith.addf %get3A_22, %get3A_28 : vector<256x128xf32>
    %mul3A = vector.broadcast %div3A_15 : vector<256x1xf32> to vector<256x128xf32>
    %mul3A_30 = arith.mulf %add3A_29, %mul3A : vector<256x128xf32>
    %get3A_31 = arith.constant 0 : index
    %get3A_32 = arith.constant 0 : index
    %get3A_33 = vector.load %arg7[%get3A_31, %get3A_32] : memref<256x512xf32, #tpu.memory_space<vmem>>, vector<128x512xf32>
    %dot_general3A = arith.constant dense<0.000000e+00> : vector<256x512xf32>
    %dot_general3A_34 = tpu.matmul %mul3A_30, %get3A_33, %dot_general3A {dimension_numbers = #tpu.dot_dimension_numbers<[1], [0], [0], [1], [0, 0, 1, 1], [], []>, transpose_lhs_hint = false} : vector<256x128xf32>, vector<128x512xf32>, vector<256x512xf32> -> vector<256x512xf32>
    %add3A_35 = arith.addf %broadcast_in_dim3A_16, %dot_general3A_34 : vector<256x512xf32>
    %get3A_36 = arith.constant 0 : index
    %get3A_37 = arith.constant 0 : index
    %get3A_38 = arith.constant 0 : index
    %get3A_39 = arith.constant 0 : index
    %get3A_40 = vector.load %arg2[%get3A_36, %get3A_37, %get3A_38, %get3A_39] : memref<1x1x256x128xf32, #tpu.memory_space<vmem>>, vector<1x1x256x128xf32>
    %get3A_41 = vector.shape_cast %get3A_40 : vector<1x1x256x128xf32> to vector<256x128xf32>
    %get3A_42 = arith.constant 0 : index
    %get3A_43 = arith.constant 0 : index
    %get3A_44 = arith.constant 0 : index
    %get3A_45 = arith.constant 0 : index
    %get3A_46 = vector.load %arg4[%get3A_42, %get3A_43, %get3A_44, %get3A_45] : memref<1x1x256x128xf32, #tpu.memory_space<vmem>>, vector<1x1x256x128xf32>
    %get3A_47 = vector.shape_cast %get3A_46 : vector<1x1x256x128xf32> to vector<256x128xf32>
    %add3A_48 = arith.addf %get3A_41, %get3A_47 : vector<256x128xf32>
    %mul3A_49 = vector.broadcast %div3A_15 : vector<256x1xf32> to vector<256x128xf32>
    %mul3A_50 = arith.mulf %add3A_48, %mul3A_49 : vector<256x128xf32>
    %get3A_51 = arith.constant 128 : index
    %get3A_52 = arith.constant 0 : index
    %get3A_53 = vector.load %arg7[%get3A_51, %get3A_52] : memref<256x512xf32, #tpu.memory_space<vmem>>, vector<128x512xf32>
    %dot_general3A_54 = arith.constant dense<0.000000e+00> : vector<256x512xf32>
    %dot_general3A_55 = tpu.matmul %mul3A_50, %get3A_53, %dot_general3A_54 {dimension_numbers = #tpu.dot_dimension_numbers<[1], [0], [0], [1], [0, 0, 1, 1], [], []>, transpose_lhs_hint = false} : vector<256x128xf32>, vector<128x512xf32>, vector<256x512xf32> -> vector<256x512xf32>
    %add3A_56 = arith.addf %add3A_35, %dot_general3A_55 : vector<256x512xf32>
    %get3A_57 = arith.constant 0 : index
    %get3A_58 = arith.constant 0 : index
    %get3A_59 = vector.load %arg8[%get3A_57, %get3A_58] : memref<1x512xf32, #tpu.memory_space<vmem>>, vector<1x512xf32>
    %add3A_60 = vector.broadcast %get3A_59 : vector<1x512xf32> to vector<256x512xf32>
    %add3A_61 = arith.addf %add3A_56, %add3A_60 : vector<256x512xf32>
    %max3A_62 = arith.constant 0.000000e+00 : f32
    %max3A_63 = vector.broadcast %max3A_62 : f32 to vector<256x512xf32>
    %max3A_64 = arith.maximumf %add3A_61, %max3A_63 : vector<256x512xf32>
    %get3A_65 = arith.constant 0 : index
    %get3A_66 = arith.constant 0 : index
    %get3A_67 = vector.load %arg9[%get3A_65, %get3A_66] : memref<512x256xf32, #tpu.memory_space<vmem>>, vector<512x256xf32>
    %dot_general3A_68 = arith.constant dense<0.000000e+00> : vector<256x256xf32>
    %dot_general3A_69 = tpu.matmul %max3A_64, %get3A_67, %dot_general3A_68 {dimension_numbers = #tpu.dot_dimension_numbers<[1], [0], [0], [1], [0, 0, 1, 1], [], []>, transpose_lhs_hint = false} : vector<256x512xf32>, vector<512x256xf32>, vector<256x256xf32> -> vector<256x256xf32>
    %swap3A = arith.constant 0 : index
    %swap3A_70 = arith.constant 0 : index
    %swap3A_71 = vector.load %arg10[%swap3A, %swap3A_70] : memref<256x256xf32, #tpu.memory_space<vmem>>, vector<256x256xf32>
    tpu.vector_store %arg10[%swap3A, %swap3A_70], %dot_general3A_69 {strides = array<i32>} : memref<256x256xf32, #tpu.memory_space<vmem>>, vector<256x256xf32>,
    return
  }
  func.func @transform_0(%arg0: i32) -> (i32, i32, i32, i32) {
    %c0_i32 = arith.constant 0 : i32
    %c0_i32_0 = arith.constant 0 : i32
    %c0_i32_1 = arith.constant 0 : i32
    %c0_i32_2 = arith.constant 0 : i32
    return %c0_i32, %c0_i32_0, %arg0, %c0_i32_1 : i32, i32, i32, i32
  }
  func.func @transform_1(%arg0: i32) -> (i32, i32, i32, i32) {
    %c0_i32 = arith.constant 0 : i32
    %c1_i32 = arith.constant 1 : i32
    %c0_i32_0 = arith.constant 0 : i32
    %c0_i32_1 = arith.constant 0 : i32
    return %c0_i32, %c1_i32, %arg0, %c0_i32_0 : i32, i32, i32, i32
  }
  func.func @transform_2(%arg0: i32) -> (i32, i32, i32, i32) {
    %c1_i32 = arith.constant 1 : i32
    %c0_i32 = arith.constant 0 : i32
    %c0_i32_0 = arith.constant 0 : i32
    %c0_i32_1 = arith.constant 0 : i32
    return %c1_i32, %c0_i32, %arg0, %c0_i32_0 : i32, i32, i32, i32
  }
  func.func @transform_3(%arg0: i32) -> (i32, i32, i32, i32) {
    %c1_i32 = arith.constant 1 : i32
    %c1_i32_0 = arith.constant 1 : i32
    %c0_i32 = arith.constant 0 : i32
    %c0_i32_1 = arith.constant 0 : i32
    return %c1_i32, %c1_i32_0, %arg0, %c0_i32 : i32, i32, i32, i32
  }
  func.func @transform_4(%arg0: i32) -> (i32, i32, i32) {
    %c0_i32 = arith.constant 0 : i32
    %c0_i32_0 = arith.constant 0 : i32
    %c0_i32_1 = arith.constant 0 : i32
    return %c0_i32, %arg0, %c0_i32_0 : i32, i32, i32
  }
  func.func @transform_5(%arg0: i32) -> (i32, i32, i32) {
    %c1_i32 = arith.constant 1 : i32
    %c0_i32 = arith.constant 0 : i32
    %c0_i32_0 = arith.constant 0 : i32
    return %c1_i32, %arg0, %c0_i32 : i32, i32, i32
  }
  func.func @transform_6(%arg0: i32) -> (i32, i32) {
    %c0_i32 = arith.constant 0 : i32
    %c0_i32_0 = arith.constant 0 : i32
    %c0_i32_1 = arith.constant 0 : i32
    return %c0_i32, %c0_i32_0 : i32, i32
  }
  func.func @transform_7(%arg0: i32) -> (i32, i32) {
    %c0_i32 = arith.constant 0 : i32
    %c0_i32_0 = arith.constant 0 : i32
    %c0_i32_1 = arith.constant 0 : i32
    return %c0_i32, %c0_i32_0 : i32, i32
  }
  func.func @transform_8(%arg0: i32) -> (i32, i32) {
    %c0_i32 = arith.constant 0 : i32
    %c0_i32_0 = arith.constant 0 : i32
    %c0_i32_1 = arith.constant 0 : i32
    return %c0_i32, %c0_i32_0 : i32, i32
  }
  func.func @transform_9(%arg0: i32) -> (i32, i32) {
    %c0_i32 = arith.constant 0 : i32
    %c0_i32_0 = arith.constant 0 : i32
    return %arg0, %c0_i32 : i32, i32
  }
}

module attributes {stable_mosaic.version = 14 : i64} {
  func.func @body(%arg0: i32, %arg1: memref<1x1x256x128xf32, #tpu.memory_space<vmem>>, %arg2: memref<1x1x256x128xf32, #tpu.memory_space<vmem>>, %arg3: memref<1x1x256x128xf32, #tpu.memory_space<vmem>>, %arg4: memref<1x1x256x128xf32, #tpu.memory_space<vmem>>, %arg5: memref<1x256x128xf32, #tpu.memory_space<vmem>>, %arg6: memref<1x256x128xf32, #tpu.memory_space<vmem>>, %arg7: memref<1x256xf32, #tpu.memory_space<vmem>>, %arg8: memref<256x256xf32, #tpu.memory_space<vmem>>) attributes {dimension_semantics = [#tpu.dimension_semantics<arbitrary>], iteration_bounds = array<i64: 4>, scalar_prefetch = 0 : i64, scratch_operands = 0 : i64, tpu.core_type = #tpu.core_type<tc>, window_params = [{transform_indices = @transform_0, window_bounds = array<i64: 1, 1, 256, 128>}, {transform_indices = @transform_1, window_bounds = array<i64: 1, 1, 256, 128>}, {transform_indices = @transform_2, window_bounds = array<i64: 1, 1, 256, 128>}, {transform_indices = @transform_3, window_bounds = array<i64: 1, 1, 256, 128>}, {transform_indices = @transform_4, window_bounds = array<i64: 1, 256, 128>}, {transform_indices = @transform_5, window_bounds = array<i64: 1, 256, 128>}, {pipeline_mode = #tpu.pipeline_mode<synchronous>, transform_indices = @transform_6, window_bounds = array<i64: 1, 256>}, {transform_indices = @transform_7, window_bounds = array<i64: 256, 256>}]} {
    %get3A = arith.constant 0 : index
    %get3A_0 = arith.constant 0 : index
    %get3A_1 = arith.constant 0 : index
    %get3A_2 = vector.load %arg5[%get3A, %get3A_0, %get3A_1] : memref<1x256x128xf32, #tpu.memory_space<vmem>>, vector<1x256x1xf32>
    %get3A_3 = vector.shape_cast %get3A_2 : vector<1x256x1xf32> to vector<256x1xf32>
    %add3A = arith.constant 0.000000e+00 : f32
    %add3A_4 = vector.broadcast %add3A : f32 to vector<256x1xf32>
    %add3A_5 = arith.addf %add3A_4, %get3A_3 : vector<256x1xf32>
    %get3A_6 = arith.constant 0 : index
    %get3A_7 = arith.constant 0 : index
    %get3A_8 = arith.constant 0 : index
    %get3A_9 = vector.load %arg6[%get3A_6, %get3A_7, %get3A_8] : memref<1x256x128xf32, #tpu.memory_space<vmem>>, vector<1x256x1xf32>
    %get3A_10 = vector.shape_cast %get3A_9 : vector<1x256x1xf32> to vector<256x1xf32>
    %add3A_11 = arith.addf %add3A_5, %get3A_10 : vector<256x1xf32>
    %max3A = arith.constant 1.000000e+00 : f32
    %max3A_12 = vector.broadcast %max3A : f32 to vector<256x1xf32>
    %max3A_13 = arith.maximumf %add3A_11, %max3A_12 : vector<256x1xf32>
    %div3A = arith.constant 1.000000e+00 : f32
    %div3A_14 = vector.broadcast %div3A : f32 to vector<256x1xf32>
    %div3A_15 = arith.divf %div3A_14, %max3A_13 : vector<256x1xf32>
    %get3A_16 = arith.constant 0 : index
    %get3A_17 = arith.constant 0 : index
    %get3A_18 = arith.constant 0 : index
    %get3A_19 = arith.constant 0 : index
    %get3A_20 = vector.load %arg1[%get3A_16, %get3A_17, %get3A_18, %get3A_19] : memref<1x1x256x128xf32, #tpu.memory_space<vmem>>, vector<1x1x256x128xf32>
    %get3A_21 = vector.shape_cast %get3A_20 : vector<1x1x256x128xf32> to vector<256x128xf32>
    %get3A_22 = arith.constant 0 : index
    %get3A_23 = arith.constant 0 : index
    %get3A_24 = arith.constant 0 : index
    %get3A_25 = arith.constant 0 : index
    %get3A_26 = vector.load %arg3[%get3A_22, %get3A_23, %get3A_24, %get3A_25] : memref<1x1x256x128xf32, #tpu.memory_space<vmem>>, vector<1x1x256x128xf32>
    %get3A_27 = vector.shape_cast %get3A_26 : vector<1x1x256x128xf32> to vector<256x128xf32>
    %add3A_28 = arith.addf %get3A_21, %get3A_27 : vector<256x128xf32>
    %mul3A = vector.broadcast %div3A_15 : vector<256x1xf32> to vector<256x128xf32>
    %mul3A_29 = arith.mulf %add3A_28, %mul3A : vector<256x128xf32>
    %get3A_30 = arith.constant 0 : index
    %get3A_31 = arith.constant 0 : index
    %get3A_32 = arith.constant 0 : index
    %get3A_33 = arith.constant 0 : index
    %get3A_34 = vector.load %arg2[%get3A_30, %get3A_31, %get3A_32, %get3A_33] : memref<1x1x256x128xf32, #tpu.memory_space<vmem>>, vector<1x1x256x128xf32>
    %get3A_35 = vector.shape_cast %get3A_34 : vector<1x1x256x128xf32> to vector<256x128xf32>
    %get3A_36 = arith.constant 0 : index
    %get3A_37 = arith.constant 0 : index
    %get3A_38 = arith.constant 0 : index
    %get3A_39 = arith.constant 0 : index
    %get3A_40 = vector.load %arg4[%get3A_36, %get3A_37, %get3A_38, %get3A_39] : memref<1x1x256x128xf32, #tpu.memory_space<vmem>>, vector<1x1x256x128xf32>
    %get3A_41 = vector.shape_cast %get3A_40 : vector<1x1x256x128xf32> to vector<256x128xf32>
    %add3A_42 = arith.addf %get3A_35, %get3A_41 : vector<256x128xf32>
    %mul3A_43 = vector.broadcast %div3A_15 : vector<256x1xf32> to vector<256x128xf32>
    %mul3A_44 = arith.mulf %add3A_42, %mul3A_43 : vector<256x128xf32>
    %concatenate3A = tpu.concatenate %mul3A_29, %mul3A_44 in 1 : vector<256x128xf32>, vector<256x128xf32> -> vector<256x256xf32>
    %get3A_45 = arith.constant 0 : index
    %get3A_46 = arith.constant 0 : index
    %get3A_47 = vector.load %arg7[%get3A_45, %get3A_46] : memref<1x256xf32, #tpu.memory_space<vmem>>, vector<1x256xf32>
    %add3A_48 = vector.broadcast %get3A_47 : vector<1x256xf32> to vector<256x256xf32>
    %add3A_49 = arith.addf %concatenate3A, %add3A_48 : vector<256x256xf32>
    %max3A_50 = arith.constant 0.000000e+00 : f32
    %max3A_51 = vector.broadcast %max3A_50 : f32 to vector<256x256xf32>
    %max3A_52 = arith.maximumf %add3A_49, %max3A_51 : vector<256x256xf32>
    %swap3A = arith.constant 0 : index
    %swap3A_53 = arith.constant 0 : index
    %swap3A_54 = vector.load %arg8[%swap3A, %swap3A_53] : memref<256x256xf32, #tpu.memory_space<vmem>>, vector<256x256xf32>
    tpu.vector_store %arg8[%swap3A, %swap3A_53], %max3A_52 {strides = array<i32>} : memref<256x256xf32, #tpu.memory_space<vmem>>, vector<256x256xf32>,
    return
  }
  func.func @transform_0(%arg0: i32) -> (i32, i32, i32, i32) {
    %c0_i32 = arith.constant 0 : i32
    %c0_i32_0 = arith.constant 0 : i32
    %c0_i32_1 = arith.constant 0 : i32
    %c0_i32_2 = arith.constant 0 : i32
    return %c0_i32, %c0_i32_0, %arg0, %c0_i32_1 : i32, i32, i32, i32
  }
  func.func @transform_1(%arg0: i32) -> (i32, i32, i32, i32) {
    %c0_i32 = arith.constant 0 : i32
    %c1_i32 = arith.constant 1 : i32
    %c0_i32_0 = arith.constant 0 : i32
    %c0_i32_1 = arith.constant 0 : i32
    return %c0_i32, %c1_i32, %arg0, %c0_i32_0 : i32, i32, i32, i32
  }
  func.func @transform_2(%arg0: i32) -> (i32, i32, i32, i32) {
    %c1_i32 = arith.constant 1 : i32
    %c0_i32 = arith.constant 0 : i32
    %c0_i32_0 = arith.constant 0 : i32
    %c0_i32_1 = arith.constant 0 : i32
    return %c1_i32, %c0_i32, %arg0, %c0_i32_0 : i32, i32, i32, i32
  }
  func.func @transform_3(%arg0: i32) -> (i32, i32, i32, i32) {
    %c1_i32 = arith.constant 1 : i32
    %c1_i32_0 = arith.constant 1 : i32
    %c0_i32 = arith.constant 0 : i32
    %c0_i32_1 = arith.constant 0 : i32
    return %c1_i32, %c1_i32_0, %arg0, %c0_i32 : i32, i32, i32, i32
  }
  func.func @transform_4(%arg0: i32) -> (i32, i32, i32) {
    %c0_i32 = arith.constant 0 : i32
    %c0_i32_0 = arith.constant 0 : i32
    %c0_i32_1 = arith.constant 0 : i32
    return %c0_i32, %arg0, %c0_i32_0 : i32, i32, i32
  }
  func.func @transform_5(%arg0: i32) -> (i32, i32, i32) {
    %c1_i32 = arith.constant 1 : i32
    %c0_i32 = arith.constant 0 : i32
    %c0_i32_0 = arith.constant 0 : i32
    return %c1_i32, %arg0, %c0_i32 : i32, i32, i32
  }
  func.func @transform_6(%arg0: i32) -> (i32, i32) {
    %c0_i32 = arith.constant 0 : i32
    %c0_i32_0 = arith.constant 0 : i32
    %c0_i32_1 = arith.constant 0 : i32
    return %c0_i32, %c0_i32_0 : i32, i32
  }
  func.func @transform_7(%arg0: i32) -> (i32, i32) {
    %c0_i32 = arith.constant 0 : i32
    %c0_i32_0 = arith.constant 0 : i32
    return %arg0, %c0_i32 : i32, i32
  }
}

</mosaic_0001>

<sc_bundles>
// kernel: kernel.10.cloned.1.call-start
scs
__scs_entry_jumppad:
0x0: {  	(pc) =	sbr.rel $0x88, $3  }
0x1: {  	(tag) =	ssettag $0x0;
	lr =	simm.s32 $0x1  }
0x2: {  	[smem:$0x3F98] =	sst lr;
	_ =	strace $0xD0000000  }
0x3: {  	_ = 	snop  }
0x4: {  	_ = 	snop  }
0x5: {  	_ = 	snop  }
0x6: {  	_ = 	snop  }
0x7: {  	_ = 	snop  }
__scs_overlays_trampoline_lowered:
0x8: {  	[smem:$0x3FA7] =	sst s0  }
0x9: {  	[smem:$0x3FA8] =	sst s1  }
0xa: {  	[smem:$0x3FA9] =	sst s2  }
0xb: {  	[smem:$0x3FAA] =	sst s3  }
0xc: {  	[smem:$0x3FAB] =	sst s4  }
0xd: {  	[smem:$0x3FAC] =	sst s5  }
0xe: {  	[smem:$0x3FAD] =	sst s6  }
0xf: {  	[smem:$0x3FAE] =	sst s7  }
0x10: {  	[smem:$0x3FAF] =	sst s8  }
0x11: {  	[smem:$0x3FB0] =	sst s9;
	s0 =	simm.s32 @!p0 $0x0  }
0x12: {  	s1 =	sld [smem:$0x3F96];
	s0 =	simm.s32 @p0 $0x1  }
0x13: {  	[smem:$0x3FB1] =	sst s0;
	s0 =	simm.s32 @!p1 $0x0  }
0x14: {  	s2 =	sld [smem:$0x3F95];
	s0 =	simm.s32 @p1 $0x1  }
0x15: {  	[smem:$0x3FB2] =	sst s0;
	s0 =	simm.s32 @!p2 $0x0  }
0x16: {  	s3 =	sld [smem:$0x3FDB];
	s0 =	simm.s32 @p2 $0x1  }
0x17: {  	s4 =	simm.s32 $0x1BF5;
	[smem:$0x3FB4] =	sst s0  }
0x18: {  	s0 =	sld [smem:$0x3F97];
	_ =	swait.ge [sflag:s4], $0x0  }
0x19: {  	s7 =	sld [smem:$0x3F98]  }
0x1a: {  	s8 =	sadd.s32 $0xFFFFE003, lr  }
0x1b: {  	s9 =	sadd.s32 $0xFFFFFEF7, lr;
	s5 =	simm.s32 $0xFFFFFFFF;
	p2 =	slt.u32 s8, $0xFFFFF086  }
0x1c: {  	p1 =	slt.u32 s9, $0xF7A;
	s5 =	simm.s32 @!p2 $0x0  }
0x1d: {  	s5 =	simm.s32 @p1 $0x1;
	p0 =	seq.s32 s7, s2  }
0x1e: {  	s7 =	smul.u32 @!p0 $0xF7A, s2;
	p2 =	seq.s32 @!p0 s5, $0x0  }
0x1f: {  	s9 =	smul.u32 $0xF7A, s1;
	s8 =	simm.s32 @!p0 $0x1BF5;
	p2 =	por !p2, p0  }
0x20: {  	[sflag:s8] =	ssyncset.s32 @!p0 $0xFFFFF086;
	s6 =	sadd.s32 @!p0 s3, s7;
	s7 =	simm.s32 @!p0 $0x108  }
0x21: {  	s3 =	sadd.s32 s3, s9;
	s6 =	sadd.s32 @!p0 $0x88, s6;
	s7 =	simm.s32 @p2 $0x1082  }
0x22: {  	[simem:s7], [sflag:s8] =	dma.local @!p0 [hbm:s6], $0xF7A  }
0x23: {  	s9 =	sor.u32 $0xD0000000, s2;
	s6 =	simm.s32 $0x108;
	_ =	swait.ge @!p0 [sflag:s8], $0x0  }
0x24: {  	s3 =	sadd.s32 $0x88, s3;
	s6 =	simm.s32 @!p1 $0x1082;
	[sflag:s4] =	ssyncset.s32 $0xFFFFF086  }
0x25: {  	[simem:s6], [sflag:s4] =	dma.local [hbm:s3], $0xF7A  }
0x26: {  	[smem:$0x3F98] =	sst s1;
	(tag) =	ssettag s2;
	_ =	strace s9  }
0x27: {  	s1 =	sld [smem:$0x3FA8]  }
0x28: {  	s2 =	sld [smem:$0x3FA9]  }
0x29: {  	s4 =	sld [smem:$0x3FAB]  }
0x2a: {  	p0 =	seq.s32 s5, $0x0;
	s5 =	sld [smem:$0x3FAC]  }
0x2b: {  	s6 =	sld [smem:$0x3FAD]  }
0x2c: {  	s7 =	sld [smem:$0x3FAE]  }
0x2d: {  	s3 =	simm.s32 $0x108;
	s8 =	sld [smem:$0x3FAF]  }
0x2e: {  	s3 =	simm.s32 @!p0 $0x1082;
	s9 =	sld [smem:$0x3FB0]  }
0x2f: {  	lr =	sadd.s32 s0, s3;
	s0 =	sld [smem:$0x3FA7]  }
0x30: {  	s3 =	sld [smem:$0x3FAA]  }
0x31: {  	[smem:$0x3FB3] =	sst s10  }
0x32: {  	s10 =	sld [smem:$0x3FB1];
	_ =	sdelay $0x3  }
0x33: {  	p0 =	seq.s32 s10, $0x1;
	s10 =	sld [smem:$0x3FB3];
	_ =	sdelay $0x3  }
0x34: {  	[smem:$0x3FB3] =	sst s10  }
0x35: {  	s10 =	sld [smem:$0x3FB2];
	_ =	sdelay $0x3  }
0x36: {  	p1 =	seq.s32 s10, $0x1;
	s10 =	sld [smem:$0x3FB3];
	_ =	sdelay $0x3  }
0x37: {  	[smem:$0x3FB3] =	sst s10  }
0x38: {  	s10 =	sld [smem:$0x3FB4]  }
0x39: {  	_ = 	snop;
	(pc) =	sbr.ind lr, $3  }
0x3a: {  	_ = 	snop  }
0x3b: {  	_ = 	snop  }
0x3c: {  	p2 =	seq.s32 s10, $0x1;
	s10 =	sld [smem:$0x3FB3]  }
0x3d: {  	_ =	shalt  }
0x3e: {  	_ =	shalt  }
0x3f: {  	_ =	shalt  }
0x40: {  	_ =	shalt  }
0x41: {  	_ =	shalt  }
0x42: {  	_ =	shalt  }
0x43: {  	_ =	shalt  }
0x44: {  	_ =	shalt  }
0x45: {  	_ =	shalt  }
0x46: {  	_ =	shalt  }
0x47: {  	_ =	shalt  }
0x48: {  	_ =	shalt  }
0x49: {  	_ =	shalt  }
0x4a: {  	_ =	shalt  }
0x4b: {  	_ =	shalt  }
0x4c: {  	_ =	shalt  }
0x4d: {  	_ =	shalt  }
0x4e: {  	_ =	shalt  }
0x4f: {  	_ =	shalt  }
0x50: {  	_ =	shalt  }
0x51: {  	_ =	shalt  }
0x52: {  	_ =	shalt  }
0x53: {  	_ =	shalt  }
0x54: {  	_ =	shalt  }
0x55: {  	_ =	shalt  }
0x56: {  	_ =	shalt  }
0x57: {  	_ =	shalt  }
0x58: {  	_ =	shalt  }
0x59: {  	_ =	shalt  }
0x5a: {  	_ =	shalt  }
0x5b: {  	_ =	shalt  }
0x5c: {  	_ =	shalt  }
0x5d: {  	_ =	shalt  }
0x5e: {  	_ =	shalt  }
0x5f: {  	_ =	shalt  }
0x60: {  	_ =	shalt  }
0x61: {  	_ =	shalt  }
0x62: {  	_ =	shalt  }
0x63: {  	_ =	shalt  }
0x64: {  	_ =	shalt  }
0x65: {  	_ =	shalt  }
0x66: {  	_ =	shalt  }
0x67: {  	_ =	shalt  }
0x68: {  	_ =	shalt  }
0x69: {  	_ =	shalt  }
0x6a: {  	_ =	shalt  }
0x6b: {  	_ =	shalt  }
0x6c: {  	_ =	shalt  }
0x6d: {  	_ =	shalt  }
0x6e: {  	_ =	shalt  }
0x6f: {  	_ =	shalt  }
0x70: {  	_ =	shalt  }
0x71: {  	_ =	shalt  }
0x72: {  	_ =	shalt  }
0x73: {  	_ =	shalt  }
0x74: {  	_ =	shalt  }
0x75: {  	_ =	shalt  }
0x76: {  	_ =	shalt  }
0x77: {  	_ =	shalt  }
0x78: {  	_ =	shalt  }
0x79: {  	_ =	shalt  }
0x7a: {  	_ =	shalt  }
0x7b: {  	_ =	shalt  }
0x7c: {  	_ =	shalt  }
0x7d: {  	_ =	shalt  }
0x7e: {  	_ =	shalt  }
0x7f: {  	_ =	shalt  }
0x80: {  	_ =	shalt  }
0x81: {  	_ =	shalt  }
0x82: {  	_ =	shalt  }
0x83: {  	_ =	shalt  }
0x84: {  	_ =	shalt  }
0x85: {  	_ =	shalt  }
0x86: {  	_ =	shalt  }
0x87: {  	_ =	shalt  }
.Lfunc_end0:
.L_simem_size_0:
called_computation.1_lowered:
.L_overlay_start_0:
0x88: {  	s2 =	sld [smem:$0x3FD9]  }
0x89: {  	s3 =	sld [smem:$0x3FFE];
	_ =	sdelay $0x1  }
0x8a: {  	s1 =	srdreg.scid  }
0x8b: {  	s0 =	sand.u32 $0x1, s1  }
0x8c: {  	s17 =	sshll.u32 s0, $0xA;
	s2 =	sadd.s32 s3, s2  }
0x8d: {  	s2 =	sadd.s32 s2, s17  }
0x8e: {  	[smem:$0x3FBF] =	sst s2  }
0x8f: {  	_ = 	snop  }
0x90: {  	s2 =	sld [smem:$0x3FD0];
	(tm) =	ssettm $0x1  }
0x91: {  	s18 =	sld [smem:$0x3FFB];
	_ =	sdelay $0x3  }
0x92: {  	_ =	strace s18  }
0x93: {  	s3 =	sld [smem:$0x3FFC];
	_ =	sdelay $0x3  }
0x94: {  	_ =	strace s3  }
0x95: {  	s3 =	sld [smem:$0x3FFD];
	_ =	sdelay $0x3  }
0x96: {  	_ =	strace s3  }
0x97: {  	_ =	strace $0x8FFFFFFF  }
0x98: {  	s19 =	sld [smem:$0x3FDB];
	_ =	sdelay $0x1  }
0x99: {  	s4 =	simm.s32 $_scs_section_size  }
0x9a: {  	s5 =	simm.s32 $_size__tile_overlayer_lowered;
	s6 =	simm.s32 $_tile_overlayer_lowered  }
0x9b: {  	s22 =	simm.s32 $0x1BFF;
	s21 =	sshll.u32 s6, $0x1;
	s3 =	sadd.s32 s4, s19  }
0x9c: {  	s7 =	simm.s32 $0x0;
	s20 =	sshll.u32 s5, $0x1;
	s5 =	sadd.s32 s21, s3  }
0x9d: {  	[timem:s7], [sflag:s22] =	dma.local [hbm:s5], s20  }
0x9e: {  	_ =	swait.ge [sflag:s22], s20  }
0x9f: {  	s4 =	ssub.s32 $0x0, s20;
	[sflag:s22] =	ssyncset.done $0x0  }
0xa0: {  	[sflag:s22] =	ssyncadd.s32 s4;
	_ =	sdelay $0x1  }
0xa1: {  	s23 =	simm.s32 $0x1B8B  }
0xa2: {  	_ =	swait.ge [sflag:s23], $0x1  }
0xa3: {  	[sflag:s23] =	ssyncset.done $0x0  }
0xa4: {  	s25 =	simm.s32 $0x1B8E;
	s24 =	sld [smem:$0x3FFE];
	[sflag:s23] =	ssyncadd.s32 $0xFFFFFFFF  }
0xa5: {  	s26 =	simm.s32 $execute0_lowered;
	[smem:$0x3FD2] =	sst s25  }
0xa6: {  	s5 =	sshll.u32 s26, $0x1;
	_ =	strace $0x80000046;
	[dreg:$0x1] =	wrdreg $0xFFFFFFFF  }
0xa7: {  	s28 =	simm.s32 $_size_execute0_lowered;
	s3 =	sadd.s32 s3, s5;
	[dreg:$0x0] =	wrdreg $0x0  }
0xa8: {  	s5 =	sshll.u32 s28, $0x1;
	[dreg:$0x2] =	wrdreg s3  }
0xa9: {  	[dreg:$0x3] =	wrdreg s5  }
0xaa: {  	[dreg:$0x4] =	wrdreg $0xC0  }
0xab: {  	_ =	task [dreg:s7], $0x5FFFF  }
0xac: {  	[dreg:$0x1] =	wrdreg $0xFFFFFFFF  }
0xad: {  	[dreg:$0x0] =	wrdreg $0x60  }
0xae: {  	[dreg:$0x2] =	wrdreg s24  }
0xaf: {  	[dreg:$0x3] =	wrdreg s2  }
0xb0: {  	[dreg:$0x4] =	wrdreg $0x82800  }
0xb1: {  	[dreg:$0x5] =	wrdreg $0xA  }
0xb2: {  	_ =	task.clear_ibuf [dreg:s7], $0x6FFFF;
	_ =	strace $0x90000046  }
0xb3: {  	s29 =	simm.s32 $0xA;
	_ =	strace $0x80000048  }
0xb4: {  	_ =	swait.ge [sflag:s29], $0x1  }
0xb5: {  	[sflag:s29] =	ssyncadd.s32 $0xFFFFFFFF  }
0xb6: {  	_ =	strace $0x90000048  }
0xb7: {  	_ =	sfence  }
0xb8: {  	s30 =	sld [smem:$0x0];
	_ =	sdelay $0x2  }
0xb9: {  	s31 =	sshll.u32 s1, $0xD;
	s1 =	sshrl.u32 s1, $0x2  }
0xba: {  	s3 =	sand.u32 $0x4000, s31;
	s1 =	sadd.s32 s1, s30  }
0xbb: {  	s0 =	sor.u32 s3, s0;
	s1 =	sshll.u32 s1, $0x11  }
0xbc: {  	s0 =	sor.u32 s1, s0  }
0xbd: {  	s0 =	sadd.s32 $0x8F2B, s0  }
0xbe: {  	[sflag:s0] =	ssyncadd.remote.s32 $0x1  }
0xbf: {  	_ =	sfence.sel $0xFFFF  }
0xc0: {  	[dreg:$0x0] =	wrdreg $0xFFFFFFFF;
	(pc) =	sbr.abs _section_cstart, $3  }
0xc1: {  	[dreg:$0x1] =	wrdreg $0xFFFFFFFF  }
0xc2: {  	_ =	task.clear_ibuf [dreg:s7], $0x2FFFF;
	_ =	strace $0x9FFFFFFF  }
0xc3: {  	(tm) =	ssettm $0x7FFFFFFF  }
tec
execute0_lowered:
.L_overlay_start_1:
0x0: {  	(tag) =	ssettag $0x1  }
0x1: {  	s0 =	rddreg [dreg:$0x0]  }
0x2: {  	s1 =	rddreg [dreg:$0x1]  }
0x3: {  	s2 =	rddreg [dreg:$0x2]  }
0x4: {  	s4 =	srdreg.scid;
	s3 =	simm.s32 $0x0;
	s11 =	stileid.u32  }
0x5: {  	s18 =	simm.s32 $0x5;
	s20 =	simm.s32 $0x100;
	s21 =	simm.s32 $0x80  }
0x6: {  	s28 =	simm.s32 $0x3;
	s29 =	simm.s32 $0x2;
	s30 =	simm.s32 $0x4  }
0x7: {  	s31 =	simm.s32 $0x0;
	s6 =	sand.u32 $0x1, s4;
	[smem:$0x7FF] =	sst s3  }
0x8: {  	s7 =	sshll.u32 s11, $0xF;
	s4 =	sadd.s32 $0x2C00, s0;
	s10 =	sadd.s32 $0x50E00, s0  }
0x9: {  	s23 =	sshll.u32 s11, $0x8;
	s24 =	sshll.u32 s11, $0x6;
	s5 =	sshll.u32 s6, $0x14  }
0xa: {  	_ =	strace $0x80000047;
	s9 =	ssub.s32 $0x2, s6;
	s6 =	sshll.u32 s6, $0xC  }
0xb: {  	s17 =	sadd.s32 s7, s2;
	s5 =	sor.u32 s7, s5;
	s22 =	sshrl.u32 s9, $0x1  }
0xc: {  	s13 =	sor.u32 s23, s6;
	s6 =	sor.u32 $0x1C05, s24;
	s19 =	sadd.s32 $0x80000, s17  }
0xd: {  	s17 =	sshrl.u32 s17, $0x3;
	s23 =	simm.s32 $0x280;
	s24 =	simm.s32 $0x200  }
0xe: {  	s8 =	sshrl.u32 s5, $0x3;
	s5 =	sadd.s32 $0x53000, s0;
	s12 =	ssub.s32 s9, s22  }
0xf: {  	s7 =	sadd.s32 s1, s13;
	s9 =	sadd.s32 $0x80000, s2;
	s26 =	sor.u32 $0x20, s13  }
0x10: {  	s19 =	sshrl.u32 s19, $0x3;
	s22 =	simm.s32 $0x180;
	s0 =	sadd.s32 s8, s0  }
0x11: {  	s8 =	sadd.s32 s10, s13;
	s12 =	smax.u32 s12, $0x1;
	s13 =	sadd.s32 s26, s1  }
0x12: {  	s14 =	sadd.s32 s26, s10;
	s15 =	sadd.s32 $0x10, s7;
	s25 =	sadd.s32 $0x54000, s0  }
0x13: {  	s26 =	simm.s32 $0x1;
	s0 =	sadd.s32 $0x64000, s0;
	[dreg:$0x4] =	wrdreg s25  }
0x14: {  	s16 =	sadd.s32 $0x10, s8;
	[dreg:$0x5] =	wrdreg s0;
	s25 =	simm.s32 $0x4280  }
.LBB2_1:
0x15: {  	[spmem:s17], [sflag:s6] =	dma.local [hbm:s5], $0x1000  }
0x16: {  	_ =	swait.ge [sflag:s18], $0x1000  }
0x17: {  	[sflag:s18] =	ssyncset.done $0x0  }
0x18: {  	[sflag:s18] =	ssyncadd.s32 $0xFFFFF000  }
0x19: {  	[spmem:s19], [sflag:s6] =	dma.local [hbm:s5], $0x1000  }
0x1a: {  	_ =	swait.ge [sflag:s18], $0x1000  }
0x1b: {  	[sflag:s18] =	ssyncset.done $0x0  }
0x1c: {  	[sflag:s18] =	ssyncadd.s32 $0xFFFFF000  }
0x1d: {  	[bflag:$0x0] =	sbarrier.arrive $0xFFFF  }
0x1e: {  	[tilespmem:s20], [sflag:$0x5] =	stream.linear.gather [hbm4b:s7+s3], $0x80, $0x38;
	[tilespmem:$0x18280] =	vst v63  }
0x1f: {  	_ =	swait.ge [sflag:s18], $0x80  }
0x20: {  	[sflag:s18] =	ssyncset.done $0x0  }
0x21: {  	[sflag:s18] =	ssyncadd.s32 $0xFFFFFF80  }
0x22: {  	[tilespmem:s3], [sflag:$0x5] =	stream.linear.gather [hbm4b:s8+s3], $0x80, $0x38;
	[tilespmem:$0x18280] =	vst v63  }
0x23: {  	_ =	swait.ge [sflag:s18], $0x80  }
0x24: {  	[sflag:s18] =	ssyncset.done $0x0  }
0x25: {  	[sflag:s18] =	ssyncadd.s32 $0xFFFFFF80  }
0x26: {  	v0 =	vld [tilespmem:$0x100]  }
0x27: {  	v1 =	vld [tilespmem:$0x110]  }
0x28: {  	v2 =	vld [tilespmem:$0x120]  }
0x29: {  	v3 =	vld [tilespmem:$0x130]  }
0x2a: {  	v4 =	vld [tilespmem:$0x140]  }
0x2b: {  	v5 =	vld [tilespmem:$0x150];
	v0 =	vshll.u32 v0, $0x1  }
0x2c: {  	[tilespmem:$0x180] =	vst v0;
	v0 =	vshll.u32 v1, $0x1;
	v1 =	vld [tilespmem:$0x160]  }
0x2d: {  	[tilespmem:$0x190] =	vst v0;
	v0 =	vshll.u32 v2, $0x1;
	v2 =	vld [tilespmem:$0x170]  }
0x2e: {  	[tilespmem:$0x1A0] =	vst v0;
	v0 =	vshll.u32 v3, $0x1  }
0x2f: {  	[tilespmem:$0x1B0] =	vst v0;
	v0 =	vshll.u32 v4, $0x1  }
0x30: {  	[tilespmem:$0x1C0] =	vst v0;
	v0 =	vshll.u32 v5, $0x1  }
0x31: {  	[tilespmem:$0x1D0] =	vst v0;
	v0 =	vshll.u32 v1, $0x1  }
0x32: {  	p0 =	por $0x1, $0x1;
	[tilespmem:$0x1E0] =	vst v0;
	v0 =	vshll.u32 v2, $0x1  }
0x33: {  	s0 =	simm.s32 @!p0 $0x4;
	[tilespmem:$0x1F0] =	vst v0  }
0x34: {  	[tilespmem:s23], [sflag:$0x1] =	stream.indirect.gather [hbm4b:s4+s21], $0x80, s22, s21, $0xb8;
	[tilespmem:$0x18280] =	vst v63  }
0x35: {  	_ =	swait.ge @!p0 [sflag:s0], $0x4000  }
0x36: {  	[sflag:s0] =	ssyncset.done @!p0 $0x0  }
0x37: {  	[sflag:s0] =	ssyncadd.s32 @!p0 $0xFFFFC000  }
0x38: {  	v0 =	vld [tilespmem:$0x170]  }
0x39: {  	v1 =	vld [tilespmem:$0x130]  }
0x3a: {  	v2 =	vld [tilespmem:$0x140]  }
0x3b: {  	v3 =	vld [tilespmem:$0x110]  }
0x3c: {  	v59 =	vld [tilespmem:$0x160]  }
0x3d: {  	v60 =	vld [tilespmem:$0x120];
	v0 =	vshll.u32 v0, $0x1  }
0x3e: {  	v6 =	vld [tilespmem:$0x100];
	v1 =	vshll.u32 v1, $0x1;
	v0 =	vor.u32 $0x1, v0  }
0x3f: {  	v7 =	vld [tilespmem:$0x150];
	[tilespmem:$0x270] =	vst v0;
	v0 =	vor.u32 $0x1, v1;
	v1 =	vshll.u32 v2, $0x1  }
0x40: {  	v2 =	vshll.u32 v3, $0x1;
	[tilespmem:$0x230] =	vst v0;
	v0 =	vor.u32 $0x1, v1  }
0x41: {  	v1 =	vor.u32 $0x1, v2;
	[tilespmem:$0x240] =	vst v0;
	v0 =	vshll.u32 v59, $0x1  }
0x42: {  	[tilespmem:$0x210] =	vst v1;
	v1 =	vshll.u32 v60, $0x1;
	v0 =	vor.u32 $0x1, v0  }
0x43: {  	v2 =	vshll.u32 v6, $0x1;
	v1 =	vor.u32 $0x1, v1;
	[tilespmem:$0x260] =	vst v0  }
0x44: {  	v0 =	vor.u32 $0x1, v2;
	v2 =	vshll.u32 v7, $0x1;
	[tilespmem:$0x220] =	vst v1  }
0x45: {  	v1 =	vor.u32 $0x1, v2;
	[tilespmem:$0x200] =	vst v0  }
0x46: {  	[tilespmem:$0x250] =	vst v1  }
0x47: {  	[tilespmem:s25], [sflag:$0x2] =	stream.indirect.gather [hbm4b:s4+s21], $0x80, s24, s21, $0xb8;
	[tilespmem:$0x18280] =	vst v63  }
0x48: {  	_ =	swait.ge [sflag:s26], $0x4000  }
0x49: {  	[sflag:s26] =	ssyncset.done $0x0  }
0x4a: {  	[sflag:s26] =	ssyncadd.s32 $0xFFFFC000  }
0x4b: {  	[spmem:s2] =	stream.indirect.scatter.add.f32 [tilespmem:s23], [sflag:$0x3], $0x80, s3, s21, $0xb8;
	[tilespmem:$0x18280] =	vst v63  }
0x4c: {  	s10 =	sadd.s32 $0x0, s15  }
0x4d: {  	[tilespmem:s20], [sflag:$0x5] =	stream.linear.gather [hbm4b:s10+s3], $0x80, $0x38;
	[tilespmem:$0x18280] =	vst v63  }
0x4e: {  	_ =	swait.ge [sflag:s18], $0x80  }
0x4f: {  	[sflag:s18] =	ssyncset.done $0x0  }
0x50: {  	s11 =	sadd.s32 $0x0, s16;
	[sflag:s18] =	ssyncadd.s32 $0xFFFFFF80  }
0x51: {  	[tilespmem:s21], [sflag:$0x5] =	stream.linear.gather [hbm4b:s11+s3], $0x80, $0x38;
	[tilespmem:$0x18280] =	vst v63  }
0x52: {  	_ =	swait.ge [sflag:s18], $0x80  }
0x53: {  	[sflag:s18] =	ssyncset.done $0x0  }
0x54: {  	[sflag:s18] =	ssyncadd.s32 $0xFFFFFF80  }
0x55: {  	_ =	swait.ge [sflag:s28], $0x4000  }
0x56: {  	[sflag:s28] =	ssyncset.done $0x0  }
0x57: {  	[sflag:s28] =	ssyncadd.s32 $0xFFFFC000  }
0x58: {  	v0 =	vld [tilespmem:$0x160]  }
0x59: {  	v1 =	vld [tilespmem:$0x120]  }
0x5a: {  	v2 =	vld [tilespmem:$0x130]  }
0x5b: {  	v61 =	vld [tilespmem:$0x100]  }
0x5c: {  	v3 =	vld [tilespmem:$0x170]  }
0x5d: {  	v62 =	vld [tilespmem:$0x110];
	v0 =	vshll.u32 v0, $0x1  }
0x5e: {  	v63 =	vld [tilespmem:$0x140];
	v1 =	vshll.u32 v1, $0x1;
	[tilespmem:$0x1E0] =	vst v0  }
0x5f: {  	v0 =	vld [tilespmem:$0x150];
	[tilespmem:$0x1A0] =	vst v1;
	v1 =	vshll.u32 v2, $0x1  }
0x60: {  	v2 =	vshll.u32 v61, $0x1;
	[tilespmem:$0x1B0] =	vst v1  }
0x61: {  	v1 =	vshll.u32 v3, $0x1;
	[tilespmem:$0x180] =	vst v2  }
0x62: {  	[tilespmem:$0x1F0] =	vst v1;
	v1 =	vshll.u32 v62, $0x1  }
0x63: {  	[tilespmem:$0x190] =	vst v1;
	v1 =	vshll.u32 v63, $0x1  }
0x64: {  	[tilespmem:$0x1C0] =	vst v1;
	v0 =	vshll.u32 v0, $0x1  }
0x65: {  	[tilespmem:$0x1D0] =	vst v0  }
0x66: {  	[tilespmem:s23], [sflag:$0x1] =	stream.indirect.gather [hbm4b:s4+s21], $0x80, s22, s21, $0xb8;
	[tilespmem:$0x18280] =	vst v63  }
0x67: {  	_ =	swait.ge [sflag:s29], $0x4000  }
0x68: {  	[sflag:s29] =	ssyncset.done $0x0  }
0x69: {  	[sflag:s29] =	ssyncadd.s32 $0xFFFFC000  }
0x6a: {  	[spmem:s9] =	stream.indirect.scatter.add.f32 [tilespmem:s25], [sflag:$0x4], $0x80, s3, s21, $0xb8;
	[tilespmem:$0x18280] =	vst v63  }
0x6b: {  	_ =	swait.ge [sflag:s30], $0x4000  }
0x6c: {  	[sflag:s30] =	ssyncset.done $0x0  }
0x6d: {  	[sflag:s30] =	ssyncadd.s32 $0xFFFFC000  }
0x6e: {  	s1 =	simm.s32 $0x20;
	s0 =	simm.s32 $0x0;
	v0 =	vld [tilespmem:$0x170]  }
.LBB2_2:
0x6f: {  	v1 =	vld [tilespmem:$0x130];
	s10 =	smov.u32 s1;
	s1 =	sadd.s32 $0x20, s1  }
0x70: {  	p0 =	sne.s32 s1, $0x100;
	v2 =	vld [tilespmem:$0x160]  }
0x71: {  	v3 =	vld [tilespmem:$0x100]  }
0x72: {  	v4 =	vld [tilespmem:$0x150]  }
0x73: {  	v5 =	vld [tilespmem:$0x140];
	v0 =	vshll.u32 v0, $0x1  }
0x74: {  	v6 =	vld [tilespmem:$0x110];
	v1 =	vshll.u32 v1, $0x1;
	v0 =	vor.u32 $0x1, v0  }
0x75: {  	v7 =	vld [tilespmem:$0x120];
	v1 =	vor.u32 $0x1, v1;
	v2 =	vshll.u32 v2, $0x1;
	[tilespmem:$0x270] =	vst v0  }
0x76: {  	v0 =	vshll.u32 v3, $0x1;
	[tilespmem:$0x230] =	vst v1;
	v1 =	vor.u32 $0x1, v2  }
0x77: {  	v0 =	vor.u32 $0x1, v0;
	v2 =	vshll.u32 v4, $0x1;
	[tilespmem:$0x260] =	vst v1  }
0x78: {  	[tilespmem:$0x200] =	vst v0;
	v0 =	vshll.u32 v5, $0x1;
	v1 =	vor.u32 $0x1, v2  }
0x79: {  	v2 =	vshll.u32 v6, $0x1;
	v0 =	vor.u32 $0x1, v0;
	[tilespmem:$0x250] =	vst v1  }
0x7a: {  	v1 =	vor.u32 $0x1, v2;
	v2 =	vshll.u32 v7, $0x1;
	[tilespmem:$0x240] =	vst v0  }
0x7b: {  	[tilespmem:$0x210] =	vst v1;
	v0 =	vor.u32 $0x1, v2  }
0x7c: {  	[tilespmem:$0x220] =	vst v0  }
0x7d: {  	[tilespmem:s25], [sflag:$0x2] =	stream.indirect.gather [hbm4b:s4+s21], $0x80, s24, s21, $0xb8;
	[tilespmem:$0x18280] =	vst v63  }
0x7e: {  	_ =	swait.ge [sflag:s26], $0x4000  }
0x7f: {  	[sflag:s26] =	ssyncset.done $0x0  }
0x80: {  	[sflag:s26] =	ssyncadd.s32 $0xFFFFC000  }
0x81: {  	[spmem:s2] =	stream.indirect.scatter.add.f32 [tilespmem:s23], [sflag:$0x3], $0x80, s21, s21, $0xb8;
	[tilespmem:$0x18280] =	vst v63  }
0x82: {  	s11 =	sadd.s32 s0, s13  }
0x83: {  	[tilespmem:s20], [sflag:$0x5] =	stream.linear.gather [hbm4b:s11+s3], $0x80, $0x38;
	[tilespmem:$0x18280] =	vst v63  }
0x84: {  	_ =	swait.ge [sflag:s18], $0x80  }
0x85: {  	[sflag:s18] =	ssyncset.done $0x0  }
0x86: {  	s11 =	sadd.s32 s0, s14;
	s0 =	smov.u32 s10;
	[sflag:s18] =	ssyncadd.s32 $0xFFFFFF80  }
0x87: {  	[tilespmem:s3], [sflag:$0x5] =	stream.linear.gather [hbm4b:s11+s3], $0x80, $0x38;
	[tilespmem:$0x18280] =	vst v63  }
0x88: {  	_ =	swait.ge [sflag:s18], $0x80  }
0x89: {  	[sflag:s18] =	ssyncset.done $0x0  }
0x8a: {  	[sflag:s18] =	ssyncadd.s32 $0xFFFFFF80  }
0x8b: {  	_ =	swait.ge [sflag:s28], $0x4000  }
0x8c: {  	[sflag:s28] =	ssyncset.done $0x0  }
0x8d: {  	p1 =	seq.s32 s0, $0x0;
	[sflag:s28] =	ssyncadd.s32 $0xFFFFC000  }
0x8e: {  	v0 =	vld [tilespmem:$0x100]  }
0x8f: {  	v1 =	vld [tilespmem:$0x110]  }
0x90: {  	v2 =	vld [tilespmem:$0x120]  }
0x91: {  	v3 =	vld [tilespmem:$0x130]  }
0x92: {  	v4 =	vld [tilespmem:$0x140]  }
0x93: {  	v0 =	vshll.u32 v0, $0x1;
	v5 =	vld [tilespmem:$0x150]  }
0x94: {  	[tilespmem:$0x180] =	vst v0;
	v0 =	vshll.u32 v1, $0x1;
	v1 =	vld [tilespmem:$0x170]  }
0x95: {  	[tilespmem:$0x190] =	vst v0;
	v0 =	vshll.u32 v2, $0x1;
	v2 =	vld [tilespmem:$0x160]  }
0x96: {  	[tilespmem:$0x1A0] =	vst v0;
	v0 =	vshll.u32 v3, $0x1  }
0x97: {  	[tilespmem:$0x1B0] =	vst v0;
	v0 =	vshll.u32 v4, $0x1  }
0x98: {  	[tilespmem:$0x1C0] =	vst v0;
	v0 =	vshll.u32 v5, $0x1  }
0x99: {  	[tilespmem:$0x1D0] =	vst v0;
	v0 =	vshll.u32 v1, $0x1  }
0x9a: {  	v1 =	vshll.u32 v2, $0x1;
	[tilespmem:$0x1F0] =	vst v0  }
0x9b: {  	[tilespmem:$0x1E0] =	vst v1  }
0x9c: {  	[tilespmem:s23], [sflag:$0x1] =	stream.indirect.gather [hbm4b:s4+s21], $0x80, s22, s21, $0xb8;
	[tilespmem:$0x18280] =	vst v63  }
0x9d: {  	_ =	swait.ge [sflag:s29], $0x4000  }
0x9e: {  	[sflag:s29] =	ssyncset.done $0x0  }
0x9f: {  	[sflag:s29] =	ssyncadd.s32 $0xFFFFC000  }
0xa0: {  	[spmem:s9] =	stream.indirect.scatter.add.f32 [tilespmem:s25], [sflag:$0x4], $0x80, s21, s21, $0xb8;
	[tilespmem:$0x18280] =	vst v63  }
0xa1: {  	s10 =	simm.s32 @!p1 $0x4  }
0xa2: {  	_ =	swait.ge @!p1 [sflag:s10], $0x4000  }
0xa3: {  	[sflag:s10] =	ssyncset.done @!p1 $0x0  }
0xa4: {  	[sflag:s10] =	ssyncadd.s32 @!p1 $0xFFFFC000  }
0xa5: {  	v0 =	vld [tilespmem:$0x170]  }
0xa6: {  	v1 =	vld [tilespmem:$0x130]  }
0xa7: {  	v2 =	vld [tilespmem:$0x110]  }
0xa8: {  	v3 =	vld [tilespmem:$0x140]  }
0xa9: {  	v4 =	vld [tilespmem:$0x120]  }
0xaa: {  	v5 =	vld [tilespmem:$0x160];
	v0 =	vshll.u32 v0, $0x1  }
0xab: {  	v6 =	vld [tilespmem:$0x100];
	v0 =	vor.u32 $0x1, v0  }
0xac: {  	v1 =	vshll.u32 v1, $0x1;
	v2 =	vshll.u32 v2, $0x1;
	v7 =	vld [tilespmem:$0x150];
	[tilespmem:$0x270] =	vst v0  }
0xad: {  	v1 =	vor.u32 $0x1, v1;
	v0 =	vor.u32 $0x1, v2;
	v2 =	vshll.u32 v3, $0x1  }
0xae: {  	[tilespmem:$0x230] =	vst v1;
	v1 =	vor.u32 $0x1, v2  }
0xaf: {  	[tilespmem:$0x240] =	vst v1;
	v1 =	vshll.u32 v5, $0x1  }
0xb0: {  	v2 =	vshll.u32 v6, $0x1;
	[tilespmem:$0x210] =	vst v0;
	v0 =	vshll.u32 v4, $0x1;
	v1 =	vor.u32 $0x1, v1  }
0xb1: {  	v2 =	vor.u32 $0x1, v2;
	v0 =	vor.u32 $0x1, v0;
	v3 =	vshll.u32 v7, $0x1;
	[tilespmem:$0x260] =	vst v1  }
0xb2: {  	[tilespmem:$0x220] =	vst v0;
	v0 =	vor.u32 $0x1, v3  }
0xb3: {  	[tilespmem:$0x200] =	vst v2  }
0xb4: {  	[tilespmem:$0x250] =	vst v0  }
0xb5: {  	[tilespmem:s25], [sflag:$0x2] =	stream.indirect.gather [hbm4b:s4+s21], $0x80, s24, s21, $0xb8;
	[tilespmem:$0x18280] =	vst v63  }
0xb6: {  	_ =	swait.ge [sflag:s26], $0x4000  }
0xb7: {  	[sflag:s26] =	ssyncset.done $0x0  }
0xb8: {  	[sflag:s26] =	ssyncadd.s32 $0xFFFFC000  }
0xb9: {  	[spmem:s2] =	stream.indirect.scatter.add.f32 [tilespmem:s23], [sflag:$0x3], $0x80, s3, s21, $0xb8;
	[tilespmem:$0x18280] =	vst v63  }
0xba: {  	s10 =	sadd.s32 s0, s15  }
0xbb: {  	[tilespmem:s20], [sflag:$0x5] =	stream.linear.gather [hbm4b:s10+s3], $0x80, $0x38;
	[tilespmem:$0x18280] =	vst v63  }
0xbc: {  	_ =	swait.ge [sflag:s18], $0x80  }
0xbd: {  	[sflag:s18] =	ssyncset.done $0x0  }
0xbe: {  	s10 =	sadd.s32 s0, s16;
	[sflag:s18] =	ssyncadd.s32 $0xFFFFFF80  }
0xbf: {  	[tilespmem:s21], [sflag:$0x5] =	stream.linear.gather [hbm4b:s10+s3], $0x80, $0x38;
	[tilespmem:$0x18280] =	vst v63  }
0xc0: {  	_ =	swait.ge [sflag:s18], $0x80  }
0xc1: {  	[sflag:s18] =	ssyncset.done $0x0  }
0xc2: {  	[sflag:s18] =	ssyncadd.s32 $0xFFFFFF80  }
0xc3: {  	_ =	swait.ge [sflag:s28], $0x4000  }
0xc4: {  	[sflag:s28] =	ssyncset.done $0x0  }
0xc5: {  	[sflag:s28] =	ssyncadd.s32 $0xFFFFC000  }
0xc6: {  	v0 =	vld [tilespmem:$0x130]  }
0xc7: {  	v1 =	vld [tilespmem:$0x160]  }
0xc8: {  	v2 =	vld [tilespmem:$0x120]  }
0xc9: {  	v3 =	vld [tilespmem:$0x150]  }
0xca: {  	v4 =	vld [tilespmem:$0x170]  }
0xcb: {  	v5 =	vld [tilespmem:$0x100]  }
0xcc: {  	v6 =	vld [tilespmem:$0x110];
	v1 =	vshll.u32 v1, $0x1  }
0xcd: {  	v2 =	vshll.u32 v2, $0x1;
	v7 =	vld [tilespmem:$0x140];
	[tilespmem:$0x1E0] =	vst v1  }
0xce: {  	v0 =	vshll.u32 v0, $0x1;
	[tilespmem:$0x1A0] =	vst v2;
	v1 =	vshll.u32 v3, $0x1  }
0xcf: {  	[tilespmem:$0x1B0] =	vst v0;
	v0 =	vshll.u32 v4, $0x1  }
0xd0: {  	v2 =	vshll.u32 v5, $0x1;
	[tilespmem:$0x1F0] =	vst v0  }
0xd1: {  	[tilespmem:$0x180] =	vst v2;
	v0 =	vshll.u32 v6, $0x1  }
0xd2: {  	[tilespmem:$0x190] =	vst v0;
	v0 =	vshll.u32 v7, $0x1  }
0xd3: {  	[tilespmem:$0x1C0] =	vst v0  }
0xd4: {  	[tilespmem:$0x1D0] =	vst v1  }
0xd5: {  	[tilespmem:s23], [sflag:$0x1] =	stream.indirect.gather [hbm4b:s4+s21], $0x80, s22, s21, $0xb8;
	[tilespmem:$0x18280] =	vst v63  }
0xd6: {  	_ =	swait.ge [sflag:s29], $0x4000  }
0xd7: {  	[sflag:s29] =	ssyncset.done $0x0  }
0xd8: {  	[sflag:s29] =	ssyncadd.s32 $0xFFFFC000  }
0xd9: {  	[spmem:s9] =	stream.indirect.scatter.add.f32 [tilespmem:s25], [sflag:$0x4], $0x80, s3, s21, $0xb8;
	[tilespmem:$0x18280] =	vst v63  }
.Ltmp0:
0xda: {  	_ = 	snop;
	(pc) =	sbr.rel @p0 .LBB2_2-.Ltmp0, $4  }
0xdb: {  	_ =	swait.ge [sflag:s30], $0x4000  }
0xdc: {  	[sflag:s30] =	ssyncset.done $0x0  }
0xdd: {  	[sflag:s30] =	ssyncadd.s32 $0xFFFFC000  }
0xde: {  	v0 =	vld [tilespmem:$0x170]  }
0xdf: {  	v1 =	vld [tilespmem:$0x130]  }
0xe0: {  	v2 =	vld [tilespmem:$0x160]  }
0xe1: {  	v3 =	vld [tilespmem:$0x100]  }
0xe2: {  	v4 =	vld [tilespmem:$0x150]  }
0xe3: {  	v6 =	vld [tilespmem:$0x110];
	v0 =	vshll.u32 v0, $0x1  }
0xe4: {  	v7 =	vld [tilespmem:$0x120];
	v1 =	vshll.u32 v1, $0x1;
	v0 =	vor.u32 $0x1, v0  }
0xe5: {  	v5 =	vld [tilespmem:$0x140];
	v2 =	vshll.u32 v2, $0x1;
	v1 =	vor.u32 $0x1, v1;
	[tilespmem:$0x270] =	vst v0  }
0xe6: {  	v40 =	vshll.u32 v3, $0x1;
	v41 =	vor.u32 $0x1, v2;
	[tilespmem:$0x230] =	vst v1  }
0xe7: {  	v42 =	vshll.u32 v4, $0x1;
	v0 =	vor.u32 $0x1, v40;
	[tilespmem:$0x260] =	vst v41  }
0xe8: {  	v45 =	vshll.u32 v6, $0x1;
	v44 =	vor.u32 $0x1, v42;
	[tilespmem:$0x200] =	vst v0  }
0xe9: {  	v47 =	vshll.u32 v7, $0x1;
	v46 =	vor.u32 $0x1, v45;
	[tilespmem:$0x250] =	vst v44  }
0xea: {  	v43 =	vshll.u32 v5, $0x1;
	v48 =	vor.u32 $0x1, v47;
	[tilespmem:$0x210] =	vst v46  }
0xeb: {  	v0 =	vor.u32 $0x1, v43;
	[tilespmem:$0x220] =	vst v48  }
0xec: {  	[tilespmem:$0x240] =	vst v0  }
0xed: {  	[tilespmem:s25], [sflag:$0x2] =	stream.indirect.gather [hbm4b:s4+s21], $0x80, s24, s21, $0xb8;
	[tilespmem:$0x18280] =	vst v63  }
0xee: {  	_ =	swait.ge [sflag:s26], $0x4000  }
0xef: {  	[sflag:s26] =	ssyncset.done $0x0  }
0xf0: {  	[sflag:s26] =	ssyncadd.s32 $0xFFFFC000  }
0xf1: {  	[spmem:s2] =	stream.indirect.scatter.add.f32 [tilespmem:s23], [sflag:$0x3], $0x80, s21, s21, $0xb8;
	[tilespmem:$0x18280] =	vst v63  }
0xf2: {  	s1 =	sadd.s32 s0, s13  }
0xf3: {  	[tilespmem:s20], [sflag:$0x5] =	stream.linear.gather [hbm4b:s1+s3], $0x80, $0x38;
	[tilespmem:$0x18280] =	vst v63  }
0xf4: {  	_ =	swait.ge [sflag:s18], $0x80  }
0xf5: {  	[sflag:s18] =	ssyncset.done $0x0  }
0xf6: {  	s1 =	sadd.s32 s0, s14;
	[sflag:s18] =	ssyncadd.s32 $0xFFFFFF80  }
0xf7: {  	[tilespmem:s3], [sflag:$0x5] =	stream.linear.gather [hbm4b:s1+s3], $0x80, $0x38;
	[tilespmem:$0x18280] =	vst v63  }
0xf8: {  	_ =	swait.ge [sflag:s18], $0x80  }
0xf9: {  	[sflag:s18] =	ssyncset.done $0x0  }
0xfa: {  	[sflag:s18] =	ssyncadd.s32 $0xFFFFFF80  }
0xfb: {  	_ =	swait.ge [sflag:s28], $0x4000  }
0xfc: {  	[sflag:s28] =	ssyncset.done $0x0  }
0xfd: {  	[sflag:s28] =	ssyncadd.s32 $0xFFFFC000  }
0xfe: {  	v49 =	vld [tilespmem:$0x100]  }
0xff: {  	v50 =	vld [tilespmem:$0x110]  }
0x100: {  	v51 =	vld [tilespmem:$0x120]  }
0x101: {  	v52 =	vld [tilespmem:$0x130]  }
0x102: {  	v53 =	vld [tilespmem:$0x140]  }
0x103: {  	v54 =	vld [tilespmem:$0x150];
	v0 =	vshll.u32 v49, $0x1  }
0x104: {  	v56 =	vld [tilespmem:$0x170];
	v55 =	vshll.u32 v50, $0x1;
	[tilespmem:$0x180] =	vst v0  }
0x105: {  	v58 =	vld [tilespmem:$0x160];
	v57 =	vshll.u32 v51, $0x1;
	[tilespmem:$0x190] =	vst v55  }
0x106: {  	v59 =	vshll.u32 v52, $0x1;
	[tilespmem:$0x1A0] =	vst v57  }
0x107: {  	v60 =	vshll.u32 v53, $0x1;
	[tilespmem:$0x1B0] =	vst v59  }
0x108: {  	v61 =	vshll.u32 v54, $0x1;
	[tilespmem:$0x1C0] =	vst v60  }
0x109: {  	v62 =	vshll.u32 v56, $0x1;
	[tilespmem:$0x1D0] =	vst v61  }
0x10a: {  	v63 =	vshll.u32 v58, $0x1;
	[tilespmem:$0x1F0] =	vst v62  }
0x10b: {  	[tilespmem:$0x1E0] =	vst v63  }
0x10c: {  	[tilespmem:s23], [sflag:$0x1] =	stream.indirect.gather [hbm4b:s4+s21], $0x80, s22, s21, $0xb8;
	[tilespmem:$0x18280] =	vst v63  }
0x10d: {  	_ =	swait.ge [sflag:s29], $0x4000  }
0x10e: {  	[sflag:s29] =	ssyncset.done $0x0  }
0x10f: {  	[sflag:s29] =	ssyncadd.s32 $0xFFFFC000  }
0x110: {  	[spmem:s9] =	stream.indirect.scatter.add.f32 [tilespmem:s25], [sflag:$0x4], $0x80, s21, s21, $0xb8;
	[tilespmem:$0x18280] =	vst v63  }
0x111: {  	_ =	swait.ge [sflag:s30], $0x4000  }
0x112: {  	[sflag:s30] =	ssyncset.done $0x0  }
0x113: {  	[sflag:s30] =	ssyncadd.s32 $0xFFFFC000  }
0x114: {  	_ =	swait.ge [sflag:s26], $0x4000  }
0x115: {  	[sflag:s26] =	ssyncset.done $0x0  }
0x116: {  	[sflag:s26] =	ssyncadd.s32 $0xFFFFC000  }
0x117: {  	[bflag:$0x0] =	sbarrier.arrive $0xFFFF  }
0x118: {  	s10 =	rddreg [dreg:$0x4]  }
0x119: {  	[hbm:s10], [sflag:s6] =	dma.local [spmem:s17], $0x1000  }
0x11a: {  	s31 =	sadd.s32 $0x1, s31;
	_ =	swait.ge [sflag:s18], $0x1000  }
0x11b: {  	p0 =	sne.s32 s31, s12;
	[sflag:s18] =	ssyncset.done $0x0  }
.Ltmp1:
0x11c: {  	s11 =	rddreg [dreg:$0x5];
	[sflag:s18] =	ssyncadd.s32 $0xFFFFF000;
	(pc) =	sbr.rel @p0 .LBB2_1-.Ltmp1, $4  }
0x11d: {  	[hbm:s11], [sflag:s6] =	dma.local [spmem:s19], $0x1000  }
0x11e: {  	_ =	swait.ge [sflag:s18], $0x1000  }
0x11f: {  	[sflag:s18] =	ssyncset.done $0x0  }
0x120: {  	[sflag:s18] =	ssyncadd.s32 $0xFFFFF000  }
0x121: {  	_ =	sfence.sel $0x180000  }
0x122: {  	[bflag:$0x0] =	sbarrier.arrive $0xFFFF  }
0x123: {  	_ =	strace $0x90000047  }
0x124: {  	s0 =	stileid.u32;
	[bflag:$0x2] =	sbarrier.arrive $0xFFFF  }
0x125: {  	p0 =	sne.s32 s0, $0x0;
	s0 =	rddreg [dreg:$0x3]  }
0x126: {  	s0 =	sadd.s32 @!p0 $0x100000, s0  }
0x127: {  	[sflag:s0] =	ssyncadd.tile.s32 @!p0 $0x1;
	_ =	shalt  }
.Lfunc_end2:
_tile_overlayer_lowered:
.L_overlay_start_2:
0x128: {  	(tag) =	ssettag $0x2  }
0x129: {  	s0 =	rddreg [dreg:$0x0];
	s2 =	stileid.u32  }
0x12a: {  	s1 =	rddreg [dreg:$0x1];
	p0 =	sne.s32 s2, $0x0  }
0x12b: {  	s3 =	rddreg [dreg:$0x2];
	[bflag:$0x3] =	sbarrier.arrive $0xFFFF;
	s2 =	simm.s32 @!p0 $0x1C05  }
0x12c: {  	[timem:s3], [sflag:s2] =	dma.local @!p0 [hbm:s0], s1  }
0x12d: {  	s0 =	simm.s32 @!p0 $0x5  }
0x12e: {  	_ =	swait.ge @!p0 [sflag:s0], s1  }
0x12f: {  	s1 =	ssub.s32 @!p0 $0x0, s1;
	[sflag:s0] =	ssyncset.done @!p0 $0x0  }
0x130: {  	[sflag:s0] =	ssyncadd.s32 @!p0 s1  }
0x131: {  	[bflag:$0x3] =	sbarrier.arrive $0xFFFF  }
0x132: {  	_ =	shalt  }

// kernel: kernel.13.cloned.1.call-start
scs
__scs_entry_jumppad:
0x0: {  	(pc) =	sbr.rel $0x88, $3  }
0x1: {  	(tag) =	ssettag $0x0;
	lr =	simm.s32 $0x1  }
0x2: {  	[smem:$0x3F98] =	sst lr;
	_ =	strace $0xD0000000  }
0x3: {  	_ = 	snop  }
0x4: {  	_ = 	snop  }
0x5: {  	_ = 	snop  }
0x6: {  	_ = 	snop  }
0x7: {  	_ = 	snop  }
__scs_overlays_trampoline_lowered:
0x8: {  	[smem:$0x3FA7] =	sst s0  }
0x9: {  	[smem:$0x3FA8] =	sst s1  }
0xa: {  	[smem:$0x3FA9] =	sst s2  }
0xb: {  	[smem:$0x3FAA] =	sst s3  }
0xc: {  	[smem:$0x3FAB] =	sst s4  }
0xd: {  	[smem:$0x3FAC] =	sst s5  }
0xe: {  	[smem:$0x3FAD] =	sst s6  }
0xf: {  	[smem:$0x3FAE] =	sst s7  }
0x10: {  	[smem:$0x3FAF] =	sst s8  }
0x11: {  	[smem:$0x3FB0] =	sst s9;
	s0 =	simm.s32 @!p0 $0x0  }
0x12: {  	s1 =	sld [smem:$0x3F96];
	s0 =	simm.s32 @p0 $0x1  }
0x13: {  	[smem:$0x3FB1] =	sst s0;
	s0 =	simm.s32 @!p1 $0x0  }
0x14: {  	s2 =	sld [smem:$0x3F95];
	s0 =	simm.s32 @p1 $0x1  }
0x15: {  	[smem:$0x3FB2] =	sst s0;
	s0 =	simm.s32 @!p2 $0x0  }
0x16: {  	s3 =	sld [smem:$0x3FDB];
	s0 =	simm.s32 @p2 $0x1  }
0x17: {  	s4 =	simm.s32 $0x1BF5;
	[smem:$0x3FB4] =	sst s0  }
0x18: {  	s0 =	sld [smem:$0x3F97];
	_ =	swait.ge [sflag:s4], $0x0  }
0x19: {  	s7 =	sld [smem:$0x3F98]  }
0x1a: {  	s8 =	sadd.s32 $0xFFFFE003, lr  }
0x1b: {  	s9 =	sadd.s32 $0xFFFFFEF7, lr;
	s5 =	simm.s32 $0xFFFFFFFF;
	p2 =	slt.u32 s8, $0xFFFFF086  }
0x1c: {  	p1 =	slt.u32 s9, $0xF7A;
	s5 =	simm.s32 @!p2 $0x0  }
0x1d: {  	s5 =	simm.s32 @p1 $0x1;
	p0 =	seq.s32 s7, s2  }
0x1e: {  	s7 =	smul.u32 @!p0 $0xF7A, s2;
	p2 =	seq.s32 @!p0 s5, $0x0  }
0x1f: {  	s9 =	smul.u32 $0xF7A, s1;
	s8 =	simm.s32 @!p0 $0x1BF5;
	p2 =	por !p2, p0  }
0x20: {  	[sflag:s8] =	ssyncset.s32 @!p0 $0xFFFFF086;
	s6 =	sadd.s32 @!p0 s3, s7;
	s7 =	simm.s32 @!p0 $0x108  }
0x21: {  	s3 =	sadd.s32 s3, s9;
	s6 =	sadd.s32 @!p0 $0x88, s6;
	s7 =	simm.s32 @p2 $0x1082  }
0x22: {  	[simem:s7], [sflag:s8] =	dma.local @!p0 [hbm:s6], $0xF7A  }
0x23: {  	s9 =	sor.u32 $0xD0000000, s2;
	s6 =	simm.s32 $0x108;
	_ =	swait.ge @!p0 [sflag:s8], $0x0  }
0x24: {  	s3 =	sadd.s32 $0x88, s3;
	s6 =	simm.s32 @!p1 $0x1082;
	[sflag:s4] =	ssyncset.s32 $0xFFFFF086  }
0x25: {  	[simem:s6], [sflag:s4] =	dma.local [hbm:s3], $0xF7A  }
0x26: {  	[smem:$0x3F98] =	sst s1;
	(tag) =	ssettag s2;
	_ =	strace s9  }
0x27: {  	s1 =	sld [smem:$0x3FA8]  }
0x28: {  	s2 =	sld [smem:$0x3FA9]  }
0x29: {  	s4 =	sld [smem:$0x3FAB]  }
0x2a: {  	p0 =	seq.s32 s5, $0x0;
	s5 =	sld [smem:$0x3FAC]  }
0x2b: {  	s6 =	sld [smem:$0x3FAD]  }
0x2c: {  	s7 =	sld [smem:$0x3FAE]  }
0x2d: {  	s3 =	simm.s32 $0x108;
	s8 =	sld [smem:$0x3FAF]  }
0x2e: {  	s3 =	simm.s32 @!p0 $0x1082;
	s9 =	sld [smem:$0x3FB0]  }
0x2f: {  	lr =	sadd.s32 s0, s3;
	s0 =	sld [smem:$0x3FA7]  }
0x30: {  	s3 =	sld [smem:$0x3FAA]  }
0x31: {  	[smem:$0x3FB3] =	sst s10  }
0x32: {  	s10 =	sld [smem:$0x3FB1];
	_ =	sdelay $0x3  }
0x33: {  	p0 =	seq.s32 s10, $0x1;
	s10 =	sld [smem:$0x3FB3];
	_ =	sdelay $0x3  }
0x34: {  	[smem:$0x3FB3] =	sst s10  }
0x35: {  	s10 =	sld [smem:$0x3FB2];
	_ =	sdelay $0x3  }
0x36: {  	p1 =	seq.s32 s10, $0x1;
	s10 =	sld [smem:$0x3FB3];
	_ =	sdelay $0x3  }
0x37: {  	[smem:$0x3FB3] =	sst s10  }
0x38: {  	s10 =	sld [smem:$0x3FB4]  }
0x39: {  	_ = 	snop;
	(pc) =	sbr.ind lr, $3  }
0x3a: {  	_ = 	snop  }
0x3b: {  	_ = 	snop  }
0x3c: {  	p2 =	seq.s32 s10, $0x1;
	s10 =	sld [smem:$0x3FB3]  }
0x3d: {  	_ =	shalt  }
0x3e: {  	_ =	shalt  }
0x3f: {  	_ =	shalt  }
0x40: {  	_ =	shalt  }
0x41: {  	_ =	shalt  }
0x42: {  	_ =	shalt  }
0x43: {  	_ =	shalt  }
0x44: {  	_ =	shalt  }
0x45: {  	_ =	shalt  }
0x46: {  	_ =	shalt  }
0x47: {  	_ =	shalt  }
0x48: {  	_ =	shalt  }
0x49: {  	_ =	shalt  }
0x4a: {  	_ =	shalt  }
0x4b: {  	_ =	shalt  }
0x4c: {  	_ =	shalt  }
0x4d: {  	_ =	shalt  }
0x4e: {  	_ =	shalt  }
0x4f: {  	_ =	shalt  }
0x50: {  	_ =	shalt  }
0x51: {  	_ =	shalt  }
0x52: {  	_ =	shalt  }
0x53: {  	_ =	shalt  }
0x54: {  	_ =	shalt  }
0x55: {  	_ =	shalt  }
0x56: {  	_ =	shalt  }
0x57: {  	_ =	shalt  }
0x58: {  	_ =	shalt  }
0x59: {  	_ =	shalt  }
0x5a: {  	_ =	shalt  }
0x5b: {  	_ =	shalt  }
0x5c: {  	_ =	shalt  }
0x5d: {  	_ =	shalt  }
0x5e: {  	_ =	shalt  }
0x5f: {  	_ =	shalt  }
0x60: {  	_ =	shalt  }
0x61: {  	_ =	shalt  }
0x62: {  	_ =	shalt  }
0x63: {  	_ =	shalt  }
0x64: {  	_ =	shalt  }
0x65: {  	_ =	shalt  }
0x66: {  	_ =	shalt  }
0x67: {  	_ =	shalt  }
0x68: {  	_ =	shalt  }
0x69: {  	_ =	shalt  }
0x6a: {  	_ =	shalt  }
0x6b: {  	_ =	shalt  }
0x6c: {  	_ =	shalt  }
0x6d: {  	_ =	shalt  }
0x6e: {  	_ =	shalt  }
0x6f: {  	_ =	shalt  }
0x70: {  	_ =	shalt  }
0x71: {  	_ =	shalt  }
0x72: {  	_ =	shalt  }
0x73: {  	_ =	shalt  }
0x74: {  	_ =	shalt  }
0x75: {  	_ =	shalt  }
0x76: {  	_ =	shalt  }
0x77: {  	_ =	shalt  }
0x78: {  	_ =	shalt  }
0x79: {  	_ =	shalt  }
0x7a: {  	_ =	shalt  }
0x7b: {  	_ =	shalt  }
0x7c: {  	_ =	shalt  }
0x7d: {  	_ =	shalt  }
0x7e: {  	_ =	shalt  }
0x7f: {  	_ =	shalt  }
0x80: {  	_ =	shalt  }
0x81: {  	_ =	shalt  }
0x82: {  	_ =	shalt  }
0x83: {  	_ =	shalt  }
0x84: {  	_ =	shalt  }
0x85: {  	_ =	shalt  }
0x86: {  	_ =	shalt  }
0x87: {  	_ =	shalt  }
.Lfunc_end0:
.L_simem_size_0:
called_computation.2_lowered:
.L_overlay_start_0:
0x88: {  	s2 =	sld [smem:$0x3FD9]  }
0x89: {  	s3 =	sld [smem:$0x3FFE];
	_ =	sdelay $0x1  }
0x8a: {  	s1 =	srdreg.scid  }
0x8b: {  	s0 =	sand.u32 $0x1, s1  }
0x8c: {  	s16 =	sshll.u32 s0, $0xA;
	s2 =	sadd.s32 s3, s2  }
0x8d: {  	s2 =	sadd.s32 s2, s16  }
0x8e: {  	[smem:$0x3FBF] =	sst s2  }
0x8f: {  	_ = 	snop  }
0x90: {  	(tm) =	ssettm $0x1  }
0x91: {  	s17 =	sld [smem:$0x3FFB];
	_ =	sdelay $0x3  }
0x92: {  	_ =	strace s17  }
0x93: {  	s2 =	sld [smem:$0x3FFC];
	_ =	sdelay $0x3  }
0x94: {  	_ =	strace s2  }
0x95: {  	s2 =	sld [smem:$0x3FFD];
	_ =	sdelay $0x3  }
0x96: {  	_ =	strace s2  }
0x97: {  	_ =	strace $0x8FFFFFFF  }
0x98: {  	s18 =	sld [smem:$0x3FDB];
	_ =	sdelay $0x1  }
0x99: {  	s19 =	simm.s32 $_scs_section_size  }
0x9a: {  	s4 =	simm.s32 $_size__tile_overlayer_lowered;
	s5 =	simm.s32 $_tile_overlayer_lowered  }
0x9b: {  	s22 =	simm.s32 $0x1BFF;
	s21 =	sshll.u32 s5, $0x1;
	s2 =	sadd.s32 s19, s18  }
0x9c: {  	s6 =	simm.s32 $0x0;
	s20 =	sshll.u32 s4, $0x1;
	s4 =	sadd.s32 s21, s2  }
0x9d: {  	[timem:s6], [sflag:s22] =	dma.local [hbm:s4], s20  }
0x9e: {  	_ =	swait.ge [sflag:s22], s20  }
0x9f: {  	s3 =	ssub.s32 $0x0, s20;
	[sflag:s22] =	ssyncset.done $0x0  }
0xa0: {  	[sflag:s22] =	ssyncadd.s32 s3;
	_ =	sdelay $0x1  }
0xa1: {  	s23 =	simm.s32 $0x1B8B  }
0xa2: {  	_ =	swait.ge [sflag:s23], $0x1  }
0xa3: {  	[sflag:s23] =	ssyncset.done $0x0  }
0xa4: {  	s25 =	simm.s32 $0x1B8E;
	s24 =	sld [smem:$0x3FFE];
	[sflag:s23] =	ssyncadd.s32 $0xFFFFFFFF  }
0xa5: {  	s26 =	simm.s32 $execute0_lowered;
	[smem:$0x3FD2] =	sst s25  }
0xa6: {  	s4 =	sshll.u32 s26, $0x1;
	_ =	strace $0x8000004C;
	[dreg:$0x1] =	wrdreg $0xFFFFFFFF  }
0xa7: {  	s28 =	simm.s32 $_size_execute0_lowered;
	s2 =	sadd.s32 s2, s4;
	[dreg:$0x0] =	wrdreg $0x0  }
0xa8: {  	s4 =	sshll.u32 s28, $0x1;
	[dreg:$0x2] =	wrdreg s2  }
0xa9: {  	[dreg:$0x3] =	wrdreg s4  }
0xaa: {  	[dreg:$0x4] =	wrdreg $0xC0  }
0xab: {  	_ =	task [dreg:s6], $0x5FFFF  }
0xac: {  	[dreg:$0x1] =	wrdreg $0xFFFFFFFF  }
0xad: {  	[dreg:$0x0] =	wrdreg $0x60  }
0xae: {  	[dreg:$0x2] =	wrdreg s24  }
0xaf: {  	[dreg:$0x3] =	wrdreg $0x82800  }
0xb0: {  	[dreg:$0x4] =	wrdreg $0x9  }
0xb1: {  	_ =	task.clear_ibuf [dreg:s6], $0x5FFFF;
	_ =	strace $0x9000004C  }
0xb2: {  	s29 =	simm.s32 $0x9;
	_ =	strace $0x8000004E  }
0xb3: {  	_ =	swait.ge [sflag:s29], $0x1  }
0xb4: {  	[sflag:s29] =	ssyncadd.s32 $0xFFFFFFFF  }
0xb5: {  	_ =	strace $0x9000004E  }
0xb6: {  	_ =	sfence  }
0xb7: {  	s30 =	sld [smem:$0x0];
	_ =	sdelay $0x2  }
0xb8: {  	s31 =	sshll.u32 s1, $0xD;
	s1 =	sshrl.u32 s1, $0x2  }
0xb9: {  	s3 =	sand.u32 $0x4000, s31;
	s1 =	sadd.s32 s1, s30  }
0xba: {  	s0 =	sor.u32 s3, s0;
	s1 =	sshll.u32 s1, $0x11  }
0xbb: {  	s0 =	sor.u32 s1, s0  }
0xbc: {  	s0 =	sadd.s32 $0x8F2B, s0  }
0xbd: {  	[sflag:s0] =	ssyncadd.remote.s32 $0x1  }
0xbe: {  	_ =	sfence.sel $0xFFFF  }
0xbf: {  	[dreg:$0x0] =	wrdreg $0xFFFFFFFF;
	(pc) =	sbr.abs _section_cstart, $3  }
0xc0: {  	[dreg:$0x1] =	wrdreg $0xFFFFFFFF  }
0xc1: {  	_ =	task.clear_ibuf [dreg:s6], $0x2FFFF;
	_ =	strace $0x9FFFFFFF  }
0xc2: {  	(tm) =	ssettm $0x7FFFFFFF  }
0xc3: {  	_ =	shalt  }
tec
execute0_lowered:
.L_overlay_start_1:
0x0: {  	(tag) =	ssettag $0x1  }
0x1: {  	s0 =	rddreg [dreg:$0x0]  }
0x2: {  	s1 =	rddreg [dreg:$0x1];
	s2 =	simm.s32 $0x0  }
0x3: {  	s5 =	srdreg.scid;
	s3 =	stileid.u32;
	s18 =	simm.s32 $0x5  }
0x4: {  	s20 =	simm.s32 $0x100;
	s21 =	simm.s32 $0x80;
	s22 =	simm.s32 $0x180  }
0x5: {  	s23 =	simm.s32 $0x280;
	s24 =	simm.s32 $0x200;
	s28 =	simm.s32 $0x3  }
0x6: {  	s29 =	simm.s32 $0x4;
	s30 =	simm.s32 $0x0;
	[smem:$0x7FF] =	sst s2  }
0x7: {  	s4 =	sadd.s32 $0x95400, s0;
	s8 =	sand.u32 $0x1, s5;
	s5 =	sadd.s32 $0x94A00, s0  }
0x8: {  	s9 =	sshll.u32 s3, $0xD;
	s6 =	sadd.s32 $0x94000, s0;
	s26 =	sshll.u32 s3, $0x6  }
0x9: {  	_ =	strace $0x8000004D;
	s7 =	sshll.u32 s8, $0x12;
	s11 =	ssub.s32 $0x2, s8  }
0xa: {  	s8 =	sshll.u32 s8, $0x4;
	s17 =	sadd.s32 s9, s1;
	s10 =	sor.u32 s9, s7  }
0xb: {  	s7 =	sadd.s32 $0x53000, s0;
	s12 =	sshrl.u32 s11, $0x1;
	s25 =	sor.u32 s3, s8  }
0xc: {  	s8 =	sor.u32 $0x1C05, s26;
	s19 =	sadd.s32 $0x20000, s17;
	s17 =	sshrl.u32 s17, $0x3  }
0xd: {  	s26 =	simm.s32 $0x1;
	s10 =	sshrl.u32 s10, $0x3;
	s16 =	ssub.s32 s11, s12  }
0xe: {  	s31 =	sshll.u32 s25, $0x6;
	s11 =	sshll.u32 s25, $0x2;
	s12 =	sadd.s32 $0x20000, s1  }
0xf: {  	s19 =	sshrl.u32 s19, $0x3;
	s25 =	simm.s32 $0x4280;
	s0 =	sadd.s32 s10, s0  }
0x10: {  	s9 =	sadd.s32 s5, s31;
	s10 =	sadd.s32 s6, s31;
	s13 =	sor.u32 $0x2, s11  }
0x11: {  	s16 =	smax.u32 s16, $0x1;
	s14 =	sadd.s32 $0x54000, s0;
	s15 =	sadd.s32 $0x58000, s0  }
.LBB2_1:
0x12: {  	[spmem:s17], [sflag:s8] =	dma.local [hbm:s7], $0x400  }
0x13: {  	_ =	swait.ge [sflag:s18], $0x400  }
0x14: {  	[sflag:s18] =	ssyncset.done $0x0  }
0x15: {  	[sflag:s18] =	ssyncadd.s32 $0xFFFFFC00  }
0x16: {  	[spmem:s19], [sflag:s8] =	dma.local [hbm:s7], $0x400  }
0x17: {  	_ =	swait.ge [sflag:s18], $0x400  }
0x18: {  	[sflag:s18] =	ssyncset.done $0x0  }
0x19: {  	[sflag:s18] =	ssyncadd.s32 $0xFFFFFC00  }
0x1a: {  	[bflag:$0x0] =	sbarrier.arrive $0xFFFF  }
0x1b: {  	[tilespmem:s20], [sflag:$0x5] =	stream.linear.gather [hbm4b:s9+s2], $0x80, $0x38;
	[tilespmem:$0xC280] =	vst v63  }
0x1c: {  	_ =	swait.ge [sflag:s18], $0x80  }
0x1d: {  	[sflag:s18] =	ssyncset.done $0x0  }
0x1e: {  	[sflag:s18] =	ssyncadd.s32 $0xFFFFFF80  }
0x1f: {  	[tilespmem:s2], [sflag:$0x5] =	stream.linear.gather [hbm4b:s10+s2], $0x80, $0x38;
	[tilespmem:$0xC280] =	vst v63  }
0x20: {  	_ =	swait.ge [sflag:s18], $0x80  }
0x21: {  	[sflag:s18] =	ssyncset.done $0x0  }
0x22: {  	[sflag:s18] =	ssyncadd.s32 $0xFFFFFF80  }
0x23: {  	v0 =	vld [tilespmem:$0x100]  }
0x24: {  	v1 =	vld [tilespmem:$0x110]  }
0x25: {  	v2 =	vld [tilespmem:$0x120]  }
0x26: {  	v3 =	vld [tilespmem:$0x130]  }
0x27: {  	v4 =	vld [tilespmem:$0x140]  }
0x28: {  	v5 =	vld [tilespmem:$0x150];
	v0 =	vshll.u32 v0, $0x1  }
0x29: {  	v56 =	vld [tilespmem:$0x160];
	v55 =	vshll.u32 v1, $0x1;
	[tilespmem:$0x180] =	vst v0  }
0x2a: {  	v58 =	vld [tilespmem:$0x170];
	v57 =	vshll.u32 v2, $0x1;
	[tilespmem:$0x190] =	vst v55  }
0x2b: {  	v59 =	vshll.u32 v3, $0x1;
	[tilespmem:$0x1A0] =	vst v57  }
0x2c: {  	v60 =	vshll.u32 v4, $0x1;
	[tilespmem:$0x1B0] =	vst v59  }
0x2d: {  	v61 =	vshll.u32 v5, $0x1;
	[tilespmem:$0x1C0] =	vst v60  }
0x2e: {  	v62 =	vshll.u32 v56, $0x1;
	[tilespmem:$0x1D0] =	vst v61  }
0x2f: {  	v63 =	vshll.u32 v58, $0x1;
	[tilespmem:$0x1E0] =	vst v62  }
0x30: {  	p0 =	por $0x1, $0x1;
	p1 =	por $0x0, $0x0;
	s31 =	simm.s32 $0x0;
	[tilespmem:$0x1F0] =	vst v63  }
0x31: {  	[tilespmem:s23], [sflag:$0x1] =	stream.indirect.gather [hbm4b:s4+s21], $0x80, s22, s21, $0xb8;
	[tilespmem:$0xC280] =	vst v63  }
.LBB2_2:
0x32: {  	s0 =	simm.s32 @p1 $0x4  }
0x33: {  	_ =	swait.ge @p1 [sflag:s0], $0x4000  }
0x34: {  	[sflag:s0] =	ssyncset.done @p1 $0x0  }
0x35: {  	[sflag:s0] =	ssyncadd.s32 @p1 $0xFFFFC000  }
0x36: {  	v0 =	vld [tilespmem:$0x100]  }
0x37: {  	v1 =	vld [tilespmem:$0x110]  }
0x38: {  	v2 =	vld [tilespmem:$0x120]  }
0x39: {  	v3 =	vld [tilespmem:$0x130]  }
0x3a: {  	v4 =	vld [tilespmem:$0x140]  }
0x3b: {  	v5 =	vld [tilespmem:$0x150];
	v0 =	vshll.u32 v0, $0x1  }
0x3c: {  	v6 =	vld [tilespmem:$0x160];
	v1 =	vshll.u32 v1, $0x1;
	v0 =	vor.u32 $0x1, v0  }
0x3d: {  	v59 =	vld [tilespmem:$0x170];
	v58 =	vshll.u32 v2, $0x1;
	v57 =	vor.u32 $0x1, v1;
	[tilespmem:$0x200] =	vst v0  }
0x3e: {  	v61 =	vshll.u32 v3, $0x1;
	v60 =	vor.u32 $0x1, v58;
	[tilespmem:$0x210] =	vst v57  }
0x3f: {  	v63 =	vshll.u32 v4, $0x1;
	v62 =	vor.u32 $0x1, v61;
	[tilespmem:$0x220] =	vst v60  }
0x40: {  	v7 =	vshll.u32 v5, $0x1;
	v4 =	vor.u32 $0x1, v63;
	[tilespmem:$0x230] =	vst v62  }
0x41: {  	v9 =	vshll.u32 v6, $0x1;
	v8 =	vor.u32 $0x1, v7;
	[tilespmem:$0x240] =	vst v4  }
0x42: {  	v11 =	vshll.u32 v59, $0x1;
	v10 =	vor.u32 $0x1, v9;
	[tilespmem:$0x250] =	vst v8  }
0x43: {  	v12 =	vor.u32 $0x1, v11;
	[tilespmem:$0x260] =	vst v10  }
0x44: {  	s3 =	sor.u32 s11, s31;
	[tilespmem:$0x270] =	vst v12  }
0x45: {  	[tilespmem:s25], [sflag:$0x2] =	stream.indirect.gather [hbm4b:s4+s21], $0x80, s24, s21, $0xb8;
	[tilespmem:$0xC280] =	vst v63  }
0x46: {  	s0 =	sshll.u32 s3, $0x4;
	_ =	swait.ge [sflag:s26], $0x4000  }
0x47: {  	s0 =	sand.u32 $0x1FFFFFE0, s0;
	[sflag:s26] =	ssyncset.done $0x0  }
0x48: {  	s0 =	sor.u32 $0x10, s0;
	[sflag:s26] =	ssyncadd.s32 $0xFFFFC000  }
0x49: {  	[spmem:s1] =	stream.indirect.scatter.add.f32 [tilespmem:s23], [sflag:$0x3], $0x80, s2, s21, $0xb8;
	[tilespmem:$0xC280] =	vst v63  }
0x4a: {  	s3 =	sadd.s32 s5, s0  }
0x4b: {  	[tilespmem:s20], [sflag:$0x5] =	stream.linear.gather [hbm4b:s3+s2], $0x80, $0x38;
	[tilespmem:$0xC280] =	vst v63  }
0x4c: {  	_ =	swait.ge [sflag:s18], $0x80  }
0x4d: {  	[sflag:s18] =	ssyncset.done $0x0  }
0x4e: {  	s0 =	sadd.s32 s6, s0;
	[sflag:s18] =	ssyncadd.s32 $0xFFFFFF80  }
0x4f: {  	[tilespmem:s21], [sflag:$0x5] =	stream.linear.gather [hbm4b:s0+s2], $0x80, $0x38;
	[tilespmem:$0xC280] =	vst v63  }
0x50: {  	_ =	swait.ge [sflag:s18], $0x80  }
0x51: {  	[sflag:s18] =	ssyncset.done $0x0  }
0x52: {  	[sflag:s18] =	ssyncadd.s32 $0xFFFFFF80  }
0x53: {  	_ =	swait.ge [sflag:s28], $0x4000  }
0x54: {  	[sflag:s28] =	ssyncset.done $0x0  }
0x55: {  	[sflag:s28] =	ssyncadd.s32 $0xFFFFC000  }
0x56: {  	v13 =	vld [tilespmem:$0x100]  }
0x57: {  	v14 =	vld [tilespmem:$0x110]  }
0x58: {  	v15 =	vld [tilespmem:$0x120]  }
0x59: {  	v16 =	vld [tilespmem:$0x130]  }
0x5a: {  	v17 =	vld [tilespmem:$0x140]  }
0x5b: {  	v18 =	vld [tilespmem:$0x150];
	v0 =	vshll.u32 v13, $0x1  }
0x5c: {  	v20 =	vld [tilespmem:$0x160];
	v19 =	vshll.u32 v14, $0x1;
	[tilespmem:$0x180] =	vst v0  }
0x5d: {  	v22 =	vld [tilespmem:$0x170];
	v21 =	vshll.u32 v15, $0x1;
	[tilespmem:$0x190] =	vst v19  }
0x5e: {  	v23 =	vshll.u32 v16, $0x1;
	[tilespmem:$0x1A0] =	vst v21  }
0x5f: {  	v24 =	vshll.u32 v17, $0x1;
	[tilespmem:$0x1B0] =	vst v23  }
0x60: {  	v25 =	vshll.u32 v18, $0x1;
	[tilespmem:$0x1C0] =	vst v24  }
0x61: {  	v26 =	vshll.u32 v20, $0x1;
	[tilespmem:$0x1D0] =	vst v25  }
0x62: {  	v27 =	vshll.u32 v22, $0x1;
	[tilespmem:$0x1E0] =	vst v26  }
0x63: {  	s0 =	simm.s32 $0x2;
	[tilespmem:$0x1F0] =	vst v27  }
0x64: {  	[tilespmem:s23], [sflag:$0x1] =	stream.indirect.gather [hbm4b:s4+s21], $0x80, s22, s21, $0xb8;
	[tilespmem:$0xC280] =	vst v63  }
0x65: {  	_ =	swait.ge [sflag:s0], $0x4000  }
0x66: {  	[sflag:s0] =	ssyncset.done $0x0  }
0x67: {  	[sflag:s0] =	ssyncadd.s32 $0xFFFFC000  }
0x68: {  	[spmem:s12] =	stream.indirect.scatter.add.f32 [tilespmem:s25], [sflag:$0x4], $0x80, s2, s21, $0xb8;
	[tilespmem:$0xC280] =	vst v63  }
0x69: {  	_ =	swait.ge [sflag:s29], $0x4000  }
0x6a: {  	[sflag:s29] =	ssyncset.done $0x0  }
0x6b: {  	[sflag:s29] =	ssyncadd.s32 $0xFFFFC000  }
0x6c: {  	v28 =	vld [tilespmem:$0x100]  }
0x6d: {  	v29 =	vld [tilespmem:$0x110]  }
0x6e: {  	v30 =	vld [tilespmem:$0x120]  }
0x6f: {  	v31 =	vld [tilespmem:$0x130]  }
0x70: {  	v32 =	vld [tilespmem:$0x140]  }
0x71: {  	v33 =	vld [tilespmem:$0x150];
	v0 =	vshll.u32 v28, $0x1  }
0x72: {  	v34 =	vld [tilespmem:$0x160];
	v1 =	vshll.u32 v29, $0x1;
	v0 =	vor.u32 $0x1, v0  }
0x73: {  	v37 =	vld [tilespmem:$0x170];
	v36 =	vshll.u32 v30, $0x1;
	v35 =	vor.u32 $0x1, v1;
	[tilespmem:$0x200] =	vst v0  }
0x74: {  	v39 =	vshll.u32 v31, $0x1;
	v38 =	vor.u32 $0x1, v36;
	[tilespmem:$0x210] =	vst v35  }
0x75: {  	v41 =	vshll.u32 v32, $0x1;
	v40 =	vor.u32 $0x1, v39;
	[tilespmem:$0x220] =	vst v38  }
0x76: {  	v43 =	vshll.u32 v33, $0x1;
	v42 =	vor.u32 $0x1, v41;
	[tilespmem:$0x230] =	vst v40  }
0x77: {  	v45 =	vshll.u32 v34, $0x1;
	v44 =	vor.u32 $0x1, v43;
	[tilespmem:$0x240] =	vst v42  }
0x78: {  	v47 =	vshll.u32 v37, $0x1;
	v46 =	vor.u32 $0x1, v45;
	[tilespmem:$0x250] =	vst v44  }
0x79: {  	v48 =	vor.u32 $0x1, v47;
	[tilespmem:$0x260] =	vst v46  }
0x7a: {  	[tilespmem:$0x270] =	vst v48  }
0x7b: {  	[tilespmem:s25], [sflag:$0x2] =	stream.indirect.gather [hbm4b:s4+s21], $0x80, s24, s21, $0xb8;
	[tilespmem:$0xC280] =	vst v63  }
0x7c: {  	s3 =	sadd.s32 s31, s13;
	_ =	swait.ge [sflag:s26], $0x4000  }
0x7d: {  	s3 =	sshll.u32 s3, $0x4;
	[sflag:s26] =	ssyncset.done $0x0  }
0x7e: {  	s3 =	sand.u32 $0x1FFFFFE0, s3;
	[sflag:s26] =	ssyncadd.s32 $0xFFFFC000  }
0x7f: {  	[spmem:s1] =	stream.indirect.scatter.add.f32 [tilespmem:s23], [sflag:$0x3], $0x80, s21, s21, $0xb8;
	[tilespmem:$0xC280] =	vst v63  }
0x80: {  	s31 =	sadd.s32 s5, s3  }
0x81: {  	[tilespmem:s20], [sflag:$0x5] =	stream.linear.gather [hbm4b:s31+s2], $0x80, $0x38;
	[tilespmem:$0xC280] =	vst v63  }
0x82: {  	_ =	swait.ge [sflag:s18], $0x80  }
0x83: {  	[sflag:s18] =	ssyncset.done $0x0  }
0x84: {  	s3 =	sadd.s32 s6, s3;
	[sflag:s18] =	ssyncadd.s32 $0xFFFFFF80  }
0x85: {  	[tilespmem:s2], [sflag:$0x5] =	stream.linear.gather [hbm4b:s3+s2], $0x80, $0x38;
	[tilespmem:$0xC280] =	vst v63  }
0x86: {  	_ =	swait.ge [sflag:s18], $0x80  }
0x87: {  	[sflag:s18] =	ssyncset.done $0x0  }
0x88: {  	[sflag:s18] =	ssyncadd.s32 $0xFFFFFF80  }
0x89: {  	_ =	swait.ge [sflag:s28], $0x4000  }
0x8a: {  	[sflag:s28] =	ssyncset.done $0x0  }
0x8b: {  	[sflag:s28] =	ssyncadd.s32 $0xFFFFC000  }
0x8c: {  	v49 =	vld [tilespmem:$0x100]  }
0x8d: {  	v50 =	vld [tilespmem:$0x110]  }
0x8e: {  	v51 =	vld [tilespmem:$0x120]  }
0x8f: {  	v52 =	vld [tilespmem:$0x130]  }
0x90: {  	v53 =	vld [tilespmem:$0x140]  }
0x91: {  	v54 =	vld [tilespmem:$0x150];
	v0 =	vshll.u32 v49, $0x1  }
0x92: {  	v56 =	vld [tilespmem:$0x160];
	v55 =	vshll.u32 v50, $0x1;
	[tilespmem:$0x180] =	vst v0  }
0x93: {  	v58 =	vld [tilespmem:$0x170];
	v57 =	vshll.u32 v51, $0x1;
	[tilespmem:$0x190] =	vst v55  }
0x94: {  	v59 =	vshll.u32 v52, $0x1;
	[tilespmem:$0x1A0] =	vst v57  }
0x95: {  	v60 =	vshll.u32 v53, $0x1;
	[tilespmem:$0x1B0] =	vst v59  }
0x96: {  	v61 =	vshll.u32 v54, $0x1;
	[tilespmem:$0x1C0] =	vst v60  }
0x97: {  	v62 =	vshll.u32 v56, $0x1;
	[tilespmem:$0x1D0] =	vst v61  }
0x98: {  	v63 =	vshll.u32 v58, $0x1;
	[tilespmem:$0x1E0] =	vst v62  }
0x99: {  	p2 =	por p0, p0;
	[tilespmem:$0x1F0] =	vst v63  }
0x9a: {  	[tilespmem:s23], [sflag:$0x1] =	stream.indirect.gather [hbm4b:s4+s21], $0x80, s22, s21, $0xb8;
	[tilespmem:$0xC280] =	vst v63  }
.Ltmp0:
0x9b: {  	_ = 	snop;
	(pc) =	sbr.rel @p2 .LBB2_2-.Ltmp0, $4  }
0x9c: {  	_ =	swait.ge [sflag:s0], $0x4000  }
0x9d: {  	p0 =	por $0x0, $0x0;
	[sflag:s0] =	ssyncset.done $0x0  }
0x9e: {  	p1 =	por $0x1, $0x1;
	s31 =	simm.s32 $0x2;
	[sflag:s0] =	ssyncadd.s32 $0xFFFFC000  }
0x9f: {  	[spmem:s12] =	stream.indirect.scatter.add.f32 [tilespmem:s25], [sflag:$0x4], $0x80, s21, s21, $0xb8;
	[tilespmem:$0xC280] =	vst v63  }
0xa0: {  	_ =	swait.ge [sflag:s29], $0x4000  }
0xa1: {  	[sflag:s29] =	ssyncset.done $0x0  }
0xa2: {  	[sflag:s29] =	ssyncadd.s32 $0xFFFFC000  }
0xa3: {  	_ =	swait.ge [sflag:s26], $0x4000  }
0xa4: {  	[sflag:s26] =	ssyncset.done $0x0  }
0xa5: {  	[sflag:s26] =	ssyncadd.s32 $0xFFFFC000  }
0xa6: {  	[bflag:$0x0] =	sbarrier.arrive $0xFFFF  }
0xa7: {  	[hbm:s14], [sflag:s8] =	dma.local [spmem:s17], $0x400  }
0xa8: {  	s30 =	sadd.s32 $0x1, s30;
	_ =	swait.ge [sflag:s18], $0x400  }
0xa9: {  	p0 =	sne.s32 s30, s16;
	[sflag:s18] =	ssyncset.done $0x0  }
.Ltmp1:
0xaa: {  	[sflag:s18] =	ssyncadd.s32 $0xFFFFFC00;
	(pc) =	sbr.rel @p0 .LBB2_1-.Ltmp1, $4  }
0xab: {  	[hbm:s15], [sflag:s8] =	dma.local [spmem:s19], $0x400  }
0xac: {  	_ =	swait.ge [sflag:s18], $0x400  }
0xad: {  	[sflag:s18] =	ssyncset.done $0x0  }
0xae: {  	[sflag:s18] =	ssyncadd.s32 $0xFFFFFC00  }
0xaf: {  	_ =	sfence.sel $0x180000  }
0xb0: {  	[bflag:$0x0] =	sbarrier.arrive $0xFFFF  }
0xb1: {  	_ =	strace $0x9000004D  }
0xb2: {  	s0 =	stileid.u32;
	[bflag:$0x2] =	sbarrier.arrive $0xFFFF  }
0xb3: {  	p0 =	sne.s32 s0, $0x0;
	s0 =	rddreg [dreg:$0x2]  }
0xb4: {  	s0 =	sadd.s32 @!p0 $0x100000, s0  }
0xb5: {  	[sflag:s0] =	ssyncadd.tile.s32 @!p0 $0x1;
	_ =	shalt  }
.Lfunc_end2:
_tile_overlayer_lowered:
.L_overlay_start_2:
0xb6: {  	(tag) =	ssettag $0x2  }
0xb7: {  	s0 =	rddreg [dreg:$0x0];
	s2 =	stileid.u32  }
0xb8: {  	s1 =	rddreg [dreg:$0x1];
	p0 =	sne.s32 s2, $0x0  }
0xb9: {  	s3 =	rddreg [dreg:$0x2];
	[bflag:$0x3] =	sbarrier.arrive $0xFFFF;
	s2 =	simm.s32 @!p0 $0x1C05  }
0xba: {  	[timem:s3], [sflag:s2] =	dma.local @!p0 [hbm:s0], s1  }
0xbb: {  	s0 =	simm.s32 @!p0 $0x5  }
0xbc: {  	_ =	swait.ge @!p0 [sflag:s0], s1  }
0xbd: {  	s1 =	ssub.s32 @!p0 $0x0, s1;
	[sflag:s0] =	ssyncset.done @!p0 $0x0  }
0xbe: {  	[sflag:s0] =	ssyncadd.s32 @!p0 s1  }
0xbf: {  	[bflag:$0x3] =	sbarrier.arrive $0xFFFF  }
0xc0: {  	_ =	shalt  }

// kernel: kernel.7.cloned.1.call-start
scs
__scs_entry_jumppad:
0x0: {  	(pc) =	sbr.rel $0x88, $3  }
0x1: {  	(tag) =	ssettag $0x0;
	lr =	simm.s32 $0x1  }
0x2: {  	[smem:$0x3F98] =	sst lr;
	_ =	strace $0xD0000000  }
0x3: {  	_ = 	snop  }
0x4: {  	_ = 	snop  }
0x5: {  	_ = 	snop  }
0x6: {  	_ = 	snop  }
0x7: {  	_ = 	snop  }
__scs_overlays_trampoline_lowered:
0x8: {  	[smem:$0x3FA7] =	sst s0  }
0x9: {  	[smem:$0x3FA8] =	sst s1  }
0xa: {  	[smem:$0x3FA9] =	sst s2  }
0xb: {  	[smem:$0x3FAA] =	sst s3  }
0xc: {  	[smem:$0x3FAB] =	sst s4  }
0xd: {  	[smem:$0x3FAC] =	sst s5  }
0xe: {  	[smem:$0x3FAD] =	sst s6  }
0xf: {  	[smem:$0x3FAE] =	sst s7  }
0x10: {  	[smem:$0x3FAF] =	sst s8  }
0x11: {  	[smem:$0x3FB0] =	sst s9;
	s0 =	simm.s32 @!p0 $0x0  }
0x12: {  	s1 =	sld [smem:$0x3F96];
	s0 =	simm.s32 @p0 $0x1  }
0x13: {  	[smem:$0x3FB1] =	sst s0;
	s0 =	simm.s32 @!p1 $0x0  }
0x14: {  	s2 =	sld [smem:$0x3F95];
	s0 =	simm.s32 @p1 $0x1  }
0x15: {  	[smem:$0x3FB2] =	sst s0;
	s0 =	simm.s32 @!p2 $0x0  }
0x16: {  	s3 =	sld [smem:$0x3FDB];
	s0 =	simm.s32 @p2 $0x1  }
0x17: {  	s4 =	simm.s32 $0x1BF5;
	[smem:$0x3FB4] =	sst s0  }
0x18: {  	s0 =	sld [smem:$0x3F97];
	_ =	swait.ge [sflag:s4], $0x0  }
0x19: {  	s7 =	sld [smem:$0x3F98]  }
0x1a: {  	s8 =	sadd.s32 $0xFFFFE003, lr  }
0x1b: {  	s9 =	sadd.s32 $0xFFFFFEF7, lr;
	s5 =	simm.s32 $0xFFFFFFFF;
	p2 =	slt.u32 s8, $0xFFFFF086  }
0x1c: {  	p1 =	slt.u32 s9, $0xF7A;
	s5 =	simm.s32 @!p2 $0x0  }
0x1d: {  	s5 =	simm.s32 @p1 $0x1;
	p0 =	seq.s32 s7, s2  }
0x1e: {  	s7 =	smul.u32 @!p0 $0xF7A, s2;
	p2 =	seq.s32 @!p0 s5, $0x0  }
0x1f: {  	s9 =	smul.u32 $0xF7A, s1;
	s8 =	simm.s32 @!p0 $0x1BF5;
	p2 =	por !p2, p0  }
0x20: {  	[sflag:s8] =	ssyncset.s32 @!p0 $0xFFFFF086;
	s6 =	sadd.s32 @!p0 s3, s7;
	s7 =	simm.s32 @!p0 $0x108  }
0x21: {  	s3 =	sadd.s32 s3, s9;
	s6 =	sadd.s32 @!p0 $0x88, s6;
	s7 =	simm.s32 @p2 $0x1082  }
0x22: {  	[simem:s7], [sflag:s8] =	dma.local @!p0 [hbm:s6], $0xF7A  }
0x23: {  	s9 =	sor.u32 $0xD0000000, s2;
	s6 =	simm.s32 $0x108;
	_ =	swait.ge @!p0 [sflag:s8], $0x0  }
0x24: {  	s3 =	sadd.s32 $0x88, s3;
	s6 =	simm.s32 @!p1 $0x1082;
	[sflag:s4] =	ssyncset.s32 $0xFFFFF086  }
0x25: {  	[simem:s6], [sflag:s4] =	dma.local [hbm:s3], $0xF7A  }
0x26: {  	[smem:$0x3F98] =	sst s1;
	(tag) =	ssettag s2;
	_ =	strace s9  }
0x27: {  	s1 =	sld [smem:$0x3FA8]  }
0x28: {  	s2 =	sld [smem:$0x3FA9]  }
0x29: {  	s4 =	sld [smem:$0x3FAB]  }
0x2a: {  	p0 =	seq.s32 s5, $0x0;
	s5 =	sld [smem:$0x3FAC]  }
0x2b: {  	s6 =	sld [smem:$0x3FAD]  }
0x2c: {  	s7 =	sld [smem:$0x3FAE]  }
0x2d: {  	s3 =	simm.s32 $0x108;
	s8 =	sld [smem:$0x3FAF]  }
0x2e: {  	s3 =	simm.s32 @!p0 $0x1082;
	s9 =	sld [smem:$0x3FB0]  }
0x2f: {  	lr =	sadd.s32 s0, s3;
	s0 =	sld [smem:$0x3FA7]  }
0x30: {  	s3 =	sld [smem:$0x3FAA]  }
0x31: {  	[smem:$0x3FB3] =	sst s10  }
0x32: {  	s10 =	sld [smem:$0x3FB1];
	_ =	sdelay $0x3  }
0x33: {  	p0 =	seq.s32 s10, $0x1;
	s10 =	sld [smem:$0x3FB3];
	_ =	sdelay $0x3  }
0x34: {  	[smem:$0x3FB3] =	sst s10  }
0x35: {  	s10 =	sld [smem:$0x3FB2];
	_ =	sdelay $0x3  }
0x36: {  	p1 =	seq.s32 s10, $0x1;
	s10 =	sld [smem:$0x3FB3];
	_ =	sdelay $0x3  }
0x37: {  	[smem:$0x3FB3] =	sst s10  }
0x38: {  	s10 =	sld [smem:$0x3FB4]  }
0x39: {  	_ = 	snop;
	(pc) =	sbr.ind lr, $3  }
0x3a: {  	_ = 	snop  }
0x3b: {  	_ = 	snop  }
0x3c: {  	p2 =	seq.s32 s10, $0x1;
	s10 =	sld [smem:$0x3FB3]  }
0x3d: {  	_ =	shalt  }
0x3e: {  	_ =	shalt  }
0x3f: {  	_ =	shalt  }
0x40: {  	_ =	shalt  }
0x41: {  	_ =	shalt  }
0x42: {  	_ =	shalt  }
0x43: {  	_ =	shalt  }
0x44: {  	_ =	shalt  }
0x45: {  	_ =	shalt  }
0x46: {  	_ =	shalt  }
0x47: {  	_ =	shalt  }
0x48: {  	_ =	shalt  }
0x49: {  	_ =	shalt  }
0x4a: {  	_ =	shalt  }
0x4b: {  	_ =	shalt  }
0x4c: {  	_ =	shalt  }
0x4d: {  	_ =	shalt  }
0x4e: {  	_ =	shalt  }
0x4f: {  	_ =	shalt  }
0x50: {  	_ =	shalt  }
0x51: {  	_ =	shalt  }
0x52: {  	_ =	shalt  }
0x53: {  	_ =	shalt  }
0x54: {  	_ =	shalt  }
0x55: {  	_ =	shalt  }
0x56: {  	_ =	shalt  }
0x57: {  	_ =	shalt  }
0x58: {  	_ =	shalt  }
0x59: {  	_ =	shalt  }
0x5a: {  	_ =	shalt  }
0x5b: {  	_ =	shalt  }
0x5c: {  	_ =	shalt  }
0x5d: {  	_ =	shalt  }
0x5e: {  	_ =	shalt  }
0x5f: {  	_ =	shalt  }
0x60: {  	_ =	shalt  }
0x61: {  	_ =	shalt  }
0x62: {  	_ =	shalt  }
0x63: {  	_ =	shalt  }
0x64: {  	_ =	shalt  }
0x65: {  	_ =	shalt  }
0x66: {  	_ =	shalt  }
0x67: {  	_ =	shalt  }
0x68: {  	_ =	shalt  }
0x69: {  	_ =	shalt  }
0x6a: {  	_ =	shalt  }
0x6b: {  	_ =	shalt  }
0x6c: {  	_ =	shalt  }
0x6d: {  	_ =	shalt  }
0x6e: {  	_ =	shalt  }
0x6f: {  	_ =	shalt  }
0x70: {  	_ =	shalt  }
0x71: {  	_ =	shalt  }
0x72: {  	_ =	shalt  }
0x73: {  	_ =	shalt  }
0x74: {  	_ =	shalt  }
0x75: {  	_ =	shalt  }
0x76: {  	_ =	shalt  }
0x77: {  	_ =	shalt  }
0x78: {  	_ =	shalt  }
0x79: {  	_ =	shalt  }
0x7a: {  	_ =	shalt  }
0x7b: {  	_ =	shalt  }
0x7c: {  	_ =	shalt  }
0x7d: {  	_ =	shalt  }
0x7e: {  	_ =	shalt  }
0x7f: {  	_ =	shalt  }
0x80: {  	_ =	shalt  }
0x81: {  	_ =	shalt  }
0x82: {  	_ =	shalt  }
0x83: {  	_ =	shalt  }
0x84: {  	_ =	shalt  }
0x85: {  	_ =	shalt  }
0x86: {  	_ =	shalt  }
0x87: {  	_ =	shalt  }
.Lfunc_end0:
.L_simem_size_0:
called_computation_lowered:
.L_overlay_start_0:
0x88: {  	s2 =	sld [smem:$0x3FD9]  }
0x89: {  	s3 =	sld [smem:$0x3FFE];
	_ =	sdelay $0x1  }
0x8a: {  	s1 =	srdreg.scid  }
0x8b: {  	s0 =	sand.u32 $0x1, s1  }
0x8c: {  	s17 =	sshll.u32 s0, $0xA;
	s2 =	sadd.s32 s3, s2  }
0x8d: {  	s2 =	sadd.s32 s2, s17  }
0x8e: {  	[smem:$0x3FBF] =	sst s2  }
0x8f: {  	_ = 	snop  }
0x90: {  	(tm) =	ssettm $0x1  }
0x91: {  	s18 =	sld [smem:$0x3FFB];
	_ =	sdelay $0x3  }
0x92: {  	_ =	strace s18  }
0x93: {  	s2 =	sld [smem:$0x3FFC];
	_ =	sdelay $0x3  }
0x94: {  	_ =	strace s2  }
0x95: {  	s2 =	sld [smem:$0x3FFD];
	_ =	sdelay $0x3  }
0x96: {  	_ =	strace s2  }
0x97: {  	_ =	strace $0x8FFFFFFF  }
0x98: {  	s19 =	sld [smem:$0x3FDB];
	_ =	sdelay $0x1  }
0x99: {  	s20 =	simm.s32 $_scs_section_size  }
0x9a: {  	s4 =	simm.s32 $_size__tile_overlayer_lowered;
	s5 =	simm.s32 $_tile_overlayer_lowered  }
0x9b: {  	s6 =	simm.s32 $0x1BFF;
	s21 =	sshll.u32 s5, $0x1;
	s3 =	sadd.s32 s20, s19  }
0x9c: {  	s22 =	simm.s32 $0x0;
	s4 =	sshll.u32 s4, $0x1;
	s5 =	sadd.s32 s21, s3  }
0x9d: {  	[timem:s22], [sflag:s6] =	dma.local [hbm:s5], s4  }
0x9e: {  	_ =	swait.ge [sflag:s6], s4  }
0x9f: {  	s4 =	ssub.s32 $0x0, s4;
	[sflag:s6] =	ssyncset.done $0x0  }
0xa0: {  	[sflag:s6] =	ssyncadd.s32 s4;
	_ =	sdelay $0x1  }
0xa1: {  	s23 =	simm.s32 $0x1B8B  }
0xa2: {  	_ =	swait.ge [sflag:s23], $0x1  }
0xa3: {  	[sflag:s23] =	ssyncset.done $0x0  }
0xa4: {  	[sflag:s23] =	ssyncadd.s32 $0xFFFFFFFF  }
0xa5: {  	s4 =	sld [smem:$0x0]  }
0xa6: {  	s5 =	sand.u32 $0xFFFFFFFE, s1  }
0xa7: {  	p0 =	sne.s32 s1, s5  }
0xa8: {  	s5 =	sshll.u32 @p0 s5, $0xE  }
0xa9: {  	s5 =	sadd.s32 @p0 $0x11B8D, s5;
	s6 =	sshll.u32 @p0 s4, $0x11  }
0xaa: {  	s5 =	sor.u32 @p0 s6, s5  }
0xab: {  	[sflag:s5] =	ssyncadd.remote.s32 @p0 $0x1;
	_ =	sdelay $0x1  }
0xac: {  	s5 =	simm.s32 @p0 $0x1B8D  }
0xad: {  	_ =	swait.eq @p0 [sflag:s5], $0x1  }
0xae: {  	[sflag:s5] =	ssyncadd.s32 @p0 $0xFFFFFFFF  }
0xaf: {  	s6 =	sshll.u32 @!p0 s1, $0xE  }
0xb0: {  	s6 =	sor.u32 @!p0 $0x4000, s6;
	s5 =	simm.s32 @!p0 $0x1B8D  }
0xb1: {  	s4 =	sshll.u32 @!p0 s4, $0x11;
	s6 =	sadd.s32 @!p0 $0x11B8D, s6;
	_ =	swait.eq @!p0 [sflag:s5], $0x1  }
0xb2: {  	s4 =	sor.u32 @!p0 s4, s6;
	[sflag:s5] =	ssyncadd.s32 @!p0 $0xFFFFFFFF  }
0xb3: {  	s25 =	simm.s32 $0x1B8E;
	s24 =	sld [smem:$0x3FFE];
	[sflag:s4] =	ssyncadd.remote.s32 @!p0 $0x1  }
0xb4: {  	s26 =	simm.s32 $execute0_lowered;
	[smem:$0x3FD2] =	sst s25  }
0xb5: {  	s5 =	sshll.u32 s26, $0x1;
	_ =	strace $0x80000049;
	[dreg:$0x1] =	wrdreg $0xFFFFFFFF  }
0xb6: {  	s28 =	simm.s32 $_size_execute0_lowered;
	s3 =	sadd.s32 s3, s5;
	[dreg:$0x0] =	wrdreg $0x0  }
0xb7: {  	s5 =	sshll.u32 s28, $0x1;
	[dreg:$0x2] =	wrdreg s3  }
0xb8: {  	[dreg:$0x3] =	wrdreg s5  }
0xb9: {  	[dreg:$0x4] =	wrdreg $0xC0  }
0xba: {  	_ =	task [dreg:s22], $0x5FFFF  }
0xbb: {  	[dreg:$0x1] =	wrdreg $0xFFFFFFFF  }
0xbc: {  	[dreg:$0x0] =	wrdreg $0x60  }
0xbd: {  	[dreg:$0x2] =	wrdreg s24  }
0xbe: {  	[dreg:$0x3] =	wrdreg $0x41000  }
0xbf: {  	[dreg:$0x4] =	wrdreg $0xC1000  }
0xc0: {  	[dreg:$0x5] =	wrdreg $0x9  }
0xc1: {  	_ =	task.clear_ibuf [dreg:s22], $0x6FFFF;
	_ =	strace $0x90000049  }
0xc2: {  	s29 =	simm.s32 $0x9;
	_ =	strace $0x8000004B  }
0xc3: {  	_ =	swait.ge [sflag:s29], $0x1  }
0xc4: {  	[sflag:s29] =	ssyncadd.s32 $0xFFFFFFFF  }
0xc5: {  	_ =	strace $0x9000004B  }
0xc6: {  	_ =	sfence  }
0xc7: {  	s30 =	sld [smem:$0x0];
	_ =	sdelay $0x2  }
0xc8: {  	s31 =	sshll.u32 s1, $0xD;
	s1 =	sshrl.u32 s1, $0x2  }
0xc9: {  	s4 =	sand.u32 $0x4000, s31;
	s1 =	sadd.s32 s1, s30  }
0xca: {  	s0 =	sor.u32 s4, s0;
	s1 =	sshll.u32 s1, $0x11  }
0xcb: {  	s0 =	sor.u32 s1, s0  }
0xcc: {  	s0 =	sadd.s32 $0x8F2B, s0  }
0xcd: {  	[sflag:s0] =	ssyncadd.remote.s32 $0x1  }
0xce: {  	_ =	sfence.sel $0xFFFF  }
0xcf: {  	[dreg:$0x0] =	wrdreg $0xFFFFFFFF;
	(pc) =	sbr.abs _section_cstart, $3  }
0xd0: {  	[dreg:$0x1] =	wrdreg $0xFFFFFFFF  }
0xd1: {  	_ =	task.clear_ibuf [dreg:s22], $0x2FFFF;
	_ =	strace $0x9FFFFFFF  }
0xd2: {  	(tm) =	ssettm $0x7FFFFFFF  }
0xd3: {  	_ =	shalt  }
tec
execute0_lowered:
.L_overlay_start_1:
0x0: {  	(tag) =	ssettag $0x1  }
0x1: {  	s7 =	rddreg [dreg:$0x0]  }
0x2: {  	s1 =	rddreg [dreg:$0x1]  }
0x3: {  	s2 =	rddreg [dreg:$0x2]  }
0x4: {  	s3 =	srdreg.scid;
	s0 =	rddreg [dreg:$0x3]  }
0x5: {  	s4 =	simm.s32 $0x0;
	s23 =	simm.s32 $0x80;
	s24 =	simm.s32 $0x1  }
0x6: {  	s25 =	simm.s32 $0x2;
	s26 =	simm.s32 $0x0;
	s16 =	sand.u32 $0x1, s3  }
0x7: {  	s3 =	stileid.u32;
	[smem:$0x7FF] =	sst s4;
	s18 =	sadd.s32 $0x50E00, s7  }
0x8: {  	s6 =	sadd.s32 $0x95400, s7;
	s5 =	sshll.u32 s16, $0x4;
	_ =	strace $0x8000004A  }
0x9: {  	s8 =	sshll.u32 s3, $0xF;
	s10 =	sshll.u32 s16, $0x13;
	s11 =	sshll.u32 s3, $0xA  }
0xa: {  	s12 =	ssub.s32 $0x2, s16;
	s30 =	sshll.u32 s3, $0x6;
	s13 =	sshll.u32 s16, $0xE  }
0xb: {  	s19 =	sshll.u32 s16, $0xC;
	s21 =	sshll.u32 s3, $0x8;
	s9 =	sor.u32 s3, s5  }
0xc: {  	s10 =	sor.u32 s8, s10;
	s11 =	sadd.s32 s11, s7;
	s29 =	sshrl.u32 s12, $0x1  }
0xd: {  	s20 =	sadd.s32 s8, s1;
	s8 =	sshrl.u32 s8, $0x2;
	s22 =	sadd.s32 s19, s18  }
0xe: {  	s19 =	sor.u32 s21, s19;
	s5 =	sshll.u32 s9, $0x6;
	s10 =	sshrl.u32 s10, $0x3  }
0xf: {  	s12 =	ssub.s32 s12, s29;
	s8 =	sadd.s32 s8, s2;
	s11 =	sadd.s32 s13, s11  }
0x10: {  	s31 =	sshll.u32 s9, $0x8;
	s21 =	sadd.s32 s21, s22;
	s19 =	sadd.s32 s19, s18  }
0x11: {  	s20 =	sshrl.u32 s20, $0x3;
	s22 =	simm.s32 $0x100;
	s17 =	sadd.s32 s5, s7  }
0x12: {  	s5 =	sadd.s32 $0x53000, s7;
	s10 =	sadd.s32 s10, s7;
	s7 =	sor.u32 $0x1C03, s30  }
0x13: {  	s12 =	smax.u32 s12, $0x1;
	s19 =	sadd.s32 $0x30, s19;
	s9 =	sadd.s32 $0x95C00, s10  }
0x14: {  	s10 =	sadd.s32 $0xB5C00, s11;
	s11 =	sadd.s32 s18, s31;
	s14 =	sadd.s32 $0x94000, s17  }
0x15: {  	s15 =	sadd.s32 $0x94010, s17;
	s16 =	sadd.s32 $0x94020, s17;
	s17 =	sadd.s32 $0x94030, s17  }
0x16: {  	s18 =	sadd.s32 $0x20, s21;
	s21 =	simm.s32 $0x3;
	s13 =	sadd.s32 $0x10, s11  }
.LBB2_1:
0x17: {  	[spmem:s20], [sflag:s7] =	dma.local [hbm:s5], $0x1000  }
0x18: {  	_ =	swait.ge [sflag:s21], $0x1000  }
0x19: {  	[sflag:s21] =	ssyncset.done $0x0  }
0x1a: {  	s28 =	sshrl.u32 s8, $0x3;
	[sflag:s21] =	ssyncadd.s32 $0xFFFFF000  }
0x1b: {  	[spmem:s28], [sflag:s7] =	dma.local [hbm:s5], $0x400  }
0x1c: {  	_ =	swait.ge [sflag:s21], $0x400  }
0x1d: {  	[sflag:s21] =	ssyncset.done $0x0  }
0x1e: {  	[sflag:s21] =	ssyncadd.s32 $0xFFFFFC00  }
0x1f: {  	[tilespmem:s22], [sflag:$0x3] =	stream.linear.gather [hbm4b:s6+s4], $0x4000, $0x38;
	[tilespmem:$0xE100] =	vst v63  }
0x20: {  	_ =	swait.ge [sflag:s21], $0x4000  }
0x21: {  	[sflag:s21] =	ssyncset.done $0x0  }
0x22: {  	[sflag:s21] =	ssyncadd.s32 $0xFFFFC000  }
0x23: {  	[bflag:$0x0] =	sbarrier.arrive $0xFFFF  }
0x24: {  	[tilespmem:s4], [sflag:$0x3] =	stream.linear.gather [hbm4b:s11+s4], $0x80, $0x38;
	[tilespmem:$0xE100] =	vst v63  }
0x25: {  	_ =	swait.ge [sflag:s21], $0x80  }
0x26: {  	[sflag:s21] =	ssyncset.done $0x0  }
0x27: {  	[sflag:s21] =	ssyncadd.s32 $0xFFFFFF80  }
0x28: {  	[spmem:s1] =	stream.indirect.scatter.add.f32 [tilespmem:s22], [sflag:$0x1], $0x80, s4, s23, $0xb8;
	[tilespmem:$0xE100] =	vst v63  }
0x29: {  	_ = 	snop  }
0x2a: {  	[tilespmem:s23], [sflag:$0x3] =	stream.linear.gather [hbm4b:s13+s4], $0x80, $0x38;
	[tilespmem:$0xE100] =	vst v63  }
0x2b: {  	_ =	swait.ge [sflag:s21], $0x80  }
0x2c: {  	[sflag:s21] =	ssyncset.done $0x0  }
0x2d: {  	[sflag:s21] =	ssyncadd.s32 $0xFFFFFF80  }
0x2e: {  	[spmem:s1] =	stream.indirect.scatter.add.f32 [tilespmem:s22], [sflag:$0x2], $0x80, s23, s23, $0xb8;
	[tilespmem:$0xE100] =	vst v63  }
0x2f: {  	_ =	swait.ge [sflag:s24], $0x4000  }
0x30: {  	[sflag:s24] =	ssyncset.done $0x0  }
0x31: {  	s29 =	sadd.s32 $0x0, s18;
	[sflag:s24] =	ssyncadd.s32 $0xFFFFC000  }
0x32: {  	[tilespmem:s4], [sflag:$0x3] =	stream.linear.gather [hbm4b:s29+s4], $0x80, $0x38;
	[tilespmem:$0xE100] =	vst v63  }
0x33: {  	_ =	swait.ge [sflag:s21], $0x80  }
0x34: {  	[sflag:s21] =	ssyncset.done $0x0  }
0x35: {  	[sflag:s21] =	ssyncadd.s32 $0xFFFFFF80  }
0x36: {  	[spmem:s1] =	stream.indirect.scatter.add.f32 [tilespmem:s22], [sflag:$0x1], $0x80, s4, s23, $0xb8;
	[tilespmem:$0xE100] =	vst v63  }
0x37: {  	_ =	swait.ge [sflag:s25], $0x4000  }
0x38: {  	[sflag:s25] =	ssyncset.done $0x0  }
0x39: {  	s29 =	sadd.s32 $0x0, s19;
	[sflag:s25] =	ssyncadd.s32 $0xFFFFC000  }
0x3a: {  	[tilespmem:s23], [sflag:$0x3] =	stream.linear.gather [hbm4b:s29+s4], $0x80, $0x38;
	[tilespmem:$0xE100] =	vst v63  }
0x3b: {  	_ =	swait.ge [sflag:s21], $0x80  }
0x3c: {  	[sflag:s21] =	ssyncset.done $0x0  }
0x3d: {  	s29 =	simm.s32 $0x20;
	[sflag:s21] =	ssyncadd.s32 $0xFFFFFF80  }
.LBB2_2:
0x3e: {  	[spmem:s1] =	stream.indirect.scatter.add.f32 [tilespmem:s22], [sflag:$0x2], $0x80, s23, s23, $0xb8;
	[tilespmem:$0xE100] =	vst v63  }
0x3f: {  	s30 =	smov.u32 s29  }
0x40: {  	p0 =	sne.s32 s29, $0xC0;
	s29 =	sadd.s32 $0x20, s29;
	_ =	swait.ge [sflag:s24], $0x4000  }
0x41: {  	[sflag:s24] =	ssyncset.done $0x0  }
0x42: {  	s31 =	sadd.s32 s30, s18;
	[sflag:s24] =	ssyncadd.s32 $0xFFFFC000  }
0x43: {  	[tilespmem:s4], [sflag:$0x3] =	stream.linear.gather [hbm4b:s31+s4], $0x80, $0x38;
	[tilespmem:$0xE100] =	vst v63  }
0x44: {  	_ =	swait.ge [sflag:s21], $0x80  }
0x45: {  	[sflag:s21] =	ssyncset.done $0x0  }
0x46: {  	[sflag:s21] =	ssyncadd.s32 $0xFFFFFF80  }
0x47: {  	[spmem:s1] =	stream.indirect.scatter.add.f32 [tilespmem:s22], [sflag:$0x1], $0x80, s4, s23, $0xb8;
	[tilespmem:$0xE100] =	vst v63  }
0x48: {  	_ =	swait.ge [sflag:s25], $0x4000  }
0x49: {  	[sflag:s25] =	ssyncset.done $0x0  }
.Ltmp0:
0x4a: {  	s30 =	sadd.s32 s30, s19;
	[sflag:s25] =	ssyncadd.s32 $0xFFFFC000;
	(pc) =	sbr.rel @p0 .LBB2_2-.Ltmp0, $4  }
0x4b: {  	[tilespmem:s23], [sflag:$0x3] =	stream.linear.gather [hbm4b:s30+s4], $0x80, $0x38;
	[tilespmem:$0xE100] =	vst v63  }
0x4c: {  	_ =	swait.ge [sflag:s21], $0x80  }
0x4d: {  	[sflag:s21] =	ssyncset.done $0x0  }
0x4e: {  	[sflag:s21] =	ssyncadd.s32 $0xFFFFFF80  }
0x4f: {  	[spmem:s1] =	stream.indirect.scatter.add.f32 [tilespmem:s22], [sflag:$0x2], $0x80, s23, s23, $0xb8;
	[tilespmem:$0xE100] =	vst v63  }
0x50: {  	_ =	swait.ge [sflag:s24], $0x4000  }
0x51: {  	[sflag:s24] =	ssyncset.done $0x0  }
0x52: {  	[sflag:s24] =	ssyncadd.s32 $0xFFFFC000  }
0x53: {  	[tilespmem:s4], [sflag:$0x3] =	stream.linear.gather [hbm4b:s14+s4], $0x80, $0x38;
	[tilespmem:$0xE100] =	vst v63  }
0x54: {  	_ =	swait.ge [sflag:s21], $0x80  }
0x55: {  	[sflag:s21] =	ssyncset.done $0x0  }
0x56: {  	[sflag:s21] =	ssyncadd.s32 $0xFFFFFF80  }
0x57: {  	[spmem:s2] =	stream.indirect.scatter.add.f32 [tilespmem:s22], [sflag:$0x1], $0x80, s4, s23, $0xb8;
	[tilespmem:$0xE100] =	vst v63  }
0x58: {  	_ =	swait.ge [sflag:s25], $0x4000  }
0x59: {  	[sflag:s25] =	ssyncset.done $0x0  }
0x5a: {  	[sflag:s25] =	ssyncadd.s32 $0xFFFFC000  }
0x5b: {  	[tilespmem:s23], [sflag:$0x3] =	stream.linear.gather [hbm4b:s15+s4], $0x80, $0x38;
	[tilespmem:$0xE100] =	vst v63  }
0x5c: {  	_ =	swait.ge [sflag:s21], $0x80  }
0x5d: {  	[sflag:s21] =	ssyncset.done $0x0  }
0x5e: {  	[sflag:s21] =	ssyncadd.s32 $0xFFFFFF80  }
0x5f: {  	[spmem:s2] =	stream.indirect.scatter.add.f32 [tilespmem:s22], [sflag:$0x2], $0x80, s23, s23, $0xb8;
	[tilespmem:$0xE100] =	vst v63  }
0x60: {  	_ =	swait.ge [sflag:s24], $0x4000  }
0x61: {  	[sflag:s24] =	ssyncset.done $0x0  }
0x62: {  	[sflag:s24] =	ssyncadd.s32 $0xFFFFC000  }
0x63: {  	[tilespmem:s4], [sflag:$0x3] =	stream.linear.gather [hbm4b:s16+s4], $0x80, $0x38;
	[tilespmem:$0xE100] =	vst v63  }
0x64: {  	_ =	swait.ge [sflag:s21], $0x80  }
0x65: {  	[sflag:s21] =	ssyncset.done $0x0  }
0x66: {  	[sflag:s21] =	ssyncadd.s32 $0xFFFFFF80  }
0x67: {  	[spmem:s2] =	stream.indirect.scatter.add.f32 [tilespmem:s22], [sflag:$0x1], $0x80, s4, s23, $0xb8;
	[tilespmem:$0xE100] =	vst v63  }
0x68: {  	_ =	swait.ge [sflag:s25], $0x4000  }
0x69: {  	[sflag:s25] =	ssyncset.done $0x0  }
0x6a: {  	[sflag:s25] =	ssyncadd.s32 $0xFFFFC000  }
0x6b: {  	[tilespmem:s23], [sflag:$0x3] =	stream.linear.gather [hbm4b:s17+s4], $0x80, $0x38;
	[tilespmem:$0xE100] =	vst v63  }
0x6c: {  	_ =	swait.ge [sflag:s21], $0x80  }
0x6d: {  	[sflag:s21] =	ssyncset.done $0x0  }
0x6e: {  	[sflag:s21] =	ssyncadd.s32 $0xFFFFFF80  }
0x6f: {  	[spmem:s2] =	stream.indirect.scatter.add.f32 [tilespmem:s22], [sflag:$0x2], $0x80, s23, s23, $0xb8;
	[tilespmem:$0xE100] =	vst v63  }
0x70: {  	_ =	swait.ge [sflag:s24], $0x4000  }
0x71: {  	[sflag:s24] =	ssyncset.done $0x0  }
0x72: {  	[sflag:s24] =	ssyncadd.s32 $0xFFFFC000  }
0x73: {  	_ =	swait.ge [sflag:s25], $0x4000  }
0x74: {  	[sflag:s25] =	ssyncset.done $0x0  }
0x75: {  	[sflag:s25] =	ssyncadd.s32 $0xFFFFC000  }
0x76: {  	[bflag:$0x0] =	sbarrier.arrive $0xFFFF  }
0x77: {  	[hbm:s9], [sflag:s7] =	dma.local [spmem:s20], $0x1000  }
0x78: {  	s26 =	sadd.s32 $0x1, s26;
	_ =	swait.ge [sflag:s21], $0x1000  }
0x79: {  	p0 =	sne.s32 s26, s12;
	[sflag:s21] =	ssyncset.done $0x0  }
.Ltmp1:
0x7a: {  	[sflag:s21] =	ssyncadd.s32 $0xFFFFF000;
	(pc) =	sbr.rel @p0 .LBB2_1-.Ltmp1, $4  }
0x7b: {  	[hbm:s10], [sflag:s7] =	dma.local [spmem:s28], $0x400  }
0x7c: {  	_ =	swait.ge [sflag:s21], $0x400  }
0x7d: {  	[sflag:s21] =	ssyncset.done $0x0  }
0x7e: {  	[sflag:s21] =	ssyncadd.s32 $0xFFFFFC00  }
0x7f: {  	_ =	sfence.sel $0x180000  }
0x80: {  	[bflag:$0x0] =	sbarrier.arrive $0xFFFF  }
0x81: {  	p0 =	sne.s32 s3, $0x0;
	_ =	strace $0x9000004A  }
0x82: {  	s0 =	sadd.s32 @!p0 $0x100000, s0;
	[bflag:$0x2] =	sbarrier.arrive $0xFFFF  }
0x83: {  	[sflag:s0] =	ssyncadd.tile.s32 @!p0 $0x1;
	_ =	shalt  }
.Lfunc_end2:
_tile_overlayer_lowered:
.L_overlay_start_2:
0x84: {  	(tag) =	ssettag $0x2  }
0x85: {  	s0 =	rddreg [dreg:$0x0];
	s2 =	stileid.u32  }
0x86: {  	s1 =	rddreg [dreg:$0x1];
	p0 =	sne.s32 s2, $0x0  }
0x87: {  	s3 =	rddreg [dreg:$0x2];
	[bflag:$0x3] =	sbarrier.arrive $0xFFFF;
	s2 =	simm.s32 @!p0 $0x1C03  }
0x88: {  	[timem:s3], [sflag:s2] =	dma.local @!p0 [hbm:s0], s1  }
0x89: {  	s0 =	simm.s32 @!p0 $0x3  }
0x8a: {  	_ =	swait.ge @!p0 [sflag:s0], s1  }
0x8b: {  	s1 =	ssub.s32 @!p0 $0x0, s1;
	[sflag:s0] =	ssyncset.done @!p0 $0x0  }
0x8c: {  	[sflag:s0] =	ssyncadd.s32 @!p0 s1  }
0x8d: {  	[bflag:$0x3] =	sbarrier.arrive $0xFFFF  }
0x8e: {  	_ =	shalt  }

</sc_bundles>
